<compile_context>
chip_gen: v7x
topology: tpu7x:2x2x1
jax: 0.10.2.dev20260603
libtpu: 0.0.44.dev20260713+nightly
codegen_flags: <defaults>
</compile_context>

<pallas_src>
import functools

import jax
import jax.numpy as jnp
import numpy as np
from jax import lax
from jax.experimental import pallas as pl
from jax.experimental.pallas import tpu as pltpu
from jax.experimental.pallas import tpu_sc as plsc

N = 10000
E = 320000
D = 128
H = 4
DH = D // H
DE = 16
SCALE = 1.0 / (DH ** 0.5)

NP = 10240
NW = 32
CHUNK = 128
NCHUNK = 80
EPW = CHUNK * NCHUNK
EP = EPW * NW
RPS = NP // 16
W = D // 16
HW = W // 2

_COLS = [32 * h + 4 * j + t for j in range(W) for h in range(H) for t in range(4)]

_mesh = plsc.VectorSubcoreMesh(core_axis_name="c", subcore_axis_name="s")
_sc_params = pltpu.CompilerParams(use_tc_tiling_on_sc=False)


def _silu(x):
    return x * (1.0 / (1.0 + jnp.exp(-x)))


def _ln(x, g, b):
    mu = jnp.mean(x, axis=-1, keepdims=True)
    var = jnp.mean((x - mu) ** 2, axis=-1, keepdims=True)
    return (x - mu) / jnp.sqrt(var + 1e-5) * g + b



def _qkv_body(x_ref, wq_ref, bq_ref, wk_ref, bk_ref, wv_ref, bv_ref,
              q_ref, k_ref, v_ref):
    xb = x_ref[...]
    q_ref[...] = jnp.dot(xb, wq_ref[...], preferred_element_type=jnp.float32) + bq_ref[...][None, :]
    k_ref[...] = jnp.dot(xb, wk_ref[...], preferred_element_type=jnp.float32) + bk_ref[...][None, :]
    v_ref[...] = jnp.dot(xb, wv_ref[...], preferred_element_type=jnp.float32) + bv_ref[...][None, :]


def _tc_qkv(x_pad, Wq, bq, Wk, bk, Wv, bv):
    blk = 512
    grid = NP // blk
    whole2 = pl.BlockSpec((D, D), lambda i: (0, 0))
    whole1 = pl.BlockSpec((D,), lambda i: (0,))
    rows = pl.BlockSpec((blk, D), lambda i: (i, 0))
    return pl.pallas_call(
        _qkv_body,
        grid=(grid,),
        in_specs=[rows, whole2, whole1, whole2, whole1, whole2, whole1],
        out_specs=[rows, rows, rows],
        out_shape=[jax.ShapeDtypeStruct((NP, D), jnp.float32)] * 3,
    )(x_pad, Wq, bq, Wk, bk, Wv, bv)


def _bias_body(ef_ref, w1_ref, b1_ref, w2_ref, b2_ref, o_ref):
    h1 = jnp.dot(ef_ref[...], w1_ref[...], preferred_element_type=jnp.float32) + b1_ref[...][None, :]
    h1 = _silu(h1)
    b = jnp.dot(h1, w2_ref[...], preferred_element_type=jnp.float32) + b2_ref[...][None, :]
    o_ref[...] = jnp.concatenate(
        [b, jnp.zeros((b.shape[0], 16 - H), jnp.float32)], axis=1)


def _tc_bias(ef_pad, Wb1, bb1, Wb2, bb2):
    blk = 4096
    grid = EP // blk
    return pl.pallas_call(
        _bias_body,
        grid=(grid,),
        in_specs=[
            pl.BlockSpec((blk, DE), lambda i: (i, 0)),
            pl.BlockSpec((DE, H), lambda i: (0, 0)),
            pl.BlockSpec((H,), lambda i: (0,)),
            pl.BlockSpec((H, H), lambda i: (0, 0)),
            pl.BlockSpec((H,), lambda i: (0,)),
        ],
        out_specs=pl.BlockSpec((blk, 16), lambda i: (i, 0)),
        out_shape=jax.ShapeDtypeStruct((EP, 16), jnp.float32),
    )(ef_pad, Wb1, bb1, Wb2, bb2)


def _final_body(a0_ref, a1_ref, x_ref, wo_ref, bo_ref, wf1_ref, bf1_ref,
                wf2_ref, bf2_ref, g1_ref, be1_ref, g2_ref, be2_ref, o_ref):
    agg = a0_ref[...] + a1_ref[...]
    o = jnp.dot(agg, wo_ref[...], preferred_element_type=jnp.float32) + bo_ref[...][None, :]
    x1 = _ln(x_ref[...] + o, g1_ref[...][None, :], be1_ref[...][None, :])
    h = _silu(jnp.dot(x1, wf1_ref[...], preferred_element_type=jnp.float32) + bf1_ref[...][None, :])
    f = jnp.dot(h, wf2_ref[...], preferred_element_type=jnp.float32) + bf2_ref[...][None, :]
    o_ref[...] = _ln(x1 + f, g2_ref[...][None, :], be2_ref[...][None, :])


def _tc_final(a0, a1, x_pad, Wo, bo, Wf1, bf1, Wf2, bf2, g1, be1, g2, be2):
    blk = 512
    grid = NP // blk
    rows = pl.BlockSpec((blk, D), lambda i: (i, 0))
    w128 = pl.BlockSpec((D,), lambda i: (0,))
    return pl.pallas_call(
        _final_body,
        grid=(grid,),
        in_specs=[
            rows, rows, rows,
            pl.BlockSpec((D, D), lambda i: (0, 0)), w128,
            pl.BlockSpec((D, 2 * D), lambda i: (0, 0)),
            pl.BlockSpec((2 * D,), lambda i: (0,)),
            pl.BlockSpec((2 * D, D), lambda i: (0, 0)), w128,
            w128, w128, w128, w128,
        ],
        out_specs=rows,
        out_shape=jax.ShapeDtypeStruct((NP, D), jnp.float32),
    )(a0, a1, x_pad, Wo, bo, Wf1, bf1, Wf2, bf2, g1, be1, g2, be2)



def _take(x, idx):
    return jnp.take_along_axis(x, idx, axis=0, mode="promise_in_bounds")


def _lane_perms():
    lane = lax.iota(jnp.int32, 16)
    swap1 = lane ^ 1
    swap2 = lane ^ 2
    heads = (lane & 3) * 4
    bcast = lane >> 2
    return lane, swap1, swap2, heads, bcast



def _pass_a_body(dst_hbm, src_hbm, q_hbm, k_hbm, bias_hbm,
                 ex_hbm, nrm0_hbm, nrm1_hbm,
                 dstv0, srcv0, qrows0, krows0, brows0,
                 dstv1, srcv1, qrows1, krows1, brows1,
                 exv, stage, nrm_sh, sem0, sem1):
    c = lax.axis_index("c")
    s = lax.axis_index("s")
    wid = s * 2 + c

    def zero_row(r, carry):
        stage[r, :] = jnp.zeros((16,), jnp.float32)
        return carry
    lax.fori_loop(0, RPS, zero_row, 0)
    pltpu.sync_copy(stage, nrm_sh.at[pl.ds(s * RPS, RPS), :])
    plsc.subcore_barrier()

    lane, swap1, swap2, heads, _ = _lane_perms()
    bufs = ((dstv0, srcv0, qrows0, krows0, brows0, sem0),
            (dstv1, srcv1, qrows1, krows1, brows1, sem1))

    def fire(ci, b):
        dv, sv, qb, kb, bb, sm = b
        base = wid * EPW + ci * CHUNK
        pltpu.sync_copy(dst_hbm.at[pl.ds(base, CHUNK)], dv)
        pltpu.sync_copy(src_hbm.at[pl.ds(base, CHUNK)], sv)
        pltpu.async_copy(q_hbm.at[dv], qb, sm)
        pltpu.async_copy(k_hbm.at[sv], kb, sm)
        pltpu.async_copy(bias_hbm.at[pl.ds(base, CHUNK), :], bb, sm)

    def drain(ci, b):
        dv, sv, qb, kb, bb, sm = b
        base = wid * EPW + ci * CHUNK
        pltpu.make_async_copy(q_hbm.at[dv], qb, sm).wait()
        pltpu.make_async_copy(k_hbm.at[sv], kb, sm).wait()
        pltpu.make_async_copy(bias_hbm.at[pl.ds(base, CHUNK), :], bb, sm).wait()

    def compute(ci, b):
        dv, sv, qb, kb, bb, sm = b
        base = wid * EPW + ci * CHUNK

        def edge_body(i, ecarry):
            for u in range(4):
                e = i * 4 + u
                acc = qb[e, pl.ds(0, 16)] * kb[e, pl.ds(0, 16)]
                for j in range(1, W):
                    acc = acc + (qb[e, pl.ds(16 * j, 16)]
                                 * kb[e, pl.ds(16 * j, 16)])
                acc = acc + _take(acc, swap1)
                acc = acc + _take(acc, swap2)
                logits = _take(acc, heads) * SCALE + bb[e, :]
                exv[e, :] = jnp.where(lane < H, jnp.exp(logits), 0.0)
            return ecarry

        lax.fori_loop(0, CHUNK // 4, edge_body, 0)
        pltpu.sync_copy(exv, ex_hbm.at[pl.ds(base, CHUNK), :])
        pltpu.sync_copy(exv, nrm_sh.at[dv], add=True)

    fire(0, bufs[0])

    def pair_body(g, carry):
        ci = g * 2
        fire(ci + 1, bufs[1])
        drain(ci, bufs[0])
        compute(ci, bufs[0])

        @pl.when(g < NCHUNK // 2 - 1)
        def _():
            fire(ci + 2, bufs[0])

        drain(ci + 1, bufs[1])
        compute(ci + 1, bufs[1])
        return carry

    lax.fori_loop(0, NCHUNK // 2, pair_body, 0)
    plsc.subcore_barrier()

    pltpu.sync_copy(nrm_sh.at[pl.ds(s * RPS, RPS), :], stage)

    @pl.when(c == 0)
    def _():
        pltpu.sync_copy(stage, nrm0_hbm.at[pl.ds(s * RPS, RPS), :])

    @pl.when(c == 1)
    def _():
        pltpu.sync_copy(stage, nrm1_hbm.at[pl.ds(s * RPS, RPS), :])


_sc_pass_a = functools.partial(
    pl.kernel,
    _pass_a_body,
    out_type=(jax.ShapeDtypeStruct((EP, 16), jnp.float32),
              jax.ShapeDtypeStruct((NP, 16), jnp.float32),
              jax.ShapeDtypeStruct((NP, 16), jnp.float32)),
    mesh=_mesh,
    scratch_types=[
        pltpu.VMEM((CHUNK,), jnp.int32),
        pltpu.VMEM((CHUNK,), jnp.int32),
        pltpu.VMEM((CHUNK, D), jnp.float32),
        pltpu.VMEM((CHUNK, D), jnp.float32),
        pltpu.VMEM((CHUNK, 16), jnp.float32),
        pltpu.VMEM((CHUNK,), jnp.int32),
        pltpu.VMEM((CHUNK,), jnp.int32),
        pltpu.VMEM((CHUNK, D), jnp.float32),
        pltpu.VMEM((CHUNK, D), jnp.float32),
        pltpu.VMEM((CHUNK, 16), jnp.float32),
        pltpu.VMEM((CHUNK, 16), jnp.float32),
        pltpu.VMEM((RPS, 16), jnp.float32),
        pltpu.VMEM_SHARED((NP, 16), jnp.float32),
        pltpu.SemaphoreType.DMA,
        pltpu.SemaphoreType.DMA,
    ],
    compiler_params=_sc_params,
)()



def _pass_b_body(dst_hbm, src_hbm, vlo_hbm, vhi_hbm, ex_hbm, nrm0_hbm,
                 nrm1_hbm,
                 a0lo_hbm, a0hi_hbm, a1lo_hbm, a1hi_hbm,
                 dstv0, srcv0, vrows0, exr0, n0r0, n1r0,
                 dstv1, srcv1, vrows1, exr1, n0r1, n1r1,
                 wrows0, wrows1, sidx0, sidx1,
                 stage, agg_sh, sem0, sem1, ssem0, ssem1):
    c = lax.axis_index("c")
    s = lax.axis_index("s")
    wid = s * 2 + c

    _, _, _, _, bcast = _lane_perms()
    bufs = ((dstv0, srcv0, vrows0, exr0, n0r0, n1r0, sem0),
            (dstv1, srcv1, vrows1, exr1, n0r1, n1r1, sem1))
    sbufs = ((wrows0, sidx0, ssem0), (wrows1, sidx1, ssem1))

    for v_hbm, out0_hbm, out1_hbm in ((vlo_hbm, a0lo_hbm, a1lo_hbm),
                                      (vhi_hbm, a0hi_hbm, a1hi_hbm)):
        def zero_row(r, carry):
            for j in range(HW):
                stage[r, j, :] = jnp.zeros((16,), jnp.float32)
            return carry
        lax.fori_loop(0, RPS, zero_row, 0)
        pltpu.sync_copy(stage, agg_sh.at[pl.ds(s * RPS, RPS), :, :])
        plsc.subcore_barrier()

        def fire(ci, b):
            dv, sv, vb, eb, n0b, n1b, sm = b
            base = wid * EPW + ci * CHUNK
            pltpu.sync_copy(dst_hbm.at[pl.ds(base, CHUNK)], dv)
            pltpu.sync_copy(src_hbm.at[pl.ds(base, CHUNK)], sv)
            pltpu.async_copy(v_hbm.at[sv], vb, sm)
            pltpu.async_copy(ex_hbm.at[pl.ds(base, CHUNK), :], eb, sm)
            pltpu.async_copy(nrm0_hbm.at[dv], n0b, sm)
            pltpu.async_copy(nrm1_hbm.at[dv], n1b, sm)

        def drain(ci, b):
            dv, sv, vb, eb, n0b, n1b, sm = b
            base = wid * EPW + ci * CHUNK
            pltpu.make_async_copy(v_hbm.at[sv], vb, sm).wait()
            pltpu.make_async_copy(ex_hbm.at[pl.ds(base, CHUNK), :], eb, sm).wait()
            pltpu.make_async_copy(nrm0_hbm.at[dv], n0b, sm).wait()
            pltpu.make_async_copy(nrm1_hbm.at[dv], n1b, sm).wait()

        def compute(g, b, sb):
            dv, sv, vb, eb, n0b, n1b, sm = b
            wb, sx, ssm = sb

            @pl.when(g > 0)
            def _():
                pltpu.make_async_copy(wb, agg_sh.at[sx], ssm).wait()

            def edge_body(i, ecarry):
                for u in range(4):
                    e = i * 4 + u
                    nrm = n0b[e, :] + n1b[e, :]
                    attn = eb[e, :] / jnp.maximum(nrm, 1e-12)
                    att_b = _take(attn, bcast)
                    for j in range(HW):
                        wb[e, j, :] = vb[e, j, :] * att_b
                return ecarry

            lax.fori_loop(0, CHUNK // 4, edge_body, 0)
            for i16 in range(CHUNK // 16):
                sx[pl.ds(i16 * 16, 16)] = dv[pl.ds(i16 * 16, 16)]
            pltpu.async_copy(wb, agg_sh.at[sx], ssm, add=True)

        fire(0, bufs[0])

        def pair_body(g, carry):
            ci = g * 2
            fire(ci + 1, bufs[1])
            drain(ci, bufs[0])
            compute(g, bufs[0], sbufs[0])

            @pl.when(g < NCHUNK // 2 - 1)
            def _():
                fire(ci + 2, bufs[0])

            drain(ci + 1, bufs[1])
            compute(g, bufs[1], sbufs[1])
            return carry

        lax.fori_loop(0, NCHUNK // 2, pair_body, 0)
        pltpu.make_async_copy(wrows0, agg_sh.at[sidx0], ssem0).wait()
        pltpu.make_async_copy(wrows1, agg_sh.at[sidx1], ssem1).wait()
        plsc.subcore_barrier()

        pltpu.sync_copy(agg_sh.at[pl.ds(s * RPS, RPS), :, :], stage)

        @pl.when(c == 0)
        def _():
            pltpu.sync_copy(stage, out0_hbm.at[pl.ds(s * RPS, RPS), :, :])

        @pl.when(c == 1)
        def _():
            pltpu.sync_copy(stage, out1_hbm.at[pl.ds(s * RPS, RPS), :, :])


_sc_pass_b = functools.partial(
    pl.kernel,
    _pass_b_body,
    out_type=tuple(jax.ShapeDtypeStruct((NP, HW, 16), jnp.float32)
                   for _ in range(4)),
    mesh=_mesh,
    scratch_types=[
        pltpu.VMEM((CHUNK,), jnp.int32),
        pltpu.VMEM((CHUNK,), jnp.int32),
        pltpu.VMEM((CHUNK, HW, 16), jnp.float32),
        pltpu.VMEM((CHUNK, 16), jnp.float32),
        pltpu.VMEM((CHUNK, 16), jnp.float32),
        pltpu.VMEM((CHUNK, 16), jnp.float32),
        pltpu.VMEM((CHUNK,), jnp.int32),
        pltpu.VMEM((CHUNK,), jnp.int32),
        pltpu.VMEM((CHUNK, HW, 16), jnp.float32),
        pltpu.VMEM((CHUNK, 16), jnp.float32),
        pltpu.VMEM((CHUNK, 16), jnp.float32),
        pltpu.VMEM((CHUNK, 16), jnp.float32),
        pltpu.VMEM((CHUNK, HW, 16), jnp.float32),
        pltpu.VMEM((CHUNK, HW, 16), jnp.float32),
        pltpu.VMEM((CHUNK,), jnp.int32),
        pltpu.VMEM((CHUNK,), jnp.int32),
        pltpu.VMEM((RPS, HW, 16), jnp.float32),
        pltpu.VMEM_SHARED((NP, HW, 16), jnp.float32),
        pltpu.SemaphoreType.DMA,
        pltpu.SemaphoreType.DMA,
        pltpu.SemaphoreType.DMA,
        pltpu.SemaphoreType.DMA,
    ],
    compiler_params=_sc_params,
)()



def kernel(node_features, edge_index, edge_features, Wq, bq, Wk, bk, Wv, bv,
           Wb1, bb1, Wb2, bb2, Wo, bo, Wf1, bf1, Wf2, bf2, g1, be1, g2, be2):
    cols = np.array(_COLS, np.int32)
    x_pad = jnp.zeros((NP, D), jnp.float32).at[:N].set(node_features)
    pad_e = EP - E
    src_pad = jnp.concatenate([edge_index[0], jnp.zeros((pad_e,), jnp.int32)])
    dst_pad = jnp.concatenate([edge_index[1], jnp.full((pad_e,), N, jnp.int32)])
    ef_pad = jnp.zeros((EP, DE), jnp.float32).at[:E].set(edge_features)

    q, k, v = _tc_qkv(x_pad, Wq[:, cols], bq[cols], Wk[:, cols], bk[cols],
                      Wv[:, cols], bv[cols])
    v = v.reshape(NP, W, 16)
    bias = _tc_bias(ef_pad, Wb1, bb1, Wb2, bb2)

    ex, nrm0, nrm1 = _sc_pass_a(dst_pad, src_pad, q, k, bias)
    a0lo, a0hi, a1lo, a1hi = _sc_pass_b(
        dst_pad, src_pad, v[:, :HW, :], v[:, HW:, :], ex, nrm0, nrm1)
    agg0 = jnp.concatenate([a0lo.reshape(NP, D // 2), a0hi.reshape(NP, D // 2)], axis=1)
    agg1 = jnp.concatenate([a1lo.reshape(NP, D // 2), a1hi.reshape(NP, D // 2)], axis=1)

    out = _tc_final(agg0, agg1, x_pad,
                    Wo[cols, :], bo, Wf1, bf1, Wf2, bf2, g1, be1, g2, be2)
    return out[:N]

# --- scband reference (transcript-rebuilt; emitter-appended) ---
"""Pipeline reference for scband-sparse-attention-layer-34849364640427 (READ-ONLY COPY).

The authoritative reference and input builder live on the scoring server;
editing this copy changes nothing except your own understanding.
"""

import jax, jax.numpy as jnp
import numpy as np

N = 10000
E = 320000
D = 128
H = 4
DH = D // H
DE = 16
SCALE = 1.0 / (DH ** 0.5)


def _linear(x, W, b):
    return x @ W + b


def _silu(x):
    return x * jax.nn.sigmoid(x)


def _layer_norm(x, g, b):
    mu = jnp.mean(x, axis=-1, keepdims=True)
    var = jnp.mean((x - mu) ** 2, axis=-1, keepdims=True)
    return (x - mu) / jnp.sqrt(var + 1e-5) * g + b


def setup_inputs(seed: int = 0):
    key = jax.random.key(seed)
    ks = jax.random.split(key, 16)

    def w(k, shape):
        return jax.random.normal(k, shape, dtype=jnp.float32) * 0.05

    inp = {}
    inp["node_features"] = jax.random.normal(ks[0], (N, D), dtype=jnp.float32)
    inp["edge_index"] = jax.random.randint(ks[1], (2, E), 0, N, dtype=jnp.int32)
    inp["edge_features"] = jax.random.normal(ks[2], (E, DE), dtype=jnp.float32)
    inp["Wq"] = w(ks[3], (D, D)); inp["bq"] = jnp.zeros((D,), jnp.float32)
    inp["Wk"] = w(ks[4], (D, D)); inp["bk"] = jnp.zeros((D,), jnp.float32)
    inp["Wv"] = w(ks[5], (D, D)); inp["bv"] = jnp.zeros((D,), jnp.float32)
    inp["Wb1"] = w(ks[6], (DE, H)); inp["bb1"] = jnp.zeros((H,), jnp.float32)
    inp["Wb2"] = w(ks[7], (H, H)); inp["bb2"] = jnp.zeros((H,), jnp.float32)
    inp["Wo"] = w(ks[8], (D, D)); inp["bo"] = jnp.zeros((D,), jnp.float32)
    inp["Wf1"] = w(ks[9], (D, 2 * D)); inp["bf1"] = jnp.zeros((2 * D,), jnp.float32)
    inp["Wf2"] = w(ks[10], (2 * D, D)); inp["bf2"] = jnp.zeros((D,), jnp.float32)
    inp["g1"] = jnp.ones((D,), jnp.float32); inp["be1"] = jnp.zeros((D,), jnp.float32)
    inp["g2"] = jnp.ones((D,), jnp.float32); inp["be2"] = jnp.zeros((D,), jnp.float32)
    return inp


def reference(node_features, edge_index, edge_features, Wq, bq, Wk, bk, Wv, bv, Wb1, bb1, Wb2, bb2, Wo, bo, Wf1, bf1, Wf2, bf2, g1, be1, g2, be2):
    src = edge_index[0]
    dst = edge_index[1]
    q = _linear(node_features, Wq, bq).reshape(N, H, DH)
    k = _linear(node_features, Wk, bk).reshape(N, H, DH)
    v = _linear(node_features, Wv, bv).reshape(N, H, DH)
    bias = _linear(_silu(_linear(edge_features, Wb1, bb1)), Wb2, bb2)
    logits = jnp.sum(q[dst] * k[src], axis=-1) * SCALE + bias  # [E, H]
    # segment softmax over edges grouped by dst
    mx = jax.ops.segment_max(logits, dst, num_segments=N)
    ex = jnp.exp(logits - mx[dst])
    nrm = jax.ops.segment_sum(ex, dst, num_segments=N)
    attn = ex / jnp.clip(nrm[dst], 1e-12, None)
    weighted = attn[:, :, None] * v[src]  # [E, H, DH]
    agg = jax.ops.segment_sum(weighted, dst, num_segments=N).reshape(N, D)
    x = _layer_norm(node_features + _linear(agg, Wo, bo), g1, be1)
    ffn = _linear(_silu(_linear(x, Wf1, bf1)), Wf2, bf2)
    return _layer_norm(x + ffn, g2, be2)

if __name__ == "__main__":
    import jax
    _d = setup_inputs()
    print(jax.jit(kernel)(*tuple(_d.values())))

</pallas_src>

<mosaic_0001>
#map = affine_map<(d0, d1) -> (0)>
#map1 = affine_map<(d0, d1) -> (0, 0, 0)>
#map2 = affine_map<(d0, d1) -> (0, 0)>
module attributes {stable_mosaic.version = 14 : i64} {
  func.func @_pass_b_body(%arg0: i32, %arg1: i32, %arg2: memref<327680xi32, #tpu.memory_space<hbm>>, %arg3: memref<327680xi32, #tpu.memory_space<hbm>>, %arg4: memref<10240x4x16xf32, #tpu.memory_space<hbm>>, %arg5: memref<10240x4x16xf32, #tpu.memory_space<hbm>>, %arg6: memref<327680x16xf32, #tpu.memory_space<hbm>>, %arg7: memref<10240x16xf32, #tpu.memory_space<hbm>>, %arg8: memref<10240x16xf32, #tpu.memory_space<hbm>>, %arg9: memref<10240x4x16xf32, #tpu.memory_space<hbm>>, %arg10: memref<10240x4x16xf32, #tpu.memory_space<hbm>>, %arg11: memref<10240x4x16xf32, #tpu.memory_space<hbm>>, %arg12: memref<10240x4x16xf32, #tpu.memory_space<hbm>>, %arg13: memref<128xi32, #tpu.memory_space<vmem>>, %arg14: memref<128xi32, #tpu.memory_space<vmem>>, %arg15: memref<128x4x16xf32, #tpu.memory_space<vmem>>, %arg16: memref<128x16xf32, #tpu.memory_space<vmem>>, %arg17: memref<128x16xf32, #tpu.memory_space<vmem>>, %arg18: memref<128x16xf32, #tpu.memory_space<vmem>>, %arg19: memref<128xi32, #tpu.memory_space<vmem>>, %arg20: memref<128xi32, #tpu.memory_space<vmem>>, %arg21: memref<128x4x16xf32, #tpu.memory_space<vmem>>, %arg22: memref<128x16xf32, #tpu.memory_space<vmem>>, %arg23: memref<128x16xf32, #tpu.memory_space<vmem>>, %arg24: memref<128x16xf32, #tpu.memory_space<vmem>>, %arg25: memref<128x4x16xf32, #tpu.memory_space<vmem>>, %arg26: memref<128x4x16xf32, #tpu.memory_space<vmem>>, %arg27: memref<128xi32, #tpu.memory_space<vmem>>, %arg28: memref<128xi32, #tpu.memory_space<vmem>>, %arg29: memref<640x4x16xf32, #tpu.memory_space<vmem>>, %arg30: memref<10240x4x16xf32, #tpu.memory_space<vmem_shared>>, %arg31: memref<!tpu.dma_semaphore, #tpu.memory_space<semaphore_mem>>, %arg32: memref<!tpu.dma_semaphore, #tpu.memory_space<semaphore_mem>>, %arg33: memref<!tpu.dma_semaphore, #tpu.memory_space<semaphore_mem>>, %arg34: memref<!tpu.dma_semaphore, #tpu.memory_space<semaphore_mem>>) attributes {dimension_semantics = [#tpu.dimension_semantics<core_parallel>, #tpu.dimension_semantics<subcore_parallel>], iteration_bounds = array<i64: 2, 16>, scalar_prefetch = 0 : i64, scratch_operands = 22 : i64, tpu.core_type = #tpu.core_type<sc_vector_subcore>, window_params = [{transform_indices = #map}, {transform_indices = #map}, {transform_indices = #map1}, {transform_indices = #map1}, {transform_indices = #map2}, {transform_indices = #map2}, {transform_indices = #map2}, {transform_indices = #map1}, {transform_indices = #map1}, {transform_indices = #map1}, {transform_indices = #map1}]} {
    %mul3A = arith.constant 2 : i32
    %mul3A_0 = arith.muli %arg1, %mul3A : i32
    %add3A = arith.addi %mul3A_0, %arg0 : i32
    %iota3A = tpu.iota {dimensions = array<i32: 0>} : vector<16xi32>
    %xor3A = arith.constant 1 : i32
    %xor3A_1 = vector.broadcast %xor3A : i32 to vector<16xi32>
    %xor3A_2 = arith.xori %iota3A, %xor3A_1 : vector<16xi32>
    %xor3A_3 = arith.constant 2 : i32
    %xor3A_4 = vector.broadcast %xor3A_3 : i32 to vector<16xi32>
    %xor3A_5 = arith.xori %iota3A, %xor3A_4 : vector<16xi32>
    %and3A = arith.constant 3 : i32
    %and3A_6 = vector.broadcast %and3A : i32 to vector<16xi32>
    %and3A_7 = arith.andi %iota3A, %and3A_6 : vector<16xi32>
    %mul3A_8 = arith.constant 4 : i32
    %mul3A_9 = vector.broadcast %mul3A_8 : i32 to vector<16xi32>
    %mul3A_10 = arith.muli %and3A_7, %mul3A_9 : vector<16xi32>
    %shift_right_arithmetic3A = arith.constant 2 : i32
    %shift_right_arithmetic3A_11 = vector.broadcast %shift_right_arithmetic3A : i32 to vector<16xi32>
    %shift_right_arithmetic3A_12 = arith.shrsi %iota3A, %shift_right_arithmetic3A_11 : vector<16xi32>
    %scan3A = arith.constant 0 : i32
    %scan3A_13 = arith.constant 0 : i32
    %scan3A_14 = arith.constant 640 : i32
    %scan3A_15 = arith.addi %scan3A_13, %scan3A_14 : i32
    %scan3A_16 = arith.constant 1 : i32
    scf.for %scan3A_114 = %scan3A_13 to %scan3A_15 step %scan3A_16  : i32 {
      %broadcast_in_dim3A = arith.constant 0.000000e+00 : f32
      %broadcast_in_dim3A_115 = vector.broadcast %broadcast_in_dim3A : f32 to vector<16xf32>
      %swap3A = arith.constant 0 : i32
      %swap3A_116 = arith.index_cast %scan3A_114 : i32 to index
      %swap3A_117 = arith.index_cast %swap3A : i32 to index
      %swap3A_118 = arith.constant 0 : index
      %swap3A_119 = tpu.vector_load %arg29[%swap3A_116, %swap3A_117, %swap3A_118] {strides = array<i32>} : memref<640x4x16xf32, #tpu.memory_space<vmem>>, vector<1x1x16xf32>,
      %swap3A_120 = vector.shape_cast %swap3A_119 : vector<1x1x16xf32> to vector<16xf32>
      %swap3A_121 = vector.shape_cast %broadcast_in_dim3A_115 : vector<16xf32> to vector<1x1x16xf32>
      tpu.vector_store %arg29[%swap3A_116, %swap3A_117, %swap3A_118], %swap3A_121 {strides = array<i32>} : memref<640x4x16xf32, #tpu.memory_space<vmem>>, vector<1x1x16xf32>,
      %broadcast_in_dim3A_122 = arith.constant 0.000000e+00 : f32
      %broadcast_in_dim3A_123 = vector.broadcast %broadcast_in_dim3A_122 : f32 to vector<16xf32>
      %swap3A_124 = arith.constant 1 : i32
      %swap3A_125 = arith.index_cast %scan3A_114 : i32 to index
      %swap3A_126 = arith.index_cast %swap3A_124 : i32 to index
      %swap3A_127 = arith.constant 0 : index
      %swap3A_128 = tpu.vector_load %arg29[%swap3A_125, %swap3A_126, %swap3A_127] {strides = array<i32>} : memref<640x4x16xf32, #tpu.memory_space<vmem>>, vector<1x1x16xf32>,
      %swap3A_129 = vector.shape_cast %swap3A_128 : vector<1x1x16xf32> to vector<16xf32>
      %swap3A_130 = vector.shape_cast %broadcast_in_dim3A_123 : vector<16xf32> to vector<1x1x16xf32>
      tpu.vector_store %arg29[%swap3A_125, %swap3A_126, %swap3A_127], %swap3A_130 {strides = array<i32>} : memref<640x4x16xf32, #tpu.memory_space<vmem>>, vector<1x1x16xf32>,
      %broadcast_in_dim3A_131 = arith.constant 0.000000e+00 : f32
      %broadcast_in_dim3A_132 = vector.broadcast %broadcast_in_dim3A_131 : f32 to vector<16xf32>
      %swap3A_133 = arith.constant 2 : i32
      %swap3A_134 = arith.index_cast %scan3A_114 : i32 to index
      %swap3A_135 = arith.index_cast %swap3A_133 : i32 to index
      %swap3A_136 = arith.constant 0 : index
      %swap3A_137 = tpu.vector_load %arg29[%swap3A_134, %swap3A_135, %swap3A_136] {strides = array<i32>} : memref<640x4x16xf32, #tpu.memory_space<vmem>>, vector<1x1x16xf32>,
      %swap3A_138 = vector.shape_cast %swap3A_137 : vector<1x1x16xf32> to vector<16xf32>
      %swap3A_139 = vector.shape_cast %broadcast_in_dim3A_132 : vector<16xf32> to vector<1x1x16xf32>
      tpu.vector_store %arg29[%swap3A_134, %swap3A_135, %swap3A_136], %swap3A_139 {strides = array<i32>} : memref<640x4x16xf32, #tpu.memory_space<vmem>>, vector<1x1x16xf32>,
      %broadcast_in_dim3A_140 = arith.constant 0.000000e+00 : f32
      %broadcast_in_dim3A_141 = vector.broadcast %broadcast_in_dim3A_140 : f32 to vector<16xf32>
      %swap3A_142 = arith.constant 3 : i32
      %swap3A_143 = arith.index_cast %scan3A_114 : i32 to index
      %swap3A_144 = arith.index_cast %swap3A_142 : i32 to index
      %swap3A_145 = arith.constant 0 : index
      %swap3A_146 = tpu.vector_load %arg29[%swap3A_143, %swap3A_144, %swap3A_145] {strides = array<i32>} : memref<640x4x16xf32, #tpu.memory_space<vmem>>, vector<1x1x16xf32>,
      %swap3A_147 = vector.shape_cast %swap3A_146 : vector<1x1x16xf32> to vector<16xf32>
      %swap3A_148 = vector.shape_cast %broadcast_in_dim3A_141 : vector<16xf32> to vector<1x1x16xf32>
      tpu.vector_store %arg29[%swap3A_143, %swap3A_144, %swap3A_145], %swap3A_148 {strides = array<i32>} : memref<640x4x16xf32, #tpu.memory_space<vmem>>, vector<1x1x16xf32>,
    }
    %scan3A_17 = arith.constant 640 : i32
    %mul3A_18 = arith.constant 640 : i32
    %mul3A_19 = arith.muli %arg1, %mul3A_18 : i32
    "tpu.region"() ({
      %run_scoped3A = tpu.sem_alloc : memref<!tpu.dma_semaphore, #tpu.memory_space<semaphore_mem>>
      %dma_start3A_114 = arith.constant 0 : i32
      %dma_start3A_115 = arith.constant 0 : i32
      %dma_start3A_116 = tpu.memref_slice %arg30[%mul3A_19, %dma_start3A_114, %dma_start3A_115] : memref<10240x4x16xf32, #tpu.memory_space<vmem_shared>> -> memref<640x4x16xf32, #tpu.memory_space<vmem_shared>>
      %dma_start3A_117 = arith.constant 0 : i32
      %dma_start3A_118 = arith.constant 0 : i32
      %dma_start3A_119 = tpu.memref_slice %arg30[%mul3A_19, %dma_start3A_117, %dma_start3A_118] : memref<10240x4x16xf32, #tpu.memory_space<vmem_shared>> -> memref<640x4x16xf32, #tpu.memory_space<vmem_shared>>
      tpu.enqueue_dma source(%arg29 : memref<640x4x16xf32, #tpu.memory_space<vmem>>) target(%dma_start3A_119 : memref<640x4x16xf32, #tpu.memory_space<vmem_shared>>) target_semaphore(%run_scoped3A : memref<!tpu.dma_semaphore, #tpu.memory_space<semaphore_mem>>)
      %dma_wait3A_120 = arith.constant 0 : i32
      %dma_wait3A_121 = arith.constant 0 : i32
      %dma_wait3A_122 = tpu.memref_slice %arg30[%mul3A_19, %dma_wait3A_120, %dma_wait3A_121] : memref<10240x4x16xf32, #tpu.memory_space<vmem_shared>> -> memref<640x4x16xf32, #tpu.memory_space<vmem_shared>>
      %dma_wait3A_123 = arith.constant 0 : i32
      %dma_wait3A_124 = arith.constant 0 : i32
      %dma_wait3A_125 = tpu.memref_slice %arg30[%mul3A_19, %dma_wait3A_123, %dma_wait3A_124] : memref<10240x4x16xf32, #tpu.memory_space<vmem_shared>> -> memref<640x4x16xf32, #tpu.memory_space<vmem_shared>>
      tpu.wait_dma2 semaphore(%run_scoped3A : memref<!tpu.dma_semaphore, #tpu.memory_space<semaphore_mem>>) src(%arg29 : memref<640x4x16xf32, #tpu.memory_space<vmem>>) dst(%dma_wait3A_125 : memref<640x4x16xf32, #tpu.memory_space<vmem_shared>>)
      tpu.yield
    }) : () -> ()
    %barrier3A = arith.constant 0 : index
    tpu.barrier barrier_id(%barrier3A)
    %mul3A_20 = arith.constant 10240 : i32
    %mul3A_21 = arith.muli %add3A, %mul3A_20 : i32
    %add3A_22 = arith.constant 0 : i32
    %add3A_23 = arith.addi %mul3A_21, %add3A_22 : i32
    "tpu.region"() ({
      %run_scoped3A = tpu.sem_alloc : memref<!tpu.dma_semaphore, #tpu.memory_space<semaphore_mem>>
      %dma_start3A_114 = tpu.memref_slice %arg2[%add3A_23] : memref<327680xi32, #tpu.memory_space<hbm>> -> memref<128xi32, #tpu.memory_space<hbm>>
      %dma_start3A_115 = tpu.memref_slice %arg2[%add3A_23] : memref<327680xi32, #tpu.memory_space<hbm>> -> memref<128xi32, #tpu.memory_space<hbm>>
      tpu.enqueue_dma source(%dma_start3A_115 : memref<128xi32, #tpu.memory_space<hbm>>) target(%arg13 : memref<128xi32, #tpu.memory_space<vmem>>) target_semaphore(%run_scoped3A : memref<!tpu.dma_semaphore, #tpu.memory_space<semaphore_mem>>)
      %dma_wait3A_116 = tpu.memref_slice %arg2[%add3A_23] : memref<327680xi32, #tpu.memory_space<hbm>> -> memref<128xi32, #tpu.memory_space<hbm>>
      %dma_wait3A_117 = tpu.memref_slice %arg2[%add3A_23] : memref<327680xi32, #tpu.memory_space<hbm>> -> memref<128xi32, #tpu.memory_space<hbm>>
      tpu.wait_dma2 semaphore(%run_scoped3A : memref<!tpu.dma_semaphore, #tpu.memory_space<semaphore_mem>>) src(%dma_wait3A_117 : memref<128xi32, #tpu.memory_space<hbm>>) dst(%arg13 : memref<128xi32, #tpu.memory_space<vmem>>)
      tpu.yield
    }) : () -> ()
    "tpu.region"() ({
      %run_scoped3A = tpu.sem_alloc : memref<!tpu.dma_semaphore, #tpu.memory_space<semaphore_mem>>
      %dma_start3A_114 = tpu.memref_slice %arg3[%add3A_23] : memref<327680xi32, #tpu.memory_space<hbm>> -> memref<128xi32, #tpu.memory_space<hbm>>
      %dma_start3A_115 = tpu.memref_slice %arg3[%add3A_23] : memref<327680xi32, #tpu.memory_space<hbm>> -> memref<128xi32, #tpu.memory_space<hbm>>
      tpu.enqueue_dma source(%dma_start3A_115 : memref<128xi32, #tpu.memory_space<hbm>>) target(%arg14 : memref<128xi32, #tpu.memory_space<vmem>>) target_semaphore(%run_scoped3A : memref<!tpu.dma_semaphore, #tpu.memory_space<semaphore_mem>>)
      %dma_wait3A_116 = tpu.memref_slice %arg3[%add3A_23] : memref<327680xi32, #tpu.memory_space<hbm>> -> memref<128xi32, #tpu.memory_space<hbm>>
      %dma_wait3A_117 = tpu.memref_slice %arg3[%add3A_23] : memref<327680xi32, #tpu.memory_space<hbm>> -> memref<128xi32, #tpu.memory_space<hbm>>
      tpu.wait_dma2 semaphore(%run_scoped3A : memref<!tpu.dma_semaphore, #tpu.memory_space<semaphore_mem>>) src(%dma_wait3A_117 : memref<128xi32, #tpu.memory_space<hbm>>) dst(%arg14 : memref<128xi32, #tpu.memory_space<vmem>>)
      tpu.yield
    }) : () -> ()
    %dma_start3A = arith.constant 0 : i32
    %dma_start3A_24 = arith.constant 0 : i32
    %dma_start3A_25 = arith.constant 0 : i32
    %dma_start3A_26 = tpu.memref_slice %arg4[%dma_start3A, %dma_start3A_24, %dma_start3A_25] : memref<10240x4x16xf32, #tpu.memory_space<hbm>> -> memref<10240x4x16xf32, #tpu.memory_space<hbm>>
    tpu.enqueue_indirect_dma source(%dma_start3A_26 : memref<10240x4x16xf32, #tpu.memory_space<hbm>>) target(%arg15 : memref<128x4x16xf32, #tpu.memory_space<vmem>>) offsets(%arg14 : memref<128xi32, #tpu.memory_space<vmem>>) semaphore(%arg31 : memref<!tpu.dma_semaphore, #tpu.memory_space<semaphore_mem>>)
    %dma_start3A_27 = arith.constant 0 : i32
    %dma_start3A_28 = tpu.memref_slice %arg6[%add3A_23, %dma_start3A_27] : memref<327680x16xf32, #tpu.memory_space<hbm>> -> memref<128x16xf32, #tpu.memory_space<hbm>>
    %dma_start3A_29 = arith.constant 0 : i32
    %dma_start3A_30 = tpu.memref_slice %arg6[%add3A_23, %dma_start3A_29] : memref<327680x16xf32, #tpu.memory_space<hbm>> -> memref<128x16xf32, #tpu.memory_space<hbm>>
    tpu.enqueue_dma source(%dma_start3A_30 : memref<128x16xf32, #tpu.memory_space<hbm>>) target(%arg16 : memref<128x16xf32, #tpu.memory_space<vmem>>) target_semaphore(%arg31 : memref<!tpu.dma_semaphore, #tpu.memory_space<semaphore_mem>>)
    %dma_start3A_31 = arith.constant 0 : i32
    %dma_start3A_32 = arith.constant 0 : i32
    %dma_start3A_33 = tpu.memref_slice %arg7[%dma_start3A_31, %dma_start3A_32] : memref<10240x16xf32, #tpu.memory_space<hbm>> -> memref<10240x16xf32, #tpu.memory_space<hbm>>
    tpu.enqueue_indirect_dma source(%dma_start3A_33 : memref<10240x16xf32, #tpu.memory_space<hbm>>) target(%arg17 : memref<128x16xf32, #tpu.memory_space<vmem>>) offsets(%arg13 : memref<128xi32, #tpu.memory_space<vmem>>) semaphore(%arg31 : memref<!tpu.dma_semaphore, #tpu.memory_space<semaphore_mem>>)
    %dma_start3A_34 = arith.constant 0 : i32
    %dma_start3A_35 = arith.constant 0 : i32
    %dma_start3A_36 = tpu.memref_slice %arg8[%dma_start3A_34, %dma_start3A_35] : memref<10240x16xf32, #tpu.memory_space<hbm>> -> memref<10240x16xf32, #tpu.memory_space<hbm>>
    tpu.enqueue_indirect_dma source(%dma_start3A_36 : memref<10240x16xf32, #tpu.memory_space<hbm>>) target(%arg18 : memref<128x16xf32, #tpu.memory_space<vmem>>) offsets(%arg13 : memref<128xi32, #tpu.memory_space<vmem>>) semaphore(%arg31 : memref<!tpu.dma_semaphore, #tpu.memory_space<semaphore_mem>>)
    %scan3A_37 = arith.constant 0 : i32
    %scan3A_38 = arith.constant 0 : i32
    %scan3A_39 = arith.constant 40 : i32
    %scan3A_40 = arith.addi %scan3A_38, %scan3A_39 : i32
    %scan3A_41 = arith.constant 1 : i32
    scf.for %scan3A_114 = %scan3A_38 to %scan3A_40 step %scan3A_41  : i32 {
      %mul3A_115 = arith.constant 2 : i32
      %mul3A_116 = arith.muli %scan3A_114, %mul3A_115 : i32
      %add3A_117 = arith.constant 1 : i32
      %add3A_118 = arith.addi %mul3A_116, %add3A_117 : i32
      %mul3A_119 = arith.constant 10240 : i32
      %mul3A_120 = arith.muli %add3A, %mul3A_119 : i32
      %mul3A_121 = arith.constant 128 : i32
      %mul3A_122 = arith.muli %add3A_118, %mul3A_121 : i32
      %add3A_123 = arith.addi %mul3A_120, %mul3A_122 : i32
      "tpu.region"() ({
        %run_scoped3A = tpu.sem_alloc : memref<!tpu.dma_semaphore, #tpu.memory_space<semaphore_mem>>
        %dma_start3A_321 = tpu.memref_slice %arg2[%add3A_123] : memref<327680xi32, #tpu.memory_space<hbm>> -> memref<128xi32, #tpu.memory_space<hbm>>
        %dma_start3A_322 = tpu.memref_slice %arg2[%add3A_123] : memref<327680xi32, #tpu.memory_space<hbm>> -> memref<128xi32, #tpu.memory_space<hbm>>
        tpu.enqueue_dma source(%dma_start3A_322 : memref<128xi32, #tpu.memory_space<hbm>>) target(%arg19 : memref<128xi32, #tpu.memory_space<vmem>>) target_semaphore(%run_scoped3A : memref<!tpu.dma_semaphore, #tpu.memory_space<semaphore_mem>>)
        %dma_wait3A_323 = tpu.memref_slice %arg2[%add3A_123] : memref<327680xi32, #tpu.memory_space<hbm>> -> memref<128xi32, #tpu.memory_space<hbm>>
        %dma_wait3A_324 = tpu.memref_slice %arg2[%add3A_123] : memref<327680xi32, #tpu.memory_space<hbm>> -> memref<128xi32, #tpu.memory_space<hbm>>
        tpu.wait_dma2 semaphore(%run_scoped3A : memref<!tpu.dma_semaphore, #tpu.memory_space<semaphore_mem>>) src(%dma_wait3A_324 : memref<128xi32, #tpu.memory_space<hbm>>) dst(%arg19 : memref<128xi32, #tpu.memory_space<vmem>>)
        tpu.yield
      }) : () -> ()
      "tpu.region"() ({
        %run_scoped3A = tpu.sem_alloc : memref<!tpu.dma_semaphore, #tpu.memory_space<semaphore_mem>>
        %dma_start3A_321 = tpu.memref_slice %arg3[%add3A_123] : memref<327680xi32, #tpu.memory_space<hbm>> -> memref<128xi32, #tpu.memory_space<hbm>>
        %dma_start3A_322 = tpu.memref_slice %arg3[%add3A_123] : memref<327680xi32, #tpu.memory_space<hbm>> -> memref<128xi32, #tpu.memory_space<hbm>>
        tpu.enqueue_dma source(%dma_start3A_322 : memref<128xi32, #tpu.memory_space<hbm>>) target(%arg20 : memref<128xi32, #tpu.memory_space<vmem>>) target_semaphore(%run_scoped3A : memref<!tpu.dma_semaphore, #tpu.memory_space<semaphore_mem>>)
        %dma_wait3A_323 = tpu.memref_slice %arg3[%add3A_123] : memref<327680xi32, #tpu.memory_space<hbm>> -> memref<128xi32, #tpu.memory_space<hbm>>
        %dma_wait3A_324 = tpu.memref_slice %arg3[%add3A_123] : memref<327680xi32, #tpu.memory_space<hbm>> -> memref<128xi32, #tpu.memory_space<hbm>>
        tpu.wait_dma2 semaphore(%run_scoped3A : memref<!tpu.dma_semaphore, #tpu.memory_space<semaphore_mem>>) src(%dma_wait3A_324 : memref<128xi32, #tpu.memory_space<hbm>>) dst(%arg20 : memref<128xi32, #tpu.memory_space<vmem>>)
        tpu.yield
      }) : () -> ()
      %dma_start3A_124 = arith.constant 0 : i32
      %dma_start3A_125 = arith.constant 0 : i32
      %dma_start3A_126 = arith.constant 0 : i32
      %dma_start3A_127 = tpu.memref_slice %arg4[%dma_start3A_124, %dma_start3A_125, %dma_start3A_126] : memref<10240x4x16xf32, #tpu.memory_space<hbm>> -> memref<10240x4x16xf32, #tpu.memory_space<hbm>>
      tpu.enqueue_indirect_dma source(%dma_start3A_127 : memref<10240x4x16xf32, #tpu.memory_space<hbm>>) target(%arg21 : memref<128x4x16xf32, #tpu.memory_space<vmem>>) offsets(%arg20 : memref<128xi32, #tpu.memory_space<vmem>>) semaphore(%arg32 : memref<!tpu.dma_semaphore, #tpu.memory_space<semaphore_mem>>)
      %dma_start3A_128 = arith.constant 0 : i32
      %dma_start3A_129 = tpu.memref_slice %arg6[%add3A_123, %dma_start3A_128] : memref<327680x16xf32, #tpu.memory_space<hbm>> -> memref<128x16xf32, #tpu.memory_space<hbm>>
      %dma_start3A_130 = arith.constant 0 : i32
      %dma_start3A_131 = tpu.memref_slice %arg6[%add3A_123, %dma_start3A_130] : memref<327680x16xf32, #tpu.memory_space<hbm>> -> memref<128x16xf32, #tpu.memory_space<hbm>>
      tpu.enqueue_dma source(%dma_start3A_131 : memref<128x16xf32, #tpu.memory_space<hbm>>) target(%arg22 : memref<128x16xf32, #tpu.memory_space<vmem>>) target_semaphore(%arg32 : memref<!tpu.dma_semaphore, #tpu.memory_space<semaphore_mem>>)
      %dma_start3A_132 = arith.constant 0 : i32
      %dma_start3A_133 = arith.constant 0 : i32
      %dma_start3A_134 = tpu.memref_slice %arg7[%dma_start3A_132, %dma_start3A_133] : memref<10240x16xf32, #tpu.memory_space<hbm>> -> memref<10240x16xf32, #tpu.memory_space<hbm>>
      tpu.enqueue_indirect_dma source(%dma_start3A_134 : memref<10240x16xf32, #tpu.memory_space<hbm>>) target(%arg23 : memref<128x16xf32, #tpu.memory_space<vmem>>) offsets(%arg19 : memref<128xi32, #tpu.memory_space<vmem>>) semaphore(%arg32 : memref<!tpu.dma_semaphore, #tpu.memory_space<semaphore_mem>>)
      %dma_start3A_135 = arith.constant 0 : i32
      %dma_start3A_136 = arith.constant 0 : i32
      %dma_start3A_137 = tpu.memref_slice %arg8[%dma_start3A_135, %dma_start3A_136] : memref<10240x16xf32, #tpu.memory_space<hbm>> -> memref<10240x16xf32, #tpu.memory_space<hbm>>
      tpu.enqueue_indirect_dma source(%dma_start3A_137 : memref<10240x16xf32, #tpu.memory_space<hbm>>) target(%arg24 : memref<128x16xf32, #tpu.memory_space<vmem>>) offsets(%arg19 : memref<128xi32, #tpu.memory_space<vmem>>) semaphore(%arg32 : memref<!tpu.dma_semaphore, #tpu.memory_space<semaphore_mem>>)
      %mul3A_138 = arith.constant 10240 : i32
      %mul3A_139 = arith.muli %add3A, %mul3A_138 : i32
      %mul3A_140 = arith.constant 128 : i32
      %mul3A_141 = arith.muli %mul3A_116, %mul3A_140 : i32
      %add3A_142 = arith.addi %mul3A_139, %mul3A_141 : i32
      %dma_wait3A_143 = arith.constant 0 : i32
      %dma_wait3A_144 = arith.constant 0 : i32
      %dma_wait3A_145 = arith.constant 0 : i32
      %dma_wait3A_146 = tpu.memref_slice %arg4[%dma_wait3A_143, %dma_wait3A_144, %dma_wait3A_145] : memref<10240x4x16xf32, #tpu.memory_space<hbm>> -> memref<10240x4x16xf32, #tpu.memory_space<hbm>>
      tpu.wait_indirect_dma semaphore(%arg31 : memref<!tpu.dma_semaphore, #tpu.memory_space<semaphore_mem>>) src(%dma_wait3A_146 : memref<10240x4x16xf32, #tpu.memory_space<hbm>>) dst(%arg15 : memref<128x4x16xf32, #tpu.memory_space<vmem>>)
      %dma_wait3A_147 = arith.constant 0 : i32
      %dma_wait3A_148 = tpu.memref_slice %arg6[%add3A_142, %dma_wait3A_147] : memref<327680x16xf32, #tpu.memory_space<hbm>> -> memref<128x16xf32, #tpu.memory_space<hbm>>
      %dma_wait3A_149 = arith.constant 0 : i32
      %dma_wait3A_150 = tpu.memref_slice %arg6[%add3A_142, %dma_wait3A_149] : memref<327680x16xf32, #tpu.memory_space<hbm>> -> memref<128x16xf32, #tpu.memory_space<hbm>>
      tpu.wait_dma2 semaphore(%arg31 : memref<!tpu.dma_semaphore, #tpu.memory_space<semaphore_mem>>) src(%dma_wait3A_150 : memref<128x16xf32, #tpu.memory_space<hbm>>) dst(%arg16 : memref<128x16xf32, #tpu.memory_space<vmem>>)
      %dma_wait3A_151 = arith.constant 0 : i32
      %dma_wait3A_152 = arith.constant 0 : i32
      %dma_wait3A_153 = tpu.memref_slice %arg7[%dma_wait3A_151, %dma_wait3A_152] : memref<10240x16xf32, #tpu.memory_space<hbm>> -> memref<10240x16xf32, #tpu.memory_space<hbm>>
      tpu.wait_indirect_dma semaphore(%arg31 : memref<!tpu.dma_semaphore, #tpu.memory_space<semaphore_mem>>) src(%dma_wait3A_153 : memref<10240x16xf32, #tpu.memory_space<hbm>>) dst(%arg17 : memref<128x16xf32, #tpu.memory_space<vmem>>)
      %dma_wait3A_154 = arith.constant 0 : i32
      %dma_wait3A_155 = arith.constant 0 : i32
      %dma_wait3A_156 = tpu.memref_slice %arg8[%dma_wait3A_154, %dma_wait3A_155] : memref<10240x16xf32, #tpu.memory_space<hbm>> -> memref<10240x16xf32, #tpu.memory_space<hbm>>
      tpu.wait_indirect_dma semaphore(%arg31 : memref<!tpu.dma_semaphore, #tpu.memory_space<semaphore_mem>>) src(%dma_wait3A_156 : memref<10240x16xf32, #tpu.memory_space<hbm>>) dst(%arg18 : memref<128x16xf32, #tpu.memory_space<vmem>>)
      %gt3A = arith.constant 0 : i32
      %gt3A_157 = arith.cmpi sgt, %scan3A_114, %gt3A : i32
      %convert_element_type3A_158 = arith.extui %gt3A_157 : i1 to i32
      %cond3A_159 = arith.constant 0 : i32
      %cond3A_160 = arith.cmpi ne, %convert_element_type3A_158, %cond3A_159 : i32
      scf.if %cond3A_160 {
        %dma_wait3A_321 = arith.constant 0 : i32
        %dma_wait3A_322 = arith.constant 0 : i32
        %dma_wait3A_323 = arith.constant 0 : i32
        %dma_wait3A_324 = tpu.memref_slice %arg30[%dma_wait3A_321, %dma_wait3A_322, %dma_wait3A_323] : memref<10240x4x16xf32, #tpu.memory_space<vmem_shared>> -> memref<10240x4x16xf32, #tpu.memory_space<vmem_shared>>
        tpu.wait_indirect_dma semaphore(%arg33 : memref<!tpu.dma_semaphore, #tpu.memory_space<semaphore_mem>>) src(%arg25 : memref<128x4x16xf32, #tpu.memory_space<vmem>>) dst(%dma_wait3A_324 : memref<10240x4x16xf32, #tpu.memory_space<vmem_shared>>)
      } else {
      }
      %scan3A_161 = arith.constant 0 : i32
      %scan3A_162 = arith.constant 0 : i32
      %scan3A_163 = arith.constant 32 : i32
      %scan3A_164 = arith.addi %scan3A_162, %scan3A_163 : i32
      %scan3A_165 = arith.constant 1 : i32
      scf.for %scan3A_321 = %scan3A_162 to %scan3A_164 step %scan3A_165  : i32 {
        %mul3A_322 = arith.constant 4 : i32
        %mul3A_323 = arith.muli %scan3A_321, %mul3A_322 : i32
        %add3A_324 = arith.constant 0 : i32
        %add3A_325 = arith.addi %mul3A_323, %add3A_324 : i32
        %get3A_326 = arith.index_cast %add3A_325 : i32 to index
        %get3A_327 = arith.constant 0 : index
        %get3A_328 = tpu.vector_load %arg17[%get3A_326, %get3A_327] {strides = array<i32>} : memref<128x16xf32, #tpu.memory_space<vmem>>, vector<1x16xf32>,
        %get3A_329 = vector.shape_cast %get3A_328 : vector<1x16xf32> to vector<16xf32>
        %get3A_330 = arith.index_cast %add3A_325 : i32 to index
        %get3A_331 = arith.constant 0 : index
        %get3A_332 = tpu.vector_load %arg18[%get3A_330, %get3A_331] {strides = array<i32>} : memref<128x16xf32, #tpu.memory_space<vmem>>, vector<1x16xf32>,
        %get3A_333 = vector.shape_cast %get3A_332 : vector<1x16xf32> to vector<16xf32>
        %add3A_334 = arith.addf %get3A_329, %get3A_333 : vector<16xf32>
        %get3A_335 = arith.index_cast %add3A_325 : i32 to index
        %get3A_336 = arith.constant 0 : index
        %get3A_337 = tpu.vector_load %arg16[%get3A_335, %get3A_336] {strides = array<i32>} : memref<128x16xf32, #tpu.memory_space<vmem>>, vector<1x16xf32>,
        %get3A_338 = vector.shape_cast %get3A_337 : vector<1x16xf32> to vector<16xf32>
        %max3A = arith.constant 9.99999996E-13 : f32
        %max3A_339 = vector.broadcast %max3A : f32 to vector<16xf32>
        %max3A_340 = arith.maximumf %add3A_334, %max3A_339 : vector<16xf32>
        %div3A = arith.divf %get3A_338, %max3A_340 : vector<16xf32>
        %reshape3A = vector.shape_cast %shift_right_arithmetic3A_12 : vector<16xi32> to vector<16x1xi32>
        %gather3A = vector.shape_cast %reshape3A : vector<16x1xi32> to vector<16xi32>
        %gather3A_341 = tpu.dynamic_gather %div3A[%gather3A] in [0] : vector<16xf32>, vector<16xi32> -> vector<16xf32>
        %get3A_342 = arith.constant 0 : i32
        %get3A_343 = arith.index_cast %add3A_325 : i32 to index
        %get3A_344 = arith.index_cast %get3A_342 : i32 to index
        %get3A_345 = arith.constant 0 : index
        %get3A_346 = tpu.vector_load %arg15[%get3A_343, %get3A_344, %get3A_345] {strides = array<i32>} : memref<128x4x16xf32, #tpu.memory_space<vmem>>, vector<1x1x16xf32>,
        %get3A_347 = vector.shape_cast %get3A_346 : vector<1x1x16xf32> to vector<16xf32>
        %mul3A_348 = arith.mulf %get3A_347, %gather3A_341 : vector<16xf32>
        %swap3A_349 = arith.constant 0 : i32
        %swap3A_350 = arith.index_cast %add3A_325 : i32 to index
        %swap3A_351 = arith.index_cast %swap3A_349 : i32 to index
        %swap3A_352 = arith.constant 0 : index
        %swap3A_353 = tpu.vector_load %arg25[%swap3A_350, %swap3A_351, %swap3A_352] {strides = array<i32>} : memref<128x4x16xf32, #tpu.memory_space<vmem>>, vector<1x1x16xf32>,
        %swap3A_354 = vector.shape_cast %swap3A_353 : vector<1x1x16xf32> to vector<16xf32>
        %swap3A_355 = vector.shape_cast %mul3A_348 : vector<16xf32> to vector<1x1x16xf32>
        tpu.vector_store %arg25[%swap3A_350, %swap3A_351, %swap3A_352], %swap3A_355 {strides = array<i32>} : memref<128x4x16xf32, #tpu.memory_space<vmem>>, vector<1x1x16xf32>,
        %get3A_356 = arith.constant 1 : i32
        %get3A_357 = arith.index_cast %add3A_325 : i32 to index
        %get3A_358 = arith.index_cast %get3A_356 : i32 to index
        %get3A_359 = arith.constant 0 : index
        %get3A_360 = tpu.vector_load %arg15[%get3A_357, %get3A_358, %get3A_359] {strides = array<i32>} : memref<128x4x16xf32, #tpu.memory_space<vmem>>, vector<1x1x16xf32>,
        %get3A_361 = vector.shape_cast %get3A_360 : vector<1x1x16xf32> to vector<16xf32>
        %mul3A_362 = arith.mulf %get3A_361, %gather3A_341 : vector<16xf32>
        %swap3A_363 = arith.constant 1 : i32
        %swap3A_364 = arith.index_cast %add3A_325 : i32 to index
        %swap3A_365 = arith.index_cast %swap3A_363 : i32 to index
        %swap3A_366 = arith.constant 0 : index
        %swap3A_367 = tpu.vector_load %arg25[%swap3A_364, %swap3A_365, %swap3A_366] {strides = array<i32>} : memref<128x4x16xf32, #tpu.memory_space<vmem>>, vector<1x1x16xf32>,
        %swap3A_368 = vector.shape_cast %swap3A_367 : vector<1x1x16xf32> to vector<16xf32>
        %swap3A_369 = vector.shape_cast %mul3A_362 : vector<16xf32> to vector<1x1x16xf32>
        tpu.vector_store %arg25[%swap3A_364, %swap3A_365, %swap3A_366], %swap3A_369 {strides = array<i32>} : memref<128x4x16xf32, #tpu.memory_space<vmem>>, vector<1x1x16xf32>,
        %get3A_370 = arith.constant 2 : i32
        %get3A_371 = arith.index_cast %add3A_325 : i32 to index
        %get3A_372 = arith.index_cast %get3A_370 : i32 to index
        %get3A_373 = arith.constant 0 : index
        %get3A_374 = tpu.vector_load %arg15[%get3A_371, %get3A_372, %get3A_373] {strides = array<i32>} : memref<128x4x16xf32, #tpu.memory_space<vmem>>, vector<1x1x16xf32>,
        %get3A_375 = vector.shape_cast %get3A_374 : vector<1x1x16xf32> to vector<16xf32>
        %mul3A_376 = arith.mulf %get3A_375, %gather3A_341 : vector<16xf32>
        %swap3A_377 = arith.constant 2 : i32
        %swap3A_378 = arith.index_cast %add3A_325 : i32 to index
        %swap3A_379 = arith.index_cast %swap3A_377 : i32 to index
        %swap3A_380 = arith.constant 0 : index
        %swap3A_381 = tpu.vector_load %arg25[%swap3A_378, %swap3A_379, %swap3A_380] {strides = array<i32>} : memref<128x4x16xf32, #tpu.memory_space<vmem>>, vector<1x1x16xf32>,
        %swap3A_382 = vector.shape_cast %swap3A_381 : vector<1x1x16xf32> to vector<16xf32>
        %swap3A_383 = vector.shape_cast %mul3A_376 : vector<16xf32> to vector<1x1x16xf32>
        tpu.vector_store %arg25[%swap3A_378, %swap3A_379, %swap3A_380], %swap3A_383 {strides = array<i32>} : memref<128x4x16xf32, #tpu.memory_space<vmem>>, vector<1x1x16xf32>,
        %get3A_384 = arith.constant 3 : i32
        %get3A_385 = arith.index_cast %add3A_325 : i32 to index
        %get3A_386 = arith.index_cast %get3A_384 : i32 to index
        %get3A_387 = arith.constant 0 : index
        %get3A_388 = tpu.vector_load %arg15[%get3A_385, %get3A_386, %get3A_387] {strides = array<i32>} : memref<128x4x16xf32, #tpu.memory_space<vmem>>, vector<1x1x16xf32>,
        %get3A_389 = vector.shape_cast %get3A_388 : vector<1x1x16xf32> to vector<16xf32>
        %mul3A_390 = arith.mulf %get3A_389, %gather3A_341 : vector<16xf32>
        %swap3A_391 = arith.constant 3 : i32
        %swap3A_392 = arith.index_cast %add3A_325 : i32 to index
        %swap3A_393 = arith.index_cast %swap3A_391 : i32 to index
        %swap3A_394 = arith.constant 0 : index
        %swap3A_395 = tpu.vector_load %arg25[%swap3A_392, %swap3A_393, %swap3A_394] {strides = array<i32>} : memref<128x4x16xf32, #tpu.memory_space<vmem>>, vector<1x1x16xf32>,
        %swap3A_396 = vector.shape_cast %swap3A_395 : vector<1x1x16xf32> to vector<16xf32>
        %swap3A_397 = vector.shape_cast %mul3A_390 : vector<16xf32> to vector<1x1x16xf32>
        tpu.vector_store %arg25[%swap3A_392, %swap3A_393, %swap3A_394], %swap3A_397 {strides = array<i32>} : memref<128x4x16xf32, #tpu.memory_space<vmem>>, vector<1x1x16xf32>,
        %mul3A_398 = arith.constant 4 : i32
        %mul3A_399 = arith.muli %scan3A_321, %mul3A_398 : i32
        %add3A_400 = arith.constant 1 : i32
        %add3A_401 = arith.addi %mul3A_399, %add3A_400 : i32
        %get3A_402 = arith.index_cast %add3A_401 : i32 to index
        %get3A_403 = arith.constant 0 : index
        %get3A_404 = tpu.vector_load %arg17[%get3A_402, %get3A_403] {strides = array<i32>} : memref<128x16xf32, #tpu.memory_space<vmem>>, vector<1x16xf32>,
        %get3A_405 = vector.shape_cast %get3A_404 : vector<1x16xf32> to vector<16xf32>
        %get3A_406 = arith.index_cast %add3A_401 : i32 to index
        %get3A_407 = arith.constant 0 : index
        %get3A_408 = tpu.vector_load %arg18[%get3A_406, %get3A_407] {strides = array<i32>} : memref<128x16xf32, #tpu.memory_space<vmem>>, vector<1x16xf32>,
        %get3A_409 = vector.shape_cast %get3A_408 : vector<1x16xf32> to vector<16xf32>
        %add3A_410 = arith.addf %get3A_405, %get3A_409 : vector<16xf32>
        %get3A_411 = arith.index_cast %add3A_401 : i32 to index
        %get3A_412 = arith.constant 0 : index
        %get3A_413 = tpu.vector_load %arg16[%get3A_411, %get3A_412] {strides = array<i32>} : memref<128x16xf32, #tpu.memory_space<vmem>>, vector<1x16xf32>,
        %get3A_414 = vector.shape_cast %get3A_413 : vector<1x16xf32> to vector<16xf32>
        %max3A_415 = arith.constant 9.99999996E-13 : f32
        %max3A_416 = vector.broadcast %max3A_415 : f32 to vector<16xf32>
        %max3A_417 = arith.maximumf %add3A_410, %max3A_416 : vector<16xf32>
        %div3A_418 = arith.divf %get3A_414, %max3A_417 : vector<16xf32>
        %reshape3A_419 = vector.shape_cast %shift_right_arithmetic3A_12 : vector<16xi32> to vector<16x1xi32>
        %gather3A_420 = vector.shape_cast %reshape3A_419 : vector<16x1xi32> to vector<16xi32>
        %gather3A_421 = tpu.dynamic_gather %div3A_418[%gather3A_420] in [0] : vector<16xf32>, vector<16xi32> -> vector<16xf32>
        %get3A_422 = arith.constant 0 : i32
        %get3A_423 = arith.index_cast %add3A_401 : i32 to index
        %get3A_424 = arith.index_cast %get3A_422 : i32 to index
        %get3A_425 = arith.constant 0 : index
        %get3A_426 = tpu.vector_load %arg15[%get3A_423, %get3A_424, %get3A_425] {strides = array<i32>} : memref<128x4x16xf32, #tpu.memory_space<vmem>>, vector<1x1x16xf32>,
        %get3A_427 = vector.shape_cast %get3A_426 : vector<1x1x16xf32> to vector<16xf32>
        %mul3A_428 = arith.mulf %get3A_427, %gather3A_421 : vector<16xf32>
        %swap3A_429 = arith.constant 0 : i32
        %swap3A_430 = arith.index_cast %add3A_401 : i32 to index
        %swap3A_431 = arith.index_cast %swap3A_429 : i32 to index
        %swap3A_432 = arith.constant 0 : index
        %swap3A_433 = tpu.vector_load %arg25[%swap3A_430, %swap3A_431, %swap3A_432] {strides = array<i32>} : memref<128x4x16xf32, #tpu.memory_space<vmem>>, vector<1x1x16xf32>,
        %swap3A_434 = vector.shape_cast %swap3A_433 : vector<1x1x16xf32> to vector<16xf32>
        %swap3A_435 = vector.shape_cast %mul3A_428 : vector<16xf32> to vector<1x1x16xf32>
        tpu.vector_store %arg25[%swap3A_430, %swap3A_431, %swap3A_432], %swap3A_435 {strides = array<i32>} : memref<128x4x16xf32, #tpu.memory_space<vmem>>, vector<1x1x16xf32>,
        %get3A_436 = arith.constant 1 : i32
        %get3A_437 = arith.index_cast %add3A_401 : i32 to index
        %get3A_438 = arith.index_cast %get3A_436 : i32 to index
        %get3A_439 = arith.constant 0 : index
        %get3A_440 = tpu.vector_load %arg15[%get3A_437, %get3A_438, %get3A_439] {strides = array<i32>} : memref<128x4x16xf32, #tpu.memory_space<vmem>>, vector<1x1x16xf32>,
        %get3A_441 = vector.shape_cast %get3A_440 : vector<1x1x16xf32> to vector<16xf32>
        %mul3A_442 = arith.mulf %get3A_441, %gather3A_421 : vector<16xf32>
        %swap3A_443 = arith.constant 1 : i32
        %swap3A_444 = arith.index_cast %add3A_401 : i32 to index
        %swap3A_445 = arith.index_cast %swap3A_443 : i32 to index
        %swap3A_446 = arith.constant 0 : index
        %swap3A_447 = tpu.vector_load %arg25[%swap3A_444, %swap3A_445, %swap3A_446] {strides = array<i32>} : memref<128x4x16xf32, #tpu.memory_space<vmem>>, vector<1x1x16xf32>,
        %swap3A_448 = vector.shape_cast %swap3A_447 : vector<1x1x16xf32> to vector<16xf32>
        %swap3A_449 = vector.shape_cast %mul3A_442 : vector<16xf32> to vector<1x1x16xf32>
        tpu.vector_store %arg25[%swap3A_444, %swap3A_445, %swap3A_446], %swap3A_449 {strides = array<i32>} : memref<128x4x16xf32, #tpu.memory_space<vmem>>, vector<1x1x16xf32>,
        %get3A_450 = arith.constant 2 : i32
        %get3A_451 = arith.index_cast %add3A_401 : i32 to index
        %get3A_452 = arith.index_cast %get3A_450 : i32 to index
        %get3A_453 = arith.constant 0 : index
        %get3A_454 = tpu.vector_load %arg15[%get3A_451, %get3A_452, %get3A_453] {strides = array<i32>} : memref<128x4x16xf32, #tpu.memory_space<vmem>>, vector<1x1x16xf32>,
        %get3A_455 = vector.shape_cast %get3A_454 : vector<1x1x16xf32> to vector<16xf32>
        %mul3A_456 = arith.mulf %get3A_455, %gather3A_421 : vector<16xf32>
        %swap3A_457 = arith.constant 2 : i32
        %swap3A_458 = arith.index_cast %add3A_401 : i32 to index
        %swap3A_459 = arith.index_cast %swap3A_457 : i32 to index
        %swap3A_460 = arith.constant 0 : index
        %swap3A_461 = tpu.vector_load %arg25[%swap3A_458, %swap3A_459, %swap3A_460] {strides = array<i32>} : memref<128x4x16xf32, #tpu.memory_space<vmem>>, vector<1x1x16xf32>,
        %swap3A_462 = vector.shape_cast %swap3A_461 : vector<1x1x16xf32> to vector<16xf32>
        %swap3A_463 = vector.shape_cast %mul3A_456 : vector<16xf32> to vector<1x1x16xf32>
        tpu.vector_store %arg25[%swap3A_458, %swap3A_459, %swap3A_460], %swap3A_463 {strides = array<i32>} : memref<128x4x16xf32, #tpu.memory_space<vmem>>, vector<1x1x16xf32>,
        %get3A_464 = arith.constant 3 : i32
        %get3A_465 = arith.index_cast %add3A_401 : i32 to index
        %get3A_466 = arith.index_cast %get3A_464 : i32 to index
        %get3A_467 = arith.constant 0 : index
        %get3A_468 = tpu.vector_load %arg15[%get3A_465, %get3A_466, %get3A_467] {strides = array<i32>} : memref<128x4x16xf32, #tpu.memory_space<vmem>>, vector<1x1x16xf32>,
        %get3A_469 = vector.shape_cast %get3A_468 : vector<1x1x16xf32> to vector<16xf32>
        %mul3A_470 = arith.mulf %get3A_469, %gather3A_421 : vector<16xf32>
        %swap3A_471 = arith.constant 3 : i32
        %swap3A_472 = arith.index_cast %add3A_401 : i32 to index
        %swap3A_473 = arith.index_cast %swap3A_471 : i32 to index
        %swap3A_474 = arith.constant 0 : index
        %swap3A_475 = tpu.vector_load %arg25[%swap3A_472, %swap3A_473, %swap3A_474] {strides = array<i32>} : memref<128x4x16xf32, #tpu.memory_space<vmem>>, vector<1x1x16xf32>,
        %swap3A_476 = vector.shape_cast %swap3A_475 : vector<1x1x16xf32> to vector<16xf32>
        %swap3A_477 = vector.shape_cast %mul3A_470 : vector<16xf32> to vector<1x1x16xf32>
        tpu.vector_store %arg25[%swap3A_472, %swap3A_473, %swap3A_474], %swap3A_477 {strides = array<i32>} : memref<128x4x16xf32, #tpu.memory_space<vmem>>, vector<1x1x16xf32>,
        %mul3A_478 = arith.constant 4 : i32
        %mul3A_479 = arith.muli %scan3A_321, %mul3A_478 : i32
        %add3A_480 = arith.constant 2 : i32
        %add3A_481 = arith.addi %mul3A_479, %add3A_480 : i32
        %get3A_482 = arith.index_cast %add3A_481 : i32 to index
        %get3A_483 = arith.constant 0 : index
        %get3A_484 = tpu.vector_load %arg17[%get3A_482, %get3A_483] {strides = array<i32>} : memref<128x16xf32, #tpu.memory_space<vmem>>, vector<1x16xf32>,
        %get3A_485 = vector.shape_cast %get3A_484 : vector<1x16xf32> to vector<16xf32>
        %get3A_486 = arith.index_cast %add3A_481 : i32 to index
        %get3A_487 = arith.constant 0 : index
        %get3A_488 = tpu.vector_load %arg18[%get3A_486, %get3A_487] {strides = array<i32>} : memref<128x16xf32, #tpu.memory_space<vmem>>, vector<1x16xf32>,
        %get3A_489 = vector.shape_cast %get3A_488 : vector<1x16xf32> to vector<16xf32>
        %add3A_490 = arith.addf %get3A_485, %get3A_489 : vector<16xf32>
        %get3A_491 = arith.index_cast %add3A_481 : i32 to index
        %get3A_492 = arith.constant 0 : index
        %get3A_493 = tpu.vector_load %arg16[%get3A_491, %get3A_492] {strides = array<i32>} : memref<128x16xf32, #tpu.memory_space<vmem>>, vector<1x16xf32>,
        %get3A_494 = vector.shape_cast %get3A_493 : vector<1x16xf32> to vector<16xf32>
        %max3A_495 = arith.constant 9.99999996E-13 : f32
        %max3A_496 = vector.broadcast %max3A_495 : f32 to vector<16xf32>
        %max3A_497 = arith.maximumf %add3A_490, %max3A_496 : vector<16xf32>
        %div3A_498 = arith.divf %get3A_494, %max3A_497 : vector<16xf32>
        %reshape3A_499 = vector.shape_cast %shift_right_arithmetic3A_12 : vector<16xi32> to vector<16x1xi32>
        %gather3A_500 = vector.shape_cast %reshape3A_499 : vector<16x1xi32> to vector<16xi32>
        %gather3A_501 = tpu.dynamic_gather %div3A_498[%gather3A_500] in [0] : vector<16xf32>, vector<16xi32> -> vector<16xf32>
        %get3A_502 = arith.constant 0 : i32
        %get3A_503 = arith.index_cast %add3A_481 : i32 to index
        %get3A_504 = arith.index_cast %get3A_502 : i32 to index
        %get3A_505 = arith.constant 0 : index
        %get3A_506 = tpu.vector_load %arg15[%get3A_503, %get3A_504, %get3A_505] {strides = array<i32>} : memref<128x4x16xf32, #tpu.memory_space<vmem>>, vector<1x1x16xf32>,
        %get3A_507 = vector.shape_cast %get3A_506 : vector<1x1x16xf32> to vector<16xf32>
        %mul3A_508 = arith.mulf %get3A_507, %gather3A_501 : vector<16xf32>
        %swap3A_509 = arith.constant 0 : i32
        %swap3A_510 = arith.index_cast %add3A_481 : i32 to index
        %swap3A_511 = arith.index_cast %swap3A_509 : i32 to index
        %swap3A_512 = arith.constant 0 : index
        %swap3A_513 = tpu.vector_load %arg25[%swap3A_510, %swap3A_511, %swap3A_512] {strides = array<i32>} : memref<128x4x16xf32, #tpu.memory_space<vmem>>, vector<1x1x16xf32>,
        %swap3A_514 = vector.shape_cast %swap3A_513 : vector<1x1x16xf32> to vector<16xf32>
        %swap3A_515 = vector.shape_cast %mul3A_508 : vector<16xf32> to vector<1x1x16xf32>
        tpu.vector_store %arg25[%swap3A_510, %swap3A_511, %swap3A_512], %swap3A_515 {strides = array<i32>} : memref<128x4x16xf32, #tpu.memory_space<vmem>>, vector<1x1x16xf32>,
        %get3A_516 = arith.constant 1 : i32
        %get3A_517 = arith.index_cast %add3A_481 : i32 to index
        %get3A_518 = arith.index_cast %get3A_516 : i32 to index
        %get3A_519 = arith.constant 0 : index
        %get3A_520 = tpu.vector_load %arg15[%get3A_517, %get3A_518, %get3A_519] {strides = array<i32>} : memref<128x4x16xf32, #tpu.memory_space<vmem>>, vector<1x1x16xf32>,
        %get3A_521 = vector.shape_cast %get3A_520 : vector<1x1x16xf32> to vector<16xf32>
        %mul3A_522 = arith.mulf %get3A_521, %gather3A_501 : vector<16xf32>
        %swap3A_523 = arith.constant 1 : i32
        %swap3A_524 = arith.index_cast %add3A_481 : i32 to index
        %swap3A_525 = arith.index_cast %swap3A_523 : i32 to index
        %swap3A_526 = arith.constant 0 : index
        %swap3A_527 = tpu.vector_load %arg25[%swap3A_524, %swap3A_525, %swap3A_526] {strides = array<i32>} : memref<128x4x16xf32, #tpu.memory_space<vmem>>, vector<1x1x16xf32>,
        %swap3A_528 = vector.shape_cast %swap3A_527 : vector<1x1x16xf32> to vector<16xf32>
        %swap3A_529 = vector.shape_cast %mul3A_522 : vector<16xf32> to vector<1x1x16xf32>
        tpu.vector_store %arg25[%swap3A_524, %swap3A_525, %swap3A_526], %swap3A_529 {strides = array<i32>} : memref<128x4x16xf32, #tpu.memory_space<vmem>>, vector<1x1x16xf32>,
        %get3A_530 = arith.constant 2 : i32
        %get3A_531 = arith.index_cast %add3A_481 : i32 to index
        %get3A_532 = arith.index_cast %get3A_530 : i32 to index
        %get3A_533 = arith.constant 0 : index
        %get3A_534 = tpu.vector_load %arg15[%get3A_531, %get3A_532, %get3A_533] {strides = array<i32>} : memref<128x4x16xf32, #tpu.memory_space<vmem>>, vector<1x1x16xf32>,
        %get3A_535 = vector.shape_cast %get3A_534 : vector<1x1x16xf32> to vector<16xf32>
        %mul3A_536 = arith.mulf %get3A_535, %gather3A_501 : vector<16xf32>
        %swap3A_537 = arith.constant 2 : i32
        %swap3A_538 = arith.index_cast %add3A_481 : i32 to index
        %swap3A_539 = arith.index_cast %swap3A_537 : i32 to index
        %swap3A_540 = arith.constant 0 : index
        %swap3A_541 = tpu.vector_load %arg25[%swap3A_538, %swap3A_539, %swap3A_540] {strides = array<i32>} : memref<128x4x16xf32, #tpu.memory_space<vmem>>, vector<1x1x16xf32>,
        %swap3A_542 = vector.shape_cast %swap3A_541 : vector<1x1x16xf32> to vector<16xf32>
        %swap3A_543 = vector.shape_cast %mul3A_536 : vector<16xf32> to vector<1x1x16xf32>
        tpu.vector_store %arg25[%swap3A_538, %swap3A_539, %swap3A_540], %swap3A_543 {strides = array<i32>} : memref<128x4x16xf32, #tpu.memory_space<vmem>>, vector<1x1x16xf32>,
        %get3A_544 = arith.constant 3 : i32
        %get3A_545 = arith.index_cast %add3A_481 : i32 to index
        %get3A_546 = arith.index_cast %get3A_544 : i32 to index
        %get3A_547 = arith.constant 0 : index
        %get3A_548 = tpu.vector_load %arg15[%get3A_545, %get3A_546, %get3A_547] {strides = array<i32>} : memref<128x4x16xf32, #tpu.memory_space<vmem>>, vector<1x1x16xf32>,
        %get3A_549 = vector.shape_cast %get3A_548 : vector<1x1x16xf32> to vector<16xf32>
        %mul3A_550 = arith.mulf %get3A_549, %gather3A_501 : vector<16xf32>
        %swap3A_551 = arith.constant 3 : i32
        %swap3A_552 = arith.index_cast %add3A_481 : i32 to index
        %swap3A_553 = arith.index_cast %swap3A_551 : i32 to index
        %swap3A_554 = arith.constant 0 : index
        %swap3A_555 = tpu.vector_load %arg25[%swap3A_552, %swap3A_553, %swap3A_554] {strides = array<i32>} : memref<128x4x16xf32, #tpu.memory_space<vmem>>, vector<1x1x16xf32>,
        %swap3A_556 = vector.shape_cast %swap3A_555 : vector<1x1x16xf32> to vector<16xf32>
        %swap3A_557 = vector.shape_cast %mul3A_550 : vector<16xf32> to vector<1x1x16xf32>
        tpu.vector_store %arg25[%swap3A_552, %swap3A_553, %swap3A_554], %swap3A_557 {strides = array<i32>} : memref<128x4x16xf32, #tpu.memory_space<vmem>>, vector<1x1x16xf32>,
        %mul3A_558 = arith.constant 4 : i32
        %mul3A_559 = arith.muli %scan3A_321, %mul3A_558 : i32
        %add3A_560 = arith.constant 3 : i32
        %add3A_561 = arith.addi %mul3A_559, %add3A_560 : i32
        %get3A_562 = arith.index_cast %add3A_561 : i32 to index
        %get3A_563 = arith.constant 0 : index
        %get3A_564 = tpu.vector_load %arg17[%get3A_562, %get3A_563] {strides = array<i32>} : memref<128x16xf32, #tpu.memory_space<vmem>>, vector<1x16xf32>,
        %get3A_565 = vector.shape_cast %get3A_564 : vector<1x16xf32> to vector<16xf32>
        %get3A_566 = arith.index_cast %add3A_561 : i32 to index
        %get3A_567 = arith.constant 0 : index
        %get3A_568 = tpu.vector_load %arg18[%get3A_566, %get3A_567] {strides = array<i32>} : memref<128x16xf32, #tpu.memory_space<vmem>>, vector<1x16xf32>,
        %get3A_569 = vector.shape_cast %get3A_568 : vector<1x16xf32> to vector<16xf32>
        %add3A_570 = arith.addf %get3A_565, %get3A_569 : vector<16xf32>
        %get3A_571 = arith.index_cast %add3A_561 : i32 to index
        %get3A_572 = arith.constant 0 : index
        %get3A_573 = tpu.vector_load %arg16[%get3A_571, %get3A_572] {strides = array<i32>} : memref<128x16xf32, #tpu.memory_space<vmem>>, vector<1x16xf32>,
        %get3A_574 = vector.shape_cast %get3A_573 : vector<1x16xf32> to vector<16xf32>
        %max3A_575 = arith.constant 9.99999996E-13 : f32
        %max3A_576 = vector.broadcast %max3A_575 : f32 to vector<16xf32>
        %max3A_577 = arith.maximumf %add3A_570, %max3A_576 : vector<16xf32>
        %div3A_578 = arith.divf %get3A_574, %max3A_577 : vector<16xf32>
        %reshape3A_579 = vector.shape_cast %shift_right_arithmetic3A_12 : vector<16xi32> to vector<16x1xi32>
        %gather3A_580 = vector.shape_cast %reshape3A_579 : vector<16x1xi32> to vector<16xi32>
        %gather3A_581 = tpu.dynamic_gather %div3A_578[%gather3A_580] in [0] : vector<16xf32>, vector<16xi32> -> vector<16xf32>
        %get3A_582 = arith.constant 0 : i32
        %get3A_583 = arith.index_cast %add3A_561 : i32 to index
        %get3A_584 = arith.index_cast %get3A_582 : i32 to index
        %get3A_585 = arith.constant 0 : index
        %get3A_586 = tpu.vector_load %arg15[%get3A_583, %get3A_584, %get3A_585] {strides = array<i32>} : memref<128x4x16xf32, #tpu.memory_space<vmem>>, vector<1x1x16xf32>,
        %get3A_587 = vector.shape_cast %get3A_586 : vector<1x1x16xf32> to vector<16xf32>
        %mul3A_588 = arith.mulf %get3A_587, %gather3A_581 : vector<16xf32>
        %swap3A_589 = arith.constant 0 : i32
        %swap3A_590 = arith.index_cast %add3A_561 : i32 to index
        %swap3A_591 = arith.index_cast %swap3A_589 : i32 to index
        %swap3A_592 = arith.constant 0 : index
        %swap3A_593 = tpu.vector_load %arg25[%swap3A_590, %swap3A_591, %swap3A_592] {strides = array<i32>} : memref<128x4x16xf32, #tpu.memory_space<vmem>>, vector<1x1x16xf32>,
        %swap3A_594 = vector.shape_cast %swap3A_593 : vector<1x1x16xf32> to vector<16xf32>
        %swap3A_595 = vector.shape_cast %mul3A_588 : vector<16xf32> to vector<1x1x16xf32>
        tpu.vector_store %arg25[%swap3A_590, %swap3A_591, %swap3A_592], %swap3A_595 {strides = array<i32>} : memref<128x4x16xf32, #tpu.memory_space<vmem>>, vector<1x1x16xf32>,
        %get3A_596 = arith.constant 1 : i32
        %get3A_597 = arith.index_cast %add3A_561 : i32 to index
        %get3A_598 = arith.index_cast %get3A_596 : i32 to index
        %get3A_599 = arith.constant 0 : index
        %get3A_600 = tpu.vector_load %arg15[%get3A_597, %get3A_598, %get3A_599] {strides = array<i32>} : memref<128x4x16xf32, #tpu.memory_space<vmem>>, vector<1x1x16xf32>,
        %get3A_601 = vector.shape_cast %get3A_600 : vector<1x1x16xf32> to vector<16xf32>
        %mul3A_602 = arith.mulf %get3A_601, %gather3A_581 : vector<16xf32>
        %swap3A_603 = arith.constant 1 : i32
        %swap3A_604 = arith.index_cast %add3A_561 : i32 to index
        %swap3A_605 = arith.index_cast %swap3A_603 : i32 to index
        %swap3A_606 = arith.constant 0 : index
        %swap3A_607 = tpu.vector_load %arg25[%swap3A_604, %swap3A_605, %swap3A_606] {strides = array<i32>} : memref<128x4x16xf32, #tpu.memory_space<vmem>>, vector<1x1x16xf32>,
        %swap3A_608 = vector.shape_cast %swap3A_607 : vector<1x1x16xf32> to vector<16xf32>
        %swap3A_609 = vector.shape_cast %mul3A_602 : vector<16xf32> to vector<1x1x16xf32>
        tpu.vector_store %arg25[%swap3A_604, %swap3A_605, %swap3A_606], %swap3A_609 {strides = array<i32>} : memref<128x4x16xf32, #tpu.memory_space<vmem>>, vector<1x1x16xf32>,
        %get3A_610 = arith.constant 2 : i32
        %get3A_611 = arith.index_cast %add3A_561 : i32 to index
        %get3A_612 = arith.index_cast %get3A_610 : i32 to index
        %get3A_613 = arith.constant 0 : index
        %get3A_614 = tpu.vector_load %arg15[%get3A_611, %get3A_612, %get3A_613] {strides = array<i32>} : memref<128x4x16xf32, #tpu.memory_space<vmem>>, vector<1x1x16xf32>,
        %get3A_615 = vector.shape_cast %get3A_614 : vector<1x1x16xf32> to vector<16xf32>
        %mul3A_616 = arith.mulf %get3A_615, %gather3A_581 : vector<16xf32>
        %swap3A_617 = arith.constant 2 : i32
        %swap3A_618 = arith.index_cast %add3A_561 : i32 to index
        %swap3A_619 = arith.index_cast %swap3A_617 : i32 to index
        %swap3A_620 = arith.constant 0 : index
        %swap3A_621 = tpu.vector_load %arg25[%swap3A_618, %swap3A_619, %swap3A_620] {strides = array<i32>} : memref<128x4x16xf32, #tpu.memory_space<vmem>>, vector<1x1x16xf32>,
        %swap3A_622 = vector.shape_cast %swap3A_621 : vector<1x1x16xf32> to vector<16xf32>
        %swap3A_623 = vector.shape_cast %mul3A_616 : vector<16xf32> to vector<1x1x16xf32>
        tpu.vector_store %arg25[%swap3A_618, %swap3A_619, %swap3A_620], %swap3A_623 {strides = array<i32>} : memref<128x4x16xf32, #tpu.memory_space<vmem>>, vector<1x1x16xf32>,
        %get3A_624 = arith.constant 3 : i32
        %get3A_625 = arith.index_cast %add3A_561 : i32 to index
        %get3A_626 = arith.index_cast %get3A_624 : i32 to index
        %get3A_627 = arith.constant 0 : index
        %get3A_628 = tpu.vector_load %arg15[%get3A_625, %get3A_626, %get3A_627] {strides = array<i32>} : memref<128x4x16xf32, #tpu.memory_space<vmem>>, vector<1x1x16xf32>,
        %get3A_629 = vector.shape_cast %get3A_628 : vector<1x1x16xf32> to vector<16xf32>
        %mul3A_630 = arith.mulf %get3A_629, %gather3A_581 : vector<16xf32>
        %swap3A_631 = arith.constant 3 : i32
        %swap3A_632 = arith.index_cast %add3A_561 : i32 to index
        %swap3A_633 = arith.index_cast %swap3A_631 : i32 to index
        %swap3A_634 = arith.constant 0 : index
        %swap3A_635 = tpu.vector_load %arg25[%swap3A_632, %swap3A_633, %swap3A_634] {strides = array<i32>} : memref<128x4x16xf32, #tpu.memory_space<vmem>>, vector<1x1x16xf32>,
        %swap3A_636 = vector.shape_cast %swap3A_635 : vector<1x1x16xf32> to vector<16xf32>
        %swap3A_637 = vector.shape_cast %mul3A_630 : vector<16xf32> to vector<1x1x16xf32>
        tpu.vector_store %arg25[%swap3A_632, %swap3A_633, %swap3A_634], %swap3A_637 {strides = array<i32>} : memref<128x4x16xf32, #tpu.memory_space<vmem>>, vector<1x1x16xf32>,
      }
      %scan3A_166 = arith.constant 32 : i32
      %get3A = arith.constant 0 : index
      %get3A_167 = tpu.vector_load %arg13[%get3A] {strides = array<i32>} : memref<128xi32, #tpu.memory_space<vmem>>, vector<16xi32>,
      %get3A_168 = vector.shape_cast %get3A_167 : vector<16xi32> to vector<16xi32>
      %swap3A = arith.constant 0 : index
      %swap3A_169 = tpu.vector_load %arg27[%swap3A] {strides = array<i32>} : memref<128xi32, #tpu.memory_space<vmem>>, vector<16xi32>,
      %swap3A_170 = vector.shape_cast %swap3A_169 : vector<16xi32> to vector<16xi32>
      %swap3A_171 = vector.shape_cast %get3A_168 : vector<16xi32> to vector<16xi32>
      tpu.vector_store %arg27[%swap3A], %swap3A_171 {strides = array<i32>} : memref<128xi32, #tpu.memory_space<vmem>>, vector<16xi32>,
      %get3A_172 = arith.constant 16 : index
      %get3A_173 = tpu.vector_load %arg13[%get3A_172] {strides = array<i32>} : memref<128xi32, #tpu.memory_space<vmem>>, vector<16xi32>,
      %get3A_174 = vector.shape_cast %get3A_173 : vector<16xi32> to vector<16xi32>
      %swap3A_175 = arith.constant 16 : index
      %swap3A_176 = tpu.vector_load %arg27[%swap3A_175] {strides = array<i32>} : memref<128xi32, #tpu.memory_space<vmem>>, vector<16xi32>,
      %swap3A_177 = vector.shape_cast %swap3A_176 : vector<16xi32> to vector<16xi32>
      %swap3A_178 = vector.shape_cast %get3A_174 : vector<16xi32> to vector<16xi32>
      tpu.vector_store %arg27[%swap3A_175], %swap3A_178 {strides = array<i32>} : memref<128xi32, #tpu.memory_space<vmem>>, vector<16xi32>,
      %get3A_179 = arith.constant 32 : index
      %get3A_180 = tpu.vector_load %arg13[%get3A_179] {strides = array<i32>} : memref<128xi32, #tpu.memory_space<vmem>>, vector<16xi32>,
      %get3A_181 = vector.shape_cast %get3A_180 : vector<16xi32> to vector<16xi32>
      %swap3A_182 = arith.constant 32 : index
      %swap3A_183 = tpu.vector_load %arg27[%swap3A_182] {strides = array<i32>} : memref<128xi32, #tpu.memory_space<vmem>>, vector<16xi32>,
      %swap3A_184 = vector.shape_cast %swap3A_183 : vector<16xi32> to vector<16xi32>
      %swap3A_185 = vector.shape_cast %get3A_181 : vector<16xi32> to vector<16xi32>
      tpu.vector_store %arg27[%swap3A_182], %swap3A_185 {strides = array<i32>} : memref<128xi32, #tpu.memory_space<vmem>>, vector<16xi32>,
      %get3A_186 = arith.constant 48 : index
      %get3A_187 = tpu.vector_load %arg13[%get3A_186] {strides = array<i32>} : memref<128xi32, #tpu.memory_space<vmem>>, vector<16xi32>,
      %get3A_188 = vector.shape_cast %get3A_187 : vector<16xi32> to vector<16xi32>
      %swap3A_189 = arith.constant 48 : index
      %swap3A_190 = tpu.vector_load %arg27[%swap3A_189] {strides = array<i32>} : memref<128xi32, #tpu.memory_space<vmem>>, vector<16xi32>,
      %swap3A_191 = vector.shape_cast %swap3A_190 : vector<16xi32> to vector<16xi32>
      %swap3A_192 = vector.shape_cast %get3A_188 : vector<16xi32> to vector<16xi32>
      tpu.vector_store %arg27[%swap3A_189], %swap3A_192 {strides = array<i32>} : memref<128xi32, #tpu.memory_space<vmem>>, vector<16xi32>,
      %get3A_193 = arith.constant 64 : index
      %get3A_194 = tpu.vector_load %arg13[%get3A_193] {strides = array<i32>} : memref<128xi32, #tpu.memory_space<vmem>>, vector<16xi32>,
      %get3A_195 = vector.shape_cast %get3A_194 : vector<16xi32> to vector<16xi32>
      %swap3A_196 = arith.constant 64 : index
      %swap3A_197 = tpu.vector_load %arg27[%swap3A_196] {strides = array<i32>} : memref<128xi32, #tpu.memory_space<vmem>>, vector<16xi32>,
      %swap3A_198 = vector.shape_cast %swap3A_197 : vector<16xi32> to vector<16xi32>
      %swap3A_199 = vector.shape_cast %get3A_195 : vector<16xi32> to vector<16xi32>
      tpu.vector_store %arg27[%swap3A_196], %swap3A_199 {strides = array<i32>} : memref<128xi32, #tpu.memory_space<vmem>>, vector<16xi32>,
      %get3A_200 = arith.constant 80 : index
      %get3A_201 = tpu.vector_load %arg13[%get3A_200] {strides = array<i32>} : memref<128xi32, #tpu.memory_space<vmem>>, vector<16xi32>,
      %get3A_202 = vector.shape_cast %get3A_201 : vector<16xi32> to vector<16xi32>
      %swap3A_203 = arith.constant 80 : index
      %swap3A_204 = tpu.vector_load %arg27[%swap3A_203] {strides = array<i32>} : memref<128xi32, #tpu.memory_space<vmem>>, vector<16xi32>,
      %swap3A_205 = vector.shape_cast %swap3A_204 : vector<16xi32> to vector<16xi32>
      %swap3A_206 = vector.shape_cast %get3A_202 : vector<16xi32> to vector<16xi32>
      tpu.vector_store %arg27[%swap3A_203], %swap3A_206 {strides = array<i32>} : memref<128xi32, #tpu.memory_space<vmem>>, vector<16xi32>,
      %get3A_207 = arith.constant 96 : index
      %get3A_208 = tpu.vector_load %arg13[%get3A_207] {strides = array<i32>} : memref<128xi32, #tpu.memory_space<vmem>>, vector<16xi32>,
      %get3A_209 = vector.shape_cast %get3A_208 : vector<16xi32> to vector<16xi32>
      %swap3A_210 = arith.constant 96 : index
      %swap3A_211 = tpu.vector_load %arg27[%swap3A_210] {strides = array<i32>} : memref<128xi32, #tpu.memory_space<vmem>>, vector<16xi32>,
      %swap3A_212 = vector.shape_cast %swap3A_211 : vector<16xi32> to vector<16xi32>
      %swap3A_213 = vector.shape_cast %get3A_209 : vector<16xi32> to vector<16xi32>
      tpu.vector_store %arg27[%swap3A_210], %swap3A_213 {strides = array<i32>} : memref<128xi32, #tpu.memory_space<vmem>>, vector<16xi32>,
      %get3A_214 = arith.constant 112 : index
      %get3A_215 = tpu.vector_load %arg13[%get3A_214] {strides = array<i32>} : memref<128xi32, #tpu.memory_space<vmem>>, vector<16xi32>,
      %get3A_216 = vector.shape_cast %get3A_215 : vector<16xi32> to vector<16xi32>
      %swap3A_217 = arith.constant 112 : index
      %swap3A_218 = tpu.vector_load %arg27[%swap3A_217] {strides = array<i32>} : memref<128xi32, #tpu.memory_space<vmem>>, vector<16xi32>,
      %swap3A_219 = vector.shape_cast %swap3A_218 : vector<16xi32> to vector<16xi32>
      %swap3A_220 = vector.shape_cast %get3A_216 : vector<16xi32> to vector<16xi32>
      tpu.vector_store %arg27[%swap3A_217], %swap3A_220 {strides = array<i32>} : memref<128xi32, #tpu.memory_space<vmem>>, vector<16xi32>,
      %dma_start3A_221 = arith.constant 0 : i32
      %dma_start3A_222 = arith.constant 0 : i32
      %dma_start3A_223 = arith.constant 0 : i32
      %dma_start3A_224 = tpu.memref_slice %arg30[%dma_start3A_221, %dma_start3A_222, %dma_start3A_223] : memref<10240x4x16xf32, #tpu.memory_space<vmem_shared>> -> memref<10240x4x16xf32, #tpu.memory_space<vmem_shared>>
      tpu.enqueue_indirect_dma source(%arg25 : memref<128x4x16xf32, #tpu.memory_space<vmem>>) target(%dma_start3A_224 : memref<10240x4x16xf32, #tpu.memory_space<vmem_shared>>) offsets(%arg27 : memref<128xi32, #tpu.memory_space<vmem>>) semaphore(%arg33 : memref<!tpu.dma_semaphore, #tpu.memory_space<semaphore_mem>>) {add = true}
      %lt3A = arith.constant 39 : i32
      %lt3A_225 = arith.cmpi slt, %scan3A_114, %lt3A : i32
      %convert_element_type3A_226 = arith.extui %lt3A_225 : i1 to i32
      %cond3A_227 = arith.constant 0 : i32
      %cond3A_228 = arith.cmpi ne, %convert_element_type3A_226, %cond3A_227 : i32
      scf.if %cond3A_228 {
        %add3A_321 = arith.constant 2 : i32
        %add3A_322 = arith.addi %mul3A_116, %add3A_321 : i32
        %mul3A_323 = arith.constant 10240 : i32
        %mul3A_324 = arith.muli %add3A, %mul3A_323 : i32
        %mul3A_325 = arith.constant 128 : i32
        %mul3A_326 = arith.muli %add3A_322, %mul3A_325 : i32
        %add3A_327 = arith.addi %mul3A_324, %mul3A_326 : i32
        "tpu.region"() ({
          %run_scoped3A = tpu.sem_alloc : memref<!tpu.dma_semaphore, #tpu.memory_space<semaphore_mem>>
          %dma_start3A_342 = tpu.memref_slice %arg2[%add3A_327] : memref<327680xi32, #tpu.memory_space<hbm>> -> memref<128xi32, #tpu.memory_space<hbm>>
          %dma_start3A_343 = tpu.memref_slice %arg2[%add3A_327] : memref<327680xi32, #tpu.memory_space<hbm>> -> memref<128xi32, #tpu.memory_space<hbm>>
          tpu.enqueue_dma source(%dma_start3A_343 : memref<128xi32, #tpu.memory_space<hbm>>) target(%arg13 : memref<128xi32, #tpu.memory_space<vmem>>) target_semaphore(%run_scoped3A : memref<!tpu.dma_semaphore, #tpu.memory_space<semaphore_mem>>)
          %dma_wait3A_344 = tpu.memref_slice %arg2[%add3A_327] : memref<327680xi32, #tpu.memory_space<hbm>> -> memref<128xi32, #tpu.memory_space<hbm>>
          %dma_wait3A_345 = tpu.memref_slice %arg2[%add3A_327] : memref<327680xi32, #tpu.memory_space<hbm>> -> memref<128xi32, #tpu.memory_space<hbm>>
          tpu.wait_dma2 semaphore(%run_scoped3A : memref<!tpu.dma_semaphore, #tpu.memory_space<semaphore_mem>>) src(%dma_wait3A_345 : memref<128xi32, #tpu.memory_space<hbm>>) dst(%arg13 : memref<128xi32, #tpu.memory_space<vmem>>)
          tpu.yield
        }) : () -> ()
        "tpu.region"() ({
          %run_scoped3A = tpu.sem_alloc : memref<!tpu.dma_semaphore, #tpu.memory_space<semaphore_mem>>
          %dma_start3A_342 = tpu.memref_slice %arg3[%add3A_327] : memref<327680xi32, #tpu.memory_space<hbm>> -> memref<128xi32, #tpu.memory_space<hbm>>
          %dma_start3A_343 = tpu.memref_slice %arg3[%add3A_327] : memref<327680xi32, #tpu.memory_space<hbm>> -> memref<128xi32, #tpu.memory_space<hbm>>
          tpu.enqueue_dma source(%dma_start3A_343 : memref<128xi32, #tpu.memory_space<hbm>>) target(%arg14 : memref<128xi32, #tpu.memory_space<vmem>>) target_semaphore(%run_scoped3A : memref<!tpu.dma_semaphore, #tpu.memory_space<semaphore_mem>>)
          %dma_wait3A_344 = tpu.memref_slice %arg3[%add3A_327] : memref<327680xi32, #tpu.memory_space<hbm>> -> memref<128xi32, #tpu.memory_space<hbm>>
          %dma_wait3A_345 = tpu.memref_slice %arg3[%add3A_327] : memref<327680xi32, #tpu.memory_space<hbm>> -> memref<128xi32, #tpu.memory_space<hbm>>
          tpu.wait_dma2 semaphore(%run_scoped3A : memref<!tpu.dma_semaphore, #tpu.memory_space<semaphore_mem>>) src(%dma_wait3A_345 : memref<128xi32, #tpu.memory_space<hbm>>) dst(%arg14 : memref<128xi32, #tpu.memory_space<vmem>>)
          tpu.yield
        }) : () -> ()
        %dma_start3A_328 = arith.constant 0 : i32
        %dma_start3A_329 = arith.constant 0 : i32
        %dma_start3A_330 = arith.constant 0 : i32
        %dma_start3A_331 = tpu.memref_slice %arg4[%dma_start3A_328, %dma_start3A_329, %dma_start3A_330] : memref<10240x4x16xf32, #tpu.memory_space<hbm>> -> memref<10240x4x16xf32, #tpu.memory_space<hbm>>
        tpu.enqueue_indirect_dma source(%dma_start3A_331 : memref<10240x4x16xf32, #tpu.memory_space<hbm>>) target(%arg15 : memref<128x4x16xf32, #tpu.memory_space<vmem>>) offsets(%arg14 : memref<128xi32, #tpu.memory_space<vmem>>) semaphore(%arg31 : memref<!tpu.dma_semaphore, #tpu.memory_space<semaphore_mem>>)
        %dma_start3A_332 = arith.constant 0 : i32
        %dma_start3A_333 = tpu.memref_slice %arg6[%add3A_327, %dma_start3A_332] : memref<327680x16xf32, #tpu.memory_space<hbm>> -> memref<128x16xf32, #tpu.memory_space<hbm>>
        %dma_start3A_334 = arith.constant 0 : i32
        %dma_start3A_335 = tpu.memref_slice %arg6[%add3A_327, %dma_start3A_334] : memref<327680x16xf32, #tpu.memory_space<hbm>> -> memref<128x16xf32, #tpu.memory_space<hbm>>
        tpu.enqueue_dma source(%dma_start3A_335 : memref<128x16xf32, #tpu.memory_space<hbm>>) target(%arg16 : memref<128x16xf32, #tpu.memory_space<vmem>>) target_semaphore(%arg31 : memref<!tpu.dma_semaphore, #tpu.memory_space<semaphore_mem>>)
        %dma_start3A_336 = arith.constant 0 : i32
        %dma_start3A_337 = arith.constant 0 : i32
        %dma_start3A_338 = tpu.memref_slice %arg7[%dma_start3A_336, %dma_start3A_337] : memref<10240x16xf32, #tpu.memory_space<hbm>> -> memref<10240x16xf32, #tpu.memory_space<hbm>>
        tpu.enqueue_indirect_dma source(%dma_start3A_338 : memref<10240x16xf32, #tpu.memory_space<hbm>>) target(%arg17 : memref<128x16xf32, #tpu.memory_space<vmem>>) offsets(%arg13 : memref<128xi32, #tpu.memory_space<vmem>>) semaphore(%arg31 : memref<!tpu.dma_semaphore, #tpu.memory_space<semaphore_mem>>)
        %dma_start3A_339 = arith.constant 0 : i32
        %dma_start3A_340 = arith.constant 0 : i32
        %dma_start3A_341 = tpu.memref_slice %arg8[%dma_start3A_339, %dma_start3A_340] : memref<10240x16xf32, #tpu.memory_space<hbm>> -> memref<10240x16xf32, #tpu.memory_space<hbm>>
        tpu.enqueue_indirect_dma source(%dma_start3A_341 : memref<10240x16xf32, #tpu.memory_space<hbm>>) target(%arg18 : memref<128x16xf32, #tpu.memory_space<vmem>>) offsets(%arg13 : memref<128xi32, #tpu.memory_space<vmem>>) semaphore(%arg31 : memref<!tpu.dma_semaphore, #tpu.memory_space<semaphore_mem>>)
      } else {
      }
      %add3A_229 = arith.constant 1 : i32
      %add3A_230 = arith.addi %mul3A_116, %add3A_229 : i32
      %mul3A_231 = arith.constant 10240 : i32
      %mul3A_232 = arith.muli %add3A, %mul3A_231 : i32
      %mul3A_233 = arith.constant 128 : i32
      %mul3A_234 = arith.muli %add3A_230, %mul3A_233 : i32
      %add3A_235 = arith.addi %mul3A_232, %mul3A_234 : i32
      %dma_wait3A_236 = arith.constant 0 : i32
      %dma_wait3A_237 = arith.constant 0 : i32
      %dma_wait3A_238 = arith.constant 0 : i32
      %dma_wait3A_239 = tpu.memref_slice %arg4[%dma_wait3A_236, %dma_wait3A_237, %dma_wait3A_238] : memref<10240x4x16xf32, #tpu.memory_space<hbm>> -> memref<10240x4x16xf32, #tpu.memory_space<hbm>>
      tpu.wait_indirect_dma semaphore(%arg32 : memref<!tpu.dma_semaphore, #tpu.memory_space<semaphore_mem>>) src(%dma_wait3A_239 : memref<10240x4x16xf32, #tpu.memory_space<hbm>>) dst(%arg21 : memref<128x4x16xf32, #tpu.memory_space<vmem>>)
      %dma_wait3A_240 = arith.constant 0 : i32
      %dma_wait3A_241 = tpu.memref_slice %arg6[%add3A_235, %dma_wait3A_240] : memref<327680x16xf32, #tpu.memory_space<hbm>> -> memref<128x16xf32, #tpu.memory_space<hbm>>
      %dma_wait3A_242 = arith.constant 0 : i32
      %dma_wait3A_243 = tpu.memref_slice %arg6[%add3A_235, %dma_wait3A_242] : memref<327680x16xf32, #tpu.memory_space<hbm>> -> memref<128x16xf32, #tpu.memory_space<hbm>>
      tpu.wait_dma2 semaphore(%arg32 : memref<!tpu.dma_semaphore, #tpu.memory_space<semaphore_mem>>) src(%dma_wait3A_243 : memref<128x16xf32, #tpu.memory_space<hbm>>) dst(%arg22 : memref<128x16xf32, #tpu.memory_space<vmem>>)
      %dma_wait3A_244 = arith.constant 0 : i32
      %dma_wait3A_245 = arith.constant 0 : i32
      %dma_wait3A_246 = tpu.memref_slice %arg7[%dma_wait3A_244, %dma_wait3A_245] : memref<10240x16xf32, #tpu.memory_space<hbm>> -> memref<10240x16xf32, #tpu.memory_space<hbm>>
      tpu.wait_indirect_dma semaphore(%arg32 : memref<!tpu.dma_semaphore, #tpu.memory_space<semaphore_mem>>) src(%dma_wait3A_246 : memref<10240x16xf32, #tpu.memory_space<hbm>>) dst(%arg23 : memref<128x16xf32, #tpu.memory_space<vmem>>)
      %dma_wait3A_247 = arith.constant 0 : i32
      %dma_wait3A_248 = arith.constant 0 : i32
      %dma_wait3A_249 = tpu.memref_slice %arg8[%dma_wait3A_247, %dma_wait3A_248] : memref<10240x16xf32, #tpu.memory_space<hbm>> -> memref<10240x16xf32, #tpu.memory_space<hbm>>
      tpu.wait_indirect_dma semaphore(%arg32 : memref<!tpu.dma_semaphore, #tpu.memory_space<semaphore_mem>>) src(%dma_wait3A_249 : memref<10240x16xf32, #tpu.memory_space<hbm>>) dst(%arg24 : memref<128x16xf32, #tpu.memory_space<vmem>>)
      %gt3A_250 = arith.constant 0 : i32
      %gt3A_251 = arith.cmpi sgt, %scan3A_114, %gt3A_250 : i32
      %convert_element_type3A_252 = arith.extui %gt3A_251 : i1 to i32
      %cond3A_253 = arith.constant 0 : i32
      %cond3A_254 = arith.cmpi ne, %convert_element_type3A_252, %cond3A_253 : i32
      scf.if %cond3A_254 {
        %dma_wait3A_321 = arith.constant 0 : i32
        %dma_wait3A_322 = arith.constant 0 : i32
        %dma_wait3A_323 = arith.constant 0 : i32
        %dma_wait3A_324 = tpu.memref_slice %arg30[%dma_wait3A_321, %dma_wait3A_322, %dma_wait3A_323] : memref<10240x4x16xf32, #tpu.memory_space<vmem_shared>> -> memref<10240x4x16xf32, #tpu.memory_space<vmem_shared>>
        tpu.wait_indirect_dma semaphore(%arg34 : memref<!tpu.dma_semaphore, #tpu.memory_space<semaphore_mem>>) src(%arg26 : memref<128x4x16xf32, #tpu.memory_space<vmem>>) dst(%dma_wait3A_324 : memref<10240x4x16xf32, #tpu.memory_space<vmem_shared>>)
      } else {
      }
      %scan3A_255 = arith.constant 0 : i32
      %scan3A_256 = arith.constant 0 : i32
      %scan3A_257 = arith.constant 32 : i32
      %scan3A_258 = arith.addi %scan3A_256, %scan3A_257 : i32
      %scan3A_259 = arith.constant 1 : i32
      scf.for %scan3A_321 = %scan3A_256 to %scan3A_258 step %scan3A_259  : i32 {
        %mul3A_322 = arith.constant 4 : i32
        %mul3A_323 = arith.muli %scan3A_321, %mul3A_322 : i32
        %add3A_324 = arith.constant 0 : i32
        %add3A_325 = arith.addi %mul3A_323, %add3A_324 : i32
        %get3A_326 = arith.index_cast %add3A_325 : i32 to index
        %get3A_327 = arith.constant 0 : index
        %get3A_328 = tpu.vector_load %arg23[%get3A_326, %get3A_327] {strides = array<i32>} : memref<128x16xf32, #tpu.memory_space<vmem>>, vector<1x16xf32>,
        %get3A_329 = vector.shape_cast %get3A_328 : vector<1x16xf32> to vector<16xf32>
        %get3A_330 = arith.index_cast %add3A_325 : i32 to index
        %get3A_331 = arith.constant 0 : index
        %get3A_332 = tpu.vector_load %arg24[%get3A_330, %get3A_331] {strides = array<i32>} : memref<128x16xf32, #tpu.memory_space<vmem>>, vector<1x16xf32>,
        %get3A_333 = vector.shape_cast %get3A_332 : vector<1x16xf32> to vector<16xf32>
        %add3A_334 = arith.addf %get3A_329, %get3A_333 : vector<16xf32>
        %get3A_335 = arith.index_cast %add3A_325 : i32 to index
        %get3A_336 = arith.constant 0 : index
        %get3A_337 = tpu.vector_load %arg22[%get3A_335, %get3A_336] {strides = array<i32>} : memref<128x16xf32, #tpu.memory_space<vmem>>, vector<1x16xf32>,
        %get3A_338 = vector.shape_cast %get3A_337 : vector<1x16xf32> to vector<16xf32>
        %max3A = arith.constant 9.99999996E-13 : f32
        %max3A_339 = vector.broadcast %max3A : f32 to vector<16xf32>
        %max3A_340 = arith.maximumf %add3A_334, %max3A_339 : vector<16xf32>
        %div3A = arith.divf %get3A_338, %max3A_340 : vector<16xf32>
        %reshape3A = vector.shape_cast %shift_right_arithmetic3A_12 : vector<16xi32> to vector<16x1xi32>
        %gather3A = vector.shape_cast %reshape3A : vector<16x1xi32> to vector<16xi32>
        %gather3A_341 = tpu.dynamic_gather %div3A[%gather3A] in [0] : vector<16xf32>, vector<16xi32> -> vector<16xf32>
        %get3A_342 = arith.constant 0 : i32
        %get3A_343 = arith.index_cast %add3A_325 : i32 to index
        %get3A_344 = arith.index_cast %get3A_342 : i32 to index
        %get3A_345 = arith.constant 0 : index
        %get3A_346 = tpu.vector_load %arg21[%get3A_343, %get3A_344, %get3A_345] {strides = array<i32>} : memref<128x4x16xf32, #tpu.memory_space<vmem>>, vector<1x1x16xf32>,
        %get3A_347 = vector.shape_cast %get3A_346 : vector<1x1x16xf32> to vector<16xf32>
        %mul3A_348 = arith.mulf %get3A_347, %gather3A_341 : vector<16xf32>
        %swap3A_349 = arith.constant 0 : i32
        %swap3A_350 = arith.index_cast %add3A_325 : i32 to index
        %swap3A_351 = arith.index_cast %swap3A_349 : i32 to index
        %swap3A_352 = arith.constant 0 : index
        %swap3A_353 = tpu.vector_load %arg26[%swap3A_350, %swap3A_351, %swap3A_352] {strides = array<i32>} : memref<128x4x16xf32, #tpu.memory_space<vmem>>, vector<1x1x16xf32>,
        %swap3A_354 = vector.shape_cast %swap3A_353 : vector<1x1x16xf32> to vector<16xf32>
        %swap3A_355 = vector.shape_cast %mul3A_348 : vector<16xf32> to vector<1x1x16xf32>
        tpu.vector_store %arg26[%swap3A_350, %swap3A_351, %swap3A_352], %swap3A_355 {strides = array<i32>} : memref<128x4x16xf32, #tpu.memory_space<vmem>>, vector<1x1x16xf32>,
        %get3A_356 = arith.constant 1 : i32
        %get3A_357 = arith.index_cast %add3A_325 : i32 to index
        %get3A_358 = arith.index_cast %get3A_356 : i32 to index
        %get3A_359 = arith.constant 0 : index
        %get3A_360 = tpu.vector_load %arg21[%get3A_357, %get3A_358, %get3A_359] {strides = array<i32>} : memref<128x4x16xf32, #tpu.memory_space<vmem>>, vector<1x1x16xf32>,
        %get3A_361 = vector.shape_cast %get3A_360 : vector<1x1x16xf32> to vector<16xf32>
        %mul3A_362 = arith.mulf %get3A_361, %gather3A_341 : vector<16xf32>
        %swap3A_363 = arith.constant 1 : i32
        %swap3A_364 = arith.index_cast %add3A_325 : i32 to index
        %swap3A_365 = arith.index_cast %swap3A_363 : i32 to index
        %swap3A_366 = arith.constant 0 : index
        %swap3A_367 = tpu.vector_load %arg26[%swap3A_364, %swap3A_365, %swap3A_366] {strides = array<i32>} : memref<128x4x16xf32, #tpu.memory_space<vmem>>, vector<1x1x16xf32>,
        %swap3A_368 = vector.shape_cast %swap3A_367 : vector<1x1x16xf32> to vector<16xf32>
        %swap3A_369 = vector.shape_cast %mul3A_362 : vector<16xf32> to vector<1x1x16xf32>
        tpu.vector_store %arg26[%swap3A_364, %swap3A_365, %swap3A_366], %swap3A_369 {strides = array<i32>} : memref<128x4x16xf32, #tpu.memory_space<vmem>>, vector<1x1x16xf32>,
        %get3A_370 = arith.constant 2 : i32
        %get3A_371 = arith.index_cast %add3A_325 : i32 to index
        %get3A_372 = arith.index_cast %get3A_370 : i32 to index
        %get3A_373 = arith.constant 0 : index
        %get3A_374 = tpu.vector_load %arg21[%get3A_371, %get3A_372, %get3A_373] {strides = array<i32>} : memref<128x4x16xf32, #tpu.memory_space<vmem>>, vector<1x1x16xf32>,
        %get3A_375 = vector.shape_cast %get3A_374 : vector<1x1x16xf32> to vector<16xf32>
        %mul3A_376 = arith.mulf %get3A_375, %gather3A_341 : vector<16xf32>
        %swap3A_377 = arith.constant 2 : i32
        %swap3A_378 = arith.index_cast %add3A_325 : i32 to index
        %swap3A_379 = arith.index_cast %swap3A_377 : i32 to index
        %swap3A_380 = arith.constant 0 : index
        %swap3A_381 = tpu.vector_load %arg26[%swap3A_378, %swap3A_379, %swap3A_380] {strides = array<i32>} : memref<128x4x16xf32, #tpu.memory_space<vmem>>, vector<1x1x16xf32>,
        %swap3A_382 = vector.shape_cast %swap3A_381 : vector<1x1x16xf32> to vector<16xf32>
        %swap3A_383 = vector.shape_cast %mul3A_376 : vector<16xf32> to vector<1x1x16xf32>
        tpu.vector_store %arg26[%swap3A_378, %swap3A_379, %swap3A_380], %swap3A_383 {strides = array<i32>} : memref<128x4x16xf32, #tpu.memory_space<vmem>>, vector<1x1x16xf32>,
        %get3A_384 = arith.constant 3 : i32
        %get3A_385 = arith.index_cast %add3A_325 : i32 to index
        %get3A_386 = arith.index_cast %get3A_384 : i32 to index
        %get3A_387 = arith.constant 0 : index
        %get3A_388 = tpu.vector_load %arg21[%get3A_385, %get3A_386, %get3A_387] {strides = array<i32>} : memref<128x4x16xf32, #tpu.memory_space<vmem>>, vector<1x1x16xf32>,
        %get3A_389 = vector.shape_cast %get3A_388 : vector<1x1x16xf32> to vector<16xf32>
        %mul3A_390 = arith.mulf %get3A_389, %gather3A_341 : vector<16xf32>
        %swap3A_391 = arith.constant 3 : i32
        %swap3A_392 = arith.index_cast %add3A_325 : i32 to index
        %swap3A_393 = arith.index_cast %swap3A_391 : i32 to index
        %swap3A_394 = arith.constant 0 : index
        %swap3A_395 = tpu.vector_load %arg26[%swap3A_392, %swap3A_393, %swap3A_394] {strides = array<i32>} : memref<128x4x16xf32, #tpu.memory_space<vmem>>, vector<1x1x16xf32>,
        %swap3A_396 = vector.shape_cast %swap3A_395 : vector<1x1x16xf32> to vector<16xf32>
        %swap3A_397 = vector.shape_cast %mul3A_390 : vector<16xf32> to vector<1x1x16xf32>
        tpu.vector_store %arg26[%swap3A_392, %swap3A_393, %swap3A_394], %swap3A_397 {strides = array<i32>} : memref<128x4x16xf32, #tpu.memory_space<vmem>>, vector<1x1x16xf32>,
        %mul3A_398 = arith.constant 4 : i32
        %mul3A_399 = arith.muli %scan3A_321, %mul3A_398 : i32
        %add3A_400 = arith.constant 1 : i32
        %add3A_401 = arith.addi %mul3A_399, %add3A_400 : i32
        %get3A_402 = arith.index_cast %add3A_401 : i32 to index
        %get3A_403 = arith.constant 0 : index
        %get3A_404 = tpu.vector_load %arg23[%get3A_402, %get3A_403] {strides = array<i32>} : memref<128x16xf32, #tpu.memory_space<vmem>>, vector<1x16xf32>,
        %get3A_405 = vector.shape_cast %get3A_404 : vector<1x16xf32> to vector<16xf32>
        %get3A_406 = arith.index_cast %add3A_401 : i32 to index
        %get3A_407 = arith.constant 0 : index
        %get3A_408 = tpu.vector_load %arg24[%get3A_406, %get3A_407] {strides = array<i32>} : memref<128x16xf32, #tpu.memory_space<vmem>>, vector<1x16xf32>,
        %get3A_409 = vector.shape_cast %get3A_408 : vector<1x16xf32> to vector<16xf32>
        %add3A_410 = arith.addf %get3A_405, %get3A_409 : vector<16xf32>
        %get3A_411 = arith.index_cast %add3A_401 : i32 to index
        %get3A_412 = arith.constant 0 : index
        %get3A_413 = tpu.vector_load %arg22[%get3A_411, %get3A_412] {strides = array<i32>} : memref<128x16xf32, #tpu.memory_space<vmem>>, vector<1x16xf32>,
        %get3A_414 = vector.shape_cast %get3A_413 : vector<1x16xf32> to vector<16xf32>
        %max3A_415 = arith.constant 9.99999996E-13 : f32
        %max3A_416 = vector.broadcast %max3A_415 : f32 to vector<16xf32>
        %max3A_417 = arith.maximumf %add3A_410, %max3A_416 : vector<16xf32>
        %div3A_418 = arith.divf %get3A_414, %max3A_417 : vector<16xf32>
        %reshape3A_419 = vector.shape_cast %shift_right_arithmetic3A_12 : vector<16xi32> to vector<16x1xi32>
        %gather3A_420 = vector.shape_cast %reshape3A_419 : vector<16x1xi32> to vector<16xi32>
        %gather3A_421 = tpu.dynamic_gather %div3A_418[%gather3A_420] in [0] : vector<16xf32>, vector<16xi32> -> vector<16xf32>
        %get3A_422 = arith.constant 0 : i32
        %get3A_423 = arith.index_cast %add3A_401 : i32 to index
        %get3A_424 = arith.index_cast %get3A_422 : i32 to index
        %get3A_425 = arith.constant 0 : index
        %get3A_426 = tpu.vector_load %arg21[%get3A_423, %get3A_424, %get3A_425] {strides = array<i32>} : memref<128x4x16xf32, #tpu.memory_space<vmem>>, vector<1x1x16xf32>,
        %get3A_427 = vector.shape_cast %get3A_426 : vector<1x1x16xf32> to vector<16xf32>
        %mul3A_428 = arith.mulf %get3A_427, %gather3A_421 : vector<16xf32>
        %swap3A_429 = arith.constant 0 : i32
        %swap3A_430 = arith.index_cast %add3A_401 : i32 to index
        %swap3A_431 = arith.index_cast %swap3A_429 : i32 to index
        %swap3A_432 = arith.constant 0 : index
        %swap3A_433 = tpu.vector_load %arg26[%swap3A_430, %swap3A_431, %swap3A_432] {strides = array<i32>} : memref<128x4x16xf32, #tpu.memory_space<vmem>>, vector<1x1x16xf32>,
        %swap3A_434 = vector.shape_cast %swap3A_433 : vector<1x1x16xf32> to vector<16xf32>
        %swap3A_435 = vector.shape_cast %mul3A_428 : vector<16xf32> to vector<1x1x16xf32>
        tpu.vector_store %arg26[%swap3A_430, %swap3A_431, %swap3A_432], %swap3A_435 {strides = array<i32>} : memref<128x4x16xf32, #tpu.memory_space<vmem>>, vector<1x1x16xf32>,
        %get3A_436 = arith.constant 1 : i32
        %get3A_437 = arith.index_cast %add3A_401 : i32 to index
        %get3A_438 = arith.index_cast %get3A_436 : i32 to index
        %get3A_439 = arith.constant 0 : index
        %get3A_440 = tpu.vector_load %arg21[%get3A_437, %get3A_438, %get3A_439] {strides = array<i32>} : memref<128x4x16xf32, #tpu.memory_space<vmem>>, vector<1x1x16xf32>,
        %get3A_441 = vector.shape_cast %get3A_440 : vector<1x1x16xf32> to vector<16xf32>
        %mul3A_442 = arith.mulf %get3A_441, %gather3A_421 : vector<16xf32>
        %swap3A_443 = arith.constant 1 : i32
        %swap3A_444 = arith.index_cast %add3A_401 : i32 to index
        %swap3A_445 = arith.index_cast %swap3A_443 : i32 to index
        %swap3A_446 = arith.constant 0 : index
        %swap3A_447 = tpu.vector_load %arg26[%swap3A_444, %swap3A_445, %swap3A_446] {strides = array<i32>} : memref<128x4x16xf32, #tpu.memory_space<vmem>>, vector<1x1x16xf32>,
        %swap3A_448 = vector.shape_cast %swap3A_447 : vector<1x1x16xf32> to vector<16xf32>
        %swap3A_449 = vector.shape_cast %mul3A_442 : vector<16xf32> to vector<1x1x16xf32>
        tpu.vector_store %arg26[%swap3A_444, %swap3A_445, %swap3A_446], %swap3A_449 {strides = array<i32>} : memref<128x4x16xf32, #tpu.memory_space<vmem>>, vector<1x1x16xf32>,
        %get3A_450 = arith.constant 2 : i32
        %get3A_451 = arith.index_cast %add3A_401 : i32 to index
        %get3A_452 = arith.index_cast %get3A_450 : i32 to index
        %get3A_453 = arith.constant 0 : index
        %get3A_454 = tpu.vector_load %arg21[%get3A_451, %get3A_452, %get3A_453] {strides = array<i32>} : memref<128x4x16xf32, #tpu.memory_space<vmem>>, vector<1x1x16xf32>,
        %get3A_455 = vector.shape_cast %get3A_454 : vector<1x1x16xf32> to vector<16xf32>
        %mul3A_456 = arith.mulf %get3A_455, %gather3A_421 : vector<16xf32>
        %swap3A_457 = arith.constant 2 : i32
        %swap3A_458 = arith.index_cast %add3A_401 : i32 to index
        %swap3A_459 = arith.index_cast %swap3A_457 : i32 to index
        %swap3A_460 = arith.constant 0 : index
        %swap3A_461 = tpu.vector_load %arg26[%swap3A_458, %swap3A_459, %swap3A_460] {strides = array<i32>} : memref<128x4x16xf32, #tpu.memory_space<vmem>>, vector<1x1x16xf32>,
        %swap3A_462 = vector.shape_cast %swap3A_461 : vector<1x1x16xf32> to vector<16xf32>
        %swap3A_463 = vector.shape_cast %mul3A_456 : vector<16xf32> to vector<1x1x16xf32>
        tpu.vector_store %arg26[%swap3A_458, %swap3A_459, %swap3A_460], %swap3A_463 {strides = array<i32>} : memref<128x4x16xf32, #tpu.memory_space<vmem>>, vector<1x1x16xf32>,
        %get3A_464 = arith.constant 3 : i32
        %get3A_465 = arith.index_cast %add3A_401 : i32 to index
        %get3A_466 = arith.index_cast %get3A_464 : i32 to index
        %get3A_467 = arith.constant 0 : index
        %get3A_468 = tpu.vector_load %arg21[%get3A_465, %get3A_466, %get3A_467] {strides = array<i32>} : memref<128x4x16xf32, #tpu.memory_space<vmem>>, vector<1x1x16xf32>,
        %get3A_469 = vector.shape_cast %get3A_468 : vector<1x1x16xf32> to vector<16xf32>
        %mul3A_470 = arith.mulf %get3A_469, %gather3A_421 : vector<16xf32>
        %swap3A_471 = arith.constant 3 : i32
        %swap3A_472 = arith.index_cast %add3A_401 : i32 to index
        %swap3A_473 = arith.index_cast %swap3A_471 : i32 to index
        %swap3A_474 = arith.constant 0 : index
        %swap3A_475 = tpu.vector_load %arg26[%swap3A_472, %swap3A_473, %swap3A_474] {strides = array<i32>} : memref<128x4x16xf32, #tpu.memory_space<vmem>>, vector<1x1x16xf32>,
        %swap3A_476 = vector.shape_cast %swap3A_475 : vector<1x1x16xf32> to vector<16xf32>
        %swap3A_477 = vector.shape_cast %mul3A_470 : vector<16xf32> to vector<1x1x16xf32>
        tpu.vector_store %arg26[%swap3A_472, %swap3A_473, %swap3A_474], %swap3A_477 {strides = array<i32>} : memref<128x4x16xf32, #tpu.memory_space<vmem>>, vector<1x1x16xf32>,
        %mul3A_478 = arith.constant 4 : i32
        %mul3A_479 = arith.muli %scan3A_321, %mul3A_478 : i32
        %add3A_480 = arith.constant 2 : i32
        %add3A_481 = arith.addi %mul3A_479, %add3A_480 : i32
        %get3A_482 = arith.index_cast %add3A_481 : i32 to index
        %get3A_483 = arith.constant 0 : index
        %get3A_484 = tpu.vector_load %arg23[%get3A_482, %get3A_483] {strides = array<i32>} : memref<128x16xf32, #tpu.memory_space<vmem>>, vector<1x16xf32>,
        %get3A_485 = vector.shape_cast %get3A_484 : vector<1x16xf32> to vector<16xf32>
        %get3A_486 = arith.index_cast %add3A_481 : i32 to index
        %get3A_487 = arith.constant 0 : index
        %get3A_488 = tpu.vector_load %arg24[%get3A_486, %get3A_487] {strides = array<i32>} : memref<128x16xf32, #tpu.memory_space<vmem>>, vector<1x16xf32>,
        %get3A_489 = vector.shape_cast %get3A_488 : vector<1x16xf32> to vector<16xf32>
        %add3A_490 = arith.addf %get3A_485, %get3A_489 : vector<16xf32>
        %get3A_491 = arith.index_cast %add3A_481 : i32 to index
        %get3A_492 = arith.constant 0 : index
        %get3A_493 = tpu.vector_load %arg22[%get3A_491, %get3A_492] {strides = array<i32>} : memref<128x16xf32, #tpu.memory_space<vmem>>, vector<1x16xf32>,
        %get3A_494 = vector.shape_cast %get3A_493 : vector<1x16xf32> to vector<16xf32>
        %max3A_495 = arith.constant 9.99999996E-13 : f32
        %max3A_496 = vector.broadcast %max3A_495 : f32 to vector<16xf32>
        %max3A_497 = arith.maximumf %add3A_490, %max3A_496 : vector<16xf32>
        %div3A_498 = arith.divf %get3A_494, %max3A_497 : vector<16xf32>
        %reshape3A_499 = vector.shape_cast %shift_right_arithmetic3A_12 : vector<16xi32> to vector<16x1xi32>
        %gather3A_500 = vector.shape_cast %reshape3A_499 : vector<16x1xi32> to vector<16xi32>
        %gather3A_501 = tpu.dynamic_gather %div3A_498[%gather3A_500] in [0] : vector<16xf32>, vector<16xi32> -> vector<16xf32>
        %get3A_502 = arith.constant 0 : i32
        %get3A_503 = arith.index_cast %add3A_481 : i32 to index
        %get3A_504 = arith.index_cast %get3A_502 : i32 to index
        %get3A_505 = arith.constant 0 : index
        %get3A_506 = tpu.vector_load %arg21[%get3A_503, %get3A_504, %get3A_505] {strides = array<i32>} : memref<128x4x16xf32, #tpu.memory_space<vmem>>, vector<1x1x16xf32>,
        %get3A_507 = vector.shape_cast %get3A_506 : vector<1x1x16xf32> to vector<16xf32>
        %mul3A_508 = arith.mulf %get3A_507, %gather3A_501 : vector<16xf32>
        %swap3A_509 = arith.constant 0 : i32
        %swap3A_510 = arith.index_cast %add3A_481 : i32 to index
        %swap3A_511 = arith.index_cast %swap3A_509 : i32 to index
        %swap3A_512 = arith.constant 0 : index
        %swap3A_513 = tpu.vector_load %arg26[%swap3A_510, %swap3A_511, %swap3A_512] {strides = array<i32>} : memref<128x4x16xf32, #tpu.memory_space<vmem>>, vector<1x1x16xf32>,
        %swap3A_514 = vector.shape_cast %swap3A_513 : vector<1x1x16xf32> to vector<16xf32>
        %swap3A_515 = vector.shape_cast %mul3A_508 : vector<16xf32> to vector<1x1x16xf32>
        tpu.vector_store %arg26[%swap3A_510, %swap3A_511, %swap3A_512], %swap3A_515 {strides = array<i32>} : memref<128x4x16xf32, #tpu.memory_space<vmem>>, vector<1x1x16xf32>,
        %get3A_516 = arith.constant 1 : i32
        %get3A_517 = arith.index_cast %add3A_481 : i32 to index
        %get3A_518 = arith.index_cast %get3A_516 : i32 to index
        %get3A_519 = arith.constant 0 : index
        %get3A_520 = tpu.vector_load %arg21[%get3A_517, %get3A_518, %get3A_519] {strides = array<i32>} : memref<128x4x16xf32, #tpu.memory_space<vmem>>, vector<1x1x16xf32>,
        %get3A_521 = vector.shape_cast %get3A_520 : vector<1x1x16xf32> to vector<16xf32>
        %mul3A_522 = arith.mulf %get3A_521, %gather3A_501 : vector<16xf32>
        %swap3A_523 = arith.constant 1 : i32
        %swap3A_524 = arith.index_cast %add3A_481 : i32 to index
        %swap3A_525 = arith.index_cast %swap3A_523 : i32 to index
        %swap3A_526 = arith.constant 0 : index
        %swap3A_527 = tpu.vector_load %arg26[%swap3A_524, %swap3A_525, %swap3A_526] {strides = array<i32>} : memref<128x4x16xf32, #tpu.memory_space<vmem>>, vector<1x1x16xf32>,
        %swap3A_528 = vector.shape_cast %swap3A_527 : vector<1x1x16xf32> to vector<16xf32>
        %swap3A_529 = vector.shape_cast %mul3A_522 : vector<16xf32> to vector<1x1x16xf32>
        tpu.vector_store %arg26[%swap3A_524, %swap3A_525, %swap3A_526], %swap3A_529 {strides = array<i32>} : memref<128x4x16xf32, #tpu.memory_space<vmem>>, vector<1x1x16xf32>,
        %get3A_530 = arith.constant 2 : i32
        %get3A_531 = arith.index_cast %add3A_481 : i32 to index
        %get3A_532 = arith.index_cast %get3A_530 : i32 to index
        %get3A_533 = arith.constant 0 : index
        %get3A_534 = tpu.vector_load %arg21[%get3A_531, %get3A_532, %get3A_533] {strides = array<i32>} : memref<128x4x16xf32, #tpu.memory_space<vmem>>, vector<1x1x16xf32>,
        %get3A_535 = vector.shape_cast %get3A_534 : vector<1x1x16xf32> to vector<16xf32>
        %mul3A_536 = arith.mulf %get3A_535, %gather3A_501 : vector<16xf32>
        %swap3A_537 = arith.constant 2 : i32
        %swap3A_538 = arith.index_cast %add3A_481 : i32 to index
        %swap3A_539 = arith.index_cast %swap3A_537 : i32 to index
        %swap3A_540 = arith.constant 0 : index
        %swap3A_541 = tpu.vector_load %arg26[%swap3A_538, %swap3A_539, %swap3A_540] {strides = array<i32>} : memref<128x4x16xf32, #tpu.memory_space<vmem>>, vector<1x1x16xf32>,
        %swap3A_542 = vector.shape_cast %swap3A_541 : vector<1x1x16xf32> to vector<16xf32>
        %swap3A_543 = vector.shape_cast %mul3A_536 : vector<16xf32> to vector<1x1x16xf32>
        tpu.vector_store %arg26[%swap3A_538, %swap3A_539, %swap3A_540], %swap3A_543 {strides = array<i32>} : memref<128x4x16xf32, #tpu.memory_space<vmem>>, vector<1x1x16xf32>,
        %get3A_544 = arith.constant 3 : i32
        %get3A_545 = arith.index_cast %add3A_481 : i32 to index
        %get3A_546 = arith.index_cast %get3A_544 : i32 to index
        %get3A_547 = arith.constant 0 : index
        %get3A_548 = tpu.vector_load %arg21[%get3A_545, %get3A_546, %get3A_547] {strides = array<i32>} : memref<128x4x16xf32, #tpu.memory_space<vmem>>, vector<1x1x16xf32>,
        %get3A_549 = vector.shape_cast %get3A_548 : vector<1x1x16xf32> to vector<16xf32>
        %mul3A_550 = arith.mulf %get3A_549, %gather3A_501 : vector<16xf32>
        %swap3A_551 = arith.constant 3 : i32
        %swap3A_552 = arith.index_cast %add3A_481 : i32 to index
        %swap3A_553 = arith.index_cast %swap3A_551 : i32 to index
        %swap3A_554 = arith.constant 0 : index
        %swap3A_555 = tpu.vector_load %arg26[%swap3A_552, %swap3A_553, %swap3A_554] {strides = array<i32>} : memref<128x4x16xf32, #tpu.memory_space<vmem>>, vector<1x1x16xf32>,
        %swap3A_556 = vector.shape_cast %swap3A_555 : vector<1x1x16xf32> to vector<16xf32>
        %swap3A_557 = vector.shape_cast %mul3A_550 : vector<16xf32> to vector<1x1x16xf32>
        tpu.vector_store %arg26[%swap3A_552, %swap3A_553, %swap3A_554], %swap3A_557 {strides = array<i32>} : memref<128x4x16xf32, #tpu.memory_space<vmem>>, vector<1x1x16xf32>,
        %mul3A_558 = arith.constant 4 : i32
        %mul3A_559 = arith.muli %scan3A_321, %mul3A_558 : i32
        %add3A_560 = arith.constant 3 : i32
        %add3A_561 = arith.addi %mul3A_559, %add3A_560 : i32
        %get3A_562 = arith.index_cast %add3A_561 : i32 to index
        %get3A_563 = arith.constant 0 : index
        %get3A_564 = tpu.vector_load %arg23[%get3A_562, %get3A_563] {strides = array<i32>} : memref<128x16xf32, #tpu.memory_space<vmem>>, vector<1x16xf32>,
        %get3A_565 = vector.shape_cast %get3A_564 : vector<1x16xf32> to vector<16xf32>
        %get3A_566 = arith.index_cast %add3A_561 : i32 to index
        %get3A_567 = arith.constant 0 : index
        %get3A_568 = tpu.vector_load %arg24[%get3A_566, %get3A_567] {strides = array<i32>} : memref<128x16xf32, #tpu.memory_space<vmem>>, vector<1x16xf32>,
        %get3A_569 = vector.shape_cast %get3A_568 : vector<1x16xf32> to vector<16xf32>
        %add3A_570 = arith.addf %get3A_565, %get3A_569 : vector<16xf32>
        %get3A_571 = arith.index_cast %add3A_561 : i32 to index
        %get3A_572 = arith.constant 0 : index
        %get3A_573 = tpu.vector_load %arg22[%get3A_571, %get3A_572] {strides = array<i32>} : memref<128x16xf32, #tpu.memory_space<vmem>>, vector<1x16xf32>,
        %get3A_574 = vector.shape_cast %get3A_573 : vector<1x16xf32> to vector<16xf32>
        %max3A_575 = arith.constant 9.99999996E-13 : f32
        %max3A_576 = vector.broadcast %max3A_575 : f32 to vector<16xf32>
        %max3A_577 = arith.maximumf %add3A_570, %max3A_576 : vector<16xf32>
        %div3A_578 = arith.divf %get3A_574, %max3A_577 : vector<16xf32>
        %reshape3A_579 = vector.shape_cast %shift_right_arithmetic3A_12 : vector<16xi32> to vector<16x1xi32>
        %gather3A_580 = vector.shape_cast %reshape3A_579 : vector<16x1xi32> to vector<16xi32>
        %gather3A_581 = tpu.dynamic_gather %div3A_578[%gather3A_580] in [0] : vector<16xf32>, vector<16xi32> -> vector<16xf32>
        %get3A_582 = arith.constant 0 : i32
        %get3A_583 = arith.index_cast %add3A_561 : i32 to index
        %get3A_584 = arith.index_cast %get3A_582 : i32 to index
        %get3A_585 = arith.constant 0 : index
        %get3A_586 = tpu.vector_load %arg21[%get3A_583, %get3A_584, %get3A_585] {strides = array<i32>} : memref<128x4x16xf32, #tpu.memory_space<vmem>>, vector<1x1x16xf32>,
        %get3A_587 = vector.shape_cast %get3A_586 : vector<1x1x16xf32> to vector<16xf32>
        %mul3A_588 = arith.mulf %get3A_587, %gather3A_581 : vector<16xf32>
        %swap3A_589 = arith.constant 0 : i32
        %swap3A_590 = arith.index_cast %add3A_561 : i32 to index
        %swap3A_591 = arith.index_cast %swap3A_589 : i32 to index
        %swap3A_592 = arith.constant 0 : index
        %swap3A_593 = tpu.vector_load %arg26[%swap3A_590, %swap3A_591, %swap3A_592] {strides = array<i32>} : memref<128x4x16xf32, #tpu.memory_space<vmem>>, vector<1x1x16xf32>,
        %swap3A_594 = vector.shape_cast %swap3A_593 : vector<1x1x16xf32> to vector<16xf32>
        %swap3A_595 = vector.shape_cast %mul3A_588 : vector<16xf32> to vector<1x1x16xf32>
        tpu.vector_store %arg26[%swap3A_590, %swap3A_591, %swap3A_592], %swap3A_595 {strides = array<i32>} : memref<128x4x16xf32, #tpu.memory_space<vmem>>, vector<1x1x16xf32>,
        %get3A_596 = arith.constant 1 : i32
        %get3A_597 = arith.index_cast %add3A_561 : i32 to index
        %get3A_598 = arith.index_cast %get3A_596 : i32 to index
        %get3A_599 = arith.constant 0 : index
        %get3A_600 = tpu.vector_load %arg21[%get3A_597, %get3A_598, %get3A_599] {strides = array<i32>} : memref<128x4x16xf32, #tpu.memory_space<vmem>>, vector<1x1x16xf32>,
        %get3A_601 = vector.shape_cast %get3A_600 : vector<1x1x16xf32> to vector<16xf32>
        %mul3A_602 = arith.mulf %get3A_601, %gather3A_581 : vector<16xf32>
        %swap3A_603 = arith.constant 1 : i32
        %swap3A_604 = arith.index_cast %add3A_561 : i32 to index
        %swap3A_605 = arith.index_cast %swap3A_603 : i32 to index
        %swap3A_606 = arith.constant 0 : index
        %swap3A_607 = tpu.vector_load %arg26[%swap3A_604, %swap3A_605, %swap3A_606] {strides = array<i32>} : memref<128x4x16xf32, #tpu.memory_space<vmem>>, vector<1x1x16xf32>,
        %swap3A_608 = vector.shape_cast %swap3A_607 : vector<1x1x16xf32> to vector<16xf32>
        %swap3A_609 = vector.shape_cast %mul3A_602 : vector<16xf32> to vector<1x1x16xf32>
        tpu.vector_store %arg26[%swap3A_604, %swap3A_605, %swap3A_606], %swap3A_609 {strides = array<i32>} : memref<128x4x16xf32, #tpu.memory_space<vmem>>, vector<1x1x16xf32>,
        %get3A_610 = arith.constant 2 : i32
        %get3A_611 = arith.index_cast %add3A_561 : i32 to index
        %get3A_612 = arith.index_cast %get3A_610 : i32 to index
        %get3A_613 = arith.constant 0 : index
        %get3A_614 = tpu.vector_load %arg21[%get3A_611, %get3A_612, %get3A_613] {strides = array<i32>} : memref<128x4x16xf32, #tpu.memory_space<vmem>>, vector<1x1x16xf32>,
        %get3A_615 = vector.shape_cast %get3A_614 : vector<1x1x16xf32> to vector<16xf32>
        %mul3A_616 = arith.mulf %get3A_615, %gather3A_581 : vector<16xf32>
        %swap3A_617 = arith.constant 2 : i32
        %swap3A_618 = arith.index_cast %add3A_561 : i32 to index
        %swap3A_619 = arith.index_cast %swap3A_617 : i32 to index
        %swap3A_620 = arith.constant 0 : index
        %swap3A_621 = tpu.vector_load %arg26[%swap3A_618, %swap3A_619, %swap3A_620] {strides = array<i32>} : memref<128x4x16xf32, #tpu.memory_space<vmem>>, vector<1x1x16xf32>,
        %swap3A_622 = vector.shape_cast %swap3A_621 : vector<1x1x16xf32> to vector<16xf32>
        %swap3A_623 = vector.shape_cast %mul3A_616 : vector<16xf32> to vector<1x1x16xf32>
        tpu.vector_store %arg26[%swap3A_618, %swap3A_619, %swap3A_620], %swap3A_623 {strides = array<i32>} : memref<128x4x16xf32, #tpu.memory_space<vmem>>, vector<1x1x16xf32>,
        %get3A_624 = arith.constant 3 : i32
        %get3A_625 = arith.index_cast %add3A_561 : i32 to index
        %get3A_626 = arith.index_cast %get3A_624 : i32 to index
        %get3A_627 = arith.constant 0 : index
        %get3A_628 = tpu.vector_load %arg21[%get3A_625, %get3A_626, %get3A_627] {strides = array<i32>} : memref<128x4x16xf32, #tpu.memory_space<vmem>>, vector<1x1x16xf32>,
        %get3A_629 = vector.shape_cast %get3A_628 : vector<1x1x16xf32> to vector<16xf32>
        %mul3A_630 = arith.mulf %get3A_629, %gather3A_581 : vector<16xf32>
        %swap3A_631 = arith.constant 3 : i32
        %swap3A_632 = arith.index_cast %add3A_561 : i32 to index
        %swap3A_633 = arith.index_cast %swap3A_631 : i32 to index
        %swap3A_634 = arith.constant 0 : index
        %swap3A_635 = tpu.vector_load %arg26[%swap3A_632, %swap3A_633, %swap3A_634] {strides = array<i32>} : memref<128x4x16xf32, #tpu.memory_space<vmem>>, vector<1x1x16xf32>,
        %swap3A_636 = vector.shape_cast %swap3A_635 : vector<1x1x16xf32> to vector<16xf32>
        %swap3A_637 = vector.shape_cast %mul3A_630 : vector<16xf32> to vector<1x1x16xf32>
        tpu.vector_store %arg26[%swap3A_632, %swap3A_633, %swap3A_634], %swap3A_637 {strides = array<i32>} : memref<128x4x16xf32, #tpu.memory_space<vmem>>, vector<1x1x16xf32>,
      }
      %scan3A_260 = arith.constant 32 : i32
      %get3A_261 = arith.constant 0 : index
      %get3A_262 = tpu.vector_load %arg19[%get3A_261] {strides = array<i32>} : memref<128xi32, #tpu.memory_space<vmem>>, vector<16xi32>,
      %get3A_263 = vector.shape_cast %get3A_262 : vector<16xi32> to vector<16xi32>
      %swap3A_264 = arith.constant 0 : index
      %swap3A_265 = tpu.vector_load %arg28[%swap3A_264] {strides = array<i32>} : memref<128xi32, #tpu.memory_space<vmem>>, vector<16xi32>,
      %swap3A_266 = vector.shape_cast %swap3A_265 : vector<16xi32> to vector<16xi32>
      %swap3A_267 = vector.shape_cast %get3A_263 : vector<16xi32> to vector<16xi32>
      tpu.vector_store %arg28[%swap3A_264], %swap3A_267 {strides = array<i32>} : memref<128xi32, #tpu.memory_space<vmem>>, vector<16xi32>,
      %get3A_268 = arith.constant 16 : index
      %get3A_269 = tpu.vector_load %arg19[%get3A_268] {strides = array<i32>} : memref<128xi32, #tpu.memory_space<vmem>>, vector<16xi32>,
      %get3A_270 = vector.shape_cast %get3A_269 : vector<16xi32> to vector<16xi32>
      %swap3A_271 = arith.constant 16 : index
      %swap3A_272 = tpu.vector_load %arg28[%swap3A_271] {strides = array<i32>} : memref<128xi32, #tpu.memory_space<vmem>>, vector<16xi32>,
      %swap3A_273 = vector.shape_cast %swap3A_272 : vector<16xi32> to vector<16xi32>
      %swap3A_274 = vector.shape_cast %get3A_270 : vector<16xi32> to vector<16xi32>
      tpu.vector_store %arg28[%swap3A_271], %swap3A_274 {strides = array<i32>} : memref<128xi32, #tpu.memory_space<vmem>>, vector<16xi32>,
      %get3A_275 = arith.constant 32 : index
      %get3A_276 = tpu.vector_load %arg19[%get3A_275] {strides = array<i32>} : memref<128xi32, #tpu.memory_space<vmem>>, vector<16xi32>,
      %get3A_277 = vector.shape_cast %get3A_276 : vector<16xi32> to vector<16xi32>
      %swap3A_278 = arith.constant 32 : index
      %swap3A_279 = tpu.vector_load %arg28[%swap3A_278] {strides = array<i32>} : memref<128xi32, #tpu.memory_space<vmem>>, vector<16xi32>,
      %swap3A_280 = vector.shape_cast %swap3A_279 : vector<16xi32> to vector<16xi32>
      %swap3A_281 = vector.shape_cast %get3A_277 : vector<16xi32> to vector<16xi32>
      tpu.vector_store %arg28[%swap3A_278], %swap3A_281 {strides = array<i32>} : memref<128xi32, #tpu.memory_space<vmem>>, vector<16xi32>,
      %get3A_282 = arith.constant 48 : index
      %get3A_283 = tpu.vector_load %arg19[%get3A_282] {strides = array<i32>} : memref<128xi32, #tpu.memory_space<vmem>>, vector<16xi32>,
      %get3A_284 = vector.shape_cast %get3A_283 : vector<16xi32> to vector<16xi32>
      %swap3A_285 = arith.constant 48 : index
      %swap3A_286 = tpu.vector_load %arg28[%swap3A_285] {strides = array<i32>} : memref<128xi32, #tpu.memory_space<vmem>>, vector<16xi32>,
      %swap3A_287 = vector.shape_cast %swap3A_286 : vector<16xi32> to vector<16xi32>
      %swap3A_288 = vector.shape_cast %get3A_284 : vector<16xi32> to vector<16xi32>
      tpu.vector_store %arg28[%swap3A_285], %swap3A_288 {strides = array<i32>} : memref<128xi32, #tpu.memory_space<vmem>>, vector<16xi32>,
      %get3A_289 = arith.constant 64 : index
      %get3A_290 = tpu.vector_load %arg19[%get3A_289] {strides = array<i32>} : memref<128xi32, #tpu.memory_space<vmem>>, vector<16xi32>,
      %get3A_291 = vector.shape_cast %get3A_290 : vector<16xi32> to vector<16xi32>
      %swap3A_292 = arith.constant 64 : index
      %swap3A_293 = tpu.vector_load %arg28[%swap3A_292] {strides = array<i32>} : memref<128xi32, #tpu.memory_space<vmem>>, vector<16xi32>,
      %swap3A_294 = vector.shape_cast %swap3A_293 : vector<16xi32> to vector<16xi32>
      %swap3A_295 = vector.shape_cast %get3A_291 : vector<16xi32> to vector<16xi32>
      tpu.vector_store %arg28[%swap3A_292], %swap3A_295 {strides = array<i32>} : memref<128xi32, #tpu.memory_space<vmem>>, vector<16xi32>,
      %get3A_296 = arith.constant 80 : index
      %get3A_297 = tpu.vector_load %arg19[%get3A_296] {strides = array<i32>} : memref<128xi32, #tpu.memory_space<vmem>>, vector<16xi32>,
      %get3A_298 = vector.shape_cast %get3A_297 : vector<16xi32> to vector<16xi32>
      %swap3A_299 = arith.constant 80 : index
      %swap3A_300 = tpu.vector_load %arg28[%swap3A_299] {strides = array<i32>} : memref<128xi32, #tpu.memory_space<vmem>>, vector<16xi32>,
      %swap3A_301 = vector.shape_cast %swap3A_300 : vector<16xi32> to vector<16xi32>
      %swap3A_302 = vector.shape_cast %get3A_298 : vector<16xi32> to vector<16xi32>
      tpu.vector_store %arg28[%swap3A_299], %swap3A_302 {strides = array<i32>} : memref<128xi32, #tpu.memory_space<vmem>>, vector<16xi32>,
      %get3A_303 = arith.constant 96 : index
      %get3A_304 = tpu.vector_load %arg19[%get3A_303] {strides = array<i32>} : memref<128xi32, #tpu.memory_space<vmem>>, vector<16xi32>,
      %get3A_305 = vector.shape_cast %get3A_304 : vector<16xi32> to vector<16xi32>
      %swap3A_306 = arith.constant 96 : index
      %swap3A_307 = tpu.vector_load %arg28[%swap3A_306] {strides = array<i32>} : memref<128xi32, #tpu.memory_space<vmem>>, vector<16xi32>,
      %swap3A_308 = vector.shape_cast %swap3A_307 : vector<16xi32> to vector<16xi32>
      %swap3A_309 = vector.shape_cast %get3A_305 : vector<16xi32> to vector<16xi32>
      tpu.vector_store %arg28[%swap3A_306], %swap3A_309 {strides = array<i32>} : memref<128xi32, #tpu.memory_space<vmem>>, vector<16xi32>,
      %get3A_310 = arith.constant 112 : index
      %get3A_311 = tpu.vector_load %arg19[%get3A_310] {strides = array<i32>} : memref<128xi32, #tpu.memory_space<vmem>>, vector<16xi32>,
      %get3A_312 = vector.shape_cast %get3A_311 : vector<16xi32> to vector<16xi32>
      %swap3A_313 = arith.constant 112 : index
      %swap3A_314 = tpu.vector_load %arg28[%swap3A_313] {strides = array<i32>} : memref<128xi32, #tpu.memory_space<vmem>>, vector<16xi32>,
      %swap3A_315 = vector.shape_cast %swap3A_314 : vector<16xi32> to vector<16xi32>
      %swap3A_316 = vector.shape_cast %get3A_312 : vector<16xi32> to vector<16xi32>
      tpu.vector_store %arg28[%swap3A_313], %swap3A_316 {strides = array<i32>} : memref<128xi32, #tpu.memory_space<vmem>>, vector<16xi32>,
      %dma_start3A_317 = arith.constant 0 : i32
      %dma_start3A_318 = arith.constant 0 : i32
      %dma_start3A_319 = arith.constant 0 : i32
      %dma_start3A_320 = tpu.memref_slice %arg30[%dma_start3A_317, %dma_start3A_318, %dma_start3A_319] : memref<10240x4x16xf32, #tpu.memory_space<vmem_shared>> -> memref<10240x4x16xf32, #tpu.memory_space<vmem_shared>>
      tpu.enqueue_indirect_dma source(%arg26 : memref<128x4x16xf32, #tpu.memory_space<vmem>>) target(%dma_start3A_320 : memref<10240x4x16xf32, #tpu.memory_space<vmem_shared>>) offsets(%arg28 : memref<128xi32, #tpu.memory_space<vmem>>) semaphore(%arg34 : memref<!tpu.dma_semaphore, #tpu.memory_space<semaphore_mem>>) {add = true}
    }
    %scan3A_42 = arith.constant 40 : i32
    %dma_wait3A = arith.constant 0 : i32
    %dma_wait3A_43 = arith.constant 0 : i32
    %dma_wait3A_44 = arith.constant 0 : i32
    %dma_wait3A_45 = tpu.memref_slice %arg30[%dma_wait3A, %dma_wait3A_43, %dma_wait3A_44] : memref<10240x4x16xf32, #tpu.memory_space<vmem_shared>> -> memref<10240x4x16xf32, #tpu.memory_space<vmem_shared>>
    tpu.wait_indirect_dma semaphore(%arg33 : memref<!tpu.dma_semaphore, #tpu.memory_space<semaphore_mem>>) src(%arg25 : memref<128x4x16xf32, #tpu.memory_space<vmem>>) dst(%dma_wait3A_45 : memref<10240x4x16xf32, #tpu.memory_space<vmem_shared>>)
    %dma_wait3A_46 = arith.constant 0 : i32
    %dma_wait3A_47 = arith.constant 0 : i32
    %dma_wait3A_48 = arith.constant 0 : i32
    %dma_wait3A_49 = tpu.memref_slice %arg30[%dma_wait3A_46, %dma_wait3A_47, %dma_wait3A_48] : memref<10240x4x16xf32, #tpu.memory_space<vmem_shared>> -> memref<10240x4x16xf32, #tpu.memory_space<vmem_shared>>
    tpu.wait_indirect_dma semaphore(%arg34 : memref<!tpu.dma_semaphore, #tpu.memory_space<semaphore_mem>>) src(%arg26 : memref<128x4x16xf32, #tpu.memory_space<vmem>>) dst(%dma_wait3A_49 : memref<10240x4x16xf32, #tpu.memory_space<vmem_shared>>)
    %barrier3A_50 = arith.constant 0 : index
    tpu.barrier barrier_id(%barrier3A_50)
    %mul3A_51 = arith.constant 640 : i32
    %mul3A_52 = arith.muli %arg1, %mul3A_51 : i32
    "tpu.region"() ({
      %run_scoped3A = tpu.sem_alloc : memref<!tpu.dma_semaphore, #tpu.memory_space<semaphore_mem>>
      %dma_start3A_114 = arith.constant 0 : i32
      %dma_start3A_115 = arith.constant 0 : i32
      %dma_start3A_116 = tpu.memref_slice %arg30[%mul3A_52, %dma_start3A_114, %dma_start3A_115] : memref<10240x4x16xf32, #tpu.memory_space<vmem_shared>> -> memref<640x4x16xf32, #tpu.memory_space<vmem_shared>>
      %dma_start3A_117 = arith.constant 0 : i32
      %dma_start3A_118 = arith.constant 0 : i32
      %dma_start3A_119 = tpu.memref_slice %arg30[%mul3A_52, %dma_start3A_117, %dma_start3A_118] : memref<10240x4x16xf32, #tpu.memory_space<vmem_shared>> -> memref<640x4x16xf32, #tpu.memory_space<vmem_shared>>
      tpu.enqueue_dma source(%dma_start3A_119 : memref<640x4x16xf32, #tpu.memory_space<vmem_shared>>) target(%arg29 : memref<640x4x16xf32, #tpu.memory_space<vmem>>) target_semaphore(%run_scoped3A : memref<!tpu.dma_semaphore, #tpu.memory_space<semaphore_mem>>)
      %dma_wait3A_120 = arith.constant 0 : i32
      %dma_wait3A_121 = arith.constant 0 : i32
      %dma_wait3A_122 = tpu.memref_slice %arg30[%mul3A_52, %dma_wait3A_120, %dma_wait3A_121] : memref<10240x4x16xf32, #tpu.memory_space<vmem_shared>> -> memref<640x4x16xf32, #tpu.memory_space<vmem_shared>>
      %dma_wait3A_123 = arith.constant 0 : i32
      %dma_wait3A_124 = arith.constant 0 : i32
      %dma_wait3A_125 = tpu.memref_slice %arg30[%mul3A_52, %dma_wait3A_123, %dma_wait3A_124] : memref<10240x4x16xf32, #tpu.memory_space<vmem_shared>> -> memref<640x4x16xf32, #tpu.memory_space<vmem_shared>>
      tpu.wait_dma2 semaphore(%run_scoped3A : memref<!tpu.dma_semaphore, #tpu.memory_space<semaphore_mem>>) src(%dma_wait3A_125 : memref<640x4x16xf32, #tpu.memory_space<vmem_shared>>) dst(%arg29 : memref<640x4x16xf32, #tpu.memory_space<vmem>>)
      tpu.yield
    }) : () -> ()
    %eq3A = arith.constant 0 : i32
    %eq3A_53 = arith.cmpi eq, %arg0, %eq3A : i32
    %convert_element_type3A = arith.extui %eq3A_53 : i1 to i32
    %cond3A = arith.constant 0 : i32
    %cond3A_54 = arith.cmpi ne, %convert_element_type3A, %cond3A : i32
    scf.if %cond3A_54 {
      %mul3A_114 = arith.constant 640 : i32
      %mul3A_115 = arith.muli %arg1, %mul3A_114 : i32
      "tpu.region"() ({
        %run_scoped3A = tpu.sem_alloc : memref<!tpu.dma_semaphore, #tpu.memory_space<semaphore_mem>>
        %dma_start3A_116 = arith.constant 0 : i32
        %dma_start3A_117 = arith.constant 0 : i32
        %dma_start3A_118 = tpu.memref_slice %arg9[%mul3A_115, %dma_start3A_116, %dma_start3A_117] : memref<10240x4x16xf32, #tpu.memory_space<hbm>> -> memref<640x4x16xf32, #tpu.memory_space<hbm>>
        %dma_start3A_119 = arith.constant 0 : i32
        %dma_start3A_120 = arith.constant 0 : i32
        %dma_start3A_121 = tpu.memref_slice %arg9[%mul3A_115, %dma_start3A_119, %dma_start3A_120] : memref<10240x4x16xf32, #tpu.memory_space<hbm>> -> memref<640x4x16xf32, #tpu.memory_space<hbm>>
        tpu.enqueue_dma source(%arg29 : memref<640x4x16xf32, #tpu.memory_space<vmem>>) target(%dma_start3A_121 : memref<640x4x16xf32, #tpu.memory_space<hbm>>) target_semaphore(%run_scoped3A : memref<!tpu.dma_semaphore, #tpu.memory_space<semaphore_mem>>)
        %dma_wait3A_122 = arith.constant 0 : i32
        %dma_wait3A_123 = arith.constant 0 : i32
        %dma_wait3A_124 = tpu.memref_slice %arg9[%mul3A_115, %dma_wait3A_122, %dma_wait3A_123] : memref<10240x4x16xf32, #tpu.memory_space<hbm>> -> memref<640x4x16xf32, #tpu.memory_space<hbm>>
        %dma_wait3A_125 = arith.constant 0 : i32
        %dma_wait3A_126 = arith.constant 0 : i32
        %dma_wait3A_127 = tpu.memref_slice %arg9[%mul3A_115, %dma_wait3A_125, %dma_wait3A_126] : memref<10240x4x16xf32, #tpu.memory_space<hbm>> -> memref<640x4x16xf32, #tpu.memory_space<hbm>>
        tpu.wait_dma2 semaphore(%run_scoped3A : memref<!tpu.dma_semaphore, #tpu.memory_space<semaphore_mem>>) src(%arg29 : memref<640x4x16xf32, #tpu.memory_space<vmem>>) dst(%dma_wait3A_127 : memref<640x4x16xf32, #tpu.memory_space<hbm>>)
        tpu.yield
      }) : () -> ()
    } else {
    }
    %eq3A_55 = arith.constant 1 : i32
    %eq3A_56 = arith.cmpi eq, %arg0, %eq3A_55 : i32
    %convert_element_type3A_57 = arith.extui %eq3A_56 : i1 to i32
    %cond3A_58 = arith.constant 0 : i32
    %cond3A_59 = arith.cmpi ne, %convert_element_type3A_57, %cond3A_58 : i32
    scf.if %cond3A_59 {
      %mul3A_114 = arith.constant 640 : i32
      %mul3A_115 = arith.muli %arg1, %mul3A_114 : i32
      "tpu.region"() ({
        %run_scoped3A = tpu.sem_alloc : memref<!tpu.dma_semaphore, #tpu.memory_space<semaphore_mem>>
        %dma_start3A_116 = arith.constant 0 : i32
        %dma_start3A_117 = arith.constant 0 : i32
        %dma_start3A_118 = tpu.memref_slice %arg11[%mul3A_115, %dma_start3A_116, %dma_start3A_117] : memref<10240x4x16xf32, #tpu.memory_space<hbm>> -> memref<640x4x16xf32, #tpu.memory_space<hbm>>
        %dma_start3A_119 = arith.constant 0 : i32
        %dma_start3A_120 = arith.constant 0 : i32
        %dma_start3A_121 = tpu.memref_slice %arg11[%mul3A_115, %dma_start3A_119, %dma_start3A_120] : memref<10240x4x16xf32, #tpu.memory_space<hbm>> -> memref<640x4x16xf32, #tpu.memory_space<hbm>>
        tpu.enqueue_dma source(%arg29 : memref<640x4x16xf32, #tpu.memory_space<vmem>>) target(%dma_start3A_121 : memref<640x4x16xf32, #tpu.memory_space<hbm>>) target_semaphore(%run_scoped3A : memref<!tpu.dma_semaphore, #tpu.memory_space<semaphore_mem>>)
        %dma_wait3A_122 = arith.constant 0 : i32
        %dma_wait3A_123 = arith.constant 0 : i32
        %dma_wait3A_124 = tpu.memref_slice %arg11[%mul3A_115, %dma_wait3A_122, %dma_wait3A_123] : memref<10240x4x16xf32, #tpu.memory_space<hbm>> -> memref<640x4x16xf32, #tpu.memory_space<hbm>>
        %dma_wait3A_125 = arith.constant 0 : i32
        %dma_wait3A_126 = arith.constant 0 : i32
        %dma_wait3A_127 = tpu.memref_slice %arg11[%mul3A_115, %dma_wait3A_125, %dma_wait3A_126] : memref<10240x4x16xf32, #tpu.memory_space<hbm>> -> memref<640x4x16xf32, #tpu.memory_space<hbm>>
        tpu.wait_dma2 semaphore(%run_scoped3A : memref<!tpu.dma_semaphore, #tpu.memory_space<semaphore_mem>>) src(%arg29 : memref<640x4x16xf32, #tpu.memory_space<vmem>>) dst(%dma_wait3A_127 : memref<640x4x16xf32, #tpu.memory_space<hbm>>)
        tpu.yield
      }) : () -> ()
    } else {
    }
    %scan3A_60 = arith.constant 0 : i32
    %scan3A_61 = arith.constant 0 : i32
    %scan3A_62 = arith.constant 640 : i32
    %scan3A_63 = arith.addi %scan3A_61, %scan3A_62 : i32
    %scan3A_64 = arith.constant 1 : i32
    scf.for %scan3A_114 = %scan3A_61 to %scan3A_63 step %scan3A_64  : i32 {
      %broadcast_in_dim3A = arith.constant 0.000000e+00 : f32
      %broadcast_in_dim3A_115 = vector.broadcast %broadcast_in_dim3A : f32 to vector<16xf32>
      %swap3A = arith.constant 0 : i32
      %swap3A_116 = arith.index_cast %scan3A_114 : i32 to index
      %swap3A_117 = arith.index_cast %swap3A : i32 to index
      %swap3A_118 = arith.constant 0 : index
      %swap3A_119 = tpu.vector_load %arg29[%swap3A_116, %swap3A_117, %swap3A_118] {strides = array<i32>} : memref<640x4x16xf32, #tpu.memory_space<vmem>>, vector<1x1x16xf32>,
      %swap3A_120 = vector.shape_cast %swap3A_119 : vector<1x1x16xf32> to vector<16xf32>
      %swap3A_121 = vector.shape_cast %broadcast_in_dim3A_115 : vector<16xf32> to vector<1x1x16xf32>
      tpu.vector_store %arg29[%swap3A_116, %swap3A_117, %swap3A_118], %swap3A_121 {strides = array<i32>} : memref<640x4x16xf32, #tpu.memory_space<vmem>>, vector<1x1x16xf32>,
      %broadcast_in_dim3A_122 = arith.constant 0.000000e+00 : f32
      %broadcast_in_dim3A_123 = vector.broadcast %broadcast_in_dim3A_122 : f32 to vector<16xf32>
      %swap3A_124 = arith.constant 1 : i32
      %swap3A_125 = arith.index_cast %scan3A_114 : i32 to index
      %swap3A_126 = arith.index_cast %swap3A_124 : i32 to index
      %swap3A_127 = arith.constant 0 : index
      %swap3A_128 = tpu.vector_load %arg29[%swap3A_125, %swap3A_126, %swap3A_127] {strides = array<i32>} : memref<640x4x16xf32, #tpu.memory_space<vmem>>, vector<1x1x16xf32>,
      %swap3A_129 = vector.shape_cast %swap3A_128 : vector<1x1x16xf32> to vector<16xf32>
      %swap3A_130 = vector.shape_cast %broadcast_in_dim3A_123 : vector<16xf32> to vector<1x1x16xf32>
      tpu.vector_store %arg29[%swap3A_125, %swap3A_126, %swap3A_127], %swap3A_130 {strides = array<i32>} : memref<640x4x16xf32, #tpu.memory_space<vmem>>, vector<1x1x16xf32>,
      %broadcast_in_dim3A_131 = arith.constant 0.000000e+00 : f32
      %broadcast_in_dim3A_132 = vector.broadcast %broadcast_in_dim3A_131 : f32 to vector<16xf32>
      %swap3A_133 = arith.constant 2 : i32
      %swap3A_134 = arith.index_cast %scan3A_114 : i32 to index
      %swap3A_135 = arith.index_cast %swap3A_133 : i32 to index
      %swap3A_136 = arith.constant 0 : index
      %swap3A_137 = tpu.vector_load %arg29[%swap3A_134, %swap3A_135, %swap3A_136] {strides = array<i32>} : memref<640x4x16xf32, #tpu.memory_space<vmem>>, vector<1x1x16xf32>,
      %swap3A_138 = vector.shape_cast %swap3A_137 : vector<1x1x16xf32> to vector<16xf32>
      %swap3A_139 = vector.shape_cast %broadcast_in_dim3A_132 : vector<16xf32> to vector<1x1x16xf32>
      tpu.vector_store %arg29[%swap3A_134, %swap3A_135, %swap3A_136], %swap3A_139 {strides = array<i32>} : memref<640x4x16xf32, #tpu.memory_space<vmem>>, vector<1x1x16xf32>,
      %broadcast_in_dim3A_140 = arith.constant 0.000000e+00 : f32
      %broadcast_in_dim3A_141 = vector.broadcast %broadcast_in_dim3A_140 : f32 to vector<16xf32>
      %swap3A_142 = arith.constant 3 : i32
      %swap3A_143 = arith.index_cast %scan3A_114 : i32 to index
      %swap3A_144 = arith.index_cast %swap3A_142 : i32 to index
      %swap3A_145 = arith.constant 0 : index
      %swap3A_146 = tpu.vector_load %arg29[%swap3A_143, %swap3A_144, %swap3A_145] {strides = array<i32>} : memref<640x4x16xf32, #tpu.memory_space<vmem>>, vector<1x1x16xf32>,
      %swap3A_147 = vector.shape_cast %swap3A_146 : vector<1x1x16xf32> to vector<16xf32>
      %swap3A_148 = vector.shape_cast %broadcast_in_dim3A_141 : vector<16xf32> to vector<1x1x16xf32>
      tpu.vector_store %arg29[%swap3A_143, %swap3A_144, %swap3A_145], %swap3A_148 {strides = array<i32>} : memref<640x4x16xf32, #tpu.memory_space<vmem>>, vector<1x1x16xf32>,
    }
    %scan3A_65 = arith.constant 640 : i32
    %mul3A_66 = arith.constant 640 : i32
    %mul3A_67 = arith.muli %arg1, %mul3A_66 : i32
    "tpu.region"() ({
      %run_scoped3A = tpu.sem_alloc : memref<!tpu.dma_semaphore, #tpu.memory_space<semaphore_mem>>
      %dma_start3A_114 = arith.constant 0 : i32
      %dma_start3A_115 = arith.constant 0 : i32
      %dma_start3A_116 = tpu.memref_slice %arg30[%mul3A_67, %dma_start3A_114, %dma_start3A_115] : memref<10240x4x16xf32, #tpu.memory_space<vmem_shared>> -> memref<640x4x16xf32, #tpu.memory_space<vmem_shared>>
      %dma_start3A_117 = arith.constant 0 : i32
      %dma_start3A_118 = arith.constant 0 : i32
      %dma_start3A_119 = tpu.memref_slice %arg30[%mul3A_67, %dma_start3A_117, %dma_start3A_118] : memref<10240x4x16xf32, #tpu.memory_space<vmem_shared>> -> memref<640x4x16xf32, #tpu.memory_space<vmem_shared>>
      tpu.enqueue_dma source(%arg29 : memref<640x4x16xf32, #tpu.memory_space<vmem>>) target(%dma_start3A_119 : memref<640x4x16xf32, #tpu.memory_space<vmem_shared>>) target_semaphore(%run_scoped3A : memref<!tpu.dma_semaphore, #tpu.memory_space<semaphore_mem>>)
      %dma_wait3A_120 = arith.constant 0 : i32
      %dma_wait3A_121 = arith.constant 0 : i32
      %dma_wait3A_122 = tpu.memref_slice %arg30[%mul3A_67, %dma_wait3A_120, %dma_wait3A_121] : memref<10240x4x16xf32, #tpu.memory_space<vmem_shared>> -> memref<640x4x16xf32, #tpu.memory_space<vmem_shared>>
      %dma_wait3A_123 = arith.constant 0 : i32
      %dma_wait3A_124 = arith.constant 0 : i32
      %dma_wait3A_125 = tpu.memref_slice %arg30[%mul3A_67, %dma_wait3A_123, %dma_wait3A_124] : memref<10240x4x16xf32, #tpu.memory_space<vmem_shared>> -> memref<640x4x16xf32, #tpu.memory_space<vmem_shared>>
      tpu.wait_dma2 semaphore(%run_scoped3A : memref<!tpu.dma_semaphore, #tpu.memory_space<semaphore_mem>>) src(%arg29 : memref<640x4x16xf32, #tpu.memory_space<vmem>>) dst(%dma_wait3A_125 : memref<640x4x16xf32, #tpu.memory_space<vmem_shared>>)
      tpu.yield
    }) : () -> ()
    %barrier3A_68 = arith.constant 0 : index
    tpu.barrier barrier_id(%barrier3A_68)
    %mul3A_69 = arith.constant 10240 : i32
    %mul3A_70 = arith.muli %add3A, %mul3A_69 : i32
    %add3A_71 = arith.constant 0 : i32
    %add3A_72 = arith.addi %mul3A_70, %add3A_71 : i32
    "tpu.region"() ({
      %run_scoped3A = tpu.sem_alloc : memref<!tpu.dma_semaphore, #tpu.memory_space<semaphore_mem>>
      %dma_start3A_114 = tpu.memref_slice %arg2[%add3A_72] : memref<327680xi32, #tpu.memory_space<hbm>> -> memref<128xi32, #tpu.memory_space<hbm>>
      %dma_start3A_115 = tpu.memref_slice %arg2[%add3A_72] : memref<327680xi32, #tpu.memory_space<hbm>> -> memref<128xi32, #tpu.memory_space<hbm>>
      tpu.enqueue_dma source(%dma_start3A_115 : memref<128xi32, #tpu.memory_space<hbm>>) target(%arg13 : memref<128xi32, #tpu.memory_space<vmem>>) target_semaphore(%run_scoped3A : memref<!tpu.dma_semaphore, #tpu.memory_space<semaphore_mem>>)
      %dma_wait3A_116 = tpu.memref_slice %arg2[%add3A_72] : memref<327680xi32, #tpu.memory_space<hbm>> -> memref<128xi32, #tpu.memory_space<hbm>>
      %dma_wait3A_117 = tpu.memref_slice %arg2[%add3A_72] : memref<327680xi32, #tpu.memory_space<hbm>> -> memref<128xi32, #tpu.memory_space<hbm>>
      tpu.wait_dma2 semaphore(%run_scoped3A : memref<!tpu.dma_semaphore, #tpu.memory_space<semaphore_mem>>) src(%dma_wait3A_117 : memref<128xi32, #tpu.memory_space<hbm>>) dst(%arg13 : memref<128xi32, #tpu.memory_space<vmem>>)
      tpu.yield
    }) : () -> ()
    "tpu.region"() ({
      %run_scoped3A = tpu.sem_alloc : memref<!tpu.dma_semaphore, #tpu.memory_space<semaphore_mem>>
      %dma_start3A_114 = tpu.memref_slice %arg3[%add3A_72] : memref<327680xi32, #tpu.memory_space<hbm>> -> memref<128xi32, #tpu.memory_space<hbm>>
      %dma_start3A_115 = tpu.memref_slice %arg3[%add3A_72] : memref<327680xi32, #tpu.memory_space<hbm>> -> memref<128xi32, #tpu.memory_space<hbm>>
      tpu.enqueue_dma source(%dma_start3A_115 : memref<128xi32, #tpu.memory_space<hbm>>) target(%arg14 : memref<128xi32, #tpu.memory_space<vmem>>) target_semaphore(%run_scoped3A : memref<!tpu.dma_semaphore, #tpu.memory_space<semaphore_mem>>)
      %dma_wait3A_116 = tpu.memref_slice %arg3[%add3A_72] : memref<327680xi32, #tpu.memory_space<hbm>> -> memref<128xi32, #tpu.memory_space<hbm>>
      %dma_wait3A_117 = tpu.memref_slice %arg3[%add3A_72] : memref<327680xi32, #tpu.memory_space<hbm>> -> memref<128xi32, #tpu.memory_space<hbm>>
      tpu.wait_dma2 semaphore(%run_scoped3A : memref<!tpu.dma_semaphore, #tpu.memory_space<semaphore_mem>>) src(%dma_wait3A_117 : memref<128xi32, #tpu.memory_space<hbm>>) dst(%arg14 : memref<128xi32, #tpu.memory_space<vmem>>)
      tpu.yield
    }) : () -> ()
    %dma_start3A_73 = arith.constant 0 : i32
    %dma_start3A_74 = arith.constant 0 : i32
    %dma_start3A_75 = arith.constant 0 : i32
    %dma_start3A_76 = tpu.memref_slice %arg5[%dma_start3A_73, %dma_start3A_74, %dma_start3A_75] : memref<10240x4x16xf32, #tpu.memory_space<hbm>> -> memref<10240x4x16xf32, #tpu.memory_space<hbm>>
    tpu.enqueue_indirect_dma source(%dma_start3A_76 : memref<10240x4x16xf32, #tpu.memory_space<hbm>>) target(%arg15 : memref<128x4x16xf32, #tpu.memory_space<vmem>>) offsets(%arg14 : memref<128xi32, #tpu.memory_space<vmem>>) semaphore(%arg31 : memref<!tpu.dma_semaphore, #tpu.memory_space<semaphore_mem>>)
    %dma_start3A_77 = arith.constant 0 : i32
    %dma_start3A_78 = tpu.memref_slice %arg6[%add3A_72, %dma_start3A_77] : memref<327680x16xf32, #tpu.memory_space<hbm>> -> memref<128x16xf32, #tpu.memory_space<hbm>>
    %dma_start3A_79 = arith.constant 0 : i32
    %dma_start3A_80 = tpu.memref_slice %arg6[%add3A_72, %dma_start3A_79] : memref<327680x16xf32, #tpu.memory_space<hbm>> -> memref<128x16xf32, #tpu.memory_space<hbm>>
    tpu.enqueue_dma source(%dma_start3A_80 : memref<128x16xf32, #tpu.memory_space<hbm>>) target(%arg16 : memref<128x16xf32, #tpu.memory_space<vmem>>) target_semaphore(%arg31 : memref<!tpu.dma_semaphore, #tpu.memory_space<semaphore_mem>>)
    %dma_start3A_81 = arith.constant 0 : i32
    %dma_start3A_82 = arith.constant 0 : i32
    %dma_start3A_83 = tpu.memref_slice %arg7[%dma_start3A_81, %dma_start3A_82] : memref<10240x16xf32, #tpu.memory_space<hbm>> -> memref<10240x16xf32, #tpu.memory_space<hbm>>
    tpu.enqueue_indirect_dma source(%dma_start3A_83 : memref<10240x16xf32, #tpu.memory_space<hbm>>) target(%arg17 : memref<128x16xf32, #tpu.memory_space<vmem>>) offsets(%arg13 : memref<128xi32, #tpu.memory_space<vmem>>) semaphore(%arg31 : memref<!tpu.dma_semaphore, #tpu.memory_space<semaphore_mem>>)
    %dma_start3A_84 = arith.constant 0 : i32
    %dma_start3A_85 = arith.constant 0 : i32
    %dma_start3A_86 = tpu.memref_slice %arg8[%dma_start3A_84, %dma_start3A_85] : memref<10240x16xf32, #tpu.memory_space<hbm>> -> memref<10240x16xf32, #tpu.memory_space<hbm>>
    tpu.enqueue_indirect_dma source(%dma_start3A_86 : memref<10240x16xf32, #tpu.memory_space<hbm>>) target(%arg18 : memref<128x16xf32, #tpu.memory_space<vmem>>) offsets(%arg13 : memref<128xi32, #tpu.memory_space<vmem>>) semaphore(%arg31 : memref<!tpu.dma_semaphore, #tpu.memory_space<semaphore_mem>>)
    %scan3A_87 = arith.constant 0 : i32
    %scan3A_88 = arith.constant 0 : i32
    %scan3A_89 = arith.constant 40 : i32
    %scan3A_90 = arith.addi %scan3A_88, %scan3A_89 : i32
    %scan3A_91 = arith.constant 1 : i32
    scf.for %scan3A_114 = %scan3A_88 to %scan3A_90 step %scan3A_91  : i32 {
      %mul3A_115 = arith.constant 2 : i32
      %mul3A_116 = arith.muli %scan3A_114, %mul3A_115 : i32
      %add3A_117 = arith.constant 1 : i32
      %add3A_118 = arith.addi %mul3A_116, %add3A_117 : i32
      %mul3A_119 = arith.constant 10240 : i32
      %mul3A_120 = arith.muli %add3A, %mul3A_119 : i32
      %mul3A_121 = arith.constant 128 : i32
      %mul3A_122 = arith.muli %add3A_118, %mul3A_121 : i32
      %add3A_123 = arith.addi %mul3A_120, %mul3A_122 : i32
      "tpu.region"() ({
        %run_scoped3A = tpu.sem_alloc : memref<!tpu.dma_semaphore, #tpu.memory_space<semaphore_mem>>
        %dma_start3A_321 = tpu.memref_slice %arg2[%add3A_123] : memref<327680xi32, #tpu.memory_space<hbm>> -> memref<128xi32, #tpu.memory_space<hbm>>
        %dma_start3A_322 = tpu.memref_slice %arg2[%add3A_123] : memref<327680xi32, #tpu.memory_space<hbm>> -> memref<128xi32, #tpu.memory_space<hbm>>
        tpu.enqueue_dma source(%dma_start3A_322 : memref<128xi32, #tpu.memory_space<hbm>>) target(%arg19 : memref<128xi32, #tpu.memory_space<vmem>>) target_semaphore(%run_scoped3A : memref<!tpu.dma_semaphore, #tpu.memory_space<semaphore_mem>>)
        %dma_wait3A_323 = tpu.memref_slice %arg2[%add3A_123] : memref<327680xi32, #tpu.memory_space<hbm>> -> memref<128xi32, #tpu.memory_space<hbm>>
        %dma_wait3A_324 = tpu.memref_slice %arg2[%add3A_123] : memref<327680xi32, #tpu.memory_space<hbm>> -> memref<128xi32, #tpu.memory_space<hbm>>
        tpu.wait_dma2 semaphore(%run_scoped3A : memref<!tpu.dma_semaphore, #tpu.memory_space<semaphore_mem>>) src(%dma_wait3A_324 : memref<128xi32, #tpu.memory_space<hbm>>) dst(%arg19 : memref<128xi32, #tpu.memory_space<vmem>>)
        tpu.yield
      }) : () -> ()
      "tpu.region"() ({
        %run_scoped3A = tpu.sem_alloc : memref<!tpu.dma_semaphore, #tpu.memory_space<semaphore_mem>>
        %dma_start3A_321 = tpu.memref_slice %arg3[%add3A_123] : memref<327680xi32, #tpu.memory_space<hbm>> -> memref<128xi32, #tpu.memory_space<hbm>>
        %dma_start3A_322 = tpu.memref_slice %arg3[%add3A_123] : memref<327680xi32, #tpu.memory_space<hbm>> -> memref<128xi32, #tpu.memory_space<hbm>>
        tpu.enqueue_dma source(%dma_start3A_322 : memref<128xi32, #tpu.memory_space<hbm>>) target(%arg20 : memref<128xi32, #tpu.memory_space<vmem>>) target_semaphore(%run_scoped3A : memref<!tpu.dma_semaphore, #tpu.memory_space<semaphore_mem>>)
        %dma_wait3A_323 = tpu.memref_slice %arg3[%add3A_123] : memref<327680xi32, #tpu.memory_space<hbm>> -> memref<128xi32, #tpu.memory_space<hbm>>
        %dma_wait3A_324 = tpu.memref_slice %arg3[%add3A_123] : memref<327680xi32, #tpu.memory_space<hbm>> -> memref<128xi32, #tpu.memory_space<hbm>>
        tpu.wait_dma2 semaphore(%run_scoped3A : memref<!tpu.dma_semaphore, #tpu.memory_space<semaphore_mem>>) src(%dma_wait3A_324 : memref<128xi32, #tpu.memory_space<hbm>>) dst(%arg20 : memref<128xi32, #tpu.memory_space<vmem>>)
        tpu.yield
      }) : () -> ()
      %dma_start3A_124 = arith.constant 0 : i32
      %dma_start3A_125 = arith.constant 0 : i32
      %dma_start3A_126 = arith.constant 0 : i32
      %dma_start3A_127 = tpu.memref_slice %arg5[%dma_start3A_124, %dma_start3A_125, %dma_start3A_126] : memref<10240x4x16xf32, #tpu.memory_space<hbm>> -> memref<10240x4x16xf32, #tpu.memory_space<hbm>>
      tpu.enqueue_indirect_dma source(%dma_start3A_127 : memref<10240x4x16xf32, #tpu.memory_space<hbm>>) target(%arg21 : memref<128x4x16xf32, #tpu.memory_space<vmem>>) offsets(%arg20 : memref<128xi32, #tpu.memory_space<vmem>>) semaphore(%arg32 : memref<!tpu.dma_semaphore, #tpu.memory_space<semaphore_mem>>)
      %dma_start3A_128 = arith.constant 0 : i32
      %dma_start3A_129 = tpu.memref_slice %arg6[%add3A_123, %dma_start3A_128] : memref<327680x16xf32, #tpu.memory_space<hbm>> -> memref<128x16xf32, #tpu.memory_space<hbm>>
      %dma_start3A_130 = arith.constant 0 : i32
      %dma_start3A_131 = tpu.memref_slice %arg6[%add3A_123, %dma_start3A_130] : memref<327680x16xf32, #tpu.memory_space<hbm>> -> memref<128x16xf32, #tpu.memory_space<hbm>>
      tpu.enqueue_dma source(%dma_start3A_131 : memref<128x16xf32, #tpu.memory_space<hbm>>) target(%arg22 : memref<128x16xf32, #tpu.memory_space<vmem>>) target_semaphore(%arg32 : memref<!tpu.dma_semaphore, #tpu.memory_space<semaphore_mem>>)
      %dma_start3A_132 = arith.constant 0 : i32
      %dma_start3A_133 = arith.constant 0 : i32
      %dma_start3A_134 = tpu.memref_slice %arg7[%dma_start3A_132, %dma_start3A_133] : memref<10240x16xf32, #tpu.memory_space<hbm>> -> memref<10240x16xf32, #tpu.memory_space<hbm>>
      tpu.enqueue_indirect_dma source(%dma_start3A_134 : memref<10240x16xf32, #tpu.memory_space<hbm>>) target(%arg23 : memref<128x16xf32, #tpu.memory_space<vmem>>) offsets(%arg19 : memref<128xi32, #tpu.memory_space<vmem>>) semaphore(%arg32 : memref<!tpu.dma_semaphore, #tpu.memory_space<semaphore_mem>>)
      %dma_start3A_135 = arith.constant 0 : i32
      %dma_start3A_136 = arith.constant 0 : i32
      %dma_start3A_137 = tpu.memref_slice %arg8[%dma_start3A_135, %dma_start3A_136] : memref<10240x16xf32, #tpu.memory_space<hbm>> -> memref<10240x16xf32, #tpu.memory_space<hbm>>
      tpu.enqueue_indirect_dma source(%dma_start3A_137 : memref<10240x16xf32, #tpu.memory_space<hbm>>) target(%arg24 : memref<128x16xf32, #tpu.memory_space<vmem>>) offsets(%arg19 : memref<128xi32, #tpu.memory_space<vmem>>) semaphore(%arg32 : memref<!tpu.dma_semaphore, #tpu.memory_space<semaphore_mem>>)
      %mul3A_138 = arith.constant 10240 : i32
      %mul3A_139 = arith.muli %add3A, %mul3A_138 : i32
      %mul3A_140 = arith.constant 128 : i32
      %mul3A_141 = arith.muli %mul3A_116, %mul3A_140 : i32
      %add3A_142 = arith.addi %mul3A_139, %mul3A_141 : i32
      %dma_wait3A_143 = arith.constant 0 : i32
      %dma_wait3A_144 = arith.constant 0 : i32
      %dma_wait3A_145 = arith.constant 0 : i32
      %dma_wait3A_146 = tpu.memref_slice %arg5[%dma_wait3A_143, %dma_wait3A_144, %dma_wait3A_145] : memref<10240x4x16xf32, #tpu.memory_space<hbm>> -> memref<10240x4x16xf32, #tpu.memory_space<hbm>>
      tpu.wait_indirect_dma semaphore(%arg31 : memref<!tpu.dma_semaphore, #tpu.memory_space<semaphore_mem>>) src(%dma_wait3A_146 : memref<10240x4x16xf32, #tpu.memory_space<hbm>>) dst(%arg15 : memref<128x4x16xf32, #tpu.memory_space<vmem>>)
      %dma_wait3A_147 = arith.constant 0 : i32
      %dma_wait3A_148 = tpu.memref_slice %arg6[%add3A_142, %dma_wait3A_147] : memref<327680x16xf32, #tpu.memory_space<hbm>> -> memref<128x16xf32, #tpu.memory_space<hbm>>
      %dma_wait3A_149 = arith.constant 0 : i32
      %dma_wait3A_150 = tpu.memref_slice %arg6[%add3A_142, %dma_wait3A_149] : memref<327680x16xf32, #tpu.memory_space<hbm>> -> memref<128x16xf32, #tpu.memory_space<hbm>>
      tpu.wait_dma2 semaphore(%arg31 : memref<!tpu.dma_semaphore, #tpu.memory_space<semaphore_mem>>) src(%dma_wait3A_150 : memref<128x16xf32, #tpu.memory_space<hbm>>) dst(%arg16 : memref<128x16xf32, #tpu.memory_space<vmem>>)
      %dma_wait3A_151 = arith.constant 0 : i32
      %dma_wait3A_152 = arith.constant 0 : i32
      %dma_wait3A_153 = tpu.memref_slice %arg7[%dma_wait3A_151, %dma_wait3A_152] : memref<10240x16xf32, #tpu.memory_space<hbm>> -> memref<10240x16xf32, #tpu.memory_space<hbm>>
      tpu.wait_indirect_dma semaphore(%arg31 : memref<!tpu.dma_semaphore, #tpu.memory_space<semaphore_mem>>) src(%dma_wait3A_153 : memref<10240x16xf32, #tpu.memory_space<hbm>>) dst(%arg17 : memref<128x16xf32, #tpu.memory_space<vmem>>)
      %dma_wait3A_154 = arith.constant 0 : i32
      %dma_wait3A_155 = arith.constant 0 : i32
      %dma_wait3A_156 = tpu.memref_slice %arg8[%dma_wait3A_154, %dma_wait3A_155] : memref<10240x16xf32, #tpu.memory_space<hbm>> -> memref<10240x16xf32, #tpu.memory_space<hbm>>
      tpu.wait_indirect_dma semaphore(%arg31 : memref<!tpu.dma_semaphore, #tpu.memory_space<semaphore_mem>>) src(%dma_wait3A_156 : memref<10240x16xf32, #tpu.memory_space<hbm>>) dst(%arg18 : memref<128x16xf32, #tpu.memory_space<vmem>>)
      %gt3A = arith.constant 0 : i32
      %gt3A_157 = arith.cmpi sgt, %scan3A_114, %gt3A : i32
      %convert_element_type3A_158 = arith.extui %gt3A_157 : i1 to i32
      %cond3A_159 = arith.constant 0 : i32
      %cond3A_160 = arith.cmpi ne, %convert_element_type3A_158, %cond3A_159 : i32
      scf.if %cond3A_160 {
        %dma_wait3A_321 = arith.constant 0 : i32
        %dma_wait3A_322 = arith.constant 0 : i32
        %dma_wait3A_323 = arith.constant 0 : i32
        %dma_wait3A_324 = tpu.memref_slice %arg30[%dma_wait3A_321, %dma_wait3A_322, %dma_wait3A_323] : memref<10240x4x16xf32, #tpu.memory_space<vmem_shared>> -> memref<10240x4x16xf32, #tpu.memory_space<vmem_shared>>
        tpu.wait_indirect_dma semaphore(%arg33 : memref<!tpu.dma_semaphore, #tpu.memory_space<semaphore_mem>>) src(%arg25 : memref<128x4x16xf32, #tpu.memory_space<vmem>>) dst(%dma_wait3A_324 : memref<10240x4x16xf32, #tpu.memory_space<vmem_shared>>)
      } else {
      }
      %scan3A_161 = arith.constant 0 : i32
      %scan3A_162 = arith.constant 0 : i32
      %scan3A_163 = arith.constant 32 : i32
      %scan3A_164 = arith.addi %scan3A_162, %scan3A_163 : i32
      %scan3A_165 = arith.constant 1 : i32
      scf.for %scan3A_321 = %scan3A_162 to %scan3A_164 step %scan3A_165  : i32 {
        %mul3A_322 = arith.constant 4 : i32
        %mul3A_323 = arith.muli %scan3A_321, %mul3A_322 : i32
        %add3A_324 = arith.constant 0 : i32
        %add3A_325 = arith.addi %mul3A_323, %add3A_324 : i32
        %get3A_326 = arith.index_cast %add3A_325 : i32 to index
        %get3A_327 = arith.constant 0 : index
        %get3A_328 = tpu.vector_load %arg17[%get3A_326, %get3A_327] {strides = array<i32>} : memref<128x16xf32, #tpu.memory_space<vmem>>, vector<1x16xf32>,
        %get3A_329 = vector.shape_cast %get3A_328 : vector<1x16xf32> to vector<16xf32>
        %get3A_330 = arith.index_cast %add3A_325 : i32 to index
        %get3A_331 = arith.constant 0 : index
        %get3A_332 = tpu.vector_load %arg18[%get3A_330, %get3A_331] {strides = array<i32>} : memref<128x16xf32, #tpu.memory_space<vmem>>, vector<1x16xf32>,
        %get3A_333 = vector.shape_cast %get3A_332 : vector<1x16xf32> to vector<16xf32>
        %add3A_334 = arith.addf %get3A_329, %get3A_333 : vector<16xf32>
        %get3A_335 = arith.index_cast %add3A_325 : i32 to index
        %get3A_336 = arith.constant 0 : index
        %get3A_337 = tpu.vector_load %arg16[%get3A_335, %get3A_336] {strides = array<i32>} : memref<128x16xf32, #tpu.memory_space<vmem>>, vector<1x16xf32>,
        %get3A_338 = vector.shape_cast %get3A_337 : vector<1x16xf32> to vector<16xf32>
        %max3A = arith.constant 9.99999996E-13 : f32
        %max3A_339 = vector.broadcast %max3A : f32 to vector<16xf32>
        %max3A_340 = arith.maximumf %add3A_334, %max3A_339 : vector<16xf32>
        %div3A = arith.divf %get3A_338, %max3A_340 : vector<16xf32>
        %reshape3A = vector.shape_cast %shift_right_arithmetic3A_12 : vector<16xi32> to vector<16x1xi32>
        %gather3A = vector.shape_cast %reshape3A : vector<16x1xi32> to vector<16xi32>
        %gather3A_341 = tpu.dynamic_gather %div3A[%gather3A] in [0] : vector<16xf32>, vector<16xi32> -> vector<16xf32>
        %get3A_342 = arith.constant 0 : i32
        %get3A_343 = arith.index_cast %add3A_325 : i32 to index
        %get3A_344 = arith.index_cast %get3A_342 : i32 to index
        %get3A_345 = arith.constant 0 : index
        %get3A_346 = tpu.vector_load %arg15[%get3A_343, %get3A_344, %get3A_345] {strides = array<i32>} : memref<128x4x16xf32, #tpu.memory_space<vmem>>, vector<1x1x16xf32>,
        %get3A_347 = vector.shape_cast %get3A_346 : vector<1x1x16xf32> to vector<16xf32>
        %mul3A_348 = arith.mulf %get3A_347, %gather3A_341 : vector<16xf32>
        %swap3A_349 = arith.constant 0 : i32
        %swap3A_350 = arith.index_cast %add3A_325 : i32 to index
        %swap3A_351 = arith.index_cast %swap3A_349 : i32 to index
        %swap3A_352 = arith.constant 0 : index
        %swap3A_353 = tpu.vector_load %arg25[%swap3A_350, %swap3A_351, %swap3A_352] {strides = array<i32>} : memref<128x4x16xf32, #tpu.memory_space<vmem>>, vector<1x1x16xf32>,
        %swap3A_354 = vector.shape_cast %swap3A_353 : vector<1x1x16xf32> to vector<16xf32>
        %swap3A_355 = vector.shape_cast %mul3A_348 : vector<16xf32> to vector<1x1x16xf32>
        tpu.vector_store %arg25[%swap3A_350, %swap3A_351, %swap3A_352], %swap3A_355 {strides = array<i32>} : memref<128x4x16xf32, #tpu.memory_space<vmem>>, vector<1x1x16xf32>,
        %get3A_356 = arith.constant 1 : i32
        %get3A_357 = arith.index_cast %add3A_325 : i32 to index
        %get3A_358 = arith.index_cast %get3A_356 : i32 to index
        %get3A_359 = arith.constant 0 : index
        %get3A_360 = tpu.vector_load %arg15[%get3A_357, %get3A_358, %get3A_359] {strides = array<i32>} : memref<128x4x16xf32, #tpu.memory_space<vmem>>, vector<1x1x16xf32>,
        %get3A_361 = vector.shape_cast %get3A_360 : vector<1x1x16xf32> to vector<16xf32>
        %mul3A_362 = arith.mulf %get3A_361, %gather3A_341 : vector<16xf32>
        %swap3A_363 = arith.constant 1 : i32
        %swap3A_364 = arith.index_cast %add3A_325 : i32 to index
        %swap3A_365 = arith.index_cast %swap3A_363 : i32 to index
        %swap3A_366 = arith.constant 0 : index
        %swap3A_367 = tpu.vector_load %arg25[%swap3A_364, %swap3A_365, %swap3A_366] {strides = array<i32>} : memref<128x4x16xf32, #tpu.memory_space<vmem>>, vector<1x1x16xf32>,
        %swap3A_368 = vector.shape_cast %swap3A_367 : vector<1x1x16xf32> to vector<16xf32>
        %swap3A_369 = vector.shape_cast %mul3A_362 : vector<16xf32> to vector<1x1x16xf32>
        tpu.vector_store %arg25[%swap3A_364, %swap3A_365, %swap3A_366], %swap3A_369 {strides = array<i32>} : memref<128x4x16xf32, #tpu.memory_space<vmem>>, vector<1x1x16xf32>,
        %get3A_370 = arith.constant 2 : i32
        %get3A_371 = arith.index_cast %add3A_325 : i32 to index
        %get3A_372 = arith.index_cast %get3A_370 : i32 to index
        %get3A_373 = arith.constant 0 : index
        %get3A_374 = tpu.vector_load %arg15[%get3A_371, %get3A_372, %get3A_373] {strides = array<i32>} : memref<128x4x16xf32, #tpu.memory_space<vmem>>, vector<1x1x16xf32>,
        %get3A_375 = vector.shape_cast %get3A_374 : vector<1x1x16xf32> to vector<16xf32>
        %mul3A_376 = arith.mulf %get3A_375, %gather3A_341 : vector<16xf32>
        %swap3A_377 = arith.constant 2 : i32
        %swap3A_378 = arith.index_cast %add3A_325 : i32 to index
        %swap3A_379 = arith.index_cast %swap3A_377 : i32 to index
        %swap3A_380 = arith.constant 0 : index
        %swap3A_381 = tpu.vector_load %arg25[%swap3A_378, %swap3A_379, %swap3A_380] {strides = array<i32>} : memref<128x4x16xf32, #tpu.memory_space<vmem>>, vector<1x1x16xf32>,
        %swap3A_382 = vector.shape_cast %swap3A_381 : vector<1x1x16xf32> to vector<16xf32>
        %swap3A_383 = vector.shape_cast %mul3A_376 : vector<16xf32> to vector<1x1x16xf32>
        tpu.vector_store %arg25[%swap3A_378, %swap3A_379, %swap3A_380], %swap3A_383 {strides = array<i32>} : memref<128x4x16xf32, #tpu.memory_space<vmem>>, vector<1x1x16xf32>,
        %get3A_384 = arith.constant 3 : i32
        %get3A_385 = arith.index_cast %add3A_325 : i32 to index
        %get3A_386 = arith.index_cast %get3A_384 : i32 to index
        %get3A_387 = arith.constant 0 : index
        %get3A_388 = tpu.vector_load %arg15[%get3A_385, %get3A_386, %get3A_387] {strides = array<i32>} : memref<128x4x16xf32, #tpu.memory_space<vmem>>, vector<1x1x16xf32>,
        %get3A_389 = vector.shape_cast %get3A_388 : vector<1x1x16xf32> to vector<16xf32>
        %mul3A_390 = arith.mulf %get3A_389, %gather3A_341 : vector<16xf32>
        %swap3A_391 = arith.constant 3 : i32
        %swap3A_392 = arith.index_cast %add3A_325 : i32 to index
        %swap3A_393 = arith.index_cast %swap3A_391 : i32 to index
        %swap3A_394 = arith.constant 0 : index
        %swap3A_395 = tpu.vector_load %arg25[%swap3A_392, %swap3A_393, %swap3A_394] {strides = array<i32>} : memref<128x4x16xf32, #tpu.memory_space<vmem>>, vector<1x1x16xf32>,
        %swap3A_396 = vector.shape_cast %swap3A_395 : vector<1x1x16xf32> to vector<16xf32>
        %swap3A_397 = vector.shape_cast %mul3A_390 : vector<16xf32> to vector<1x1x16xf32>
        tpu.vector_store %arg25[%swap3A_392, %swap3A_393, %swap3A_394], %swap3A_397 {strides = array<i32>} : memref<128x4x16xf32, #tpu.memory_space<vmem>>, vector<1x1x16xf32>,
        %mul3A_398 = arith.constant 4 : i32
        %mul3A_399 = arith.muli %scan3A_321, %mul3A_398 : i32
        %add3A_400 = arith.constant 1 : i32
        %add3A_401 = arith.addi %mul3A_399, %add3A_400 : i32
        %get3A_402 = arith.index_cast %add3A_401 : i32 to index
        %get3A_403 = arith.constant 0 : index
        %get3A_404 = tpu.vector_load %arg17[%get3A_402, %get3A_403] {strides = array<i32>} : memref<128x16xf32, #tpu.memory_space<vmem>>, vector<1x16xf32>,
        %get3A_405 = vector.shape_cast %get3A_404 : vector<1x16xf32> to vector<16xf32>
        %get3A_406 = arith.index_cast %add3A_401 : i32 to index
        %get3A_407 = arith.constant 0 : index
        %get3A_408 = tpu.vector_load %arg18[%get3A_406, %get3A_407] {strides = array<i32>} : memref<128x16xf32, #tpu.memory_space<vmem>>, vector<1x16xf32>,
        %get3A_409 = vector.shape_cast %get3A_408 : vector<1x16xf32> to vector<16xf32>
        %add3A_410 = arith.addf %get3A_405, %get3A_409 : vector<16xf32>
        %get3A_411 = arith.index_cast %add3A_401 : i32 to index
        %get3A_412 = arith.constant 0 : index
        %get3A_413 = tpu.vector_load %arg16[%get3A_411, %get3A_412] {strides = array<i32>} : memref<128x16xf32, #tpu.memory_space<vmem>>, vector<1x16xf32>,
        %get3A_414 = vector.shape_cast %get3A_413 : vector<1x16xf32> to vector<16xf32>
        %max3A_415 = arith.constant 9.99999996E-13 : f32
        %max3A_416 = vector.broadcast %max3A_415 : f32 to vector<16xf32>
        %max3A_417 = arith.maximumf %add3A_410, %max3A_416 : vector<16xf32>
        %div3A_418 = arith.divf %get3A_414, %max3A_417 : vector<16xf32>
        %reshape3A_419 = vector.shape_cast %shift_right_arithmetic3A_12 : vector<16xi32> to vector<16x1xi32>
        %gather3A_420 = vector.shape_cast %reshape3A_419 : vector<16x1xi32> to vector<16xi32>
        %gather3A_421 = tpu.dynamic_gather %div3A_418[%gather3A_420] in [0] : vector<16xf32>, vector<16xi32> -> vector<16xf32>
        %get3A_422 = arith.constant 0 : i32
        %get3A_423 = arith.index_cast %add3A_401 : i32 to index
        %get3A_424 = arith.index_cast %get3A_422 : i32 to index
        %get3A_425 = arith.constant 0 : index
        %get3A_426 = tpu.vector_load %arg15[%get3A_423, %get3A_424, %get3A_425] {strides = array<i32>} : memref<128x4x16xf32, #tpu.memory_space<vmem>>, vector<1x1x16xf32>,
        %get3A_427 = vector.shape_cast %get3A_426 : vector<1x1x16xf32> to vector<16xf32>
        %mul3A_428 = arith.mulf %get3A_427, %gather3A_421 : vector<16xf32>
        %swap3A_429 = arith.constant 0 : i32
        %swap3A_430 = arith.index_cast %add3A_401 : i32 to index
        %swap3A_431 = arith.index_cast %swap3A_429 : i32 to index
        %swap3A_432 = arith.constant 0 : index
        %swap3A_433 = tpu.vector_load %arg25[%swap3A_430, %swap3A_431, %swap3A_432] {strides = array<i32>} : memref<128x4x16xf32, #tpu.memory_space<vmem>>, vector<1x1x16xf32>,
        %swap3A_434 = vector.shape_cast %swap3A_433 : vector<1x1x16xf32> to vector<16xf32>
        %swap3A_435 = vector.shape_cast %mul3A_428 : vector<16xf32> to vector<1x1x16xf32>
        tpu.vector_store %arg25[%swap3A_430, %swap3A_431, %swap3A_432], %swap3A_435 {strides = array<i32>} : memref<128x4x16xf32, #tpu.memory_space<vmem>>, vector<1x1x16xf32>,
        %get3A_436 = arith.constant 1 : i32
        %get3A_437 = arith.index_cast %add3A_401 : i32 to index
        %get3A_438 = arith.index_cast %get3A_436 : i32 to index
        %get3A_439 = arith.constant 0 : index
        %get3A_440 = tpu.vector_load %arg15[%get3A_437, %get3A_438, %get3A_439] {strides = array<i32>} : memref<128x4x16xf32, #tpu.memory_space<vmem>>, vector<1x1x16xf32>,
        %get3A_441 = vector.shape_cast %get3A_440 : vector<1x1x16xf32> to vector<16xf32>
        %mul3A_442 = arith.mulf %get3A_441, %gather3A_421 : vector<16xf32>
        %swap3A_443 = arith.constant 1 : i32
        %swap3A_444 = arith.index_cast %add3A_401 : i32 to index
        %swap3A_445 = arith.index_cast %swap3A_443 : i32 to index
        %swap3A_446 = arith.constant 0 : index
        %swap3A_447 = tpu.vector_load %arg25[%swap3A_444, %swap3A_445, %swap3A_446] {strides = array<i32>} : memref<128x4x16xf32, #tpu.memory_space<vmem>>, vector<1x1x16xf32>,
        %swap3A_448 = vector.shape_cast %swap3A_447 : vector<1x1x16xf32> to vector<16xf32>
        %swap3A_449 = vector.shape_cast %mul3A_442 : vector<16xf32> to vector<1x1x16xf32>
        tpu.vector_store %arg25[%swap3A_444, %swap3A_445, %swap3A_446], %swap3A_449 {strides = array<i32>} : memref<128x4x16xf32, #tpu.memory_space<vmem>>, vector<1x1x16xf32>,
        %get3A_450 = arith.constant 2 : i32
        %get3A_451 = arith.index_cast %add3A_401 : i32 to index
        %get3A_452 = arith.index_cast %get3A_450 : i32 to index
        %get3A_453 = arith.constant 0 : index
        %get3A_454 = tpu.vector_load %arg15[%get3A_451, %get3A_452, %get3A_453] {strides = array<i32>} : memref<128x4x16xf32, #tpu.memory_space<vmem>>, vector<1x1x16xf32>,
        %get3A_455 = vector.shape_cast %get3A_454 : vector<1x1x16xf32> to vector<16xf32>
        %mul3A_456 = arith.mulf %get3A_455, %gather3A_421 : vector<16xf32>
        %swap3A_457 = arith.constant 2 : i32
        %swap3A_458 = arith.index_cast %add3A_401 : i32 to index
        %swap3A_459 = arith.index_cast %swap3A_457 : i32 to index
        %swap3A_460 = arith.constant 0 : index
        %swap3A_461 = tpu.vector_load %arg25[%swap3A_458, %swap3A_459, %swap3A_460] {strides = array<i32>} : memref<128x4x16xf32, #tpu.memory_space<vmem>>, vector<1x1x16xf32>,
        %swap3A_462 = vector.shape_cast %swap3A_461 : vector<1x1x16xf32> to vector<16xf32>
        %swap3A_463 = vector.shape_cast %mul3A_456 : vector<16xf32> to vector<1x1x16xf32>
        tpu.vector_store %arg25[%swap3A_458, %swap3A_459, %swap3A_460], %swap3A_463 {strides = array<i32>} : memref<128x4x16xf32, #tpu.memory_space<vmem>>, vector<1x1x16xf32>,
        %get3A_464 = arith.constant 3 : i32
        %get3A_465 = arith.index_cast %add3A_401 : i32 to index
        %get3A_466 = arith.index_cast %get3A_464 : i32 to index
        %get3A_467 = arith.constant 0 : index
        %get3A_468 = tpu.vector_load %arg15[%get3A_465, %get3A_466, %get3A_467] {strides = array<i32>} : memref<128x4x16xf32, #tpu.memory_space<vmem>>, vector<1x1x16xf32>,
        %get3A_469 = vector.shape_cast %get3A_468 : vector<1x1x16xf32> to vector<16xf32>
        %mul3A_470 = arith.mulf %get3A_469, %gather3A_421 : vector<16xf32>
        %swap3A_471 = arith.constant 3 : i32
        %swap3A_472 = arith.index_cast %add3A_401 : i32 to index
        %swap3A_473 = arith.index_cast %swap3A_471 : i32 to index
        %swap3A_474 = arith.constant 0 : index
        %swap3A_475 = tpu.vector_load %arg25[%swap3A_472, %swap3A_473, %swap3A_474] {strides = array<i32>} : memref<128x4x16xf32, #tpu.memory_space<vmem>>, vector<1x1x16xf32>,
        %swap3A_476 = vector.shape_cast %swap3A_475 : vector<1x1x16xf32> to vector<16xf32>
        %swap3A_477 = vector.shape_cast %mul3A_470 : vector<16xf32> to vector<1x1x16xf32>
        tpu.vector_store %arg25[%swap3A_472, %swap3A_473, %swap3A_474], %swap3A_477 {strides = array<i32>} : memref<128x4x16xf32, #tpu.memory_space<vmem>>, vector<1x1x16xf32>,
        %mul3A_478 = arith.constant 4 : i32
        %mul3A_479 = arith.muli %scan3A_321, %mul3A_478 : i32
        %add3A_480 = arith.constant 2 : i32
        %add3A_481 = arith.addi %mul3A_479, %add3A_480 : i32
        %get3A_482 = arith.index_cast %add3A_481 : i32 to index
        %get3A_483 = arith.constant 0 : index
        %get3A_484 = tpu.vector_load %arg17[%get3A_482, %get3A_483] {strides = array<i32>} : memref<128x16xf32, #tpu.memory_space<vmem>>, vector<1x16xf32>,
        %get3A_485 = vector.shape_cast %get3A_484 : vector<1x16xf32> to vector<16xf32>
        %get3A_486 = arith.index_cast %add3A_481 : i32 to index
        %get3A_487 = arith.constant 0 : index
        %get3A_488 = tpu.vector_load %arg18[%get3A_486, %get3A_487] {strides = array<i32>} : memref<128x16xf32, #tpu.memory_space<vmem>>, vector<1x16xf32>,
        %get3A_489 = vector.shape_cast %get3A_488 : vector<1x16xf32> to vector<16xf32>
        %add3A_490 = arith.addf %get3A_485, %get3A_489 : vector<16xf32>
        %get3A_491 = arith.index_cast %add3A_481 : i32 to index
        %get3A_492 = arith.constant 0 : index
        %get3A_493 = tpu.vector_load %arg16[%get3A_491, %get3A_492] {strides = array<i32>} : memref<128x16xf32, #tpu.memory_space<vmem>>, vector<1x16xf32>,
        %get3A_494 = vector.shape_cast %get3A_493 : vector<1x16xf32> to vector<16xf32>
        %max3A_495 = arith.constant 9.99999996E-13 : f32
        %max3A_496 = vector.broadcast %max3A_495 : f32 to vector<16xf32>
        %max3A_497 = arith.maximumf %add3A_490, %max3A_496 : vector<16xf32>
        %div3A_498 = arith.divf %get3A_494, %max3A_497 : vector<16xf32>
        %reshape3A_499 = vector.shape_cast %shift_right_arithmetic3A_12 : vector<16xi32> to vector<16x1xi32>
        %gather3A_500 = vector.shape_cast %reshape3A_499 : vector<16x1xi32> to vector<16xi32>
        %gather3A_501 = tpu.dynamic_gather %div3A_498[%gather3A_500] in [0] : vector<16xf32>, vector<16xi32> -> vector<16xf32>
        %get3A_502 = arith.constant 0 : i32
        %get3A_503 = arith.index_cast %add3A_481 : i32 to index
        %get3A_504 = arith.index_cast %get3A_502 : i32 to index
        %get3A_505 = arith.constant 0 : index
        %get3A_506 = tpu.vector_load %arg15[%get3A_503, %get3A_504, %get3A_505] {strides = array<i32>} : memref<128x4x16xf32, #tpu.memory_space<vmem>>, vector<1x1x16xf32>,
        %get3A_507 = vector.shape_cast %get3A_506 : vector<1x1x16xf32> to vector<16xf32>
        %mul3A_508 = arith.mulf %get3A_507, %gather3A_501 : vector<16xf32>
        %swap3A_509 = arith.constant 0 : i32
        %swap3A_510 = arith.index_cast %add3A_481 : i32 to index
        %swap3A_511 = arith.index_cast %swap3A_509 : i32 to index
        %swap3A_512 = arith.constant 0 : index
        %swap3A_513 = tpu.vector_load %arg25[%swap3A_510, %swap3A_511, %swap3A_512] {strides = array<i32>} : memref<128x4x16xf32, #tpu.memory_space<vmem>>, vector<1x1x16xf32>,
        %swap3A_514 = vector.shape_cast %swap3A_513 : vector<1x1x16xf32> to vector<16xf32>
        %swap3A_515 = vector.shape_cast %mul3A_508 : vector<16xf32> to vector<1x1x16xf32>
        tpu.vector_store %arg25[%swap3A_510, %swap3A_511, %swap3A_512], %swap3A_515 {strides = array<i32>} : memref<128x4x16xf32, #tpu.memory_space<vmem>>, vector<1x1x16xf32>,
        %get3A_516 = arith.constant 1 : i32
        %get3A_517 = arith.index_cast %add3A_481 : i32 to index
        %get3A_518 = arith.index_cast %get3A_516 : i32 to index
        %get3A_519 = arith.constant 0 : index
        %get3A_520 = tpu.vector_load %arg15[%get3A_517, %get3A_518, %get3A_519] {strides = array<i32>} : memref<128x4x16xf32, #tpu.memory_space<vmem>>, vector<1x1x16xf32>,
        %get3A_521 = vector.shape_cast %get3A_520 : vector<1x1x16xf32> to vector<16xf32>
        %mul3A_522 = arith.mulf %get3A_521, %gather3A_501 : vector<16xf32>
        %swap3A_523 = arith.constant 1 : i32
        %swap3A_524 = arith.index_cast %add3A_481 : i32 to index
        %swap3A_525 = arith.index_cast %swap3A_523 : i32 to index
        %swap3A_526 = arith.constant 0 : index
        %swap3A_527 = tpu.vector_load %arg25[%swap3A_524, %swap3A_525, %swap3A_526] {strides = array<i32>} : memref<128x4x16xf32, #tpu.memory_space<vmem>>, vector<1x1x16xf32>,
        %swap3A_528 = vector.shape_cast %swap3A_527 : vector<1x1x16xf32> to vector<16xf32>
        %swap3A_529 = vector.shape_cast %mul3A_522 : vector<16xf32> to vector<1x1x16xf32>
        tpu.vector_store %arg25[%swap3A_524, %swap3A_525, %swap3A_526], %swap3A_529 {strides = array<i32>} : memref<128x4x16xf32, #tpu.memory_space<vmem>>, vector<1x1x16xf32>,
        %get3A_530 = arith.constant 2 : i32
        %get3A_531 = arith.index_cast %add3A_481 : i32 to index
        %get3A_532 = arith.index_cast %get3A_530 : i32 to index
        %get3A_533 = arith.constant 0 : index
        %get3A_534 = tpu.vector_load %arg15[%get3A_531, %get3A_532, %get3A_533] {strides = array<i32>} : memref<128x4x16xf32, #tpu.memory_space<vmem>>, vector<1x1x16xf32>,
        %get3A_535 = vector.shape_cast %get3A_534 : vector<1x1x16xf32> to vector<16xf32>
        %mul3A_536 = arith.mulf %get3A_535, %gather3A_501 : vector<16xf32>
        %swap3A_537 = arith.constant 2 : i32
        %swap3A_538 = arith.index_cast %add3A_481 : i32 to index
        %swap3A_539 = arith.index_cast %swap3A_537 : i32 to index
        %swap3A_540 = arith.constant 0 : index
        %swap3A_541 = tpu.vector_load %arg25[%swap3A_538, %swap3A_539, %swap3A_540] {strides = array<i32>} : memref<128x4x16xf32, #tpu.memory_space<vmem>>, vector<1x1x16xf32>,
        %swap3A_542 = vector.shape_cast %swap3A_541 : vector<1x1x16xf32> to vector<16xf32>
        %swap3A_543 = vector.shape_cast %mul3A_536 : vector<16xf32> to vector<1x1x16xf32>
        tpu.vector_store %arg25[%swap3A_538, %swap3A_539, %swap3A_540], %swap3A_543 {strides = array<i32>} : memref<128x4x16xf32, #tpu.memory_space<vmem>>, vector<1x1x16xf32>,
        %get3A_544 = arith.constant 3 : i32
        %get3A_545 = arith.index_cast %add3A_481 : i32 to index
        %get3A_546 = arith.index_cast %get3A_544 : i32 to index
        %get3A_547 = arith.constant 0 : index
        %get3A_548 = tpu.vector_load %arg15[%get3A_545, %get3A_546, %get3A_547] {strides = array<i32>} : memref<128x4x16xf32, #tpu.memory_space<vmem>>, vector<1x1x16xf32>,
        %get3A_549 = vector.shape_cast %get3A_548 : vector<1x1x16xf32> to vector<16xf32>
        %mul3A_550 = arith.mulf %get3A_549, %gather3A_501 : vector<16xf32>
        %swap3A_551 = arith.constant 3 : i32
        %swap3A_552 = arith.index_cast %add3A_481 : i32 to index
        %swap3A_553 = arith.index_cast %swap3A_551 : i32 to index
        %swap3A_554 = arith.constant 0 : index
        %swap3A_555 = tpu.vector_load %arg25[%swap3A_552, %swap3A_553, %swap3A_554] {strides = array<i32>} : memref<128x4x16xf32, #tpu.memory_space<vmem>>, vector<1x1x16xf32>,
        %swap3A_556 = vector.shape_cast %swap3A_555 : vector<1x1x16xf32> to vector<16xf32>
        %swap3A_557 = vector.shape_cast %mul3A_550 : vector<16xf32> to vector<1x1x16xf32>
        tpu.vector_store %arg25[%swap3A_552, %swap3A_553, %swap3A_554], %swap3A_557 {strides = array<i32>} : memref<128x4x16xf32, #tpu.memory_space<vmem>>, vector<1x1x16xf32>,
        %mul3A_558 = arith.constant 4 : i32
        %mul3A_559 = arith.muli %scan3A_321, %mul3A_558 : i32
        %add3A_560 = arith.constant 3 : i32
        %add3A_561 = arith.addi %mul3A_559, %add3A_560 : i32
        %get3A_562 = arith.index_cast %add3A_561 : i32 to index
        %get3A_563 = arith.constant 0 : index
        %get3A_564 = tpu.vector_load %arg17[%get3A_562, %get3A_563] {strides = array<i32>} : memref<128x16xf32, #tpu.memory_space<vmem>>, vector<1x16xf32>,
        %get3A_565 = vector.shape_cast %get3A_564 : vector<1x16xf32> to vector<16xf32>
        %get3A_566 = arith.index_cast %add3A_561 : i32 to index
        %get3A_567 = arith.constant 0 : index
        %get3A_568 = tpu.vector_load %arg18[%get3A_566, %get3A_567] {strides = array<i32>} : memref<128x16xf32, #tpu.memory_space<vmem>>, vector<1x16xf32>,
        %get3A_569 = vector.shape_cast %get3A_568 : vector<1x16xf32> to vector<16xf32>
        %add3A_570 = arith.addf %get3A_565, %get3A_569 : vector<16xf32>
        %get3A_571 = arith.index_cast %add3A_561 : i32 to index
        %get3A_572 = arith.constant 0 : index
        %get3A_573 = tpu.vector_load %arg16[%get3A_571, %get3A_572] {strides = array<i32>} : memref<128x16xf32, #tpu.memory_space<vmem>>, vector<1x16xf32>,
        %get3A_574 = vector.shape_cast %get3A_573 : vector<1x16xf32> to vector<16xf32>
        %max3A_575 = arith.constant 9.99999996E-13 : f32
        %max3A_576 = vector.broadcast %max3A_575 : f32 to vector<16xf32>
        %max3A_577 = arith.maximumf %add3A_570, %max3A_576 : vector<16xf32>
        %div3A_578 = arith.divf %get3A_574, %max3A_577 : vector<16xf32>
        %reshape3A_579 = vector.shape_cast %shift_right_arithmetic3A_12 : vector<16xi32> to vector<16x1xi32>
        %gather3A_580 = vector.shape_cast %reshape3A_579 : vector<16x1xi32> to vector<16xi32>
        %gather3A_581 = tpu.dynamic_gather %div3A_578[%gather3A_580] in [0] : vector<16xf32>, vector<16xi32> -> vector<16xf32>
        %get3A_582 = arith.constant 0 : i32
        %get3A_583 = arith.index_cast %add3A_561 : i32 to index
        %get3A_584 = arith.index_cast %get3A_582 : i32 to index
        %get3A_585 = arith.constant 0 : index
        %get3A_586 = tpu.vector_load %arg15[%get3A_583, %get3A_584, %get3A_585] {strides = array<i32>} : memref<128x4x16xf32, #tpu.memory_space<vmem>>, vector<1x1x16xf32>,
        %get3A_587 = vector.shape_cast %get3A_586 : vector<1x1x16xf32> to vector<16xf32>
        %mul3A_588 = arith.mulf %get3A_587, %gather3A_581 : vector<16xf32>
        %swap3A_589 = arith.constant 0 : i32
        %swap3A_590 = arith.index_cast %add3A_561 : i32 to index
        %swap3A_591 = arith.index_cast %swap3A_589 : i32 to index
        %swap3A_592 = arith.constant 0 : index
        %swap3A_593 = tpu.vector_load %arg25[%swap3A_590, %swap3A_591, %swap3A_592] {strides = array<i32>} : memref<128x4x16xf32, #tpu.memory_space<vmem>>, vector<1x1x16xf32>,
        %swap3A_594 = vector.shape_cast %swap3A_593 : vector<1x1x16xf32> to vector<16xf32>
        %swap3A_595 = vector.shape_cast %mul3A_588 : vector<16xf32> to vector<1x1x16xf32>
        tpu.vector_store %arg25[%swap3A_590, %swap3A_591, %swap3A_592], %swap3A_595 {strides = array<i32>} : memref<128x4x16xf32, #tpu.memory_space<vmem>>, vector<1x1x16xf32>,
        %get3A_596 = arith.constant 1 : i32
        %get3A_597 = arith.index_cast %add3A_561 : i32 to index
        %get3A_598 = arith.index_cast %get3A_596 : i32 to index
        %get3A_599 = arith.constant 0 : index
        %get3A_600 = tpu.vector_load %arg15[%get3A_597, %get3A_598, %get3A_599] {strides = array<i32>} : memref<128x4x16xf32, #tpu.memory_space<vmem>>, vector<1x1x16xf32>,
        %get3A_601 = vector.shape_cast %get3A_600 : vector<1x1x16xf32> to vector<16xf32>
        %mul3A_602 = arith.mulf %get3A_601, %gather3A_581 : vector<16xf32>
        %swap3A_603 = arith.constant 1 : i32
        %swap3A_604 = arith.index_cast %add3A_561 : i32 to index
        %swap3A_605 = arith.index_cast %swap3A_603 : i32 to index
        %swap3A_606 = arith.constant 0 : index
        %swap3A_607 = tpu.vector_load %arg25[%swap3A_604, %swap3A_605, %swap3A_606] {strides = array<i32>} : memref<128x4x16xf32, #tpu.memory_space<vmem>>, vector<1x1x16xf32>,
        %swap3A_608 = vector.shape_cast %swap3A_607 : vector<1x1x16xf32> to vector<16xf32>
        %swap3A_609 = vector.shape_cast %mul3A_602 : vector<16xf32> to vector<1x1x16xf32>
        tpu.vector_store %arg25[%swap3A_604, %swap3A_605, %swap3A_606], %swap3A_609 {strides = array<i32>} : memref<128x4x16xf32, #tpu.memory_space<vmem>>, vector<1x1x16xf32>,
        %get3A_610 = arith.constant 2 : i32
        %get3A_611 = arith.index_cast %add3A_561 : i32 to index
        %get3A_612 = arith.index_cast %get3A_610 : i32 to index
        %get3A_613 = arith.constant 0 : index
        %get3A_614 = tpu.vector_load %arg15[%get3A_611, %get3A_612, %get3A_613] {strides = array<i32>} : memref<128x4x16xf32, #tpu.memory_space<vmem>>, vector<1x1x16xf32>,
        %get3A_615 = vector.shape_cast %get3A_614 : vector<1x1x16xf32> to vector<16xf32>
        %mul3A_616 = arith.mulf %get3A_615, %gather3A_581 : vector<16xf32>
        %swap3A_617 = arith.constant 2 : i32
        %swap3A_618 = arith.index_cast %add3A_561 : i32 to index
        %swap3A_619 = arith.index_cast %swap3A_617 : i32 to index
        %swap3A_620 = arith.constant 0 : index
        %swap3A_621 = tpu.vector_load %arg25[%swap3A_618, %swap3A_619, %swap3A_620] {strides = array<i32>} : memref<128x4x16xf32, #tpu.memory_space<vmem>>, vector<1x1x16xf32>,
        %swap3A_622 = vector.shape_cast %swap3A_621 : vector<1x1x16xf32> to vector<16xf32>
        %swap3A_623 = vector.shape_cast %mul3A_616 : vector<16xf32> to vector<1x1x16xf32>
        tpu.vector_store %arg25[%swap3A_618, %swap3A_619, %swap3A_620], %swap3A_623 {strides = array<i32>} : memref<128x4x16xf32, #tpu.memory_space<vmem>>, vector<1x1x16xf32>,
        %get3A_624 = arith.constant 3 : i32
        %get3A_625 = arith.index_cast %add3A_561 : i32 to index
        %get3A_626 = arith.index_cast %get3A_624 : i32 to index
        %get3A_627 = arith.constant 0 : index
        %get3A_628 = tpu.vector_load %arg15[%get3A_625, %get3A_626, %get3A_627] {strides = array<i32>} : memref<128x4x16xf32, #tpu.memory_space<vmem>>, vector<1x1x16xf32>,
        %get3A_629 = vector.shape_cast %get3A_628 : vector<1x1x16xf32> to vector<16xf32>
        %mul3A_630 = arith.mulf %get3A_629, %gather3A_581 : vector<16xf32>
        %swap3A_631 = arith.constant 3 : i32
        %swap3A_632 = arith.index_cast %add3A_561 : i32 to index
        %swap3A_633 = arith.index_cast %swap3A_631 : i32 to index
        %swap3A_634 = arith.constant 0 : index
        %swap3A_635 = tpu.vector_load %arg25[%swap3A_632, %swap3A_633, %swap3A_634] {strides = array<i32>} : memref<128x4x16xf32, #tpu.memory_space<vmem>>, vector<1x1x16xf32>,
        %swap3A_636 = vector.shape_cast %swap3A_635 : vector<1x1x16xf32> to vector<16xf32>
        %swap3A_637 = vector.shape_cast %mul3A_630 : vector<16xf32> to vector<1x1x16xf32>
        tpu.vector_store %arg25[%swap3A_632, %swap3A_633, %swap3A_634], %swap3A_637 {strides = array<i32>} : memref<128x4x16xf32, #tpu.memory_space<vmem>>, vector<1x1x16xf32>,
      }
      %scan3A_166 = arith.constant 32 : i32
      %get3A = arith.constant 0 : index
      %get3A_167 = tpu.vector_load %arg13[%get3A] {strides = array<i32>} : memref<128xi32, #tpu.memory_space<vmem>>, vector<16xi32>,
      %get3A_168 = vector.shape_cast %get3A_167 : vector<16xi32> to vector<16xi32>
      %swap3A = arith.constant 0 : index
      %swap3A_169 = tpu.vector_load %arg27[%swap3A] {strides = array<i32>} : memref<128xi32, #tpu.memory_space<vmem>>, vector<16xi32>,
      %swap3A_170 = vector.shape_cast %swap3A_169 : vector<16xi32> to vector<16xi32>
      %swap3A_171 = vector.shape_cast %get3A_168 : vector<16xi32> to vector<16xi32>
      tpu.vector_store %arg27[%swap3A], %swap3A_171 {strides = array<i32>} : memref<128xi32, #tpu.memory_space<vmem>>, vector<16xi32>,
      %get3A_172 = arith.constant 16 : index
      %get3A_173 = tpu.vector_load %arg13[%get3A_172] {strides = array<i32>} : memref<128xi32, #tpu.memory_space<vmem>>, vector<16xi32>,
      %get3A_174 = vector.shape_cast %get3A_173 : vector<16xi32> to vector<16xi32>
      %swap3A_175 = arith.constant 16 : index
      %swap3A_176 = tpu.vector_load %arg27[%swap3A_175] {strides = array<i32>} : memref<128xi32, #tpu.memory_space<vmem>>, vector<16xi32>,
      %swap3A_177 = vector.shape_cast %swap3A_176 : vector<16xi32> to vector<16xi32>
      %swap3A_178 = vector.shape_cast %get3A_174 : vector<16xi32> to vector<16xi32>
      tpu.vector_store %arg27[%swap3A_175], %swap3A_178 {strides = array<i32>} : memref<128xi32, #tpu.memory_space<vmem>>, vector<16xi32>,
      %get3A_179 = arith.constant 32 : index
      %get3A_180 = tpu.vector_load %arg13[%get3A_179] {strides = array<i32>} : memref<128xi32, #tpu.memory_space<vmem>>, vector<16xi32>,
      %get3A_181 = vector.shape_cast %get3A_180 : vector<16xi32> to vector<16xi32>
      %swap3A_182 = arith.constant 32 : index
      %swap3A_183 = tpu.vector_load %arg27[%swap3A_182] {strides = array<i32>} : memref<128xi32, #tpu.memory_space<vmem>>, vector<16xi32>,
      %swap3A_184 = vector.shape_cast %swap3A_183 : vector<16xi32> to vector<16xi32>
      %swap3A_185 = vector.shape_cast %get3A_181 : vector<16xi32> to vector<16xi32>
      tpu.vector_store %arg27[%swap3A_182], %swap3A_185 {strides = array<i32>} : memref<128xi32, #tpu.memory_space<vmem>>, vector<16xi32>,
      %get3A_186 = arith.constant 48 : index
      %get3A_187 = tpu.vector_load %arg13[%get3A_186] {strides = array<i32>} : memref<128xi32, #tpu.memory_space<vmem>>, vector<16xi32>,
      %get3A_188 = vector.shape_cast %get3A_187 : vector<16xi32> to vector<16xi32>
      %swap3A_189 = arith.constant 48 : index
      %swap3A_190 = tpu.vector_load %arg27[%swap3A_189] {strides = array<i32>} : memref<128xi32, #tpu.memory_space<vmem>>, vector<16xi32>,
      %swap3A_191 = vector.shape_cast %swap3A_190 : vector<16xi32> to vector<16xi32>
      %swap3A_192 = vector.shape_cast %get3A_188 : vector<16xi32> to vector<16xi32>
      tpu.vector_store %arg27[%swap3A_189], %swap3A_192 {strides = array<i32>} : memref<128xi32, #tpu.memory_space<vmem>>, vector<16xi32>,
      %get3A_193 = arith.constant 64 : index
      %get3A_194 = tpu.vector_load %arg13[%get3A_193] {strides = array<i32>} : memref<128xi32, #tpu.memory_space<vmem>>, vector<16xi32>,
      %get3A_195 = vector.shape_cast %get3A_194 : vector<16xi32> to vector<16xi32>
      %swap3A_196 = arith.constant 64 : index
      %swap3A_197 = tpu.vector_load %arg27[%swap3A_196] {strides = array<i32>} : memref<128xi32, #tpu.memory_space<vmem>>, vector<16xi32>,
      %swap3A_198 = vector.shape_cast %swap3A_197 : vector<16xi32> to vector<16xi32>
      %swap3A_199 = vector.shape_cast %get3A_195 : vector<16xi32> to vector<16xi32>
      tpu.vector_store %arg27[%swap3A_196], %swap3A_199 {strides = array<i32>} : memref<128xi32, #tpu.memory_space<vmem>>, vector<16xi32>,
      %get3A_200 = arith.constant 80 : index
      %get3A_201 = tpu.vector_load %arg13[%get3A_200] {strides = array<i32>} : memref<128xi32, #tpu.memory_space<vmem>>, vector<16xi32>,
      %get3A_202 = vector.shape_cast %get3A_201 : vector<16xi32> to vector<16xi32>
      %swap3A_203 = arith.constant 80 : index
      %swap3A_204 = tpu.vector_load %arg27[%swap3A_203] {strides = array<i32>} : memref<128xi32, #tpu.memory_space<vmem>>, vector<16xi32>,
      %swap3A_205 = vector.shape_cast %swap3A_204 : vector<16xi32> to vector<16xi32>
      %swap3A_206 = vector.shape_cast %get3A_202 : vector<16xi32> to vector<16xi32>
      tpu.vector_store %arg27[%swap3A_203], %swap3A_206 {strides = array<i32>} : memref<128xi32, #tpu.memory_space<vmem>>, vector<16xi32>,
      %get3A_207 = arith.constant 96 : index
      %get3A_208 = tpu.vector_load %arg13[%get3A_207] {strides = array<i32>} : memref<128xi32, #tpu.memory_space<vmem>>, vector<16xi32>,
      %get3A_209 = vector.shape_cast %get3A_208 : vector<16xi32> to vector<16xi32>
      %swap3A_210 = arith.constant 96 : index
      %swap3A_211 = tpu.vector_load %arg27[%swap3A_210] {strides = array<i32>} : memref<128xi32, #tpu.memory_space<vmem>>, vector<16xi32>,
      %swap3A_212 = vector.shape_cast %swap3A_211 : vector<16xi32> to vector<16xi32>
      %swap3A_213 = vector.shape_cast %get3A_209 : vector<16xi32> to vector<16xi32>
      tpu.vector_store %arg27[%swap3A_210], %swap3A_213 {strides = array<i32>} : memref<128xi32, #tpu.memory_space<vmem>>, vector<16xi32>,
      %get3A_214 = arith.constant 112 : index
      %get3A_215 = tpu.vector_load %arg13[%get3A_214] {strides = array<i32>} : memref<128xi32, #tpu.memory_space<vmem>>, vector<16xi32>,
      %get3A_216 = vector.shape_cast %get3A_215 : vector<16xi32> to vector<16xi32>
      %swap3A_217 = arith.constant 112 : index
      %swap3A_218 = tpu.vector_load %arg27[%swap3A_217] {strides = array<i32>} : memref<128xi32, #tpu.memory_space<vmem>>, vector<16xi32>,
      %swap3A_219 = vector.shape_cast %swap3A_218 : vector<16xi32> to vector<16xi32>
      %swap3A_220 = vector.shape_cast %get3A_216 : vector<16xi32> to vector<16xi32>
      tpu.vector_store %arg27[%swap3A_217], %swap3A_220 {strides = array<i32>} : memref<128xi32, #tpu.memory_space<vmem>>, vector<16xi32>,
      %dma_start3A_221 = arith.constant 0 : i32
      %dma_start3A_222 = arith.constant 0 : i32
      %dma_start3A_223 = arith.constant 0 : i32
      %dma_start3A_224 = tpu.memref_slice %arg30[%dma_start3A_221, %dma_start3A_222, %dma_start3A_223] : memref<10240x4x16xf32, #tpu.memory_space<vmem_shared>> -> memref<10240x4x16xf32, #tpu.memory_space<vmem_shared>>
      tpu.enqueue_indirect_dma source(%arg25 : memref<128x4x16xf32, #tpu.memory_space<vmem>>) target(%dma_start3A_224 : memref<10240x4x16xf32, #tpu.memory_space<vmem_shared>>) offsets(%arg27 : memref<128xi32, #tpu.memory_space<vmem>>) semaphore(%arg33 : memref<!tpu.dma_semaphore, #tpu.memory_space<semaphore_mem>>) {add = true}
      %lt3A = arith.constant 39 : i32
      %lt3A_225 = arith.cmpi slt, %scan3A_114, %lt3A : i32
      %convert_element_type3A_226 = arith.extui %lt3A_225 : i1 to i32
      %cond3A_227 = arith.constant 0 : i32
      %cond3A_228 = arith.cmpi ne, %convert_element_type3A_226, %cond3A_227 : i32
      scf.if %cond3A_228 {
        %add3A_321 = arith.constant 2 : i32
        %add3A_322 = arith.addi %mul3A_116, %add3A_321 : i32
        %mul3A_323 = arith.constant 10240 : i32
        %mul3A_324 = arith.muli %add3A, %mul3A_323 : i32
        %mul3A_325 = arith.constant 128 : i32
        %mul3A_326 = arith.muli %add3A_322, %mul3A_325 : i32
        %add3A_327 = arith.addi %mul3A_324, %mul3A_326 : i32
        "tpu.region"() ({
          %run_scoped3A = tpu.sem_alloc : memref<!tpu.dma_semaphore, #tpu.memory_space<semaphore_mem>>
          %dma_start3A_342 = tpu.memref_slice %arg2[%add3A_327] : memref<327680xi32, #tpu.memory_space<hbm>> -> memref<128xi32, #tpu.memory_space<hbm>>
          %dma_start3A_343 = tpu.memref_slice %arg2[%add3A_327] : memref<327680xi32, #tpu.memory_space<hbm>> -> memref<128xi32, #tpu.memory_space<hbm>>
          tpu.enqueue_dma source(%dma_start3A_343 : memref<128xi32, #tpu.memory_space<hbm>>) target(%arg13 : memref<128xi32, #tpu.memory_space<vmem>>) target_semaphore(%run_scoped3A : memref<!tpu.dma_semaphore, #tpu.memory_space<semaphore_mem>>)
          %dma_wait3A_344 = tpu.memref_slice %arg2[%add3A_327] : memref<327680xi32, #tpu.memory_space<hbm>> -> memref<128xi32, #tpu.memory_space<hbm>>
          %dma_wait3A_345 = tpu.memref_slice %arg2[%add3A_327] : memref<327680xi32, #tpu.memory_space<hbm>> -> memref<128xi32, #tpu.memory_space<hbm>>
          tpu.wait_dma2 semaphore(%run_scoped3A : memref<!tpu.dma_semaphore, #tpu.memory_space<semaphore_mem>>) src(%dma_wait3A_345 : memref<128xi32, #tpu.memory_space<hbm>>) dst(%arg13 : memref<128xi32, #tpu.memory_space<vmem>>)
          tpu.yield
        }) : () -> ()
        "tpu.region"() ({
          %run_scoped3A = tpu.sem_alloc : memref<!tpu.dma_semaphore, #tpu.memory_space<semaphore_mem>>
          %dma_start3A_342 = tpu.memref_slice %arg3[%add3A_327] : memref<327680xi32, #tpu.memory_space<hbm>> -> memref<128xi32, #tpu.memory_space<hbm>>
          %dma_start3A_343 = tpu.memref_slice %arg3[%add3A_327] : memref<327680xi32, #tpu.memory_space<hbm>> -> memref<128xi32, #tpu.memory_space<hbm>>
          tpu.enqueue_dma source(%dma_start3A_343 : memref<128xi32, #tpu.memory_space<hbm>>) target(%arg14 : memref<128xi32, #tpu.memory_space<vmem>>) target_semaphore(%run_scoped3A : memref<!tpu.dma_semaphore, #tpu.memory_space<semaphore_mem>>)
          %dma_wait3A_344 = tpu.memref_slice %arg3[%add3A_327] : memref<327680xi32, #tpu.memory_space<hbm>> -> memref<128xi32, #tpu.memory_space<hbm>>
          %dma_wait3A_345 = tpu.memref_slice %arg3[%add3A_327] : memref<327680xi32, #tpu.memory_space<hbm>> -> memref<128xi32, #tpu.memory_space<hbm>>
          tpu.wait_dma2 semaphore(%run_scoped3A : memref<!tpu.dma_semaphore, #tpu.memory_space<semaphore_mem>>) src(%dma_wait3A_345 : memref<128xi32, #tpu.memory_space<hbm>>) dst(%arg14 : memref<128xi32, #tpu.memory_space<vmem>>)
          tpu.yield
        }) : () -> ()
        %dma_start3A_328 = arith.constant 0 : i32
        %dma_start3A_329 = arith.constant 0 : i32
        %dma_start3A_330 = arith.constant 0 : i32
        %dma_start3A_331 = tpu.memref_slice %arg5[%dma_start3A_328, %dma_start3A_329, %dma_start3A_330] : memref<10240x4x16xf32, #tpu.memory_space<hbm>> -> memref<10240x4x16xf32, #tpu.memory_space<hbm>>
        tpu.enqueue_indirect_dma source(%dma_start3A_331 : memref<10240x4x16xf32, #tpu.memory_space<hbm>>) target(%arg15 : memref<128x4x16xf32, #tpu.memory_space<vmem>>) offsets(%arg14 : memref<128xi32, #tpu.memory_space<vmem>>) semaphore(%arg31 : memref<!tpu.dma_semaphore, #tpu.memory_space<semaphore_mem>>)
        %dma_start3A_332 = arith.constant 0 : i32
        %dma_start3A_333 = tpu.memref_slice %arg6[%add3A_327, %dma_start3A_332] : memref<327680x16xf32, #tpu.memory_space<hbm>> -> memref<128x16xf32, #tpu.memory_space<hbm>>
        %dma_start3A_334 = arith.constant 0 : i32
        %dma_start3A_335 = tpu.memref_slice %arg6[%add3A_327, %dma_start3A_334] : memref<327680x16xf32, #tpu.memory_space<hbm>> -> memref<128x16xf32, #tpu.memory_space<hbm>>
        tpu.enqueue_dma source(%dma_start3A_335 : memref<128x16xf32, #tpu.memory_space<hbm>>) target(%arg16 : memref<128x16xf32, #tpu.memory_space<vmem>>) target_semaphore(%arg31 : memref<!tpu.dma_semaphore, #tpu.memory_space<semaphore_mem>>)
        %dma_start3A_336 = arith.constant 0 : i32
        %dma_start3A_337 = arith.constant 0 : i32
        %dma_start3A_338 = tpu.memref_slice %arg7[%dma_start3A_336, %dma_start3A_337] : memref<10240x16xf32, #tpu.memory_space<hbm>> -> memref<10240x16xf32, #tpu.memory_space<hbm>>
        tpu.enqueue_indirect_dma source(%dma_start3A_338 : memref<10240x16xf32, #tpu.memory_space<hbm>>) target(%arg17 : memref<128x16xf32, #tpu.memory_space<vmem>>) offsets(%arg13 : memref<128xi32, #tpu.memory_space<vmem>>) semaphore(%arg31 : memref<!tpu.dma_semaphore, #tpu.memory_space<semaphore_mem>>)
        %dma_start3A_339 = arith.constant 0 : i32
        %dma_start3A_340 = arith.constant 0 : i32
        %dma_start3A_341 = tpu.memref_slice %arg8[%dma_start3A_339, %dma_start3A_340] : memref<10240x16xf32, #tpu.memory_space<hbm>> -> memref<10240x16xf32, #tpu.memory_space<hbm>>
        tpu.enqueue_indirect_dma source(%dma_start3A_341 : memref<10240x16xf32, #tpu.memory_space<hbm>>) target(%arg18 : memref<128x16xf32, #tpu.memory_space<vmem>>) offsets(%arg13 : memref<128xi32, #tpu.memory_space<vmem>>) semaphore(%arg31 : memref<!tpu.dma_semaphore, #tpu.memory_space<semaphore_mem>>)
      } else {
      }
      %add3A_229 = arith.constant 1 : i32
      %add3A_230 = arith.addi %mul3A_116, %add3A_229 : i32
      %mul3A_231 = arith.constant 10240 : i32
      %mul3A_232 = arith.muli %add3A, %mul3A_231 : i32
      %mul3A_233 = arith.constant 128 : i32
      %mul3A_234 = arith.muli %add3A_230, %mul3A_233 : i32
      %add3A_235 = arith.addi %mul3A_232, %mul3A_234 : i32
      %dma_wait3A_236 = arith.constant 0 : i32
      %dma_wait3A_237 = arith.constant 0 : i32
      %dma_wait3A_238 = arith.constant 0 : i32
      %dma_wait3A_239 = tpu.memref_slice %arg5[%dma_wait3A_236, %dma_wait3A_237, %dma_wait3A_238] : memref<10240x4x16xf32, #tpu.memory_space<hbm>> -> memref<10240x4x16xf32, #tpu.memory_space<hbm>>
      tpu.wait_indirect_dma semaphore(%arg32 : memref<!tpu.dma_semaphore, #tpu.memory_space<semaphore_mem>>) src(%dma_wait3A_239 : memref<10240x4x16xf32, #tpu.memory_space<hbm>>) dst(%arg21 : memref<128x4x16xf32, #tpu.memory_space<vmem>>)
      %dma_wait3A_240 = arith.constant 0 : i32
      %dma_wait3A_241 = tpu.memref_slice %arg6[%add3A_235, %dma_wait3A_240] : memref<327680x16xf32, #tpu.memory_space<hbm>> -> memref<128x16xf32, #tpu.memory_space<hbm>>
      %dma_wait3A_242 = arith.constant 0 : i32
      %dma_wait3A_243 = tpu.memref_slice %arg6[%add3A_235, %dma_wait3A_242] : memref<327680x16xf32, #tpu.memory_space<hbm>> -> memref<128x16xf32, #tpu.memory_space<hbm>>
      tpu.wait_dma2 semaphore(%arg32 : memref<!tpu.dma_semaphore, #tpu.memory_space<semaphore_mem>>) src(%dma_wait3A_243 : memref<128x16xf32, #tpu.memory_space<hbm>>) dst(%arg22 : memref<128x16xf32, #tpu.memory_space<vmem>>)
      %dma_wait3A_244 = arith.constant 0 : i32
      %dma_wait3A_245 = arith.constant 0 : i32
      %dma_wait3A_246 = tpu.memref_slice %arg7[%dma_wait3A_244, %dma_wait3A_245] : memref<10240x16xf32, #tpu.memory_space<hbm>> -> memref<10240x16xf32, #tpu.memory_space<hbm>>
      tpu.wait_indirect_dma semaphore(%arg32 : memref<!tpu.dma_semaphore, #tpu.memory_space<semaphore_mem>>) src(%dma_wait3A_246 : memref<10240x16xf32, #tpu.memory_space<hbm>>) dst(%arg23 : memref<128x16xf32, #tpu.memory_space<vmem>>)
      %dma_wait3A_247 = arith.constant 0 : i32
      %dma_wait3A_248 = arith.constant 0 : i32
      %dma_wait3A_249 = tpu.memref_slice %arg8[%dma_wait3A_247, %dma_wait3A_248] : memref<10240x16xf32, #tpu.memory_space<hbm>> -> memref<10240x16xf32, #tpu.memory_space<hbm>>
      tpu.wait_indirect_dma semaphore(%arg32 : memref<!tpu.dma_semaphore, #tpu.memory_space<semaphore_mem>>) src(%dma_wait3A_249 : memref<10240x16xf32, #tpu.memory_space<hbm>>) dst(%arg24 : memref<128x16xf32, #tpu.memory_space<vmem>>)
      %gt3A_250 = arith.constant 0 : i32
      %gt3A_251 = arith.cmpi sgt, %scan3A_114, %gt3A_250 : i32
      %convert_element_type3A_252 = arith.extui %gt3A_251 : i1 to i32
      %cond3A_253 = arith.constant 0 : i32
      %cond3A_254 = arith.cmpi ne, %convert_element_type3A_252, %cond3A_253 : i32
      scf.if %cond3A_254 {
        %dma_wait3A_321 = arith.constant 0 : i32
        %dma_wait3A_322 = arith.constant 0 : i32
        %dma_wait3A_323 = arith.constant 0 : i32
        %dma_wait3A_324 = tpu.memref_slice %arg30[%dma_wait3A_321, %dma_wait3A_322, %dma_wait3A_323] : memref<10240x4x16xf32, #tpu.memory_space<vmem_shared>> -> memref<10240x4x16xf32, #tpu.memory_space<vmem_shared>>
        tpu.wait_indirect_dma semaphore(%arg34 : memref<!tpu.dma_semaphore, #tpu.memory_space<semaphore_mem>>) src(%arg26 : memref<128x4x16xf32, #tpu.memory_space<vmem>>) dst(%dma_wait3A_324 : memref<10240x4x16xf32, #tpu.memory_space<vmem_shared>>)
      } else {
      }
      %scan3A_255 = arith.constant 0 : i32
      %scan3A_256 = arith.constant 0 : i32
      %scan3A_257 = arith.constant 32 : i32
      %scan3A_258 = arith.addi %scan3A_256, %scan3A_257 : i32
      %scan3A_259 = arith.constant 1 : i32
      scf.for %scan3A_321 = %scan3A_256 to %scan3A_258 step %scan3A_259  : i32 {
        %mul3A_322 = arith.constant 4 : i32
        %mul3A_323 = arith.muli %scan3A_321, %mul3A_322 : i32
        %add3A_324 = arith.constant 0 : i32
        %add3A_325 = arith.addi %mul3A_323, %add3A_324 : i32
        %get3A_326 = arith.index_cast %add3A_325 : i32 to index
        %get3A_327 = arith.constant 0 : index
        %get3A_328 = tpu.vector_load %arg23[%get3A_326, %get3A_327] {strides = array<i32>} : memref<128x16xf32, #tpu.memory_space<vmem>>, vector<1x16xf32>,
        %get3A_329 = vector.shape_cast %get3A_328 : vector<1x16xf32> to vector<16xf32>
        %get3A_330 = arith.index_cast %add3A_325 : i32 to index
        %get3A_331 = arith.constant 0 : index
        %get3A_332 = tpu.vector_load %arg24[%get3A_330, %get3A_331] {strides = array<i32>} : memref<128x16xf32, #tpu.memory_space<vmem>>, vector<1x16xf32>,
        %get3A_333 = vector.shape_cast %get3A_332 : vector<1x16xf32> to vector<16xf32>
        %add3A_334 = arith.addf %get3A_329, %get3A_333 : vector<16xf32>
        %get3A_335 = arith.index_cast %add3A_325 : i32 to index
        %get3A_336 = arith.constant 0 : index
        %get3A_337 = tpu.vector_load %arg22[%get3A_335, %get3A_336] {strides = array<i32>} : memref<128x16xf32, #tpu.memory_space<vmem>>, vector<1x16xf32>,
        %get3A_338 = vector.shape_cast %get3A_337 : vector<1x16xf32> to vector<16xf32>
        %max3A = arith.constant 9.99999996E-13 : f32
        %max3A_339 = vector.broadcast %max3A : f32 to vector<16xf32>
        %max3A_340 = arith.maximumf %add3A_334, %max3A_339 : vector<16xf32>
        %div3A = arith.divf %get3A_338, %max3A_340 : vector<16xf32>
        %reshape3A = vector.shape_cast %shift_right_arithmetic3A_12 : vector<16xi32> to vector<16x1xi32>
        %gather3A = vector.shape_cast %reshape3A : vector<16x1xi32> to vector<16xi32>
        %gather3A_341 = tpu.dynamic_gather %div3A[%gather3A] in [0] : vector<16xf32>, vector<16xi32> -> vector<16xf32>
        %get3A_342 = arith.constant 0 : i32
        %get3A_343 = arith.index_cast %add3A_325 : i32 to index
        %get3A_344 = arith.index_cast %get3A_342 : i32 to index
        %get3A_345 = arith.constant 0 : index
        %get3A_346 = tpu.vector_load %arg21[%get3A_343, %get3A_344, %get3A_345] {strides = array<i32>} : memref<128x4x16xf32, #tpu.memory_space<vmem>>, vector<1x1x16xf32>,
        %get3A_347 = vector.shape_cast %get3A_346 : vector<1x1x16xf32> to vector<16xf32>
        %mul3A_348 = arith.mulf %get3A_347, %gather3A_341 : vector<16xf32>
        %swap3A_349 = arith.constant 0 : i32
        %swap3A_350 = arith.index_cast %add3A_325 : i32 to index
        %swap3A_351 = arith.index_cast %swap3A_349 : i32 to index
        %swap3A_352 = arith.constant 0 : index
        %swap3A_353 = tpu.vector_load %arg26[%swap3A_350, %swap3A_351, %swap3A_352] {strides = array<i32>} : memref<128x4x16xf32, #tpu.memory_space<vmem>>, vector<1x1x16xf32>,
        %swap3A_354 = vector.shape_cast %swap3A_353 : vector<1x1x16xf32> to vector<16xf32>
        %swap3A_355 = vector.shape_cast %mul3A_348 : vector<16xf32> to vector<1x1x16xf32>
        tpu.vector_store %arg26[%swap3A_350, %swap3A_351, %swap3A_352], %swap3A_355 {strides = array<i32>} : memref<128x4x16xf32, #tpu.memory_space<vmem>>, vector<1x1x16xf32>,
        %get3A_356 = arith.constant 1 : i32
        %get3A_357 = arith.index_cast %add3A_325 : i32 to index
        %get3A_358 = arith.index_cast %get3A_356 : i32 to index
        %get3A_359 = arith.constant 0 : index
        %get3A_360 = tpu.vector_load %arg21[%get3A_357, %get3A_358, %get3A_359] {strides = array<i32>} : memref<128x4x16xf32, #tpu.memory_space<vmem>>, vector<1x1x16xf32>,
        %get3A_361 = vector.shape_cast %get3A_360 : vector<1x1x16xf32> to vector<16xf32>
        %mul3A_362 = arith.mulf %get3A_361, %gather3A_341 : vector<16xf32>
        %swap3A_363 = arith.constant 1 : i32
        %swap3A_364 = arith.index_cast %add3A_325 : i32 to index
        %swap3A_365 = arith.index_cast %swap3A_363 : i32 to index
        %swap3A_366 = arith.constant 0 : index
        %swap3A_367 = tpu.vector_load %arg26[%swap3A_364, %swap3A_365, %swap3A_366] {strides = array<i32>} : memref<128x4x16xf32, #tpu.memory_space<vmem>>, vector<1x1x16xf32>,
        %swap3A_368 = vector.shape_cast %swap3A_367 : vector<1x1x16xf32> to vector<16xf32>
        %swap3A_369 = vector.shape_cast %mul3A_362 : vector<16xf32> to vector<1x1x16xf32>
        tpu.vector_store %arg26[%swap3A_364, %swap3A_365, %swap3A_366], %swap3A_369 {strides = array<i32>} : memref<128x4x16xf32, #tpu.memory_space<vmem>>, vector<1x1x16xf32>,
        %get3A_370 = arith.constant 2 : i32
        %get3A_371 = arith.index_cast %add3A_325 : i32 to index
        %get3A_372 = arith.index_cast %get3A_370 : i32 to index
        %get3A_373 = arith.constant 0 : index
        %get3A_374 = tpu.vector_load %arg21[%get3A_371, %get3A_372, %get3A_373] {strides = array<i32>} : memref<128x4x16xf32, #tpu.memory_space<vmem>>, vector<1x1x16xf32>,
        %get3A_375 = vector.shape_cast %get3A_374 : vector<1x1x16xf32> to vector<16xf32>
        %mul3A_376 = arith.mulf %get3A_375, %gather3A_341 : vector<16xf32>
        %swap3A_377 = arith.constant 2 : i32
        %swap3A_378 = arith.index_cast %add3A_325 : i32 to index
        %swap3A_379 = arith.index_cast %swap3A_377 : i32 to index
        %swap3A_380 = arith.constant 0 : index
        %swap3A_381 = tpu.vector_load %arg26[%swap3A_378, %swap3A_379, %swap3A_380] {strides = array<i32>} : memref<128x4x16xf32, #tpu.memory_space<vmem>>, vector<1x1x16xf32>,
        %swap3A_382 = vector.shape_cast %swap3A_381 : vector<1x1x16xf32> to vector<16xf32>
        %swap3A_383 = vector.shape_cast %mul3A_376 : vector<16xf32> to vector<1x1x16xf32>
        tpu.vector_store %arg26[%swap3A_378, %swap3A_379, %swap3A_380], %swap3A_383 {strides = array<i32>} : memref<128x4x16xf32, #tpu.memory_space<vmem>>, vector<1x1x16xf32>,
        %get3A_384 = arith.constant 3 : i32
        %get3A_385 = arith.index_cast %add3A_325 : i32 to index
        %get3A_386 = arith.index_cast %get3A_384 : i32 to index
        %get3A_387 = arith.constant 0 : index
        %get3A_388 = tpu.vector_load %arg21[%get3A_385, %get3A_386, %get3A_387] {strides = array<i32>} : memref<128x4x16xf32, #tpu.memory_space<vmem>>, vector<1x1x16xf32>,
        %get3A_389 = vector.shape_cast %get3A_388 : vector<1x1x16xf32> to vector<16xf32>
        %mul3A_390 = arith.mulf %get3A_389, %gather3A_341 : vector<16xf32>
        %swap3A_391 = arith.constant 3 : i32
        %swap3A_392 = arith.index_cast %add3A_325 : i32 to index
        %swap3A_393 = arith.index_cast %swap3A_391 : i32 to index
        %swap3A_394 = arith.constant 0 : index
        %swap3A_395 = tpu.vector_load %arg26[%swap3A_392, %swap3A_393, %swap3A_394] {strides = array<i32>} : memref<128x4x16xf32, #tpu.memory_space<vmem>>, vector<1x1x16xf32>,
        %swap3A_396 = vector.shape_cast %swap3A_395 : vector<1x1x16xf32> to vector<16xf32>
        %swap3A_397 = vector.shape_cast %mul3A_390 : vector<16xf32> to vector<1x1x16xf32>
        tpu.vector_store %arg26[%swap3A_392, %swap3A_393, %swap3A_394], %swap3A_397 {strides = array<i32>} : memref<128x4x16xf32, #tpu.memory_space<vmem>>, vector<1x1x16xf32>,
        %mul3A_398 = arith.constant 4 : i32
        %mul3A_399 = arith.muli %scan3A_321, %mul3A_398 : i32
        %add3A_400 = arith.constant 1 : i32
        %add3A_401 = arith.addi %mul3A_399, %add3A_400 : i32
        %get3A_402 = arith.index_cast %add3A_401 : i32 to index
        %get3A_403 = arith.constant 0 : index
        %get3A_404 = tpu.vector_load %arg23[%get3A_402, %get3A_403] {strides = array<i32>} : memref<128x16xf32, #tpu.memory_space<vmem>>, vector<1x16xf32>,
        %get3A_405 = vector.shape_cast %get3A_404 : vector<1x16xf32> to vector<16xf32>
        %get3A_406 = arith.index_cast %add3A_401 : i32 to index
        %get3A_407 = arith.constant 0 : index
        %get3A_408 = tpu.vector_load %arg24[%get3A_406, %get3A_407] {strides = array<i32>} : memref<128x16xf32, #tpu.memory_space<vmem>>, vector<1x16xf32>,
        %get3A_409 = vector.shape_cast %get3A_408 : vector<1x16xf32> to vector<16xf32>
        %add3A_410 = arith.addf %get3A_405, %get3A_409 : vector<16xf32>
        %get3A_411 = arith.index_cast %add3A_401 : i32 to index
        %get3A_412 = arith.constant 0 : index
        %get3A_413 = tpu.vector_load %arg22[%get3A_411, %get3A_412] {strides = array<i32>} : memref<128x16xf32, #tpu.memory_space<vmem>>, vector<1x16xf32>,
        %get3A_414 = vector.shape_cast %get3A_413 : vector<1x16xf32> to vector<16xf32>
        %max3A_415 = arith.constant 9.99999996E-13 : f32
        %max3A_416 = vector.broadcast %max3A_415 : f32 to vector<16xf32>
        %max3A_417 = arith.maximumf %add3A_410, %max3A_416 : vector<16xf32>
        %div3A_418 = arith.divf %get3A_414, %max3A_417 : vector<16xf32>
        %reshape3A_419 = vector.shape_cast %shift_right_arithmetic3A_12 : vector<16xi32> to vector<16x1xi32>
        %gather3A_420 = vector.shape_cast %reshape3A_419 : vector<16x1xi32> to vector<16xi32>
        %gather3A_421 = tpu.dynamic_gather %div3A_418[%gather3A_420] in [0] : vector<16xf32>, vector<16xi32> -> vector<16xf32>
        %get3A_422 = arith.constant 0 : i32
        %get3A_423 = arith.index_cast %add3A_401 : i32 to index
        %get3A_424 = arith.index_cast %get3A_422 : i32 to index
        %get3A_425 = arith.constant 0 : index
        %get3A_426 = tpu.vector_load %arg21[%get3A_423, %get3A_424, %get3A_425] {strides = array<i32>} : memref<128x4x16xf32, #tpu.memory_space<vmem>>, vector<1x1x16xf32>,
        %get3A_427 = vector.shape_cast %get3A_426 : vector<1x1x16xf32> to vector<16xf32>
        %mul3A_428 = arith.mulf %get3A_427, %gather3A_421 : vector<16xf32>
        %swap3A_429 = arith.constant 0 : i32
        %swap3A_430 = arith.index_cast %add3A_401 : i32 to index
        %swap3A_431 = arith.index_cast %swap3A_429 : i32 to index
        %swap3A_432 = arith.constant 0 : index
        %swap3A_433 = tpu.vector_load %arg26[%swap3A_430, %swap3A_431, %swap3A_432] {strides = array<i32>} : memref<128x4x16xf32, #tpu.memory_space<vmem>>, vector<1x1x16xf32>,
        %swap3A_434 = vector.shape_cast %swap3A_433 : vector<1x1x16xf32> to vector<16xf32>
        %swap3A_435 = vector.shape_cast %mul3A_428 : vector<16xf32> to vector<1x1x16xf32>
        tpu.vector_store %arg26[%swap3A_430, %swap3A_431, %swap3A_432], %swap3A_435 {strides = array<i32>} : memref<128x4x16xf32, #tpu.memory_space<vmem>>, vector<1x1x16xf32>,
        %get3A_436 = arith.constant 1 : i32
        %get3A_437 = arith.index_cast %add3A_401 : i32 to index
        %get3A_438 = arith.index_cast %get3A_436 : i32 to index
        %get3A_439 = arith.constant 0 : index
        %get3A_440 = tpu.vector_load %arg21[%get3A_437, %get3A_438, %get3A_439] {strides = array<i32>} : memref<128x4x16xf32, #tpu.memory_space<vmem>>, vector<1x1x16xf32>,
        %get3A_441 = vector.shape_cast %get3A_440 : vector<1x1x16xf32> to vector<16xf32>
        %mul3A_442 = arith.mulf %get3A_441, %gather3A_421 : vector<16xf32>
        %swap3A_443 = arith.constant 1 : i32
        %swap3A_444 = arith.index_cast %add3A_401 : i32 to index
        %swap3A_445 = arith.index_cast %swap3A_443 : i32 to index
        %swap3A_446 = arith.constant 0 : index
        %swap3A_447 = tpu.vector_load %arg26[%swap3A_444, %swap3A_445, %swap3A_446] {strides = array<i32>} : memref<128x4x16xf32, #tpu.memory_space<vmem>>, vector<1x1x16xf32>,
        %swap3A_448 = vector.shape_cast %swap3A_447 : vector<1x1x16xf32> to vector<16xf32>
        %swap3A_449 = vector.shape_cast %mul3A_442 : vector<16xf32> to vector<1x1x16xf32>
        tpu.vector_store %arg26[%swap3A_444, %swap3A_445, %swap3A_446], %swap3A_449 {strides = array<i32>} : memref<128x4x16xf32, #tpu.memory_space<vmem>>, vector<1x1x16xf32>,
        %get3A_450 = arith.constant 2 : i32
        %get3A_451 = arith.index_cast %add3A_401 : i32 to index
        %get3A_452 = arith.index_cast %get3A_450 : i32 to index
        %get3A_453 = arith.constant 0 : index
        %get3A_454 = tpu.vector_load %arg21[%get3A_451, %get3A_452, %get3A_453] {strides = array<i32>} : memref<128x4x16xf32, #tpu.memory_space<vmem>>, vector<1x1x16xf32>,
        %get3A_455 = vector.shape_cast %get3A_454 : vector<1x1x16xf32> to vector<16xf32>
        %mul3A_456 = arith.mulf %get3A_455, %gather3A_421 : vector<16xf32>
        %swap3A_457 = arith.constant 2 : i32
        %swap3A_458 = arith.index_cast %add3A_401 : i32 to index
        %swap3A_459 = arith.index_cast %swap3A_457 : i32 to index
        %swap3A_460 = arith.constant 0 : index
        %swap3A_461 = tpu.vector_load %arg26[%swap3A_458, %swap3A_459, %swap3A_460] {strides = array<i32>} : memref<128x4x16xf32, #tpu.memory_space<vmem>>, vector<1x1x16xf32>,
        %swap3A_462 = vector.shape_cast %swap3A_461 : vector<1x1x16xf32> to vector<16xf32>
        %swap3A_463 = vector.shape_cast %mul3A_456 : vector<16xf32> to vector<1x1x16xf32>
        tpu.vector_store %arg26[%swap3A_458, %swap3A_459, %swap3A_460], %swap3A_463 {strides = array<i32>} : memref<128x4x16xf32, #tpu.memory_space<vmem>>, vector<1x1x16xf32>,
        %get3A_464 = arith.constant 3 : i32
        %get3A_465 = arith.index_cast %add3A_401 : i32 to index
        %get3A_466 = arith.index_cast %get3A_464 : i32 to index
        %get3A_467 = arith.constant 0 : index
        %get3A_468 = tpu.vector_load %arg21[%get3A_465, %get3A_466, %get3A_467] {strides = array<i32>} : memref<128x4x16xf32, #tpu.memory_space<vmem>>, vector<1x1x16xf32>,
        %get3A_469 = vector.shape_cast %get3A_468 : vector<1x1x16xf32> to vector<16xf32>
        %mul3A_470 = arith.mulf %get3A_469, %gather3A_421 : vector<16xf32>
        %swap3A_471 = arith.constant 3 : i32
        %swap3A_472 = arith.index_cast %add3A_401 : i32 to index
        %swap3A_473 = arith.index_cast %swap3A_471 : i32 to index
        %swap3A_474 = arith.constant 0 : index
        %swap3A_475 = tpu.vector_load %arg26[%swap3A_472, %swap3A_473, %swap3A_474] {strides = array<i32>} : memref<128x4x16xf32, #tpu.memory_space<vmem>>, vector<1x1x16xf32>,
        %swap3A_476 = vector.shape_cast %swap3A_475 : vector<1x1x16xf32> to vector<16xf32>
        %swap3A_477 = vector.shape_cast %mul3A_470 : vector<16xf32> to vector<1x1x16xf32>
        tpu.vector_store %arg26[%swap3A_472, %swap3A_473, %swap3A_474], %swap3A_477 {strides = array<i32>} : memref<128x4x16xf32, #tpu.memory_space<vmem>>, vector<1x1x16xf32>,
        %mul3A_478 = arith.constant 4 : i32
        %mul3A_479 = arith.muli %scan3A_321, %mul3A_478 : i32
        %add3A_480 = arith.constant 2 : i32
        %add3A_481 = arith.addi %mul3A_479, %add3A_480 : i32
        %get3A_482 = arith.index_cast %add3A_481 : i32 to index
        %get3A_483 = arith.constant 0 : index
        %get3A_484 = tpu.vector_load %arg23[%get3A_482, %get3A_483] {strides = array<i32>} : memref<128x16xf32, #tpu.memory_space<vmem>>, vector<1x16xf32>,
        %get3A_485 = vector.shape_cast %get3A_484 : vector<1x16xf32> to vector<16xf32>
        %get3A_486 = arith.index_cast %add3A_481 : i32 to index
        %get3A_487 = arith.constant 0 : index
        %get3A_488 = tpu.vector_load %arg24[%get3A_486, %get3A_487] {strides = array<i32>} : memref<128x16xf32, #tpu.memory_space<vmem>>, vector<1x16xf32>,
        %get3A_489 = vector.shape_cast %get3A_488 : vector<1x16xf32> to vector<16xf32>
        %add3A_490 = arith.addf %get3A_485, %get3A_489 : vector<16xf32>
        %get3A_491 = arith.index_cast %add3A_481 : i32 to index
        %get3A_492 = arith.constant 0 : index
        %get3A_493 = tpu.vector_load %arg22[%get3A_491, %get3A_492] {strides = array<i32>} : memref<128x16xf32, #tpu.memory_space<vmem>>, vector<1x16xf32>,
        %get3A_494 = vector.shape_cast %get3A_493 : vector<1x16xf32> to vector<16xf32>
        %max3A_495 = arith.constant 9.99999996E-13 : f32
        %max3A_496 = vector.broadcast %max3A_495 : f32 to vector<16xf32>
        %max3A_497 = arith.maximumf %add3A_490, %max3A_496 : vector<16xf32>
        %div3A_498 = arith.divf %get3A_494, %max3A_497 : vector<16xf32>
        %reshape3A_499 = vector.shape_cast %shift_right_arithmetic3A_12 : vector<16xi32> to vector<16x1xi32>
        %gather3A_500 = vector.shape_cast %reshape3A_499 : vector<16x1xi32> to vector<16xi32>
        %gather3A_501 = tpu.dynamic_gather %div3A_498[%gather3A_500] in [0] : vector<16xf32>, vector<16xi32> -> vector<16xf32>
        %get3A_502 = arith.constant 0 : i32
        %get3A_503 = arith.index_cast %add3A_481 : i32 to index
        %get3A_504 = arith.index_cast %get3A_502 : i32 to index
        %get3A_505 = arith.constant 0 : index
        %get3A_506 = tpu.vector_load %arg21[%get3A_503, %get3A_504, %get3A_505] {strides = array<i32>} : memref<128x4x16xf32, #tpu.memory_space<vmem>>, vector<1x1x16xf32>,
        %get3A_507 = vector.shape_cast %get3A_506 : vector<1x1x16xf32> to vector<16xf32>
        %mul3A_508 = arith.mulf %get3A_507, %gather3A_501 : vector<16xf32>
        %swap3A_509 = arith.constant 0 : i32
        %swap3A_510 = arith.index_cast %add3A_481 : i32 to index
        %swap3A_511 = arith.index_cast %swap3A_509 : i32 to index
        %swap3A_512 = arith.constant 0 : index
        %swap3A_513 = tpu.vector_load %arg26[%swap3A_510, %swap3A_511, %swap3A_512] {strides = array<i32>} : memref<128x4x16xf32, #tpu.memory_space<vmem>>, vector<1x1x16xf32>,
        %swap3A_514 = vector.shape_cast %swap3A_513 : vector<1x1x16xf32> to vector<16xf32>
        %swap3A_515 = vector.shape_cast %mul3A_508 : vector<16xf32> to vector<1x1x16xf32>
        tpu.vector_store %arg26[%swap3A_510, %swap3A_511, %swap3A_512], %swap3A_515 {strides = array<i32>} : memref<128x4x16xf32, #tpu.memory_space<vmem>>, vector<1x1x16xf32>,
        %get3A_516 = arith.constant 1 : i32
        %get3A_517 = arith.index_cast %add3A_481 : i32 to index
        %get3A_518 = arith.index_cast %get3A_516 : i32 to index
        %get3A_519 = arith.constant 0 : index
        %get3A_520 = tpu.vector_load %arg21[%get3A_517, %get3A_518, %get3A_519] {strides = array<i32>} : memref<128x4x16xf32, #tpu.memory_space<vmem>>, vector<1x1x16xf32>,
        %get3A_521 = vector.shape_cast %get3A_520 : vector<1x1x16xf32> to vector<16xf32>
        %mul3A_522 = arith.mulf %get3A_521, %gather3A_501 : vector<16xf32>
        %swap3A_523 = arith.constant 1 : i32
        %swap3A_524 = arith.index_cast %add3A_481 : i32 to index
        %swap3A_525 = arith.index_cast %swap3A_523 : i32 to index
        %swap3A_526 = arith.constant 0 : index
        %swap3A_527 = tpu.vector_load %arg26[%swap3A_524, %swap3A_525, %swap3A_526] {strides = array<i32>} : memref<128x4x16xf32, #tpu.memory_space<vmem>>, vector<1x1x16xf32>,
        %swap3A_528 = vector.shape_cast %swap3A_527 : vector<1x1x16xf32> to vector<16xf32>
        %swap3A_529 = vector.shape_cast %mul3A_522 : vector<16xf32> to vector<1x1x16xf32>
        tpu.vector_store %arg26[%swap3A_524, %swap3A_525, %swap3A_526], %swap3A_529 {strides = array<i32>} : memref<128x4x16xf32, #tpu.memory_space<vmem>>, vector<1x1x16xf32>,
        %get3A_530 = arith.constant 2 : i32
        %get3A_531 = arith.index_cast %add3A_481 : i32 to index
        %get3A_532 = arith.index_cast %get3A_530 : i32 to index
        %get3A_533 = arith.constant 0 : index
        %get3A_534 = tpu.vector_load %arg21[%get3A_531, %get3A_532, %get3A_533] {strides = array<i32>} : memref<128x4x16xf32, #tpu.memory_space<vmem>>, vector<1x1x16xf32>,
        %get3A_535 = vector.shape_cast %get3A_534 : vector<1x1x16xf32> to vector<16xf32>
        %mul3A_536 = arith.mulf %get3A_535, %gather3A_501 : vector<16xf32>
        %swap3A_537 = arith.constant 2 : i32
        %swap3A_538 = arith.index_cast %add3A_481 : i32 to index
        %swap3A_539 = arith.index_cast %swap3A_537 : i32 to index
        %swap3A_540 = arith.constant 0 : index
        %swap3A_541 = tpu.vector_load %arg26[%swap3A_538, %swap3A_539, %swap3A_540] {strides = array<i32>} : memref<128x4x16xf32, #tpu.memory_space<vmem>>, vector<1x1x16xf32>,
        %swap3A_542 = vector.shape_cast %swap3A_541 : vector<1x1x16xf32> to vector<16xf32>
        %swap3A_543 = vector.shape_cast %mul3A_536 : vector<16xf32> to vector<1x1x16xf32>
        tpu.vector_store %arg26[%swap3A_538, %swap3A_539, %swap3A_540], %swap3A_543 {strides = array<i32>} : memref<128x4x16xf32, #tpu.memory_space<vmem>>, vector<1x1x16xf32>,
        %get3A_544 = arith.constant 3 : i32
        %get3A_545 = arith.index_cast %add3A_481 : i32 to index
        %get3A_546 = arith.index_cast %get3A_544 : i32 to index
        %get3A_547 = arith.constant 0 : index
        %get3A_548 = tpu.vector_load %arg21[%get3A_545, %get3A_546, %get3A_547] {strides = array<i32>} : memref<128x4x16xf32, #tpu.memory_space<vmem>>, vector<1x1x16xf32>,
        %get3A_549 = vector.shape_cast %get3A_548 : vector<1x1x16xf32> to vector<16xf32>
        %mul3A_550 = arith.mulf %get3A_549, %gather3A_501 : vector<16xf32>
        %swap3A_551 = arith.constant 3 : i32
        %swap3A_552 = arith.index_cast %add3A_481 : i32 to index
        %swap3A_553 = arith.index_cast %swap3A_551 : i32 to index
        %swap3A_554 = arith.constant 0 : index
        %swap3A_555 = tpu.vector_load %arg26[%swap3A_552, %swap3A_553, %swap3A_554] {strides = array<i32>} : memref<128x4x16xf32, #tpu.memory_space<vmem>>, vector<1x1x16xf32>,
        %swap3A_556 = vector.shape_cast %swap3A_555 : vector<1x1x16xf32> to vector<16xf32>
        %swap3A_557 = vector.shape_cast %mul3A_550 : vector<16xf32> to vector<1x1x16xf32>
        tpu.vector_store %arg26[%swap3A_552, %swap3A_553, %swap3A_554], %swap3A_557 {strides = array<i32>} : memref<128x4x16xf32, #tpu.memory_space<vmem>>, vector<1x1x16xf32>,
        %mul3A_558 = arith.constant 4 : i32
        %mul3A_559 = arith.muli %scan3A_321, %mul3A_558 : i32
        %add3A_560 = arith.constant 3 : i32
        %add3A_561 = arith.addi %mul3A_559, %add3A_560 : i32
        %get3A_562 = arith.index_cast %add3A_561 : i32 to index
        %get3A_563 = arith.constant 0 : index
        %get3A_564 = tpu.vector_load %arg23[%get3A_562, %get3A_563] {strides = array<i32>} : memref<128x16xf32, #tpu.memory_space<vmem>>, vector<1x16xf32>,
        %get3A_565 = vector.shape_cast %get3A_564 : vector<1x16xf32> to vector<16xf32>
        %get3A_566 = arith.index_cast %add3A_561 : i32 to index
        %get3A_567 = arith.constant 0 : index
        %get3A_568 = tpu.vector_load %arg24[%get3A_566, %get3A_567] {strides = array<i32>} : memref<128x16xf32, #tpu.memory_space<vmem>>, vector<1x16xf32>,
        %get3A_569 = vector.shape_cast %get3A_568 : vector<1x16xf32> to vector<16xf32>
        %add3A_570 = arith.addf %get3A_565, %get3A_569 : vector<16xf32>
        %get3A_571 = arith.index_cast %add3A_561 : i32 to index
        %get3A_572 = arith.constant 0 : index
        %get3A_573 = tpu.vector_load %arg22[%get3A_571, %get3A_572] {strides = array<i32>} : memref<128x16xf32, #tpu.memory_space<vmem>>, vector<1x16xf32>,
        %get3A_574 = vector.shape_cast %get3A_573 : vector<1x16xf32> to vector<16xf32>
        %max3A_575 = arith.constant 9.99999996E-13 : f32
        %max3A_576 = vector.broadcast %max3A_575 : f32 to vector<16xf32>
        %max3A_577 = arith.maximumf %add3A_570, %max3A_576 : vector<16xf32>
        %div3A_578 = arith.divf %get3A_574, %max3A_577 : vector<16xf32>
        %reshape3A_579 = vector.shape_cast %shift_right_arithmetic3A_12 : vector<16xi32> to vector<16x1xi32>
        %gather3A_580 = vector.shape_cast %reshape3A_579 : vector<16x1xi32> to vector<16xi32>
        %gather3A_581 = tpu.dynamic_gather %div3A_578[%gather3A_580] in [0] : vector<16xf32>, vector<16xi32> -> vector<16xf32>
        %get3A_582 = arith.constant 0 : i32
        %get3A_583 = arith.index_cast %add3A_561 : i32 to index
        %get3A_584 = arith.index_cast %get3A_582 : i32 to index
        %get3A_585 = arith.constant 0 : index
        %get3A_586 = tpu.vector_load %arg21[%get3A_583, %get3A_584, %get3A_585] {strides = array<i32>} : memref<128x4x16xf32, #tpu.memory_space<vmem>>, vector<1x1x16xf32>,
        %get3A_587 = vector.shape_cast %get3A_586 : vector<1x1x16xf32> to vector<16xf32>
        %mul3A_588 = arith.mulf %get3A_587, %gather3A_581 : vector<16xf32>
        %swap3A_589 = arith.constant 0 : i32
        %swap3A_590 = arith.index_cast %add3A_561 : i32 to index
        %swap3A_591 = arith.index_cast %swap3A_589 : i32 to index
        %swap3A_592 = arith.constant 0 : index
        %swap3A_593 = tpu.vector_load %arg26[%swap3A_590, %swap3A_591, %swap3A_592] {strides = array<i32>} : memref<128x4x16xf32, #tpu.memory_space<vmem>>, vector<1x1x16xf32>,
        %swap3A_594 = vector.shape_cast %swap3A_593 : vector<1x1x16xf32> to vector<16xf32>
        %swap3A_595 = vector.shape_cast %mul3A_588 : vector<16xf32> to vector<1x1x16xf32>
        tpu.vector_store %arg26[%swap3A_590, %swap3A_591, %swap3A_592], %swap3A_595 {strides = array<i32>} : memref<128x4x16xf32, #tpu.memory_space<vmem>>, vector<1x1x16xf32>,
        %get3A_596 = arith.constant 1 : i32
        %get3A_597 = arith.index_cast %add3A_561 : i32 to index
        %get3A_598 = arith.index_cast %get3A_596 : i32 to index
        %get3A_599 = arith.constant 0 : index
        %get3A_600 = tpu.vector_load %arg21[%get3A_597, %get3A_598, %get3A_599] {strides = array<i32>} : memref<128x4x16xf32, #tpu.memory_space<vmem>>, vector<1x1x16xf32>,
        %get3A_601 = vector.shape_cast %get3A_600 : vector<1x1x16xf32> to vector<16xf32>
        %mul3A_602 = arith.mulf %get3A_601, %gather3A_581 : vector<16xf32>
        %swap3A_603 = arith.constant 1 : i32
        %swap3A_604 = arith.index_cast %add3A_561 : i32 to index
        %swap3A_605 = arith.index_cast %swap3A_603 : i32 to index
        %swap3A_606 = arith.constant 0 : index
        %swap3A_607 = tpu.vector_load %arg26[%swap3A_604, %swap3A_605, %swap3A_606] {strides = array<i32>} : memref<128x4x16xf32, #tpu.memory_space<vmem>>, vector<1x1x16xf32>,
        %swap3A_608 = vector.shape_cast %swap3A_607 : vector<1x1x16xf32> to vector<16xf32>
        %swap3A_609 = vector.shape_cast %mul3A_602 : vector<16xf32> to vector<1x1x16xf32>
        tpu.vector_store %arg26[%swap3A_604, %swap3A_605, %swap3A_606], %swap3A_609 {strides = array<i32>} : memref<128x4x16xf32, #tpu.memory_space<vmem>>, vector<1x1x16xf32>,
        %get3A_610 = arith.constant 2 : i32
        %get3A_611 = arith.index_cast %add3A_561 : i32 to index
        %get3A_612 = arith.index_cast %get3A_610 : i32 to index
        %get3A_613 = arith.constant 0 : index
        %get3A_614 = tpu.vector_load %arg21[%get3A_611, %get3A_612, %get3A_613] {strides = array<i32>} : memref<128x4x16xf32, #tpu.memory_space<vmem>>, vector<1x1x16xf32>,
        %get3A_615 = vector.shape_cast %get3A_614 : vector<1x1x16xf32> to vector<16xf32>
        %mul3A_616 = arith.mulf %get3A_615, %gather3A_581 : vector<16xf32>
        %swap3A_617 = arith.constant 2 : i32
        %swap3A_618 = arith.index_cast %add3A_561 : i32 to index
        %swap3A_619 = arith.index_cast %swap3A_617 : i32 to index
        %swap3A_620 = arith.constant 0 : index
        %swap3A_621 = tpu.vector_load %arg26[%swap3A_618, %swap3A_619, %swap3A_620] {strides = array<i32>} : memref<128x4x16xf32, #tpu.memory_space<vmem>>, vector<1x1x16xf32>,
        %swap3A_622 = vector.shape_cast %swap3A_621 : vector<1x1x16xf32> to vector<16xf32>
        %swap3A_623 = vector.shape_cast %mul3A_616 : vector<16xf32> to vector<1x1x16xf32>
        tpu.vector_store %arg26[%swap3A_618, %swap3A_619, %swap3A_620], %swap3A_623 {strides = array<i32>} : memref<128x4x16xf32, #tpu.memory_space<vmem>>, vector<1x1x16xf32>,
        %get3A_624 = arith.constant 3 : i32
        %get3A_625 = arith.index_cast %add3A_561 : i32 to index
        %get3A_626 = arith.index_cast %get3A_624 : i32 to index
        %get3A_627 = arith.constant 0 : index
        %get3A_628 = tpu.vector_load %arg21[%get3A_625, %get3A_626, %get3A_627] {strides = array<i32>} : memref<128x4x16xf32, #tpu.memory_space<vmem>>, vector<1x1x16xf32>,
        %get3A_629 = vector.shape_cast %get3A_628 : vector<1x1x16xf32> to vector<16xf32>
        %mul3A_630 = arith.mulf %get3A_629, %gather3A_581 : vector<16xf32>
        %swap3A_631 = arith.constant 3 : i32
        %swap3A_632 = arith.index_cast %add3A_561 : i32 to index
        %swap3A_633 = arith.index_cast %swap3A_631 : i32 to index
        %swap3A_634 = arith.constant 0 : index
        %swap3A_635 = tpu.vector_load %arg26[%swap3A_632, %swap3A_633, %swap3A_634] {strides = array<i32>} : memref<128x4x16xf32, #tpu.memory_space<vmem>>, vector<1x1x16xf32>,
        %swap3A_636 = vector.shape_cast %swap3A_635 : vector<1x1x16xf32> to vector<16xf32>
        %swap3A_637 = vector.shape_cast %mul3A_630 : vector<16xf32> to vector<1x1x16xf32>
        tpu.vector_store %arg26[%swap3A_632, %swap3A_633, %swap3A_634], %swap3A_637 {strides = array<i32>} : memref<128x4x16xf32, #tpu.memory_space<vmem>>, vector<1x1x16xf32>,
      }
      %scan3A_260 = arith.constant 32 : i32
      %get3A_261 = arith.constant 0 : index
      %get3A_262 = tpu.vector_load %arg19[%get3A_261] {strides = array<i32>} : memref<128xi32, #tpu.memory_space<vmem>>, vector<16xi32>,
      %get3A_263 = vector.shape_cast %get3A_262 : vector<16xi32> to vector<16xi32>
      %swap3A_264 = arith.constant 0 : index
      %swap3A_265 = tpu.vector_load %arg28[%swap3A_264] {strides = array<i32>} : memref<128xi32, #tpu.memory_space<vmem>>, vector<16xi32>,
      %swap3A_266 = vector.shape_cast %swap3A_265 : vector<16xi32> to vector<16xi32>
      %swap3A_267 = vector.shape_cast %get3A_263 : vector<16xi32> to vector<16xi32>
      tpu.vector_store %arg28[%swap3A_264], %swap3A_267 {strides = array<i32>} : memref<128xi32, #tpu.memory_space<vmem>>, vector<16xi32>,
      %get3A_268 = arith.constant 16 : index
      %get3A_269 = tpu.vector_load %arg19[%get3A_268] {strides = array<i32>} : memref<128xi32, #tpu.memory_space<vmem>>, vector<16xi32>,
      %get3A_270 = vector.shape_cast %get3A_269 : vector<16xi32> to vector<16xi32>
      %swap3A_271 = arith.constant 16 : index
      %swap3A_272 = tpu.vector_load %arg28[%swap3A_271] {strides = array<i32>} : memref<128xi32, #tpu.memory_space<vmem>>, vector<16xi32>,
      %swap3A_273 = vector.shape_cast %swap3A_272 : vector<16xi32> to vector<16xi32>
      %swap3A_274 = vector.shape_cast %get3A_270 : vector<16xi32> to vector<16xi32>
      tpu.vector_store %arg28[%swap3A_271], %swap3A_274 {strides = array<i32>} : memref<128xi32, #tpu.memory_space<vmem>>, vector<16xi32>,
      %get3A_275 = arith.constant 32 : index
      %get3A_276 = tpu.vector_load %arg19[%get3A_275] {strides = array<i32>} : memref<128xi32, #tpu.memory_space<vmem>>, vector<16xi32>,
      %get3A_277 = vector.shape_cast %get3A_276 : vector<16xi32> to vector<16xi32>
      %swap3A_278 = arith.constant 32 : index
      %swap3A_279 = tpu.vector_load %arg28[%swap3A_278] {strides = array<i32>} : memref<128xi32, #tpu.memory_space<vmem>>, vector<16xi32>,
      %swap3A_280 = vector.shape_cast %swap3A_279 : vector<16xi32> to vector<16xi32>
      %swap3A_281 = vector.shape_cast %get3A_277 : vector<16xi32> to vector<16xi32>
      tpu.vector_store %arg28[%swap3A_278], %swap3A_281 {strides = array<i32>} : memref<128xi32, #tpu.memory_space<vmem>>, vector<16xi32>,
      %get3A_282 = arith.constant 48 : index
      %get3A_283 = tpu.vector_load %arg19[%get3A_282] {strides = array<i32>} : memref<128xi32, #tpu.memory_space<vmem>>, vector<16xi32>,
      %get3A_284 = vector.shape_cast %get3A_283 : vector<16xi32> to vector<16xi32>
      %swap3A_285 = arith.constant 48 : index
      %swap3A_286 = tpu.vector_load %arg28[%swap3A_285] {strides = array<i32>} : memref<128xi32, #tpu.memory_space<vmem>>, vector<16xi32>,
      %swap3A_287 = vector.shape_cast %swap3A_286 : vector<16xi32> to vector<16xi32>
      %swap3A_288 = vector.shape_cast %get3A_284 : vector<16xi32> to vector<16xi32>
      tpu.vector_store %arg28[%swap3A_285], %swap3A_288 {strides = array<i32>} : memref<128xi32, #tpu.memory_space<vmem>>, vector<16xi32>,
      %get3A_289 = arith.constant 64 : index
      %get3A_290 = tpu.vector_load %arg19[%get3A_289] {strides = array<i32>} : memref<128xi32, #tpu.memory_space<vmem>>, vector<16xi32>,
      %get3A_291 = vector.shape_cast %get3A_290 : vector<16xi32> to vector<16xi32>
      %swap3A_292 = arith.constant 64 : index
      %swap3A_293 = tpu.vector_load %arg28[%swap3A_292] {strides = array<i32>} : memref<128xi32, #tpu.memory_space<vmem>>, vector<16xi32>,
      %swap3A_294 = vector.shape_cast %swap3A_293 : vector<16xi32> to vector<16xi32>
      %swap3A_295 = vector.shape_cast %get3A_291 : vector<16xi32> to vector<16xi32>
      tpu.vector_store %arg28[%swap3A_292], %swap3A_295 {strides = array<i32>} : memref<128xi32, #tpu.memory_space<vmem>>, vector<16xi32>,
      %get3A_296 = arith.constant 80 : index
      %get3A_297 = tpu.vector_load %arg19[%get3A_296] {strides = array<i32>} : memref<128xi32, #tpu.memory_space<vmem>>, vector<16xi32>,
      %get3A_298 = vector.shape_cast %get3A_297 : vector<16xi32> to vector<16xi32>
      %swap3A_299 = arith.constant 80 : index
      %swap3A_300 = tpu.vector_load %arg28[%swap3A_299] {strides = array<i32>} : memref<128xi32, #tpu.memory_space<vmem>>, vector<16xi32>,
      %swap3A_301 = vector.shape_cast %swap3A_300 : vector<16xi32> to vector<16xi32>
      %swap3A_302 = vector.shape_cast %get3A_298 : vector<16xi32> to vector<16xi32>
      tpu.vector_store %arg28[%swap3A_299], %swap3A_302 {strides = array<i32>} : memref<128xi32, #tpu.memory_space<vmem>>, vector<16xi32>,
      %get3A_303 = arith.constant 96 : index
      %get3A_304 = tpu.vector_load %arg19[%get3A_303] {strides = array<i32>} : memref<128xi32, #tpu.memory_space<vmem>>, vector<16xi32>,
      %get3A_305 = vector.shape_cast %get3A_304 : vector<16xi32> to vector<16xi32>
      %swap3A_306 = arith.constant 96 : index
      %swap3A_307 = tpu.vector_load %arg28[%swap3A_306] {strides = array<i32>} : memref<128xi32, #tpu.memory_space<vmem>>, vector<16xi32>,
      %swap3A_308 = vector.shape_cast %swap3A_307 : vector<16xi32> to vector<16xi32>
      %swap3A_309 = vector.shape_cast %get3A_305 : vector<16xi32> to vector<16xi32>
      tpu.vector_store %arg28[%swap3A_306], %swap3A_309 {strides = array<i32>} : memref<128xi32, #tpu.memory_space<vmem>>, vector<16xi32>,
      %get3A_310 = arith.constant 112 : index
      %get3A_311 = tpu.vector_load %arg19[%get3A_310] {strides = array<i32>} : memref<128xi32, #tpu.memory_space<vmem>>, vector<16xi32>,
      %get3A_312 = vector.shape_cast %get3A_311 : vector<16xi32> to vector<16xi32>
      %swap3A_313 = arith.constant 112 : index
      %swap3A_314 = tpu.vector_load %arg28[%swap3A_313] {strides = array<i32>} : memref<128xi32, #tpu.memory_space<vmem>>, vector<16xi32>,
      %swap3A_315 = vector.shape_cast %swap3A_314 : vector<16xi32> to vector<16xi32>
      %swap3A_316 = vector.shape_cast %get3A_312 : vector<16xi32> to vector<16xi32>
      tpu.vector_store %arg28[%swap3A_313], %swap3A_316 {strides = array<i32>} : memref<128xi32, #tpu.memory_space<vmem>>, vector<16xi32>,
      %dma_start3A_317 = arith.constant 0 : i32
      %dma_start3A_318 = arith.constant 0 : i32
      %dma_start3A_319 = arith.constant 0 : i32
      %dma_start3A_320 = tpu.memref_slice %arg30[%dma_start3A_317, %dma_start3A_318, %dma_start3A_319] : memref<10240x4x16xf32, #tpu.memory_space<vmem_shared>> -> memref<10240x4x16xf32, #tpu.memory_space<vmem_shared>>
      tpu.enqueue_indirect_dma source(%arg26 : memref<128x4x16xf32, #tpu.memory_space<vmem>>) target(%dma_start3A_320 : memref<10240x4x16xf32, #tpu.memory_space<vmem_shared>>) offsets(%arg28 : memref<128xi32, #tpu.memory_space<vmem>>) semaphore(%arg34 : memref<!tpu.dma_semaphore, #tpu.memory_space<semaphore_mem>>) {add = true}
    }
    %scan3A_92 = arith.constant 40 : i32
    %dma_wait3A_93 = arith.constant 0 : i32
    %dma_wait3A_94 = arith.constant 0 : i32
    %dma_wait3A_95 = arith.constant 0 : i32
    %dma_wait3A_96 = tpu.memref_slice %arg30[%dma_wait3A_93, %dma_wait3A_94, %dma_wait3A_95] : memref<10240x4x16xf32, #tpu.memory_space<vmem_shared>> -> memref<10240x4x16xf32, #tpu.memory_space<vmem_shared>>
    tpu.wait_indirect_dma semaphore(%arg33 : memref<!tpu.dma_semaphore, #tpu.memory_space<semaphore_mem>>) src(%arg25 : memref<128x4x16xf32, #tpu.memory_space<vmem>>) dst(%dma_wait3A_96 : memref<10240x4x16xf32, #tpu.memory_space<vmem_shared>>)
    %dma_wait3A_97 = arith.constant 0 : i32
    %dma_wait3A_98 = arith.constant 0 : i32
    %dma_wait3A_99 = arith.constant 0 : i32
    %dma_wait3A_100 = tpu.memref_slice %arg30[%dma_wait3A_97, %dma_wait3A_98, %dma_wait3A_99] : memref<10240x4x16xf32, #tpu.memory_space<vmem_shared>> -> memref<10240x4x16xf32, #tpu.memory_space<vmem_shared>>
    tpu.wait_indirect_dma semaphore(%arg34 : memref<!tpu.dma_semaphore, #tpu.memory_space<semaphore_mem>>) src(%arg26 : memref<128x4x16xf32, #tpu.memory_space<vmem>>) dst(%dma_wait3A_100 : memref<10240x4x16xf32, #tpu.memory_space<vmem_shared>>)
    %barrier3A_101 = arith.constant 0 : index
    tpu.barrier barrier_id(%barrier3A_101)
    %mul3A_102 = arith.constant 640 : i32
    %mul3A_103 = arith.muli %arg1, %mul3A_102 : i32
    "tpu.region"() ({
      %run_scoped3A = tpu.sem_alloc : memref<!tpu.dma_semaphore, #tpu.memory_space<semaphore_mem>>
      %dma_start3A_114 = arith.constant 0 : i32
      %dma_start3A_115 = arith.constant 0 : i32
      %dma_start3A_116 = tpu.memref_slice %arg30[%mul3A_103, %dma_start3A_114, %dma_start3A_115] : memref<10240x4x16xf32, #tpu.memory_space<vmem_shared>> -> memref<640x4x16xf32, #tpu.memory_space<vmem_shared>>
      %dma_start3A_117 = arith.constant 0 : i32
      %dma_start3A_118 = arith.constant 0 : i32
      %dma_start3A_119 = tpu.memref_slice %arg30[%mul3A_103, %dma_start3A_117, %dma_start3A_118] : memref<10240x4x16xf32, #tpu.memory_space<vmem_shared>> -> memref<640x4x16xf32, #tpu.memory_space<vmem_shared>>
      tpu.enqueue_dma source(%dma_start3A_119 : memref<640x4x16xf32, #tpu.memory_space<vmem_shared>>) target(%arg29 : memref<640x4x16xf32, #tpu.memory_space<vmem>>) target_semaphore(%run_scoped3A : memref<!tpu.dma_semaphore, #tpu.memory_space<semaphore_mem>>)
      %dma_wait3A_120 = arith.constant 0 : i32
      %dma_wait3A_121 = arith.constant 0 : i32
      %dma_wait3A_122 = tpu.memref_slice %arg30[%mul3A_103, %dma_wait3A_120, %dma_wait3A_121] : memref<10240x4x16xf32, #tpu.memory_space<vmem_shared>> -> memref<640x4x16xf32, #tpu.memory_space<vmem_shared>>
      %dma_wait3A_123 = arith.constant 0 : i32
      %dma_wait3A_124 = arith.constant 0 : i32
      %dma_wait3A_125 = tpu.memref_slice %arg30[%mul3A_103, %dma_wait3A_123, %dma_wait3A_124] : memref<10240x4x16xf32, #tpu.memory_space<vmem_shared>> -> memref<640x4x16xf32, #tpu.memory_space<vmem_shared>>
      tpu.wait_dma2 semaphore(%run_scoped3A : memref<!tpu.dma_semaphore, #tpu.memory_space<semaphore_mem>>) src(%dma_wait3A_125 : memref<640x4x16xf32, #tpu.memory_space<vmem_shared>>) dst(%arg29 : memref<640x4x16xf32, #tpu.memory_space<vmem>>)
      tpu.yield
    }) : () -> ()
    %eq3A_104 = arith.constant 0 : i32
    %eq3A_105 = arith.cmpi eq, %arg0, %eq3A_104 : i32
    %convert_element_type3A_106 = arith.extui %eq3A_105 : i1 to i32
    %cond3A_107 = arith.constant 0 : i32
    %cond3A_108 = arith.cmpi ne, %convert_element_type3A_106, %cond3A_107 : i32
    scf.if %cond3A_108 {
      %mul3A_114 = arith.constant 640 : i32
      %mul3A_115 = arith.muli %arg1, %mul3A_114 : i32
      "tpu.region"() ({
        %run_scoped3A = tpu.sem_alloc : memref<!tpu.dma_semaphore, #tpu.memory_space<semaphore_mem>>
        %dma_start3A_116 = arith.constant 0 : i32
        %dma_start3A_117 = arith.constant 0 : i32
        %dma_start3A_118 = tpu.memref_slice %arg10[%mul3A_115, %dma_start3A_116, %dma_start3A_117] : memref<10240x4x16xf32, #tpu.memory_space<hbm>> -> memref<640x4x16xf32, #tpu.memory_space<hbm>>
        %dma_start3A_119 = arith.constant 0 : i32
        %dma_start3A_120 = arith.constant 0 : i32
        %dma_start3A_121 = tpu.memref_slice %arg10[%mul3A_115, %dma_start3A_119, %dma_start3A_120] : memref<10240x4x16xf32, #tpu.memory_space<hbm>> -> memref<640x4x16xf32, #tpu.memory_space<hbm>>
        tpu.enqueue_dma source(%arg29 : memref<640x4x16xf32, #tpu.memory_space<vmem>>) target(%dma_start3A_121 : memref<640x4x16xf32, #tpu.memory_space<hbm>>) target_semaphore(%run_scoped3A : memref<!tpu.dma_semaphore, #tpu.memory_space<semaphore_mem>>)
        %dma_wait3A_122 = arith.constant 0 : i32
        %dma_wait3A_123 = arith.constant 0 : i32
        %dma_wait3A_124 = tpu.memref_slice %arg10[%mul3A_115, %dma_wait3A_122, %dma_wait3A_123] : memref<10240x4x16xf32, #tpu.memory_space<hbm>> -> memref<640x4x16xf32, #tpu.memory_space<hbm>>
        %dma_wait3A_125 = arith.constant 0 : i32
        %dma_wait3A_126 = arith.constant 0 : i32
        %dma_wait3A_127 = tpu.memref_slice %arg10[%mul3A_115, %dma_wait3A_125, %dma_wait3A_126] : memref<10240x4x16xf32, #tpu.memory_space<hbm>> -> memref<640x4x16xf32, #tpu.memory_space<hbm>>
        tpu.wait_dma2 semaphore(%run_scoped3A : memref<!tpu.dma_semaphore, #tpu.memory_space<semaphore_mem>>) src(%arg29 : memref<640x4x16xf32, #tpu.memory_space<vmem>>) dst(%dma_wait3A_127 : memref<640x4x16xf32, #tpu.memory_space<hbm>>)
        tpu.yield
      }) : () -> ()
    } else {
    }
    %eq3A_109 = arith.constant 1 : i32
    %eq3A_110 = arith.cmpi eq, %arg0, %eq3A_109 : i32
    %convert_element_type3A_111 = arith.extui %eq3A_110 : i1 to i32
    %cond3A_112 = arith.constant 0 : i32
    %cond3A_113 = arith.cmpi ne, %convert_element_type3A_111, %cond3A_112 : i32
    scf.if %cond3A_113 {
      %mul3A_114 = arith.constant 640 : i32
      %mul3A_115 = arith.muli %arg1, %mul3A_114 : i32
      "tpu.region"() ({
        %run_scoped3A = tpu.sem_alloc : memref<!tpu.dma_semaphore, #tpu.memory_space<semaphore_mem>>
        %dma_start3A_116 = arith.constant 0 : i32
        %dma_start3A_117 = arith.constant 0 : i32
        %dma_start3A_118 = tpu.memref_slice %arg12[%mul3A_115, %dma_start3A_116, %dma_start3A_117] : memref<10240x4x16xf32, #tpu.memory_space<hbm>> -> memref<640x4x16xf32, #tpu.memory_space<hbm>>
        %dma_start3A_119 = arith.constant 0 : i32
        %dma_start3A_120 = arith.constant 0 : i32
        %dma_start3A_121 = tpu.memref_slice %arg12[%mul3A_115, %dma_start3A_119, %dma_start3A_120] : memref<10240x4x16xf32, #tpu.memory_space<hbm>> -> memref<640x4x16xf32, #tpu.memory_space<hbm>>
        tpu.enqueue_dma source(%arg29 : memref<640x4x16xf32, #tpu.memory_space<vmem>>) target(%dma_start3A_121 : memref<640x4x16xf32, #tpu.memory_space<hbm>>) target_semaphore(%run_scoped3A : memref<!tpu.dma_semaphore, #tpu.memory_space<semaphore_mem>>)
        %dma_wait3A_122 = arith.constant 0 : i32
        %dma_wait3A_123 = arith.constant 0 : i32
        %dma_wait3A_124 = tpu.memref_slice %arg12[%mul3A_115, %dma_wait3A_122, %dma_wait3A_123] : memref<10240x4x16xf32, #tpu.memory_space<hbm>> -> memref<640x4x16xf32, #tpu.memory_space<hbm>>
        %dma_wait3A_125 = arith.constant 0 : i32
        %dma_wait3A_126 = arith.constant 0 : i32
        %dma_wait3A_127 = tpu.memref_slice %arg12[%mul3A_115, %dma_wait3A_125, %dma_wait3A_126] : memref<10240x4x16xf32, #tpu.memory_space<hbm>> -> memref<640x4x16xf32, #tpu.memory_space<hbm>>
        tpu.wait_dma2 semaphore(%run_scoped3A : memref<!tpu.dma_semaphore, #tpu.memory_space<semaphore_mem>>) src(%arg29 : memref<640x4x16xf32, #tpu.memory_space<vmem>>) dst(%dma_wait3A_127 : memref<640x4x16xf32, #tpu.memory_space<hbm>>)
        tpu.yield
      }) : () -> ()
    } else {
    }
    return
  }
}

#map = affine_map<(d0, d1) -> (0)>
#map1 = affine_map<(d0, d1) -> (0, 0)>
module attributes {stable_mosaic.version = 14 : i64} {
  func.func @_pass_a_body(%arg0: i32, %arg1: i32, %arg2: memref<327680xi32, #tpu.memory_space<hbm>>, %arg3: memref<327680xi32, #tpu.memory_space<hbm>>, %arg4: memref<10240x128xf32, #tpu.memory_space<hbm>>, %arg5: memref<10240x128xf32, #tpu.memory_space<hbm>>, %arg6: memref<327680x16xf32, #tpu.memory_space<hbm>>, %arg7: memref<327680x16xf32, #tpu.memory_space<hbm>>, %arg8: memref<10240x16xf32, #tpu.memory_space<hbm>>, %arg9: memref<10240x16xf32, #tpu.memory_space<hbm>>, %arg10: memref<128xi32, #tpu.memory_space<vmem>>, %arg11: memref<128xi32, #tpu.memory_space<vmem>>, %arg12: memref<128x128xf32, #tpu.memory_space<vmem>>, %arg13: memref<128x128xf32, #tpu.memory_space<vmem>>, %arg14: memref<128x16xf32, #tpu.memory_space<vmem>>, %arg15: memref<128xi32, #tpu.memory_space<vmem>>, %arg16: memref<128xi32, #tpu.memory_space<vmem>>, %arg17: memref<128x128xf32, #tpu.memory_space<vmem>>, %arg18: memref<128x128xf32, #tpu.memory_space<vmem>>, %arg19: memref<128x16xf32, #tpu.memory_space<vmem>>, %arg20: memref<128x16xf32, #tpu.memory_space<vmem>>, %arg21: memref<640x16xf32, #tpu.memory_space<vmem>>, %arg22: memref<10240x16xf32, #tpu.memory_space<vmem_shared>>, %arg23: memref<!tpu.dma_semaphore, #tpu.memory_space<semaphore_mem>>, %arg24: memref<!tpu.dma_semaphore, #tpu.memory_space<semaphore_mem>>) attributes {dimension_semantics = [#tpu.dimension_semantics<core_parallel>, #tpu.dimension_semantics<subcore_parallel>], iteration_bounds = array<i64: 2, 16>, scalar_prefetch = 0 : i64, scratch_operands = 15 : i64, tpu.core_type = #tpu.core_type<sc_vector_subcore>, window_params = [{transform_indices = #map}, {transform_indices = #map}, {transform_indices = #map1}, {transform_indices = #map1}, {transform_indices = #map1}, {transform_indices = #map1}, {transform_indices = #map1}, {transform_indices = #map1}]} {
    %mul3A = arith.constant 2 : i32
    %mul3A_0 = arith.muli %arg1, %mul3A : i32
    %add3A = arith.addi %mul3A_0, %arg0 : i32
    %scan3A = arith.constant 0 : i32
    %scan3A_1 = arith.constant 0 : i32
    %scan3A_2 = arith.constant 640 : i32
    %scan3A_3 = arith.addi %scan3A_1, %scan3A_2 : i32
    %scan3A_4 = arith.constant 1 : i32
    scf.for %scan3A_49 = %scan3A_1 to %scan3A_3 step %scan3A_4  : i32 {
      %broadcast_in_dim3A = arith.constant 0.000000e+00 : f32
      %broadcast_in_dim3A_50 = vector.broadcast %broadcast_in_dim3A : f32 to vector<16xf32>
      %swap3A = arith.index_cast %scan3A_49 : i32 to index
      %swap3A_51 = arith.constant 0 : index
      %swap3A_52 = tpu.vector_load %arg21[%swap3A, %swap3A_51] {strides = array<i32>} : memref<640x16xf32, #tpu.memory_space<vmem>>, vector<1x16xf32>,
      %swap3A_53 = vector.shape_cast %swap3A_52 : vector<1x16xf32> to vector<16xf32>
      %swap3A_54 = vector.shape_cast %broadcast_in_dim3A_50 : vector<16xf32> to vector<1x16xf32>
      tpu.vector_store %arg21[%swap3A, %swap3A_51], %swap3A_54 {strides = array<i32>} : memref<640x16xf32, #tpu.memory_space<vmem>>, vector<1x16xf32>,
    }
    %scan3A_5 = arith.constant 640 : i32
    %mul3A_6 = arith.constant 640 : i32
    %mul3A_7 = arith.muli %arg1, %mul3A_6 : i32
    "tpu.region"() ({
      %run_scoped3A = tpu.sem_alloc : memref<!tpu.dma_semaphore, #tpu.memory_space<semaphore_mem>>
      %dma_start3A_49 = arith.constant 0 : i32
      %dma_start3A_50 = tpu.memref_slice %arg22[%mul3A_7, %dma_start3A_49] : memref<10240x16xf32, #tpu.memory_space<vmem_shared>> -> memref<640x16xf32, #tpu.memory_space<vmem_shared>>
      %dma_start3A_51 = arith.constant 0 : i32
      %dma_start3A_52 = tpu.memref_slice %arg22[%mul3A_7, %dma_start3A_51] : memref<10240x16xf32, #tpu.memory_space<vmem_shared>> -> memref<640x16xf32, #tpu.memory_space<vmem_shared>>
      tpu.enqueue_dma source(%arg21 : memref<640x16xf32, #tpu.memory_space<vmem>>) target(%dma_start3A_52 : memref<640x16xf32, #tpu.memory_space<vmem_shared>>) target_semaphore(%run_scoped3A : memref<!tpu.dma_semaphore, #tpu.memory_space<semaphore_mem>>)
      %dma_wait3A = arith.constant 0 : i32
      %dma_wait3A_53 = tpu.memref_slice %arg22[%mul3A_7, %dma_wait3A] : memref<10240x16xf32, #tpu.memory_space<vmem_shared>> -> memref<640x16xf32, #tpu.memory_space<vmem_shared>>
      %dma_wait3A_54 = arith.constant 0 : i32
      %dma_wait3A_55 = tpu.memref_slice %arg22[%mul3A_7, %dma_wait3A_54] : memref<10240x16xf32, #tpu.memory_space<vmem_shared>> -> memref<640x16xf32, #tpu.memory_space<vmem_shared>>
      tpu.wait_dma2 semaphore(%run_scoped3A : memref<!tpu.dma_semaphore, #tpu.memory_space<semaphore_mem>>) src(%arg21 : memref<640x16xf32, #tpu.memory_space<vmem>>) dst(%dma_wait3A_55 : memref<640x16xf32, #tpu.memory_space<vmem_shared>>)
      tpu.yield
    }) : () -> ()
    %barrier3A = arith.constant 0 : index
    tpu.barrier barrier_id(%barrier3A)
    %iota3A = tpu.iota {dimensions = array<i32: 0>} : vector<16xi32>
    %xor3A = arith.constant 1 : i32
    %xor3A_8 = vector.broadcast %xor3A : i32 to vector<16xi32>
    %xor3A_9 = arith.xori %iota3A, %xor3A_8 : vector<16xi32>
    %xor3A_10 = arith.constant 2 : i32
    %xor3A_11 = vector.broadcast %xor3A_10 : i32 to vector<16xi32>
    %xor3A_12 = arith.xori %iota3A, %xor3A_11 : vector<16xi32>
    %and3A = arith.constant 3 : i32
    %and3A_13 = vector.broadcast %and3A : i32 to vector<16xi32>
    %and3A_14 = arith.andi %iota3A, %and3A_13 : vector<16xi32>
    %mul3A_15 = arith.constant 4 : i32
    %mul3A_16 = vector.broadcast %mul3A_15 : i32 to vector<16xi32>
    %mul3A_17 = arith.muli %and3A_14, %mul3A_16 : vector<16xi32>
    %shift_right_arithmetic3A = arith.constant 2 : i32
    %shift_right_arithmetic3A_18 = vector.broadcast %shift_right_arithmetic3A : i32 to vector<16xi32>
    %shift_right_arithmetic3A_19 = arith.shrsi %iota3A, %shift_right_arithmetic3A_18 : vector<16xi32>
    %mul3A_20 = arith.constant 10240 : i32
    %mul3A_21 = arith.muli %add3A, %mul3A_20 : i32
    %add3A_22 = arith.constant 0 : i32
    %add3A_23 = arith.addi %mul3A_21, %add3A_22 : i32
    "tpu.region"() ({
      %run_scoped3A = tpu.sem_alloc : memref<!tpu.dma_semaphore, #tpu.memory_space<semaphore_mem>>
      %dma_start3A_49 = tpu.memref_slice %arg2[%add3A_23] : memref<327680xi32, #tpu.memory_space<hbm>> -> memref<128xi32, #tpu.memory_space<hbm>>
      %dma_start3A_50 = tpu.memref_slice %arg2[%add3A_23] : memref<327680xi32, #tpu.memory_space<hbm>> -> memref<128xi32, #tpu.memory_space<hbm>>
      tpu.enqueue_dma source(%dma_start3A_50 : memref<128xi32, #tpu.memory_space<hbm>>) target(%arg10 : memref<128xi32, #tpu.memory_space<vmem>>) target_semaphore(%run_scoped3A : memref<!tpu.dma_semaphore, #tpu.memory_space<semaphore_mem>>)
      %dma_wait3A = tpu.memref_slice %arg2[%add3A_23] : memref<327680xi32, #tpu.memory_space<hbm>> -> memref<128xi32, #tpu.memory_space<hbm>>
      %dma_wait3A_51 = tpu.memref_slice %arg2[%add3A_23] : memref<327680xi32, #tpu.memory_space<hbm>> -> memref<128xi32, #tpu.memory_space<hbm>>
      tpu.wait_dma2 semaphore(%run_scoped3A : memref<!tpu.dma_semaphore, #tpu.memory_space<semaphore_mem>>) src(%dma_wait3A_51 : memref<128xi32, #tpu.memory_space<hbm>>) dst(%arg10 : memref<128xi32, #tpu.memory_space<vmem>>)
      tpu.yield
    }) : () -> ()
    "tpu.region"() ({
      %run_scoped3A = tpu.sem_alloc : memref<!tpu.dma_semaphore, #tpu.memory_space<semaphore_mem>>
      %dma_start3A_49 = tpu.memref_slice %arg3[%add3A_23] : memref<327680xi32, #tpu.memory_space<hbm>> -> memref<128xi32, #tpu.memory_space<hbm>>
      %dma_start3A_50 = tpu.memref_slice %arg3[%add3A_23] : memref<327680xi32, #tpu.memory_space<hbm>> -> memref<128xi32, #tpu.memory_space<hbm>>
      tpu.enqueue_dma source(%dma_start3A_50 : memref<128xi32, #tpu.memory_space<hbm>>) target(%arg11 : memref<128xi32, #tpu.memory_space<vmem>>) target_semaphore(%run_scoped3A : memref<!tpu.dma_semaphore, #tpu.memory_space<semaphore_mem>>)
      %dma_wait3A = tpu.memref_slice %arg3[%add3A_23] : memref<327680xi32, #tpu.memory_space<hbm>> -> memref<128xi32, #tpu.memory_space<hbm>>
      %dma_wait3A_51 = tpu.memref_slice %arg3[%add3A_23] : memref<327680xi32, #tpu.memory_space<hbm>> -> memref<128xi32, #tpu.memory_space<hbm>>
      tpu.wait_dma2 semaphore(%run_scoped3A : memref<!tpu.dma_semaphore, #tpu.memory_space<semaphore_mem>>) src(%dma_wait3A_51 : memref<128xi32, #tpu.memory_space<hbm>>) dst(%arg11 : memref<128xi32, #tpu.memory_space<vmem>>)
      tpu.yield
    }) : () -> ()
    %dma_start3A = arith.constant 0 : i32
    %dma_start3A_24 = arith.constant 0 : i32
    %dma_start3A_25 = tpu.memref_slice %arg4[%dma_start3A, %dma_start3A_24] : memref<10240x128xf32, #tpu.memory_space<hbm>> -> memref<10240x128xf32, #tpu.memory_space<hbm>>
    tpu.enqueue_indirect_dma source(%dma_start3A_25 : memref<10240x128xf32, #tpu.memory_space<hbm>>) target(%arg12 : memref<128x128xf32, #tpu.memory_space<vmem>>) offsets(%arg10 : memref<128xi32, #tpu.memory_space<vmem>>) semaphore(%arg23 : memref<!tpu.dma_semaphore, #tpu.memory_space<semaphore_mem>>)
    %dma_start3A_26 = arith.constant 0 : i32
    %dma_start3A_27 = arith.constant 0 : i32
    %dma_start3A_28 = tpu.memref_slice %arg5[%dma_start3A_26, %dma_start3A_27] : memref<10240x128xf32, #tpu.memory_space<hbm>> -> memref<10240x128xf32, #tpu.memory_space<hbm>>
    tpu.enqueue_indirect_dma source(%dma_start3A_28 : memref<10240x128xf32, #tpu.memory_space<hbm>>) target(%arg13 : memref<128x128xf32, #tpu.memory_space<vmem>>) offsets(%arg11 : memref<128xi32, #tpu.memory_space<vmem>>) semaphore(%arg23 : memref<!tpu.dma_semaphore, #tpu.memory_space<semaphore_mem>>)
    %dma_start3A_29 = arith.constant 0 : i32
    %dma_start3A_30 = tpu.memref_slice %arg6[%add3A_23, %dma_start3A_29] : memref<327680x16xf32, #tpu.memory_space<hbm>> -> memref<128x16xf32, #tpu.memory_space<hbm>>
    %dma_start3A_31 = arith.constant 0 : i32
    %dma_start3A_32 = tpu.memref_slice %arg6[%add3A_23, %dma_start3A_31] : memref<327680x16xf32, #tpu.memory_space<hbm>> -> memref<128x16xf32, #tpu.memory_space<hbm>>
    tpu.enqueue_dma source(%dma_start3A_32 : memref<128x16xf32, #tpu.memory_space<hbm>>) target(%arg14 : memref<128x16xf32, #tpu.memory_space<vmem>>) target_semaphore(%arg23 : memref<!tpu.dma_semaphore, #tpu.memory_space<semaphore_mem>>)
    %scan3A_33 = arith.constant 0 : i32
    %scan3A_34 = arith.constant 0 : i32
    %scan3A_35 = arith.constant 40 : i32
    %scan3A_36 = arith.addi %scan3A_34, %scan3A_35 : i32
    %scan3A_37 = arith.constant 1 : i32
    scf.for %scan3A_49 = %scan3A_34 to %scan3A_36 step %scan3A_37  : i32 {
      %mul3A_50 = arith.constant 2 : i32
      %mul3A_51 = arith.muli %scan3A_49, %mul3A_50 : i32
      %add3A_52 = arith.constant 1 : i32
      %add3A_53 = arith.addi %mul3A_51, %add3A_52 : i32
      %mul3A_54 = arith.constant 10240 : i32
      %mul3A_55 = arith.muli %add3A, %mul3A_54 : i32
      %mul3A_56 = arith.constant 128 : i32
      %mul3A_57 = arith.muli %add3A_53, %mul3A_56 : i32
      %add3A_58 = arith.addi %mul3A_55, %mul3A_57 : i32
      "tpu.region"() ({
        %run_scoped3A = tpu.sem_alloc : memref<!tpu.dma_semaphore, #tpu.memory_space<semaphore_mem>>
        %dma_start3A_128 = tpu.memref_slice %arg2[%add3A_58] : memref<327680xi32, #tpu.memory_space<hbm>> -> memref<128xi32, #tpu.memory_space<hbm>>
        %dma_start3A_129 = tpu.memref_slice %arg2[%add3A_58] : memref<327680xi32, #tpu.memory_space<hbm>> -> memref<128xi32, #tpu.memory_space<hbm>>
        tpu.enqueue_dma source(%dma_start3A_129 : memref<128xi32, #tpu.memory_space<hbm>>) target(%arg15 : memref<128xi32, #tpu.memory_space<vmem>>) target_semaphore(%run_scoped3A : memref<!tpu.dma_semaphore, #tpu.memory_space<semaphore_mem>>)
        %dma_wait3A_130 = tpu.memref_slice %arg2[%add3A_58] : memref<327680xi32, #tpu.memory_space<hbm>> -> memref<128xi32, #tpu.memory_space<hbm>>
        %dma_wait3A_131 = tpu.memref_slice %arg2[%add3A_58] : memref<327680xi32, #tpu.memory_space<hbm>> -> memref<128xi32, #tpu.memory_space<hbm>>
        tpu.wait_dma2 semaphore(%run_scoped3A : memref<!tpu.dma_semaphore, #tpu.memory_space<semaphore_mem>>) src(%dma_wait3A_131 : memref<128xi32, #tpu.memory_space<hbm>>) dst(%arg15 : memref<128xi32, #tpu.memory_space<vmem>>)
        tpu.yield
      }) : () -> ()
      "tpu.region"() ({
        %run_scoped3A = tpu.sem_alloc : memref<!tpu.dma_semaphore, #tpu.memory_space<semaphore_mem>>
        %dma_start3A_128 = tpu.memref_slice %arg3[%add3A_58] : memref<327680xi32, #tpu.memory_space<hbm>> -> memref<128xi32, #tpu.memory_space<hbm>>
        %dma_start3A_129 = tpu.memref_slice %arg3[%add3A_58] : memref<327680xi32, #tpu.memory_space<hbm>> -> memref<128xi32, #tpu.memory_space<hbm>>
        tpu.enqueue_dma source(%dma_start3A_129 : memref<128xi32, #tpu.memory_space<hbm>>) target(%arg16 : memref<128xi32, #tpu.memory_space<vmem>>) target_semaphore(%run_scoped3A : memref<!tpu.dma_semaphore, #tpu.memory_space<semaphore_mem>>)
        %dma_wait3A_130 = tpu.memref_slice %arg3[%add3A_58] : memref<327680xi32, #tpu.memory_space<hbm>> -> memref<128xi32, #tpu.memory_space<hbm>>
        %dma_wait3A_131 = tpu.memref_slice %arg3[%add3A_58] : memref<327680xi32, #tpu.memory_space<hbm>> -> memref<128xi32, #tpu.memory_space<hbm>>
        tpu.wait_dma2 semaphore(%run_scoped3A : memref<!tpu.dma_semaphore, #tpu.memory_space<semaphore_mem>>) src(%dma_wait3A_131 : memref<128xi32, #tpu.memory_space<hbm>>) dst(%arg16 : memref<128xi32, #tpu.memory_space<vmem>>)
        tpu.yield
      }) : () -> ()
      %dma_start3A_59 = arith.constant 0 : i32
      %dma_start3A_60 = arith.constant 0 : i32
      %dma_start3A_61 = tpu.memref_slice %arg4[%dma_start3A_59, %dma_start3A_60] : memref<10240x128xf32, #tpu.memory_space<hbm>> -> memref<10240x128xf32, #tpu.memory_space<hbm>>
      tpu.enqueue_indirect_dma source(%dma_start3A_61 : memref<10240x128xf32, #tpu.memory_space<hbm>>) target(%arg17 : memref<128x128xf32, #tpu.memory_space<vmem>>) offsets(%arg15 : memref<128xi32, #tpu.memory_space<vmem>>) semaphore(%arg24 : memref<!tpu.dma_semaphore, #tpu.memory_space<semaphore_mem>>)
      %dma_start3A_62 = arith.constant 0 : i32
      %dma_start3A_63 = arith.constant 0 : i32
      %dma_start3A_64 = tpu.memref_slice %arg5[%dma_start3A_62, %dma_start3A_63] : memref<10240x128xf32, #tpu.memory_space<hbm>> -> memref<10240x128xf32, #tpu.memory_space<hbm>>
      tpu.enqueue_indirect_dma source(%dma_start3A_64 : memref<10240x128xf32, #tpu.memory_space<hbm>>) target(%arg18 : memref<128x128xf32, #tpu.memory_space<vmem>>) offsets(%arg16 : memref<128xi32, #tpu.memory_space<vmem>>) semaphore(%arg24 : memref<!tpu.dma_semaphore, #tpu.memory_space<semaphore_mem>>)
      %dma_start3A_65 = arith.constant 0 : i32
      %dma_start3A_66 = tpu.memref_slice %arg6[%add3A_58, %dma_start3A_65] : memref<327680x16xf32, #tpu.memory_space<hbm>> -> memref<128x16xf32, #tpu.memory_space<hbm>>
      %dma_start3A_67 = arith.constant 0 : i32
      %dma_start3A_68 = tpu.memref_slice %arg6[%add3A_58, %dma_start3A_67] : memref<327680x16xf32, #tpu.memory_space<hbm>> -> memref<128x16xf32, #tpu.memory_space<hbm>>
      tpu.enqueue_dma source(%dma_start3A_68 : memref<128x16xf32, #tpu.memory_space<hbm>>) target(%arg19 : memref<128x16xf32, #tpu.memory_space<vmem>>) target_semaphore(%arg24 : memref<!tpu.dma_semaphore, #tpu.memory_space<semaphore_mem>>)
      %mul3A_69 = arith.constant 10240 : i32
      %mul3A_70 = arith.muli %add3A, %mul3A_69 : i32
      %mul3A_71 = arith.constant 128 : i32
      %mul3A_72 = arith.muli %mul3A_51, %mul3A_71 : i32
      %add3A_73 = arith.addi %mul3A_70, %mul3A_72 : i32
      %dma_wait3A = arith.constant 0 : i32
      %dma_wait3A_74 = arith.constant 0 : i32
      %dma_wait3A_75 = tpu.memref_slice %arg4[%dma_wait3A, %dma_wait3A_74] : memref<10240x128xf32, #tpu.memory_space<hbm>> -> memref<10240x128xf32, #tpu.memory_space<hbm>>
      tpu.wait_indirect_dma semaphore(%arg23 : memref<!tpu.dma_semaphore, #tpu.memory_space<semaphore_mem>>) src(%dma_wait3A_75 : memref<10240x128xf32, #tpu.memory_space<hbm>>) dst(%arg12 : memref<128x128xf32, #tpu.memory_space<vmem>>)
      %dma_wait3A_76 = arith.constant 0 : i32
      %dma_wait3A_77 = arith.constant 0 : i32
      %dma_wait3A_78 = tpu.memref_slice %arg5[%dma_wait3A_76, %dma_wait3A_77] : memref<10240x128xf32, #tpu.memory_space<hbm>> -> memref<10240x128xf32, #tpu.memory_space<hbm>>
      tpu.wait_indirect_dma semaphore(%arg23 : memref<!tpu.dma_semaphore, #tpu.memory_space<semaphore_mem>>) src(%dma_wait3A_78 : memref<10240x128xf32, #tpu.memory_space<hbm>>) dst(%arg13 : memref<128x128xf32, #tpu.memory_space<vmem>>)
      %dma_wait3A_79 = arith.constant 0 : i32
      %dma_wait3A_80 = tpu.memref_slice %arg6[%add3A_73, %dma_wait3A_79] : memref<327680x16xf32, #tpu.memory_space<hbm>> -> memref<128x16xf32, #tpu.memory_space<hbm>>
      %dma_wait3A_81 = arith.constant 0 : i32
      %dma_wait3A_82 = tpu.memref_slice %arg6[%add3A_73, %dma_wait3A_81] : memref<327680x16xf32, #tpu.memory_space<hbm>> -> memref<128x16xf32, #tpu.memory_space<hbm>>
      tpu.wait_dma2 semaphore(%arg23 : memref<!tpu.dma_semaphore, #tpu.memory_space<semaphore_mem>>) src(%dma_wait3A_82 : memref<128x16xf32, #tpu.memory_space<hbm>>) dst(%arg14 : memref<128x16xf32, #tpu.memory_space<vmem>>)
      %mul3A_83 = arith.constant 10240 : i32
      %mul3A_84 = arith.muli %add3A, %mul3A_83 : i32
      %mul3A_85 = arith.constant 128 : i32
      %mul3A_86 = arith.muli %mul3A_51, %mul3A_85 : i32
      %add3A_87 = arith.addi %mul3A_84, %mul3A_86 : i32
      %scan3A_88 = arith.constant 0 : i32
      %scan3A_89 = arith.constant 0 : i32
      %scan3A_90 = arith.constant 32 : i32
      %scan3A_91 = arith.addi %scan3A_89, %scan3A_90 : i32
      %scan3A_92 = arith.constant 1 : i32
      scf.for %scan3A_128 = %scan3A_89 to %scan3A_91 step %scan3A_92  : i32 {
        %mul3A_129 = arith.constant 4 : i32
        %mul3A_130 = arith.muli %scan3A_128, %mul3A_129 : i32
        %add3A_131 = arith.constant 0 : i32
        %add3A_132 = arith.addi %mul3A_130, %add3A_131 : i32
        %get3A = arith.index_cast %add3A_132 : i32 to index
        %get3A_133 = arith.constant 0 : index
        %get3A_134 = tpu.vector_load %arg12[%get3A, %get3A_133] {strides = array<i32>} : memref<128x128xf32, #tpu.memory_space<vmem>>, vector<1x16xf32>,
        %get3A_135 = vector.shape_cast %get3A_134 : vector<1x16xf32> to vector<16xf32>
        %get3A_136 = arith.index_cast %add3A_132 : i32 to index
        %get3A_137 = arith.constant 0 : index
        %get3A_138 = tpu.vector_load %arg13[%get3A_136, %get3A_137] {strides = array<i32>} : memref<128x128xf32, #tpu.memory_space<vmem>>, vector<1x16xf32>,
        %get3A_139 = vector.shape_cast %get3A_138 : vector<1x16xf32> to vector<16xf32>
        %mul3A_140 = arith.mulf %get3A_135, %get3A_139 : vector<16xf32>
        %get3A_141 = arith.index_cast %add3A_132 : i32 to index
        %get3A_142 = arith.constant 16 : index
        %get3A_143 = tpu.vector_load %arg12[%get3A_141, %get3A_142] {strides = array<i32>} : memref<128x128xf32, #tpu.memory_space<vmem>>, vector<1x16xf32>,
        %get3A_144 = vector.shape_cast %get3A_143 : vector<1x16xf32> to vector<16xf32>
        %get3A_145 = arith.index_cast %add3A_132 : i32 to index
        %get3A_146 = arith.constant 16 : index
        %get3A_147 = tpu.vector_load %arg13[%get3A_145, %get3A_146] {strides = array<i32>} : memref<128x128xf32, #tpu.memory_space<vmem>>, vector<1x16xf32>,
        %get3A_148 = vector.shape_cast %get3A_147 : vector<1x16xf32> to vector<16xf32>
        %mul3A_149 = arith.mulf %get3A_144, %get3A_148 : vector<16xf32>
        %add3A_150 = arith.addf %mul3A_140, %mul3A_149 : vector<16xf32>
        %get3A_151 = arith.index_cast %add3A_132 : i32 to index
        %get3A_152 = arith.constant 32 : index
        %get3A_153 = tpu.vector_load %arg12[%get3A_151, %get3A_152] {strides = array<i32>} : memref<128x128xf32, #tpu.memory_space<vmem>>, vector<1x16xf32>,
        %get3A_154 = vector.shape_cast %get3A_153 : vector<1x16xf32> to vector<16xf32>
        %get3A_155 = arith.index_cast %add3A_132 : i32 to index
        %get3A_156 = arith.constant 32 : index
        %get3A_157 = tpu.vector_load %arg13[%get3A_155, %get3A_156] {strides = array<i32>} : memref<128x128xf32, #tpu.memory_space<vmem>>, vector<1x16xf32>,
        %get3A_158 = vector.shape_cast %get3A_157 : vector<1x16xf32> to vector<16xf32>
        %mul3A_159 = arith.mulf %get3A_154, %get3A_158 : vector<16xf32>
        %add3A_160 = arith.addf %add3A_150, %mul3A_159 : vector<16xf32>
        %get3A_161 = arith.index_cast %add3A_132 : i32 to index
        %get3A_162 = arith.constant 48 : index
        %get3A_163 = tpu.vector_load %arg12[%get3A_161, %get3A_162] {strides = array<i32>} : memref<128x128xf32, #tpu.memory_space<vmem>>, vector<1x16xf32>,
        %get3A_164 = vector.shape_cast %get3A_163 : vector<1x16xf32> to vector<16xf32>
        %get3A_165 = arith.index_cast %add3A_132 : i32 to index
        %get3A_166 = arith.constant 48 : index
        %get3A_167 = tpu.vector_load %arg13[%get3A_165, %get3A_166] {strides = array<i32>} : memref<128x128xf32, #tpu.memory_space<vmem>>, vector<1x16xf32>,
        %get3A_168 = vector.shape_cast %get3A_167 : vector<1x16xf32> to vector<16xf32>
        %mul3A_169 = arith.mulf %get3A_164, %get3A_168 : vector<16xf32>
        %add3A_170 = arith.addf %add3A_160, %mul3A_169 : vector<16xf32>
        %get3A_171 = arith.index_cast %add3A_132 : i32 to index
        %get3A_172 = arith.constant 64 : index
        %get3A_173 = tpu.vector_load %arg12[%get3A_171, %get3A_172] {strides = array<i32>} : memref<128x128xf32, #tpu.memory_space<vmem>>, vector<1x16xf32>,
        %get3A_174 = vector.shape_cast %get3A_173 : vector<1x16xf32> to vector<16xf32>
        %get3A_175 = arith.index_cast %add3A_132 : i32 to index
        %get3A_176 = arith.constant 64 : index
        %get3A_177 = tpu.vector_load %arg13[%get3A_175, %get3A_176] {strides = array<i32>} : memref<128x128xf32, #tpu.memory_space<vmem>>, vector<1x16xf32>,
        %get3A_178 = vector.shape_cast %get3A_177 : vector<1x16xf32> to vector<16xf32>
        %mul3A_179 = arith.mulf %get3A_174, %get3A_178 : vector<16xf32>
        %add3A_180 = arith.addf %add3A_170, %mul3A_179 : vector<16xf32>
        %get3A_181 = arith.index_cast %add3A_132 : i32 to index
        %get3A_182 = arith.constant 80 : index
        %get3A_183 = tpu.vector_load %arg12[%get3A_181, %get3A_182] {strides = array<i32>} : memref<128x128xf32, #tpu.memory_space<vmem>>, vector<1x16xf32>,
        %get3A_184 = vector.shape_cast %get3A_183 : vector<1x16xf32> to vector<16xf32>
        %get3A_185 = arith.index_cast %add3A_132 : i32 to index
        %get3A_186 = arith.constant 80 : index
        %get3A_187 = tpu.vector_load %arg13[%get3A_185, %get3A_186] {strides = array<i32>} : memref<128x128xf32, #tpu.memory_space<vmem>>, vector<1x16xf32>,
        %get3A_188 = vector.shape_cast %get3A_187 : vector<1x16xf32> to vector<16xf32>
        %mul3A_189 = arith.mulf %get3A_184, %get3A_188 : vector<16xf32>
        %add3A_190 = arith.addf %add3A_180, %mul3A_189 : vector<16xf32>
        %get3A_191 = arith.index_cast %add3A_132 : i32 to index
        %get3A_192 = arith.constant 96 : index
        %get3A_193 = tpu.vector_load %arg12[%get3A_191, %get3A_192] {strides = array<i32>} : memref<128x128xf32, #tpu.memory_space<vmem>>, vector<1x16xf32>,
        %get3A_194 = vector.shape_cast %get3A_193 : vector<1x16xf32> to vector<16xf32>
        %get3A_195 = arith.index_cast %add3A_132 : i32 to index
        %get3A_196 = arith.constant 96 : index
        %get3A_197 = tpu.vector_load %arg13[%get3A_195, %get3A_196] {strides = array<i32>} : memref<128x128xf32, #tpu.memory_space<vmem>>, vector<1x16xf32>,
        %get3A_198 = vector.shape_cast %get3A_197 : vector<1x16xf32> to vector<16xf32>
        %mul3A_199 = arith.mulf %get3A_194, %get3A_198 : vector<16xf32>
        %add3A_200 = arith.addf %add3A_190, %mul3A_199 : vector<16xf32>
        %get3A_201 = arith.index_cast %add3A_132 : i32 to index
        %get3A_202 = arith.constant 112 : index
        %get3A_203 = tpu.vector_load %arg12[%get3A_201, %get3A_202] {strides = array<i32>} : memref<128x128xf32, #tpu.memory_space<vmem>>, vector<1x16xf32>,
        %get3A_204 = vector.shape_cast %get3A_203 : vector<1x16xf32> to vector<16xf32>
        %get3A_205 = arith.index_cast %add3A_132 : i32 to index
        %get3A_206 = arith.constant 112 : index
        %get3A_207 = tpu.vector_load %arg13[%get3A_205, %get3A_206] {strides = array<i32>} : memref<128x128xf32, #tpu.memory_space<vmem>>, vector<1x16xf32>,
        %get3A_208 = vector.shape_cast %get3A_207 : vector<1x16xf32> to vector<16xf32>
        %mul3A_209 = arith.mulf %get3A_204, %get3A_208 : vector<16xf32>
        %add3A_210 = arith.addf %add3A_200, %mul3A_209 : vector<16xf32>
        %reshape3A = vector.shape_cast %xor3A_9 : vector<16xi32> to vector<16x1xi32>
        %gather3A = vector.shape_cast %reshape3A : vector<16x1xi32> to vector<16xi32>
        %gather3A_211 = tpu.dynamic_gather %add3A_210[%gather3A] in [0] : vector<16xf32>, vector<16xi32> -> vector<16xf32>
        %add3A_212 = arith.addf %add3A_210, %gather3A_211 : vector<16xf32>
        %reshape3A_213 = vector.shape_cast %xor3A_12 : vector<16xi32> to vector<16x1xi32>
        %gather3A_214 = vector.shape_cast %reshape3A_213 : vector<16x1xi32> to vector<16xi32>
        %gather3A_215 = tpu.dynamic_gather %add3A_212[%gather3A_214] in [0] : vector<16xf32>, vector<16xi32> -> vector<16xf32>
        %add3A_216 = arith.addf %add3A_212, %gather3A_215 : vector<16xf32>
        %reshape3A_217 = vector.shape_cast %mul3A_17 : vector<16xi32> to vector<16x1xi32>
        %gather3A_218 = vector.shape_cast %reshape3A_217 : vector<16x1xi32> to vector<16xi32>
        %gather3A_219 = tpu.dynamic_gather %add3A_216[%gather3A_218] in [0] : vector<16xf32>, vector<16xi32> -> vector<16xf32>
        %mul3A_220 = arith.constant 0.176776692 : f32
        %mul3A_221 = vector.broadcast %mul3A_220 : f32 to vector<16xf32>
        %mul3A_222 = arith.mulf %gather3A_219, %mul3A_221 : vector<16xf32>
        %get3A_223 = arith.index_cast %add3A_132 : i32 to index
        %get3A_224 = arith.constant 0 : index
        %get3A_225 = tpu.vector_load %arg14[%get3A_223, %get3A_224] {strides = array<i32>} : memref<128x16xf32, #tpu.memory_space<vmem>>, vector<1x16xf32>,
        %get3A_226 = vector.shape_cast %get3A_225 : vector<1x16xf32> to vector<16xf32>
        %add3A_227 = arith.addf %mul3A_222, %get3A_226 : vector<16xf32>
        %lt3A_228 = arith.constant 4 : i32
        %lt3A_229 = vector.broadcast %lt3A_228 : i32 to vector<16xi32>
        %lt3A_230 = arith.cmpi slt, %iota3A, %lt3A_229 : vector<16xi32>
        %exp3A = math.exp %add3A_227 : vector<16xf32>
        %jit3A = arith.constant 0.000000e+00 : f32
        %broadcast_in_dim3A = vector.broadcast %jit3A : f32 to vector<16xf32>
        %select_n3A = arith.select %lt3A_230, %exp3A, %broadcast_in_dim3A : vector<16xi1>, vector<16xf32>
        %swap3A = arith.index_cast %add3A_132 : i32 to index
        %swap3A_231 = arith.constant 0 : index
        %swap3A_232 = tpu.vector_load %arg20[%swap3A, %swap3A_231] {strides = array<i32>} : memref<128x16xf32, #tpu.memory_space<vmem>>, vector<1x16xf32>,
        %swap3A_233 = vector.shape_cast %swap3A_232 : vector<1x16xf32> to vector<16xf32>
        %swap3A_234 = vector.shape_cast %select_n3A : vector<16xf32> to vector<1x16xf32>
        tpu.vector_store %arg20[%swap3A, %swap3A_231], %swap3A_234 {strides = array<i32>} : memref<128x16xf32, #tpu.memory_space<vmem>>, vector<1x16xf32>,
        %mul3A_235 = arith.constant 4 : i32
        %mul3A_236 = arith.muli %scan3A_128, %mul3A_235 : i32
        %add3A_237 = arith.constant 1 : i32
        %add3A_238 = arith.addi %mul3A_236, %add3A_237 : i32
        %get3A_239 = arith.index_cast %add3A_238 : i32 to index
        %get3A_240 = arith.constant 0 : index
        %get3A_241 = tpu.vector_load %arg12[%get3A_239, %get3A_240] {strides = array<i32>} : memref<128x128xf32, #tpu.memory_space<vmem>>, vector<1x16xf32>,
        %get3A_242 = vector.shape_cast %get3A_241 : vector<1x16xf32> to vector<16xf32>
        %get3A_243 = arith.index_cast %add3A_238 : i32 to index
        %get3A_244 = arith.constant 0 : index
        %get3A_245 = tpu.vector_load %arg13[%get3A_243, %get3A_244] {strides = array<i32>} : memref<128x128xf32, #tpu.memory_space<vmem>>, vector<1x16xf32>,
        %get3A_246 = vector.shape_cast %get3A_245 : vector<1x16xf32> to vector<16xf32>
        %mul3A_247 = arith.mulf %get3A_242, %get3A_246 : vector<16xf32>
        %get3A_248 = arith.index_cast %add3A_238 : i32 to index
        %get3A_249 = arith.constant 16 : index
        %get3A_250 = tpu.vector_load %arg12[%get3A_248, %get3A_249] {strides = array<i32>} : memref<128x128xf32, #tpu.memory_space<vmem>>, vector<1x16xf32>,
        %get3A_251 = vector.shape_cast %get3A_250 : vector<1x16xf32> to vector<16xf32>
        %get3A_252 = arith.index_cast %add3A_238 : i32 to index
        %get3A_253 = arith.constant 16 : index
        %get3A_254 = tpu.vector_load %arg13[%get3A_252, %get3A_253] {strides = array<i32>} : memref<128x128xf32, #tpu.memory_space<vmem>>, vector<1x16xf32>,
        %get3A_255 = vector.shape_cast %get3A_254 : vector<1x16xf32> to vector<16xf32>
        %mul3A_256 = arith.mulf %get3A_251, %get3A_255 : vector<16xf32>
        %add3A_257 = arith.addf %mul3A_247, %mul3A_256 : vector<16xf32>
        %get3A_258 = arith.index_cast %add3A_238 : i32 to index
        %get3A_259 = arith.constant 32 : index
        %get3A_260 = tpu.vector_load %arg12[%get3A_258, %get3A_259] {strides = array<i32>} : memref<128x128xf32, #tpu.memory_space<vmem>>, vector<1x16xf32>,
        %get3A_261 = vector.shape_cast %get3A_260 : vector<1x16xf32> to vector<16xf32>
        %get3A_262 = arith.index_cast %add3A_238 : i32 to index
        %get3A_263 = arith.constant 32 : index
        %get3A_264 = tpu.vector_load %arg13[%get3A_262, %get3A_263] {strides = array<i32>} : memref<128x128xf32, #tpu.memory_space<vmem>>, vector<1x16xf32>,
        %get3A_265 = vector.shape_cast %get3A_264 : vector<1x16xf32> to vector<16xf32>
        %mul3A_266 = arith.mulf %get3A_261, %get3A_265 : vector<16xf32>
        %add3A_267 = arith.addf %add3A_257, %mul3A_266 : vector<16xf32>
        %get3A_268 = arith.index_cast %add3A_238 : i32 to index
        %get3A_269 = arith.constant 48 : index
        %get3A_270 = tpu.vector_load %arg12[%get3A_268, %get3A_269] {strides = array<i32>} : memref<128x128xf32, #tpu.memory_space<vmem>>, vector<1x16xf32>,
        %get3A_271 = vector.shape_cast %get3A_270 : vector<1x16xf32> to vector<16xf32>
        %get3A_272 = arith.index_cast %add3A_238 : i32 to index
        %get3A_273 = arith.constant 48 : index
        %get3A_274 = tpu.vector_load %arg13[%get3A_272, %get3A_273] {strides = array<i32>} : memref<128x128xf32, #tpu.memory_space<vmem>>, vector<1x16xf32>,
        %get3A_275 = vector.shape_cast %get3A_274 : vector<1x16xf32> to vector<16xf32>
        %mul3A_276 = arith.mulf %get3A_271, %get3A_275 : vector<16xf32>
        %add3A_277 = arith.addf %add3A_267, %mul3A_276 : vector<16xf32>
        %get3A_278 = arith.index_cast %add3A_238 : i32 to index
        %get3A_279 = arith.constant 64 : index
        %get3A_280 = tpu.vector_load %arg12[%get3A_278, %get3A_279] {strides = array<i32>} : memref<128x128xf32, #tpu.memory_space<vmem>>, vector<1x16xf32>,
        %get3A_281 = vector.shape_cast %get3A_280 : vector<1x16xf32> to vector<16xf32>
        %get3A_282 = arith.index_cast %add3A_238 : i32 to index
        %get3A_283 = arith.constant 64 : index
        %get3A_284 = tpu.vector_load %arg13[%get3A_282, %get3A_283] {strides = array<i32>} : memref<128x128xf32, #tpu.memory_space<vmem>>, vector<1x16xf32>,
        %get3A_285 = vector.shape_cast %get3A_284 : vector<1x16xf32> to vector<16xf32>
        %mul3A_286 = arith.mulf %get3A_281, %get3A_285 : vector<16xf32>
        %add3A_287 = arith.addf %add3A_277, %mul3A_286 : vector<16xf32>
        %get3A_288 = arith.index_cast %add3A_238 : i32 to index
        %get3A_289 = arith.constant 80 : index
        %get3A_290 = tpu.vector_load %arg12[%get3A_288, %get3A_289] {strides = array<i32>} : memref<128x128xf32, #tpu.memory_space<vmem>>, vector<1x16xf32>,
        %get3A_291 = vector.shape_cast %get3A_290 : vector<1x16xf32> to vector<16xf32>
        %get3A_292 = arith.index_cast %add3A_238 : i32 to index
        %get3A_293 = arith.constant 80 : index
        %get3A_294 = tpu.vector_load %arg13[%get3A_292, %get3A_293] {strides = array<i32>} : memref<128x128xf32, #tpu.memory_space<vmem>>, vector<1x16xf32>,
        %get3A_295 = vector.shape_cast %get3A_294 : vector<1x16xf32> to vector<16xf32>
        %mul3A_296 = arith.mulf %get3A_291, %get3A_295 : vector<16xf32>
        %add3A_297 = arith.addf %add3A_287, %mul3A_296 : vector<16xf32>
        %get3A_298 = arith.index_cast %add3A_238 : i32 to index
        %get3A_299 = arith.constant 96 : index
        %get3A_300 = tpu.vector_load %arg12[%get3A_298, %get3A_299] {strides = array<i32>} : memref<128x128xf32, #tpu.memory_space<vmem>>, vector<1x16xf32>,
        %get3A_301 = vector.shape_cast %get3A_300 : vector<1x16xf32> to vector<16xf32>
        %get3A_302 = arith.index_cast %add3A_238 : i32 to index
        %get3A_303 = arith.constant 96 : index
        %get3A_304 = tpu.vector_load %arg13[%get3A_302, %get3A_303] {strides = array<i32>} : memref<128x128xf32, #tpu.memory_space<vmem>>, vector<1x16xf32>,
        %get3A_305 = vector.shape_cast %get3A_304 : vector<1x16xf32> to vector<16xf32>
        %mul3A_306 = arith.mulf %get3A_301, %get3A_305 : vector<16xf32>
        %add3A_307 = arith.addf %add3A_297, %mul3A_306 : vector<16xf32>
        %get3A_308 = arith.index_cast %add3A_238 : i32 to index
        %get3A_309 = arith.constant 112 : index
        %get3A_310 = tpu.vector_load %arg12[%get3A_308, %get3A_309] {strides = array<i32>} : memref<128x128xf32, #tpu.memory_space<vmem>>, vector<1x16xf32>,
        %get3A_311 = vector.shape_cast %get3A_310 : vector<1x16xf32> to vector<16xf32>
        %get3A_312 = arith.index_cast %add3A_238 : i32 to index
        %get3A_313 = arith.constant 112 : index
        %get3A_314 = tpu.vector_load %arg13[%get3A_312, %get3A_313] {strides = array<i32>} : memref<128x128xf32, #tpu.memory_space<vmem>>, vector<1x16xf32>,
        %get3A_315 = vector.shape_cast %get3A_314 : vector<1x16xf32> to vector<16xf32>
        %mul3A_316 = arith.mulf %get3A_311, %get3A_315 : vector<16xf32>
        %add3A_317 = arith.addf %add3A_307, %mul3A_316 : vector<16xf32>
        %reshape3A_318 = vector.shape_cast %xor3A_9 : vector<16xi32> to vector<16x1xi32>
        %gather3A_319 = vector.shape_cast %reshape3A_318 : vector<16x1xi32> to vector<16xi32>
        %gather3A_320 = tpu.dynamic_gather %add3A_317[%gather3A_319] in [0] : vector<16xf32>, vector<16xi32> -> vector<16xf32>
        %add3A_321 = arith.addf %add3A_317, %gather3A_320 : vector<16xf32>
        %reshape3A_322 = vector.shape_cast %xor3A_12 : vector<16xi32> to vector<16x1xi32>
        %gather3A_323 = vector.shape_cast %reshape3A_322 : vector<16x1xi32> to vector<16xi32>
        %gather3A_324 = tpu.dynamic_gather %add3A_321[%gather3A_323] in [0] : vector<16xf32>, vector<16xi32> -> vector<16xf32>
        %add3A_325 = arith.addf %add3A_321, %gather3A_324 : vector<16xf32>
        %reshape3A_326 = vector.shape_cast %mul3A_17 : vector<16xi32> to vector<16x1xi32>
        %gather3A_327 = vector.shape_cast %reshape3A_326 : vector<16x1xi32> to vector<16xi32>
        %gather3A_328 = tpu.dynamic_gather %add3A_325[%gather3A_327] in [0] : vector<16xf32>, vector<16xi32> -> vector<16xf32>
        %mul3A_329 = arith.constant 0.176776692 : f32
        %mul3A_330 = vector.broadcast %mul3A_329 : f32 to vector<16xf32>
        %mul3A_331 = arith.mulf %gather3A_328, %mul3A_330 : vector<16xf32>
        %get3A_332 = arith.index_cast %add3A_238 : i32 to index
        %get3A_333 = arith.constant 0 : index
        %get3A_334 = tpu.vector_load %arg14[%get3A_332, %get3A_333] {strides = array<i32>} : memref<128x16xf32, #tpu.memory_space<vmem>>, vector<1x16xf32>,
        %get3A_335 = vector.shape_cast %get3A_334 : vector<1x16xf32> to vector<16xf32>
        %add3A_336 = arith.addf %mul3A_331, %get3A_335 : vector<16xf32>
        %lt3A_337 = arith.constant 4 : i32
        %lt3A_338 = vector.broadcast %lt3A_337 : i32 to vector<16xi32>
        %lt3A_339 = arith.cmpi slt, %iota3A, %lt3A_338 : vector<16xi32>
        %exp3A_340 = math.exp %add3A_336 : vector<16xf32>
        %jit3A_341 = arith.constant 0.000000e+00 : f32
        %broadcast_in_dim3A_342 = vector.broadcast %jit3A_341 : f32 to vector<16xf32>
        %select_n3A_343 = arith.select %lt3A_339, %exp3A_340, %broadcast_in_dim3A_342 : vector<16xi1>, vector<16xf32>
        %swap3A_344 = arith.index_cast %add3A_238 : i32 to index
        %swap3A_345 = arith.constant 0 : index
        %swap3A_346 = tpu.vector_load %arg20[%swap3A_344, %swap3A_345] {strides = array<i32>} : memref<128x16xf32, #tpu.memory_space<vmem>>, vector<1x16xf32>,
        %swap3A_347 = vector.shape_cast %swap3A_346 : vector<1x16xf32> to vector<16xf32>
        %swap3A_348 = vector.shape_cast %select_n3A_343 : vector<16xf32> to vector<1x16xf32>
        tpu.vector_store %arg20[%swap3A_344, %swap3A_345], %swap3A_348 {strides = array<i32>} : memref<128x16xf32, #tpu.memory_space<vmem>>, vector<1x16xf32>,
        %mul3A_349 = arith.constant 4 : i32
        %mul3A_350 = arith.muli %scan3A_128, %mul3A_349 : i32
        %add3A_351 = arith.constant 2 : i32
        %add3A_352 = arith.addi %mul3A_350, %add3A_351 : i32
        %get3A_353 = arith.index_cast %add3A_352 : i32 to index
        %get3A_354 = arith.constant 0 : index
        %get3A_355 = tpu.vector_load %arg12[%get3A_353, %get3A_354] {strides = array<i32>} : memref<128x128xf32, #tpu.memory_space<vmem>>, vector<1x16xf32>,
        %get3A_356 = vector.shape_cast %get3A_355 : vector<1x16xf32> to vector<16xf32>
        %get3A_357 = arith.index_cast %add3A_352 : i32 to index
        %get3A_358 = arith.constant 0 : index
        %get3A_359 = tpu.vector_load %arg13[%get3A_357, %get3A_358] {strides = array<i32>} : memref<128x128xf32, #tpu.memory_space<vmem>>, vector<1x16xf32>,
        %get3A_360 = vector.shape_cast %get3A_359 : vector<1x16xf32> to vector<16xf32>
        %mul3A_361 = arith.mulf %get3A_356, %get3A_360 : vector<16xf32>
        %get3A_362 = arith.index_cast %add3A_352 : i32 to index
        %get3A_363 = arith.constant 16 : index
        %get3A_364 = tpu.vector_load %arg12[%get3A_362, %get3A_363] {strides = array<i32>} : memref<128x128xf32, #tpu.memory_space<vmem>>, vector<1x16xf32>,
        %get3A_365 = vector.shape_cast %get3A_364 : vector<1x16xf32> to vector<16xf32>
        %get3A_366 = arith.index_cast %add3A_352 : i32 to index
        %get3A_367 = arith.constant 16 : index
        %get3A_368 = tpu.vector_load %arg13[%get3A_366, %get3A_367] {strides = array<i32>} : memref<128x128xf32, #tpu.memory_space<vmem>>, vector<1x16xf32>,
        %get3A_369 = vector.shape_cast %get3A_368 : vector<1x16xf32> to vector<16xf32>
        %mul3A_370 = arith.mulf %get3A_365, %get3A_369 : vector<16xf32>
        %add3A_371 = arith.addf %mul3A_361, %mul3A_370 : vector<16xf32>
        %get3A_372 = arith.index_cast %add3A_352 : i32 to index
        %get3A_373 = arith.constant 32 : index
        %get3A_374 = tpu.vector_load %arg12[%get3A_372, %get3A_373] {strides = array<i32>} : memref<128x128xf32, #tpu.memory_space<vmem>>, vector<1x16xf32>,
        %get3A_375 = vector.shape_cast %get3A_374 : vector<1x16xf32> to vector<16xf32>
        %get3A_376 = arith.index_cast %add3A_352 : i32 to index
        %get3A_377 = arith.constant 32 : index
        %get3A_378 = tpu.vector_load %arg13[%get3A_376, %get3A_377] {strides = array<i32>} : memref<128x128xf32, #tpu.memory_space<vmem>>, vector<1x16xf32>,
        %get3A_379 = vector.shape_cast %get3A_378 : vector<1x16xf32> to vector<16xf32>
        %mul3A_380 = arith.mulf %get3A_375, %get3A_379 : vector<16xf32>
        %add3A_381 = arith.addf %add3A_371, %mul3A_380 : vector<16xf32>
        %get3A_382 = arith.index_cast %add3A_352 : i32 to index
        %get3A_383 = arith.constant 48 : index
        %get3A_384 = tpu.vector_load %arg12[%get3A_382, %get3A_383] {strides = array<i32>} : memref<128x128xf32, #tpu.memory_space<vmem>>, vector<1x16xf32>,
        %get3A_385 = vector.shape_cast %get3A_384 : vector<1x16xf32> to vector<16xf32>
        %get3A_386 = arith.index_cast %add3A_352 : i32 to index
        %get3A_387 = arith.constant 48 : index
        %get3A_388 = tpu.vector_load %arg13[%get3A_386, %get3A_387] {strides = array<i32>} : memref<128x128xf32, #tpu.memory_space<vmem>>, vector<1x16xf32>,
        %get3A_389 = vector.shape_cast %get3A_388 : vector<1x16xf32> to vector<16xf32>
        %mul3A_390 = arith.mulf %get3A_385, %get3A_389 : vector<16xf32>
        %add3A_391 = arith.addf %add3A_381, %mul3A_390 : vector<16xf32>
        %get3A_392 = arith.index_cast %add3A_352 : i32 to index
        %get3A_393 = arith.constant 64 : index
        %get3A_394 = tpu.vector_load %arg12[%get3A_392, %get3A_393] {strides = array<i32>} : memref<128x128xf32, #tpu.memory_space<vmem>>, vector<1x16xf32>,
        %get3A_395 = vector.shape_cast %get3A_394 : vector<1x16xf32> to vector<16xf32>
        %get3A_396 = arith.index_cast %add3A_352 : i32 to index
        %get3A_397 = arith.constant 64 : index
        %get3A_398 = tpu.vector_load %arg13[%get3A_396, %get3A_397] {strides = array<i32>} : memref<128x128xf32, #tpu.memory_space<vmem>>, vector<1x16xf32>,
        %get3A_399 = vector.shape_cast %get3A_398 : vector<1x16xf32> to vector<16xf32>
        %mul3A_400 = arith.mulf %get3A_395, %get3A_399 : vector<16xf32>
        %add3A_401 = arith.addf %add3A_391, %mul3A_400 : vector<16xf32>
        %get3A_402 = arith.index_cast %add3A_352 : i32 to index
        %get3A_403 = arith.constant 80 : index
        %get3A_404 = tpu.vector_load %arg12[%get3A_402, %get3A_403] {strides = array<i32>} : memref<128x128xf32, #tpu.memory_space<vmem>>, vector<1x16xf32>,
        %get3A_405 = vector.shape_cast %get3A_404 : vector<1x16xf32> to vector<16xf32>
        %get3A_406 = arith.index_cast %add3A_352 : i32 to index
        %get3A_407 = arith.constant 80 : index
        %get3A_408 = tpu.vector_load %arg13[%get3A_406, %get3A_407] {strides = array<i32>} : memref<128x128xf32, #tpu.memory_space<vmem>>, vector<1x16xf32>,
        %get3A_409 = vector.shape_cast %get3A_408 : vector<1x16xf32> to vector<16xf32>
        %mul3A_410 = arith.mulf %get3A_405, %get3A_409 : vector<16xf32>
        %add3A_411 = arith.addf %add3A_401, %mul3A_410 : vector<16xf32>
        %get3A_412 = arith.index_cast %add3A_352 : i32 to index
        %get3A_413 = arith.constant 96 : index
        %get3A_414 = tpu.vector_load %arg12[%get3A_412, %get3A_413] {strides = array<i32>} : memref<128x128xf32, #tpu.memory_space<vmem>>, vector<1x16xf32>,
        %get3A_415 = vector.shape_cast %get3A_414 : vector<1x16xf32> to vector<16xf32>
        %get3A_416 = arith.index_cast %add3A_352 : i32 to index
        %get3A_417 = arith.constant 96 : index
        %get3A_418 = tpu.vector_load %arg13[%get3A_416, %get3A_417] {strides = array<i32>} : memref<128x128xf32, #tpu.memory_space<vmem>>, vector<1x16xf32>,
        %get3A_419 = vector.shape_cast %get3A_418 : vector<1x16xf32> to vector<16xf32>
        %mul3A_420 = arith.mulf %get3A_415, %get3A_419 : vector<16xf32>
        %add3A_421 = arith.addf %add3A_411, %mul3A_420 : vector<16xf32>
        %get3A_422 = arith.index_cast %add3A_352 : i32 to index
        %get3A_423 = arith.constant 112 : index
        %get3A_424 = tpu.vector_load %arg12[%get3A_422, %get3A_423] {strides = array<i32>} : memref<128x128xf32, #tpu.memory_space<vmem>>, vector<1x16xf32>,
        %get3A_425 = vector.shape_cast %get3A_424 : vector<1x16xf32> to vector<16xf32>
        %get3A_426 = arith.index_cast %add3A_352 : i32 to index
        %get3A_427 = arith.constant 112 : index
        %get3A_428 = tpu.vector_load %arg13[%get3A_426, %get3A_427] {strides = array<i32>} : memref<128x128xf32, #tpu.memory_space<vmem>>, vector<1x16xf32>,
        %get3A_429 = vector.shape_cast %get3A_428 : vector<1x16xf32> to vector<16xf32>
        %mul3A_430 = arith.mulf %get3A_425, %get3A_429 : vector<16xf32>
        %add3A_431 = arith.addf %add3A_421, %mul3A_430 : vector<16xf32>
        %reshape3A_432 = vector.shape_cast %xor3A_9 : vector<16xi32> to vector<16x1xi32>
        %gather3A_433 = vector.shape_cast %reshape3A_432 : vector<16x1xi32> to vector<16xi32>
        %gather3A_434 = tpu.dynamic_gather %add3A_431[%gather3A_433] in [0] : vector<16xf32>, vector<16xi32> -> vector<16xf32>
        %add3A_435 = arith.addf %add3A_431, %gather3A_434 : vector<16xf32>
        %reshape3A_436 = vector.shape_cast %xor3A_12 : vector<16xi32> to vector<16x1xi32>
        %gather3A_437 = vector.shape_cast %reshape3A_436 : vector<16x1xi32> to vector<16xi32>
        %gather3A_438 = tpu.dynamic_gather %add3A_435[%gather3A_437] in [0] : vector<16xf32>, vector<16xi32> -> vector<16xf32>
        %add3A_439 = arith.addf %add3A_435, %gather3A_438 : vector<16xf32>
        %reshape3A_440 = vector.shape_cast %mul3A_17 : vector<16xi32> to vector<16x1xi32>
        %gather3A_441 = vector.shape_cast %reshape3A_440 : vector<16x1xi32> to vector<16xi32>
        %gather3A_442 = tpu.dynamic_gather %add3A_439[%gather3A_441] in [0] : vector<16xf32>, vector<16xi32> -> vector<16xf32>
        %mul3A_443 = arith.constant 0.176776692 : f32
        %mul3A_444 = vector.broadcast %mul3A_443 : f32 to vector<16xf32>
        %mul3A_445 = arith.mulf %gather3A_442, %mul3A_444 : vector<16xf32>
        %get3A_446 = arith.index_cast %add3A_352 : i32 to index
        %get3A_447 = arith.constant 0 : index
        %get3A_448 = tpu.vector_load %arg14[%get3A_446, %get3A_447] {strides = array<i32>} : memref<128x16xf32, #tpu.memory_space<vmem>>, vector<1x16xf32>,
        %get3A_449 = vector.shape_cast %get3A_448 : vector<1x16xf32> to vector<16xf32>
        %add3A_450 = arith.addf %mul3A_445, %get3A_449 : vector<16xf32>
        %lt3A_451 = arith.constant 4 : i32
        %lt3A_452 = vector.broadcast %lt3A_451 : i32 to vector<16xi32>
        %lt3A_453 = arith.cmpi slt, %iota3A, %lt3A_452 : vector<16xi32>
        %exp3A_454 = math.exp %add3A_450 : vector<16xf32>
        %jit3A_455 = arith.constant 0.000000e+00 : f32
        %broadcast_in_dim3A_456 = vector.broadcast %jit3A_455 : f32 to vector<16xf32>
        %select_n3A_457 = arith.select %lt3A_453, %exp3A_454, %broadcast_in_dim3A_456 : vector<16xi1>, vector<16xf32>
        %swap3A_458 = arith.index_cast %add3A_352 : i32 to index
        %swap3A_459 = arith.constant 0 : index
        %swap3A_460 = tpu.vector_load %arg20[%swap3A_458, %swap3A_459] {strides = array<i32>} : memref<128x16xf32, #tpu.memory_space<vmem>>, vector<1x16xf32>,
        %swap3A_461 = vector.shape_cast %swap3A_460 : vector<1x16xf32> to vector<16xf32>
        %swap3A_462 = vector.shape_cast %select_n3A_457 : vector<16xf32> to vector<1x16xf32>
        tpu.vector_store %arg20[%swap3A_458, %swap3A_459], %swap3A_462 {strides = array<i32>} : memref<128x16xf32, #tpu.memory_space<vmem>>, vector<1x16xf32>,
        %mul3A_463 = arith.constant 4 : i32
        %mul3A_464 = arith.muli %scan3A_128, %mul3A_463 : i32
        %add3A_465 = arith.constant 3 : i32
        %add3A_466 = arith.addi %mul3A_464, %add3A_465 : i32
        %get3A_467 = arith.index_cast %add3A_466 : i32 to index
        %get3A_468 = arith.constant 0 : index
        %get3A_469 = tpu.vector_load %arg12[%get3A_467, %get3A_468] {strides = array<i32>} : memref<128x128xf32, #tpu.memory_space<vmem>>, vector<1x16xf32>,
        %get3A_470 = vector.shape_cast %get3A_469 : vector<1x16xf32> to vector<16xf32>
        %get3A_471 = arith.index_cast %add3A_466 : i32 to index
        %get3A_472 = arith.constant 0 : index
        %get3A_473 = tpu.vector_load %arg13[%get3A_471, %get3A_472] {strides = array<i32>} : memref<128x128xf32, #tpu.memory_space<vmem>>, vector<1x16xf32>,
        %get3A_474 = vector.shape_cast %get3A_473 : vector<1x16xf32> to vector<16xf32>
        %mul3A_475 = arith.mulf %get3A_470, %get3A_474 : vector<16xf32>
        %get3A_476 = arith.index_cast %add3A_466 : i32 to index
        %get3A_477 = arith.constant 16 : index
        %get3A_478 = tpu.vector_load %arg12[%get3A_476, %get3A_477] {strides = array<i32>} : memref<128x128xf32, #tpu.memory_space<vmem>>, vector<1x16xf32>,
        %get3A_479 = vector.shape_cast %get3A_478 : vector<1x16xf32> to vector<16xf32>
        %get3A_480 = arith.index_cast %add3A_466 : i32 to index
        %get3A_481 = arith.constant 16 : index
        %get3A_482 = tpu.vector_load %arg13[%get3A_480, %get3A_481] {strides = array<i32>} : memref<128x128xf32, #tpu.memory_space<vmem>>, vector<1x16xf32>,
        %get3A_483 = vector.shape_cast %get3A_482 : vector<1x16xf32> to vector<16xf32>
        %mul3A_484 = arith.mulf %get3A_479, %get3A_483 : vector<16xf32>
        %add3A_485 = arith.addf %mul3A_475, %mul3A_484 : vector<16xf32>
        %get3A_486 = arith.index_cast %add3A_466 : i32 to index
        %get3A_487 = arith.constant 32 : index
        %get3A_488 = tpu.vector_load %arg12[%get3A_486, %get3A_487] {strides = array<i32>} : memref<128x128xf32, #tpu.memory_space<vmem>>, vector<1x16xf32>,
        %get3A_489 = vector.shape_cast %get3A_488 : vector<1x16xf32> to vector<16xf32>
        %get3A_490 = arith.index_cast %add3A_466 : i32 to index
        %get3A_491 = arith.constant 32 : index
        %get3A_492 = tpu.vector_load %arg13[%get3A_490, %get3A_491] {strides = array<i32>} : memref<128x128xf32, #tpu.memory_space<vmem>>, vector<1x16xf32>,
        %get3A_493 = vector.shape_cast %get3A_492 : vector<1x16xf32> to vector<16xf32>
        %mul3A_494 = arith.mulf %get3A_489, %get3A_493 : vector<16xf32>
        %add3A_495 = arith.addf %add3A_485, %mul3A_494 : vector<16xf32>
        %get3A_496 = arith.index_cast %add3A_466 : i32 to index
        %get3A_497 = arith.constant 48 : index
        %get3A_498 = tpu.vector_load %arg12[%get3A_496, %get3A_497] {strides = array<i32>} : memref<128x128xf32, #tpu.memory_space<vmem>>, vector<1x16xf32>,
        %get3A_499 = vector.shape_cast %get3A_498 : vector<1x16xf32> to vector<16xf32>
        %get3A_500 = arith.index_cast %add3A_466 : i32 to index
        %get3A_501 = arith.constant 48 : index
        %get3A_502 = tpu.vector_load %arg13[%get3A_500, %get3A_501] {strides = array<i32>} : memref<128x128xf32, #tpu.memory_space<vmem>>, vector<1x16xf32>,
        %get3A_503 = vector.shape_cast %get3A_502 : vector<1x16xf32> to vector<16xf32>
        %mul3A_504 = arith.mulf %get3A_499, %get3A_503 : vector<16xf32>
        %add3A_505 = arith.addf %add3A_495, %mul3A_504 : vector<16xf32>
        %get3A_506 = arith.index_cast %add3A_466 : i32 to index
        %get3A_507 = arith.constant 64 : index
        %get3A_508 = tpu.vector_load %arg12[%get3A_506, %get3A_507] {strides = array<i32>} : memref<128x128xf32, #tpu.memory_space<vmem>>, vector<1x16xf32>,
        %get3A_509 = vector.shape_cast %get3A_508 : vector<1x16xf32> to vector<16xf32>
        %get3A_510 = arith.index_cast %add3A_466 : i32 to index
        %get3A_511 = arith.constant 64 : index
        %get3A_512 = tpu.vector_load %arg13[%get3A_510, %get3A_511] {strides = array<i32>} : memref<128x128xf32, #tpu.memory_space<vmem>>, vector<1x16xf32>,
        %get3A_513 = vector.shape_cast %get3A_512 : vector<1x16xf32> to vector<16xf32>
        %mul3A_514 = arith.mulf %get3A_509, %get3A_513 : vector<16xf32>
        %add3A_515 = arith.addf %add3A_505, %mul3A_514 : vector<16xf32>
        %get3A_516 = arith.index_cast %add3A_466 : i32 to index
        %get3A_517 = arith.constant 80 : index
        %get3A_518 = tpu.vector_load %arg12[%get3A_516, %get3A_517] {strides = array<i32>} : memref<128x128xf32, #tpu.memory_space<vmem>>, vector<1x16xf32>,
        %get3A_519 = vector.shape_cast %get3A_518 : vector<1x16xf32> to vector<16xf32>
        %get3A_520 = arith.index_cast %add3A_466 : i32 to index
        %get3A_521 = arith.constant 80 : index
        %get3A_522 = tpu.vector_load %arg13[%get3A_520, %get3A_521] {strides = array<i32>} : memref<128x128xf32, #tpu.memory_space<vmem>>, vector<1x16xf32>,
        %get3A_523 = vector.shape_cast %get3A_522 : vector<1x16xf32> to vector<16xf32>
        %mul3A_524 = arith.mulf %get3A_519, %get3A_523 : vector<16xf32>
        %add3A_525 = arith.addf %add3A_515, %mul3A_524 : vector<16xf32>
        %get3A_526 = arith.index_cast %add3A_466 : i32 to index
        %get3A_527 = arith.constant 96 : index
        %get3A_528 = tpu.vector_load %arg12[%get3A_526, %get3A_527] {strides = array<i32>} : memref<128x128xf32, #tpu.memory_space<vmem>>, vector<1x16xf32>,
        %get3A_529 = vector.shape_cast %get3A_528 : vector<1x16xf32> to vector<16xf32>
        %get3A_530 = arith.index_cast %add3A_466 : i32 to index
        %get3A_531 = arith.constant 96 : index
        %get3A_532 = tpu.vector_load %arg13[%get3A_530, %get3A_531] {strides = array<i32>} : memref<128x128xf32, #tpu.memory_space<vmem>>, vector<1x16xf32>,
        %get3A_533 = vector.shape_cast %get3A_532 : vector<1x16xf32> to vector<16xf32>
        %mul3A_534 = arith.mulf %get3A_529, %get3A_533 : vector<16xf32>
        %add3A_535 = arith.addf %add3A_525, %mul3A_534 : vector<16xf32>
        %get3A_536 = arith.index_cast %add3A_466 : i32 to index
        %get3A_537 = arith.constant 112 : index
        %get3A_538 = tpu.vector_load %arg12[%get3A_536, %get3A_537] {strides = array<i32>} : memref<128x128xf32, #tpu.memory_space<vmem>>, vector<1x16xf32>,
        %get3A_539 = vector.shape_cast %get3A_538 : vector<1x16xf32> to vector<16xf32>
        %get3A_540 = arith.index_cast %add3A_466 : i32 to index
        %get3A_541 = arith.constant 112 : index
        %get3A_542 = tpu.vector_load %arg13[%get3A_540, %get3A_541] {strides = array<i32>} : memref<128x128xf32, #tpu.memory_space<vmem>>, vector<1x16xf32>,
        %get3A_543 = vector.shape_cast %get3A_542 : vector<1x16xf32> to vector<16xf32>
        %mul3A_544 = arith.mulf %get3A_539, %get3A_543 : vector<16xf32>
        %add3A_545 = arith.addf %add3A_535, %mul3A_544 : vector<16xf32>
        %reshape3A_546 = vector.shape_cast %xor3A_9 : vector<16xi32> to vector<16x1xi32>
        %gather3A_547 = vector.shape_cast %reshape3A_546 : vector<16x1xi32> to vector<16xi32>
        %gather3A_548 = tpu.dynamic_gather %add3A_545[%gather3A_547] in [0] : vector<16xf32>, vector<16xi32> -> vector<16xf32>
        %add3A_549 = arith.addf %add3A_545, %gather3A_548 : vector<16xf32>
        %reshape3A_550 = vector.shape_cast %xor3A_12 : vector<16xi32> to vector<16x1xi32>
        %gather3A_551 = vector.shape_cast %reshape3A_550 : vector<16x1xi32> to vector<16xi32>
        %gather3A_552 = tpu.dynamic_gather %add3A_549[%gather3A_551] in [0] : vector<16xf32>, vector<16xi32> -> vector<16xf32>
        %add3A_553 = arith.addf %add3A_549, %gather3A_552 : vector<16xf32>
        %reshape3A_554 = vector.shape_cast %mul3A_17 : vector<16xi32> to vector<16x1xi32>
        %gather3A_555 = vector.shape_cast %reshape3A_554 : vector<16x1xi32> to vector<16xi32>
        %gather3A_556 = tpu.dynamic_gather %add3A_553[%gather3A_555] in [0] : vector<16xf32>, vector<16xi32> -> vector<16xf32>
        %mul3A_557 = arith.constant 0.176776692 : f32
        %mul3A_558 = vector.broadcast %mul3A_557 : f32 to vector<16xf32>
        %mul3A_559 = arith.mulf %gather3A_556, %mul3A_558 : vector<16xf32>
        %get3A_560 = arith.index_cast %add3A_466 : i32 to index
        %get3A_561 = arith.constant 0 : index
        %get3A_562 = tpu.vector_load %arg14[%get3A_560, %get3A_561] {strides = array<i32>} : memref<128x16xf32, #tpu.memory_space<vmem>>, vector<1x16xf32>,
        %get3A_563 = vector.shape_cast %get3A_562 : vector<1x16xf32> to vector<16xf32>
        %add3A_564 = arith.addf %mul3A_559, %get3A_563 : vector<16xf32>
        %lt3A_565 = arith.constant 4 : i32
        %lt3A_566 = vector.broadcast %lt3A_565 : i32 to vector<16xi32>
        %lt3A_567 = arith.cmpi slt, %iota3A, %lt3A_566 : vector<16xi32>
        %exp3A_568 = math.exp %add3A_564 : vector<16xf32>
        %jit3A_569 = arith.constant 0.000000e+00 : f32
        %broadcast_in_dim3A_570 = vector.broadcast %jit3A_569 : f32 to vector<16xf32>
        %select_n3A_571 = arith.select %lt3A_567, %exp3A_568, %broadcast_in_dim3A_570 : vector<16xi1>, vector<16xf32>
        %swap3A_572 = arith.index_cast %add3A_466 : i32 to index
        %swap3A_573 = arith.constant 0 : index
        %swap3A_574 = tpu.vector_load %arg20[%swap3A_572, %swap3A_573] {strides = array<i32>} : memref<128x16xf32, #tpu.memory_space<vmem>>, vector<1x16xf32>,
        %swap3A_575 = vector.shape_cast %swap3A_574 : vector<1x16xf32> to vector<16xf32>
        %swap3A_576 = vector.shape_cast %select_n3A_571 : vector<16xf32> to vector<1x16xf32>
        tpu.vector_store %arg20[%swap3A_572, %swap3A_573], %swap3A_576 {strides = array<i32>} : memref<128x16xf32, #tpu.memory_space<vmem>>, vector<1x16xf32>,
      }
      %scan3A_93 = arith.constant 32 : i32
      "tpu.region"() ({
        %run_scoped3A = tpu.sem_alloc : memref<!tpu.dma_semaphore, #tpu.memory_space<semaphore_mem>>
        %dma_start3A_128 = arith.constant 0 : i32
        %dma_start3A_129 = tpu.memref_slice %arg7[%add3A_87, %dma_start3A_128] : memref<327680x16xf32, #tpu.memory_space<hbm>> -> memref<128x16xf32, #tpu.memory_space<hbm>>
        %dma_start3A_130 = arith.constant 0 : i32
        %dma_start3A_131 = tpu.memref_slice %arg7[%add3A_87, %dma_start3A_130] : memref<327680x16xf32, #tpu.memory_space<hbm>> -> memref<128x16xf32, #tpu.memory_space<hbm>>
        tpu.enqueue_dma source(%arg20 : memref<128x16xf32, #tpu.memory_space<vmem>>) target(%dma_start3A_131 : memref<128x16xf32, #tpu.memory_space<hbm>>) target_semaphore(%run_scoped3A : memref<!tpu.dma_semaphore, #tpu.memory_space<semaphore_mem>>)
        %dma_wait3A_132 = arith.constant 0 : i32
        %dma_wait3A_133 = tpu.memref_slice %arg7[%add3A_87, %dma_wait3A_132] : memref<327680x16xf32, #tpu.memory_space<hbm>> -> memref<128x16xf32, #tpu.memory_space<hbm>>
        %dma_wait3A_134 = arith.constant 0 : i32
        %dma_wait3A_135 = tpu.memref_slice %arg7[%add3A_87, %dma_wait3A_134] : memref<327680x16xf32, #tpu.memory_space<hbm>> -> memref<128x16xf32, #tpu.memory_space<hbm>>
        tpu.wait_dma2 semaphore(%run_scoped3A : memref<!tpu.dma_semaphore, #tpu.memory_space<semaphore_mem>>) src(%arg20 : memref<128x16xf32, #tpu.memory_space<vmem>>) dst(%dma_wait3A_135 : memref<128x16xf32, #tpu.memory_space<hbm>>)
        tpu.yield
      }) : () -> ()
      "tpu.region"() ({
        %run_scoped3A = tpu.sem_alloc : memref<!tpu.dma_semaphore, #tpu.memory_space<semaphore_mem>>
        %dma_start3A_128 = arith.constant 0 : i32
        %dma_start3A_129 = arith.constant 0 : i32
        %dma_start3A_130 = tpu.memref_slice %arg22[%dma_start3A_128, %dma_start3A_129] : memref<10240x16xf32, #tpu.memory_space<vmem_shared>> -> memref<10240x16xf32, #tpu.memory_space<vmem_shared>>
        tpu.enqueue_indirect_dma source(%arg20 : memref<128x16xf32, #tpu.memory_space<vmem>>) target(%dma_start3A_130 : memref<10240x16xf32, #tpu.memory_space<vmem_shared>>) offsets(%arg10 : memref<128xi32, #tpu.memory_space<vmem>>) semaphore(%run_scoped3A : memref<!tpu.dma_semaphore, #tpu.memory_space<semaphore_mem>>) {add = true}
        %dma_wait3A_131 = arith.constant 0 : i32
        %dma_wait3A_132 = arith.constant 0 : i32
        %dma_wait3A_133 = tpu.memref_slice %arg22[%dma_wait3A_131, %dma_wait3A_132] : memref<10240x16xf32, #tpu.memory_space<vmem_shared>> -> memref<10240x16xf32, #tpu.memory_space<vmem_shared>>
        tpu.wait_indirect_dma semaphore(%run_scoped3A : memref<!tpu.dma_semaphore, #tpu.memory_space<semaphore_mem>>) src(%arg20 : memref<128x16xf32, #tpu.memory_space<vmem>>) dst(%dma_wait3A_133 : memref<10240x16xf32, #tpu.memory_space<vmem_shared>>)
        tpu.yield
      }) : () -> ()
      %lt3A = arith.constant 39 : i32
      %lt3A_94 = arith.cmpi slt, %scan3A_49, %lt3A : i32
      %convert_element_type3A_95 = arith.extui %lt3A_94 : i1 to i32
      %cond3A_96 = arith.constant 0 : i32
      %cond3A_97 = arith.cmpi ne, %convert_element_type3A_95, %cond3A_96 : i32
      scf.if %cond3A_97 {
        %add3A_128 = arith.constant 2 : i32
        %add3A_129 = arith.addi %mul3A_51, %add3A_128 : i32
        %mul3A_130 = arith.constant 10240 : i32
        %mul3A_131 = arith.muli %add3A, %mul3A_130 : i32
        %mul3A_132 = arith.constant 128 : i32
        %mul3A_133 = arith.muli %add3A_129, %mul3A_132 : i32
        %add3A_134 = arith.addi %mul3A_131, %mul3A_133 : i32
        "tpu.region"() ({
          %run_scoped3A = tpu.sem_alloc : memref<!tpu.dma_semaphore, #tpu.memory_space<semaphore_mem>>
          %dma_start3A_145 = tpu.memref_slice %arg2[%add3A_134] : memref<327680xi32, #tpu.memory_space<hbm>> -> memref<128xi32, #tpu.memory_space<hbm>>
          %dma_start3A_146 = tpu.memref_slice %arg2[%add3A_134] : memref<327680xi32, #tpu.memory_space<hbm>> -> memref<128xi32, #tpu.memory_space<hbm>>
          tpu.enqueue_dma source(%dma_start3A_146 : memref<128xi32, #tpu.memory_space<hbm>>) target(%arg10 : memref<128xi32, #tpu.memory_space<vmem>>) target_semaphore(%run_scoped3A : memref<!tpu.dma_semaphore, #tpu.memory_space<semaphore_mem>>)
          %dma_wait3A_147 = tpu.memref_slice %arg2[%add3A_134] : memref<327680xi32, #tpu.memory_space<hbm>> -> memref<128xi32, #tpu.memory_space<hbm>>
          %dma_wait3A_148 = tpu.memref_slice %arg2[%add3A_134] : memref<327680xi32, #tpu.memory_space<hbm>> -> memref<128xi32, #tpu.memory_space<hbm>>
          tpu.wait_dma2 semaphore(%run_scoped3A : memref<!tpu.dma_semaphore, #tpu.memory_space<semaphore_mem>>) src(%dma_wait3A_148 : memref<128xi32, #tpu.memory_space<hbm>>) dst(%arg10 : memref<128xi32, #tpu.memory_space<vmem>>)
          tpu.yield
        }) : () -> ()
        "tpu.region"() ({
          %run_scoped3A = tpu.sem_alloc : memref<!tpu.dma_semaphore, #tpu.memory_space<semaphore_mem>>
          %dma_start3A_145 = tpu.memref_slice %arg3[%add3A_134] : memref<327680xi32, #tpu.memory_space<hbm>> -> memref<128xi32, #tpu.memory_space<hbm>>
          %dma_start3A_146 = tpu.memref_slice %arg3[%add3A_134] : memref<327680xi32, #tpu.memory_space<hbm>> -> memref<128xi32, #tpu.memory_space<hbm>>
          tpu.enqueue_dma source(%dma_start3A_146 : memref<128xi32, #tpu.memory_space<hbm>>) target(%arg11 : memref<128xi32, #tpu.memory_space<vmem>>) target_semaphore(%run_scoped3A : memref<!tpu.dma_semaphore, #tpu.memory_space<semaphore_mem>>)
          %dma_wait3A_147 = tpu.memref_slice %arg3[%add3A_134] : memref<327680xi32, #tpu.memory_space<hbm>> -> memref<128xi32, #tpu.memory_space<hbm>>
          %dma_wait3A_148 = tpu.memref_slice %arg3[%add3A_134] : memref<327680xi32, #tpu.memory_space<hbm>> -> memref<128xi32, #tpu.memory_space<hbm>>
          tpu.wait_dma2 semaphore(%run_scoped3A : memref<!tpu.dma_semaphore, #tpu.memory_space<semaphore_mem>>) src(%dma_wait3A_148 : memref<128xi32, #tpu.memory_space<hbm>>) dst(%arg11 : memref<128xi32, #tpu.memory_space<vmem>>)
          tpu.yield
        }) : () -> ()
        %dma_start3A_135 = arith.constant 0 : i32
        %dma_start3A_136 = arith.constant 0 : i32
        %dma_start3A_137 = tpu.memref_slice %arg4[%dma_start3A_135, %dma_start3A_136] : memref<10240x128xf32, #tpu.memory_space<hbm>> -> memref<10240x128xf32, #tpu.memory_space<hbm>>
        tpu.enqueue_indirect_dma source(%dma_start3A_137 : memref<10240x128xf32, #tpu.memory_space<hbm>>) target(%arg12 : memref<128x128xf32, #tpu.memory_space<vmem>>) offsets(%arg10 : memref<128xi32, #tpu.memory_space<vmem>>) semaphore(%arg23 : memref<!tpu.dma_semaphore, #tpu.memory_space<semaphore_mem>>)
        %dma_start3A_138 = arith.constant 0 : i32
        %dma_start3A_139 = arith.constant 0 : i32
        %dma_start3A_140 = tpu.memref_slice %arg5[%dma_start3A_138, %dma_start3A_139] : memref<10240x128xf32, #tpu.memory_space<hbm>> -> memref<10240x128xf32, #tpu.memory_space<hbm>>
        tpu.enqueue_indirect_dma source(%dma_start3A_140 : memref<10240x128xf32, #tpu.memory_space<hbm>>) target(%arg13 : memref<128x128xf32, #tpu.memory_space<vmem>>) offsets(%arg11 : memref<128xi32, #tpu.memory_space<vmem>>) semaphore(%arg23 : memref<!tpu.dma_semaphore, #tpu.memory_space<semaphore_mem>>)
        %dma_start3A_141 = arith.constant 0 : i32
        %dma_start3A_142 = tpu.memref_slice %arg6[%add3A_134, %dma_start3A_141] : memref<327680x16xf32, #tpu.memory_space<hbm>> -> memref<128x16xf32, #tpu.memory_space<hbm>>
        %dma_start3A_143 = arith.constant 0 : i32
        %dma_start3A_144 = tpu.memref_slice %arg6[%add3A_134, %dma_start3A_143] : memref<327680x16xf32, #tpu.memory_space<hbm>> -> memref<128x16xf32, #tpu.memory_space<hbm>>
        tpu.enqueue_dma source(%dma_start3A_144 : memref<128x16xf32, #tpu.memory_space<hbm>>) target(%arg14 : memref<128x16xf32, #tpu.memory_space<vmem>>) target_semaphore(%arg23 : memref<!tpu.dma_semaphore, #tpu.memory_space<semaphore_mem>>)
      } else {
      }
      %add3A_98 = arith.constant 1 : i32
      %add3A_99 = arith.addi %mul3A_51, %add3A_98 : i32
      %mul3A_100 = arith.constant 10240 : i32
      %mul3A_101 = arith.muli %add3A, %mul3A_100 : i32
      %mul3A_102 = arith.constant 128 : i32
      %mul3A_103 = arith.muli %add3A_99, %mul3A_102 : i32
      %add3A_104 = arith.addi %mul3A_101, %mul3A_103 : i32
      %dma_wait3A_105 = arith.constant 0 : i32
      %dma_wait3A_106 = arith.constant 0 : i32
      %dma_wait3A_107 = tpu.memref_slice %arg4[%dma_wait3A_105, %dma_wait3A_106] : memref<10240x128xf32, #tpu.memory_space<hbm>> -> memref<10240x128xf32, #tpu.memory_space<hbm>>
      tpu.wait_indirect_dma semaphore(%arg24 : memref<!tpu.dma_semaphore, #tpu.memory_space<semaphore_mem>>) src(%dma_wait3A_107 : memref<10240x128xf32, #tpu.memory_space<hbm>>) dst(%arg17 : memref<128x128xf32, #tpu.memory_space<vmem>>)
      %dma_wait3A_108 = arith.constant 0 : i32
      %dma_wait3A_109 = arith.constant 0 : i32
      %dma_wait3A_110 = tpu.memref_slice %arg5[%dma_wait3A_108, %dma_wait3A_109] : memref<10240x128xf32, #tpu.memory_space<hbm>> -> memref<10240x128xf32, #tpu.memory_space<hbm>>
      tpu.wait_indirect_dma semaphore(%arg24 : memref<!tpu.dma_semaphore, #tpu.memory_space<semaphore_mem>>) src(%dma_wait3A_110 : memref<10240x128xf32, #tpu.memory_space<hbm>>) dst(%arg18 : memref<128x128xf32, #tpu.memory_space<vmem>>)
      %dma_wait3A_111 = arith.constant 0 : i32
      %dma_wait3A_112 = tpu.memref_slice %arg6[%add3A_104, %dma_wait3A_111] : memref<327680x16xf32, #tpu.memory_space<hbm>> -> memref<128x16xf32, #tpu.memory_space<hbm>>
      %dma_wait3A_113 = arith.constant 0 : i32
      %dma_wait3A_114 = tpu.memref_slice %arg6[%add3A_104, %dma_wait3A_113] : memref<327680x16xf32, #tpu.memory_space<hbm>> -> memref<128x16xf32, #tpu.memory_space<hbm>>
      tpu.wait_dma2 semaphore(%arg24 : memref<!tpu.dma_semaphore, #tpu.memory_space<semaphore_mem>>) src(%dma_wait3A_114 : memref<128x16xf32, #tpu.memory_space<hbm>>) dst(%arg19 : memref<128x16xf32, #tpu.memory_space<vmem>>)
      %add3A_115 = arith.constant 1 : i32
      %add3A_116 = arith.addi %mul3A_51, %add3A_115 : i32
      %mul3A_117 = arith.constant 10240 : i32
      %mul3A_118 = arith.muli %add3A, %mul3A_117 : i32
      %mul3A_119 = arith.constant 128 : i32
      %mul3A_120 = arith.muli %add3A_116, %mul3A_119 : i32
      %add3A_121 = arith.addi %mul3A_118, %mul3A_120 : i32
      %scan3A_122 = arith.constant 0 : i32
      %scan3A_123 = arith.constant 0 : i32
      %scan3A_124 = arith.constant 32 : i32
      %scan3A_125 = arith.addi %scan3A_123, %scan3A_124 : i32
      %scan3A_126 = arith.constant 1 : i32
      scf.for %scan3A_128 = %scan3A_123 to %scan3A_125 step %scan3A_126  : i32 {
        %mul3A_129 = arith.constant 4 : i32
        %mul3A_130 = arith.muli %scan3A_128, %mul3A_129 : i32
        %add3A_131 = arith.constant 0 : i32
        %add3A_132 = arith.addi %mul3A_130, %add3A_131 : i32
        %get3A = arith.index_cast %add3A_132 : i32 to index
        %get3A_133 = arith.constant 0 : index
        %get3A_134 = tpu.vector_load %arg17[%get3A, %get3A_133] {strides = array<i32>} : memref<128x128xf32, #tpu.memory_space<vmem>>, vector<1x16xf32>,
        %get3A_135 = vector.shape_cast %get3A_134 : vector<1x16xf32> to vector<16xf32>
        %get3A_136 = arith.index_cast %add3A_132 : i32 to index
        %get3A_137 = arith.constant 0 : index
        %get3A_138 = tpu.vector_load %arg18[%get3A_136, %get3A_137] {strides = array<i32>} : memref<128x128xf32, #tpu.memory_space<vmem>>, vector<1x16xf32>,
        %get3A_139 = vector.shape_cast %get3A_138 : vector<1x16xf32> to vector<16xf32>
        %mul3A_140 = arith.mulf %get3A_135, %get3A_139 : vector<16xf32>
        %get3A_141 = arith.index_cast %add3A_132 : i32 to index
        %get3A_142 = arith.constant 16 : index
        %get3A_143 = tpu.vector_load %arg17[%get3A_141, %get3A_142] {strides = array<i32>} : memref<128x128xf32, #tpu.memory_space<vmem>>, vector<1x16xf32>,
        %get3A_144 = vector.shape_cast %get3A_143 : vector<1x16xf32> to vector<16xf32>
        %get3A_145 = arith.index_cast %add3A_132 : i32 to index
        %get3A_146 = arith.constant 16 : index
        %get3A_147 = tpu.vector_load %arg18[%get3A_145, %get3A_146] {strides = array<i32>} : memref<128x128xf32, #tpu.memory_space<vmem>>, vector<1x16xf32>,
        %get3A_148 = vector.shape_cast %get3A_147 : vector<1x16xf32> to vector<16xf32>
        %mul3A_149 = arith.mulf %get3A_144, %get3A_148 : vector<16xf32>
        %add3A_150 = arith.addf %mul3A_140, %mul3A_149 : vector<16xf32>
        %get3A_151 = arith.index_cast %add3A_132 : i32 to index
        %get3A_152 = arith.constant 32 : index
        %get3A_153 = tpu.vector_load %arg17[%get3A_151, %get3A_152] {strides = array<i32>} : memref<128x128xf32, #tpu.memory_space<vmem>>, vector<1x16xf32>,
        %get3A_154 = vector.shape_cast %get3A_153 : vector<1x16xf32> to vector<16xf32>
        %get3A_155 = arith.index_cast %add3A_132 : i32 to index
        %get3A_156 = arith.constant 32 : index
        %get3A_157 = tpu.vector_load %arg18[%get3A_155, %get3A_156] {strides = array<i32>} : memref<128x128xf32, #tpu.memory_space<vmem>>, vector<1x16xf32>,
        %get3A_158 = vector.shape_cast %get3A_157 : vector<1x16xf32> to vector<16xf32>
        %mul3A_159 = arith.mulf %get3A_154, %get3A_158 : vector<16xf32>
        %add3A_160 = arith.addf %add3A_150, %mul3A_159 : vector<16xf32>
        %get3A_161 = arith.index_cast %add3A_132 : i32 to index
        %get3A_162 = arith.constant 48 : index
        %get3A_163 = tpu.vector_load %arg17[%get3A_161, %get3A_162] {strides = array<i32>} : memref<128x128xf32, #tpu.memory_space<vmem>>, vector<1x16xf32>,
        %get3A_164 = vector.shape_cast %get3A_163 : vector<1x16xf32> to vector<16xf32>
        %get3A_165 = arith.index_cast %add3A_132 : i32 to index
        %get3A_166 = arith.constant 48 : index
        %get3A_167 = tpu.vector_load %arg18[%get3A_165, %get3A_166] {strides = array<i32>} : memref<128x128xf32, #tpu.memory_space<vmem>>, vector<1x16xf32>,
        %get3A_168 = vector.shape_cast %get3A_167 : vector<1x16xf32> to vector<16xf32>
        %mul3A_169 = arith.mulf %get3A_164, %get3A_168 : vector<16xf32>
        %add3A_170 = arith.addf %add3A_160, %mul3A_169 : vector<16xf32>
        %get3A_171 = arith.index_cast %add3A_132 : i32 to index
        %get3A_172 = arith.constant 64 : index
        %get3A_173 = tpu.vector_load %arg17[%get3A_171, %get3A_172] {strides = array<i32>} : memref<128x128xf32, #tpu.memory_space<vmem>>, vector<1x16xf32>,
        %get3A_174 = vector.shape_cast %get3A_173 : vector<1x16xf32> to vector<16xf32>
        %get3A_175 = arith.index_cast %add3A_132 : i32 to index
        %get3A_176 = arith.constant 64 : index
        %get3A_177 = tpu.vector_load %arg18[%get3A_175, %get3A_176] {strides = array<i32>} : memref<128x128xf32, #tpu.memory_space<vmem>>, vector<1x16xf32>,
        %get3A_178 = vector.shape_cast %get3A_177 : vector<1x16xf32> to vector<16xf32>
        %mul3A_179 = arith.mulf %get3A_174, %get3A_178 : vector<16xf32>
        %add3A_180 = arith.addf %add3A_170, %mul3A_179 : vector<16xf32>
        %get3A_181 = arith.index_cast %add3A_132 : i32 to index
        %get3A_182 = arith.constant 80 : index
        %get3A_183 = tpu.vector_load %arg17[%get3A_181, %get3A_182] {strides = array<i32>} : memref<128x128xf32, #tpu.memory_space<vmem>>, vector<1x16xf32>,
        %get3A_184 = vector.shape_cast %get3A_183 : vector<1x16xf32> to vector<16xf32>
        %get3A_185 = arith.index_cast %add3A_132 : i32 to index
        %get3A_186 = arith.constant 80 : index
        %get3A_187 = tpu.vector_load %arg18[%get3A_185, %get3A_186] {strides = array<i32>} : memref<128x128xf32, #tpu.memory_space<vmem>>, vector<1x16xf32>,
        %get3A_188 = vector.shape_cast %get3A_187 : vector<1x16xf32> to vector<16xf32>
        %mul3A_189 = arith.mulf %get3A_184, %get3A_188 : vector<16xf32>
        %add3A_190 = arith.addf %add3A_180, %mul3A_189 : vector<16xf32>
        %get3A_191 = arith.index_cast %add3A_132 : i32 to index
        %get3A_192 = arith.constant 96 : index
        %get3A_193 = tpu.vector_load %arg17[%get3A_191, %get3A_192] {strides = array<i32>} : memref<128x128xf32, #tpu.memory_space<vmem>>, vector<1x16xf32>,
        %get3A_194 = vector.shape_cast %get3A_193 : vector<1x16xf32> to vector<16xf32>
        %get3A_195 = arith.index_cast %add3A_132 : i32 to index
        %get3A_196 = arith.constant 96 : index
        %get3A_197 = tpu.vector_load %arg18[%get3A_195, %get3A_196] {strides = array<i32>} : memref<128x128xf32, #tpu.memory_space<vmem>>, vector<1x16xf32>,
        %get3A_198 = vector.shape_cast %get3A_197 : vector<1x16xf32> to vector<16xf32>
        %mul3A_199 = arith.mulf %get3A_194, %get3A_198 : vector<16xf32>
        %add3A_200 = arith.addf %add3A_190, %mul3A_199 : vector<16xf32>
        %get3A_201 = arith.index_cast %add3A_132 : i32 to index
        %get3A_202 = arith.constant 112 : index
        %get3A_203 = tpu.vector_load %arg17[%get3A_201, %get3A_202] {strides = array<i32>} : memref<128x128xf32, #tpu.memory_space<vmem>>, vector<1x16xf32>,
        %get3A_204 = vector.shape_cast %get3A_203 : vector<1x16xf32> to vector<16xf32>
        %get3A_205 = arith.index_cast %add3A_132 : i32 to index
        %get3A_206 = arith.constant 112 : index
        %get3A_207 = tpu.vector_load %arg18[%get3A_205, %get3A_206] {strides = array<i32>} : memref<128x128xf32, #tpu.memory_space<vmem>>, vector<1x16xf32>,
        %get3A_208 = vector.shape_cast %get3A_207 : vector<1x16xf32> to vector<16xf32>
        %mul3A_209 = arith.mulf %get3A_204, %get3A_208 : vector<16xf32>
        %add3A_210 = arith.addf %add3A_200, %mul3A_209 : vector<16xf32>
        %reshape3A = vector.shape_cast %xor3A_9 : vector<16xi32> to vector<16x1xi32>
        %gather3A = vector.shape_cast %reshape3A : vector<16x1xi32> to vector<16xi32>
        %gather3A_211 = tpu.dynamic_gather %add3A_210[%gather3A] in [0] : vector<16xf32>, vector<16xi32> -> vector<16xf32>
        %add3A_212 = arith.addf %add3A_210, %gather3A_211 : vector<16xf32>
        %reshape3A_213 = vector.shape_cast %xor3A_12 : vector<16xi32> to vector<16x1xi32>
        %gather3A_214 = vector.shape_cast %reshape3A_213 : vector<16x1xi32> to vector<16xi32>
        %gather3A_215 = tpu.dynamic_gather %add3A_212[%gather3A_214] in [0] : vector<16xf32>, vector<16xi32> -> vector<16xf32>
        %add3A_216 = arith.addf %add3A_212, %gather3A_215 : vector<16xf32>
        %reshape3A_217 = vector.shape_cast %mul3A_17 : vector<16xi32> to vector<16x1xi32>
        %gather3A_218 = vector.shape_cast %reshape3A_217 : vector<16x1xi32> to vector<16xi32>
        %gather3A_219 = tpu.dynamic_gather %add3A_216[%gather3A_218] in [0] : vector<16xf32>, vector<16xi32> -> vector<16xf32>
        %mul3A_220 = arith.constant 0.176776692 : f32
        %mul3A_221 = vector.broadcast %mul3A_220 : f32 to vector<16xf32>
        %mul3A_222 = arith.mulf %gather3A_219, %mul3A_221 : vector<16xf32>
        %get3A_223 = arith.index_cast %add3A_132 : i32 to index
        %get3A_224 = arith.constant 0 : index
        %get3A_225 = tpu.vector_load %arg19[%get3A_223, %get3A_224] {strides = array<i32>} : memref<128x16xf32, #tpu.memory_space<vmem>>, vector<1x16xf32>,
        %get3A_226 = vector.shape_cast %get3A_225 : vector<1x16xf32> to vector<16xf32>
        %add3A_227 = arith.addf %mul3A_222, %get3A_226 : vector<16xf32>
        %lt3A_228 = arith.constant 4 : i32
        %lt3A_229 = vector.broadcast %lt3A_228 : i32 to vector<16xi32>
        %lt3A_230 = arith.cmpi slt, %iota3A, %lt3A_229 : vector<16xi32>
        %exp3A = math.exp %add3A_227 : vector<16xf32>
        %jit3A = arith.constant 0.000000e+00 : f32
        %broadcast_in_dim3A = vector.broadcast %jit3A : f32 to vector<16xf32>
        %select_n3A = arith.select %lt3A_230, %exp3A, %broadcast_in_dim3A : vector<16xi1>, vector<16xf32>
        %swap3A = arith.index_cast %add3A_132 : i32 to index
        %swap3A_231 = arith.constant 0 : index
        %swap3A_232 = tpu.vector_load %arg20[%swap3A, %swap3A_231] {strides = array<i32>} : memref<128x16xf32, #tpu.memory_space<vmem>>, vector<1x16xf32>,
        %swap3A_233 = vector.shape_cast %swap3A_232 : vector<1x16xf32> to vector<16xf32>
        %swap3A_234 = vector.shape_cast %select_n3A : vector<16xf32> to vector<1x16xf32>
        tpu.vector_store %arg20[%swap3A, %swap3A_231], %swap3A_234 {strides = array<i32>} : memref<128x16xf32, #tpu.memory_space<vmem>>, vector<1x16xf32>,
        %mul3A_235 = arith.constant 4 : i32
        %mul3A_236 = arith.muli %scan3A_128, %mul3A_235 : i32
        %add3A_237 = arith.constant 1 : i32
        %add3A_238 = arith.addi %mul3A_236, %add3A_237 : i32
        %get3A_239 = arith.index_cast %add3A_238 : i32 to index
        %get3A_240 = arith.constant 0 : index
        %get3A_241 = tpu.vector_load %arg17[%get3A_239, %get3A_240] {strides = array<i32>} : memref<128x128xf32, #tpu.memory_space<vmem>>, vector<1x16xf32>,
        %get3A_242 = vector.shape_cast %get3A_241 : vector<1x16xf32> to vector<16xf32>
        %get3A_243 = arith.index_cast %add3A_238 : i32 to index
        %get3A_244 = arith.constant 0 : index
        %get3A_245 = tpu.vector_load %arg18[%get3A_243, %get3A_244] {strides = array<i32>} : memref<128x128xf32, #tpu.memory_space<vmem>>, vector<1x16xf32>,
        %get3A_246 = vector.shape_cast %get3A_245 : vector<1x16xf32> to vector<16xf32>
        %mul3A_247 = arith.mulf %get3A_242, %get3A_246 : vector<16xf32>
        %get3A_248 = arith.index_cast %add3A_238 : i32 to index
        %get3A_249 = arith.constant 16 : index
        %get3A_250 = tpu.vector_load %arg17[%get3A_248, %get3A_249] {strides = array<i32>} : memref<128x128xf32, #tpu.memory_space<vmem>>, vector<1x16xf32>,
        %get3A_251 = vector.shape_cast %get3A_250 : vector<1x16xf32> to vector<16xf32>
        %get3A_252 = arith.index_cast %add3A_238 : i32 to index
        %get3A_253 = arith.constant 16 : index
        %get3A_254 = tpu.vector_load %arg18[%get3A_252, %get3A_253] {strides = array<i32>} : memref<128x128xf32, #tpu.memory_space<vmem>>, vector<1x16xf32>,
        %get3A_255 = vector.shape_cast %get3A_254 : vector<1x16xf32> to vector<16xf32>
        %mul3A_256 = arith.mulf %get3A_251, %get3A_255 : vector<16xf32>
        %add3A_257 = arith.addf %mul3A_247, %mul3A_256 : vector<16xf32>
        %get3A_258 = arith.index_cast %add3A_238 : i32 to index
        %get3A_259 = arith.constant 32 : index
        %get3A_260 = tpu.vector_load %arg17[%get3A_258, %get3A_259] {strides = array<i32>} : memref<128x128xf32, #tpu.memory_space<vmem>>, vector<1x16xf32>,
        %get3A_261 = vector.shape_cast %get3A_260 : vector<1x16xf32> to vector<16xf32>
        %get3A_262 = arith.index_cast %add3A_238 : i32 to index
        %get3A_263 = arith.constant 32 : index
        %get3A_264 = tpu.vector_load %arg18[%get3A_262, %get3A_263] {strides = array<i32>} : memref<128x128xf32, #tpu.memory_space<vmem>>, vector<1x16xf32>,
        %get3A_265 = vector.shape_cast %get3A_264 : vector<1x16xf32> to vector<16xf32>
        %mul3A_266 = arith.mulf %get3A_261, %get3A_265 : vector<16xf32>
        %add3A_267 = arith.addf %add3A_257, %mul3A_266 : vector<16xf32>
        %get3A_268 = arith.index_cast %add3A_238 : i32 to index
        %get3A_269 = arith.constant 48 : index
        %get3A_270 = tpu.vector_load %arg17[%get3A_268, %get3A_269] {strides = array<i32>} : memref<128x128xf32, #tpu.memory_space<vmem>>, vector<1x16xf32>,
        %get3A_271 = vector.shape_cast %get3A_270 : vector<1x16xf32> to vector<16xf32>
        %get3A_272 = arith.index_cast %add3A_238 : i32 to index
        %get3A_273 = arith.constant 48 : index
        %get3A_274 = tpu.vector_load %arg18[%get3A_272, %get3A_273] {strides = array<i32>} : memref<128x128xf32, #tpu.memory_space<vmem>>, vector<1x16xf32>,
        %get3A_275 = vector.shape_cast %get3A_274 : vector<1x16xf32> to vector<16xf32>
        %mul3A_276 = arith.mulf %get3A_271, %get3A_275 : vector<16xf32>
        %add3A_277 = arith.addf %add3A_267, %mul3A_276 : vector<16xf32>
        %get3A_278 = arith.index_cast %add3A_238 : i32 to index
        %get3A_279 = arith.constant 64 : index
        %get3A_280 = tpu.vector_load %arg17[%get3A_278, %get3A_279] {strides = array<i32>} : memref<128x128xf32, #tpu.memory_space<vmem>>, vector<1x16xf32>,
        %get3A_281 = vector.shape_cast %get3A_280 : vector<1x16xf32> to vector<16xf32>
        %get3A_282 = arith.index_cast %add3A_238 : i32 to index
        %get3A_283 = arith.constant 64 : index
        %get3A_284 = tpu.vector_load %arg18[%get3A_282, %get3A_283] {strides = array<i32>} : memref<128x128xf32, #tpu.memory_space<vmem>>, vector<1x16xf32>,
        %get3A_285 = vector.shape_cast %get3A_284 : vector<1x16xf32> to vector<16xf32>
        %mul3A_286 = arith.mulf %get3A_281, %get3A_285 : vector<16xf32>
        %add3A_287 = arith.addf %add3A_277, %mul3A_286 : vector<16xf32>
        %get3A_288 = arith.index_cast %add3A_238 : i32 to index
        %get3A_289 = arith.constant 80 : index
        %get3A_290 = tpu.vector_load %arg17[%get3A_288, %get3A_289] {strides = array<i32>} : memref<128x128xf32, #tpu.memory_space<vmem>>, vector<1x16xf32>,
        %get3A_291 = vector.shape_cast %get3A_290 : vector<1x16xf32> to vector<16xf32>
        %get3A_292 = arith.index_cast %add3A_238 : i32 to index
        %get3A_293 = arith.constant 80 : index
        %get3A_294 = tpu.vector_load %arg18[%get3A_292, %get3A_293] {strides = array<i32>} : memref<128x128xf32, #tpu.memory_space<vmem>>, vector<1x16xf32>,
        %get3A_295 = vector.shape_cast %get3A_294 : vector<1x16xf32> to vector<16xf32>
        %mul3A_296 = arith.mulf %get3A_291, %get3A_295 : vector<16xf32>
        %add3A_297 = arith.addf %add3A_287, %mul3A_296 : vector<16xf32>
        %get3A_298 = arith.index_cast %add3A_238 : i32 to index
        %get3A_299 = arith.constant 96 : index
        %get3A_300 = tpu.vector_load %arg17[%get3A_298, %get3A_299] {strides = array<i32>} : memref<128x128xf32, #tpu.memory_space<vmem>>, vector<1x16xf32>,
        %get3A_301 = vector.shape_cast %get3A_300 : vector<1x16xf32> to vector<16xf32>
        %get3A_302 = arith.index_cast %add3A_238 : i32 to index
        %get3A_303 = arith.constant 96 : index
        %get3A_304 = tpu.vector_load %arg18[%get3A_302, %get3A_303] {strides = array<i32>} : memref<128x128xf32, #tpu.memory_space<vmem>>, vector<1x16xf32>,
        %get3A_305 = vector.shape_cast %get3A_304 : vector<1x16xf32> to vector<16xf32>
        %mul3A_306 = arith.mulf %get3A_301, %get3A_305 : vector<16xf32>
        %add3A_307 = arith.addf %add3A_297, %mul3A_306 : vector<16xf32>
        %get3A_308 = arith.index_cast %add3A_238 : i32 to index
        %get3A_309 = arith.constant 112 : index
        %get3A_310 = tpu.vector_load %arg17[%get3A_308, %get3A_309] {strides = array<i32>} : memref<128x128xf32, #tpu.memory_space<vmem>>, vector<1x16xf32>,
        %get3A_311 = vector.shape_cast %get3A_310 : vector<1x16xf32> to vector<16xf32>
        %get3A_312 = arith.index_cast %add3A_238 : i32 to index
        %get3A_313 = arith.constant 112 : index
        %get3A_314 = tpu.vector_load %arg18[%get3A_312, %get3A_313] {strides = array<i32>} : memref<128x128xf32, #tpu.memory_space<vmem>>, vector<1x16xf32>,
        %get3A_315 = vector.shape_cast %get3A_314 : vector<1x16xf32> to vector<16xf32>
        %mul3A_316 = arith.mulf %get3A_311, %get3A_315 : vector<16xf32>
        %add3A_317 = arith.addf %add3A_307, %mul3A_316 : vector<16xf32>
        %reshape3A_318 = vector.shape_cast %xor3A_9 : vector<16xi32> to vector<16x1xi32>
        %gather3A_319 = vector.shape_cast %reshape3A_318 : vector<16x1xi32> to vector<16xi32>
        %gather3A_320 = tpu.dynamic_gather %add3A_317[%gather3A_319] in [0] : vector<16xf32>, vector<16xi32> -> vector<16xf32>
        %add3A_321 = arith.addf %add3A_317, %gather3A_320 : vector<16xf32>
        %reshape3A_322 = vector.shape_cast %xor3A_12 : vector<16xi32> to vector<16x1xi32>
        %gather3A_323 = vector.shape_cast %reshape3A_322 : vector<16x1xi32> to vector<16xi32>
        %gather3A_324 = tpu.dynamic_gather %add3A_321[%gather3A_323] in [0] : vector<16xf32>, vector<16xi32> -> vector<16xf32>
        %add3A_325 = arith.addf %add3A_321, %gather3A_324 : vector<16xf32>
        %reshape3A_326 = vector.shape_cast %mul3A_17 : vector<16xi32> to vector<16x1xi32>
        %gather3A_327 = vector.shape_cast %reshape3A_326 : vector<16x1xi32> to vector<16xi32>
        %gather3A_328 = tpu.dynamic_gather %add3A_325[%gather3A_327] in [0] : vector<16xf32>, vector<16xi32> -> vector<16xf32>
        %mul3A_329 = arith.constant 0.176776692 : f32
        %mul3A_330 = vector.broadcast %mul3A_329 : f32 to vector<16xf32>
        %mul3A_331 = arith.mulf %gather3A_328, %mul3A_330 : vector<16xf32>
        %get3A_332 = arith.index_cast %add3A_238 : i32 to index
        %get3A_333 = arith.constant 0 : index
        %get3A_334 = tpu.vector_load %arg19[%get3A_332, %get3A_333] {strides = array<i32>} : memref<128x16xf32, #tpu.memory_space<vmem>>, vector<1x16xf32>,
        %get3A_335 = vector.shape_cast %get3A_334 : vector<1x16xf32> to vector<16xf32>
        %add3A_336 = arith.addf %mul3A_331, %get3A_335 : vector<16xf32>
        %lt3A_337 = arith.constant 4 : i32
        %lt3A_338 = vector.broadcast %lt3A_337 : i32 to vector<16xi32>
        %lt3A_339 = arith.cmpi slt, %iota3A, %lt3A_338 : vector<16xi32>
        %exp3A_340 = math.exp %add3A_336 : vector<16xf32>
        %jit3A_341 = arith.constant 0.000000e+00 : f32
        %broadcast_in_dim3A_342 = vector.broadcast %jit3A_341 : f32 to vector<16xf32>
        %select_n3A_343 = arith.select %lt3A_339, %exp3A_340, %broadcast_in_dim3A_342 : vector<16xi1>, vector<16xf32>
        %swap3A_344 = arith.index_cast %add3A_238 : i32 to index
        %swap3A_345 = arith.constant 0 : index
        %swap3A_346 = tpu.vector_load %arg20[%swap3A_344, %swap3A_345] {strides = array<i32>} : memref<128x16xf32, #tpu.memory_space<vmem>>, vector<1x16xf32>,
        %swap3A_347 = vector.shape_cast %swap3A_346 : vector<1x16xf32> to vector<16xf32>
        %swap3A_348 = vector.shape_cast %select_n3A_343 : vector<16xf32> to vector<1x16xf32>
        tpu.vector_store %arg20[%swap3A_344, %swap3A_345], %swap3A_348 {strides = array<i32>} : memref<128x16xf32, #tpu.memory_space<vmem>>, vector<1x16xf32>,
        %mul3A_349 = arith.constant 4 : i32
        %mul3A_350 = arith.muli %scan3A_128, %mul3A_349 : i32
        %add3A_351 = arith.constant 2 : i32
        %add3A_352 = arith.addi %mul3A_350, %add3A_351 : i32
        %get3A_353 = arith.index_cast %add3A_352 : i32 to index
        %get3A_354 = arith.constant 0 : index
        %get3A_355 = tpu.vector_load %arg17[%get3A_353, %get3A_354] {strides = array<i32>} : memref<128x128xf32, #tpu.memory_space<vmem>>, vector<1x16xf32>,
        %get3A_356 = vector.shape_cast %get3A_355 : vector<1x16xf32> to vector<16xf32>
        %get3A_357 = arith.index_cast %add3A_352 : i32 to index
        %get3A_358 = arith.constant 0 : index
        %get3A_359 = tpu.vector_load %arg18[%get3A_357, %get3A_358] {strides = array<i32>} : memref<128x128xf32, #tpu.memory_space<vmem>>, vector<1x16xf32>,
        %get3A_360 = vector.shape_cast %get3A_359 : vector<1x16xf32> to vector<16xf32>
        %mul3A_361 = arith.mulf %get3A_356, %get3A_360 : vector<16xf32>
        %get3A_362 = arith.index_cast %add3A_352 : i32 to index
        %get3A_363 = arith.constant 16 : index
        %get3A_364 = tpu.vector_load %arg17[%get3A_362, %get3A_363] {strides = array<i32>} : memref<128x128xf32, #tpu.memory_space<vmem>>, vector<1x16xf32>,
        %get3A_365 = vector.shape_cast %get3A_364 : vector<1x16xf32> to vector<16xf32>
        %get3A_366 = arith.index_cast %add3A_352 : i32 to index
        %get3A_367 = arith.constant 16 : index
        %get3A_368 = tpu.vector_load %arg18[%get3A_366, %get3A_367] {strides = array<i32>} : memref<128x128xf32, #tpu.memory_space<vmem>>, vector<1x16xf32>,
        %get3A_369 = vector.shape_cast %get3A_368 : vector<1x16xf32> to vector<16xf32>
        %mul3A_370 = arith.mulf %get3A_365, %get3A_369 : vector<16xf32>
        %add3A_371 = arith.addf %mul3A_361, %mul3A_370 : vector<16xf32>
        %get3A_372 = arith.index_cast %add3A_352 : i32 to index
        %get3A_373 = arith.constant 32 : index
        %get3A_374 = tpu.vector_load %arg17[%get3A_372, %get3A_373] {strides = array<i32>} : memref<128x128xf32, #tpu.memory_space<vmem>>, vector<1x16xf32>,
        %get3A_375 = vector.shape_cast %get3A_374 : vector<1x16xf32> to vector<16xf32>
        %get3A_376 = arith.index_cast %add3A_352 : i32 to index
        %get3A_377 = arith.constant 32 : index
        %get3A_378 = tpu.vector_load %arg18[%get3A_376, %get3A_377] {strides = array<i32>} : memref<128x128xf32, #tpu.memory_space<vmem>>, vector<1x16xf32>,
        %get3A_379 = vector.shape_cast %get3A_378 : vector<1x16xf32> to vector<16xf32>
        %mul3A_380 = arith.mulf %get3A_375, %get3A_379 : vector<16xf32>
        %add3A_381 = arith.addf %add3A_371, %mul3A_380 : vector<16xf32>
        %get3A_382 = arith.index_cast %add3A_352 : i32 to index
        %get3A_383 = arith.constant 48 : index
        %get3A_384 = tpu.vector_load %arg17[%get3A_382, %get3A_383] {strides = array<i32>} : memref<128x128xf32, #tpu.memory_space<vmem>>, vector<1x16xf32>,
        %get3A_385 = vector.shape_cast %get3A_384 : vector<1x16xf32> to vector<16xf32>
        %get3A_386 = arith.index_cast %add3A_352 : i32 to index
        %get3A_387 = arith.constant 48 : index
        %get3A_388 = tpu.vector_load %arg18[%get3A_386, %get3A_387] {strides = array<i32>} : memref<128x128xf32, #tpu.memory_space<vmem>>, vector<1x16xf32>,
        %get3A_389 = vector.shape_cast %get3A_388 : vector<1x16xf32> to vector<16xf32>
        %mul3A_390 = arith.mulf %get3A_385, %get3A_389 : vector<16xf32>
        %add3A_391 = arith.addf %add3A_381, %mul3A_390 : vector<16xf32>
        %get3A_392 = arith.index_cast %add3A_352 : i32 to index
        %get3A_393 = arith.constant 64 : index
        %get3A_394 = tpu.vector_load %arg17[%get3A_392, %get3A_393] {strides = array<i32>} : memref<128x128xf32, #tpu.memory_space<vmem>>, vector<1x16xf32>,
        %get3A_395 = vector.shape_cast %get3A_394 : vector<1x16xf32> to vector<16xf32>
        %get3A_396 = arith.index_cast %add3A_352 : i32 to index
        %get3A_397 = arith.constant 64 : index
        %get3A_398 = tpu.vector_load %arg18[%get3A_396, %get3A_397] {strides = array<i32>} : memref<128x128xf32, #tpu.memory_space<vmem>>, vector<1x16xf32>,
        %get3A_399 = vector.shape_cast %get3A_398 : vector<1x16xf32> to vector<16xf32>
        %mul3A_400 = arith.mulf %get3A_395, %get3A_399 : vector<16xf32>
        %add3A_401 = arith.addf %add3A_391, %mul3A_400 : vector<16xf32>
        %get3A_402 = arith.index_cast %add3A_352 : i32 to index
        %get3A_403 = arith.constant 80 : index
        %get3A_404 = tpu.vector_load %arg17[%get3A_402, %get3A_403] {strides = array<i32>} : memref<128x128xf32, #tpu.memory_space<vmem>>, vector<1x16xf32>,
        %get3A_405 = vector.shape_cast %get3A_404 : vector<1x16xf32> to vector<16xf32>
        %get3A_406 = arith.index_cast %add3A_352 : i32 to index
        %get3A_407 = arith.constant 80 : index
        %get3A_408 = tpu.vector_load %arg18[%get3A_406, %get3A_407] {strides = array<i32>} : memref<128x128xf32, #tpu.memory_space<vmem>>, vector<1x16xf32>,
        %get3A_409 = vector.shape_cast %get3A_408 : vector<1x16xf32> to vector<16xf32>
        %mul3A_410 = arith.mulf %get3A_405, %get3A_409 : vector<16xf32>
        %add3A_411 = arith.addf %add3A_401, %mul3A_410 : vector<16xf32>
        %get3A_412 = arith.index_cast %add3A_352 : i32 to index
        %get3A_413 = arith.constant 96 : index
        %get3A_414 = tpu.vector_load %arg17[%get3A_412, %get3A_413] {strides = array<i32>} : memref<128x128xf32, #tpu.memory_space<vmem>>, vector<1x16xf32>,
        %get3A_415 = vector.shape_cast %get3A_414 : vector<1x16xf32> to vector<16xf32>
        %get3A_416 = arith.index_cast %add3A_352 : i32 to index
        %get3A_417 = arith.constant 96 : index
        %get3A_418 = tpu.vector_load %arg18[%get3A_416, %get3A_417] {strides = array<i32>} : memref<128x128xf32, #tpu.memory_space<vmem>>, vector<1x16xf32>,
        %get3A_419 = vector.shape_cast %get3A_418 : vector<1x16xf32> to vector<16xf32>
        %mul3A_420 = arith.mulf %get3A_415, %get3A_419 : vector<16xf32>
        %add3A_421 = arith.addf %add3A_411, %mul3A_420 : vector<16xf32>
        %get3A_422 = arith.index_cast %add3A_352 : i32 to index
        %get3A_423 = arith.constant 112 : index
        %get3A_424 = tpu.vector_load %arg17[%get3A_422, %get3A_423] {strides = array<i32>} : memref<128x128xf32, #tpu.memory_space<vmem>>, vector<1x16xf32>,
        %get3A_425 = vector.shape_cast %get3A_424 : vector<1x16xf32> to vector<16xf32>
        %get3A_426 = arith.index_cast %add3A_352 : i32 to index
        %get3A_427 = arith.constant 112 : index
        %get3A_428 = tpu.vector_load %arg18[%get3A_426, %get3A_427] {strides = array<i32>} : memref<128x128xf32, #tpu.memory_space<vmem>>, vector<1x16xf32>,
        %get3A_429 = vector.shape_cast %get3A_428 : vector<1x16xf32> to vector<16xf32>
        %mul3A_430 = arith.mulf %get3A_425, %get3A_429 : vector<16xf32>
        %add3A_431 = arith.addf %add3A_421, %mul3A_430 : vector<16xf32>
        %reshape3A_432 = vector.shape_cast %xor3A_9 : vector<16xi32> to vector<16x1xi32>
        %gather3A_433 = vector.shape_cast %reshape3A_432 : vector<16x1xi32> to vector<16xi32>
        %gather3A_434 = tpu.dynamic_gather %add3A_431[%gather3A_433] in [0] : vector<16xf32>, vector<16xi32> -> vector<16xf32>
        %add3A_435 = arith.addf %add3A_431, %gather3A_434 : vector<16xf32>
        %reshape3A_436 = vector.shape_cast %xor3A_12 : vector<16xi32> to vector<16x1xi32>
        %gather3A_437 = vector.shape_cast %reshape3A_436 : vector<16x1xi32> to vector<16xi32>
        %gather3A_438 = tpu.dynamic_gather %add3A_435[%gather3A_437] in [0] : vector<16xf32>, vector<16xi32> -> vector<16xf32>
        %add3A_439 = arith.addf %add3A_435, %gather3A_438 : vector<16xf32>
        %reshape3A_440 = vector.shape_cast %mul3A_17 : vector<16xi32> to vector<16x1xi32>
        %gather3A_441 = vector.shape_cast %reshape3A_440 : vector<16x1xi32> to vector<16xi32>
        %gather3A_442 = tpu.dynamic_gather %add3A_439[%gather3A_441] in [0] : vector<16xf32>, vector<16xi32> -> vector<16xf32>
        %mul3A_443 = arith.constant 0.176776692 : f32
        %mul3A_444 = vector.broadcast %mul3A_443 : f32 to vector<16xf32>
        %mul3A_445 = arith.mulf %gather3A_442, %mul3A_444 : vector<16xf32>
        %get3A_446 = arith.index_cast %add3A_352 : i32 to index
        %get3A_447 = arith.constant 0 : index
        %get3A_448 = tpu.vector_load %arg19[%get3A_446, %get3A_447] {strides = array<i32>} : memref<128x16xf32, #tpu.memory_space<vmem>>, vector<1x16xf32>,
        %get3A_449 = vector.shape_cast %get3A_448 : vector<1x16xf32> to vector<16xf32>
        %add3A_450 = arith.addf %mul3A_445, %get3A_449 : vector<16xf32>
        %lt3A_451 = arith.constant 4 : i32
        %lt3A_452 = vector.broadcast %lt3A_451 : i32 to vector<16xi32>
        %lt3A_453 = arith.cmpi slt, %iota3A, %lt3A_452 : vector<16xi32>
        %exp3A_454 = math.exp %add3A_450 : vector<16xf32>
        %jit3A_455 = arith.constant 0.000000e+00 : f32
        %broadcast_in_dim3A_456 = vector.broadcast %jit3A_455 : f32 to vector<16xf32>
        %select_n3A_457 = arith.select %lt3A_453, %exp3A_454, %broadcast_in_dim3A_456 : vector<16xi1>, vector<16xf32>
        %swap3A_458 = arith.index_cast %add3A_352 : i32 to index
        %swap3A_459 = arith.constant 0 : index
        %swap3A_460 = tpu.vector_load %arg20[%swap3A_458, %swap3A_459] {strides = array<i32>} : memref<128x16xf32, #tpu.memory_space<vmem>>, vector<1x16xf32>,
        %swap3A_461 = vector.shape_cast %swap3A_460 : vector<1x16xf32> to vector<16xf32>
        %swap3A_462 = vector.shape_cast %select_n3A_457 : vector<16xf32> to vector<1x16xf32>
        tpu.vector_store %arg20[%swap3A_458, %swap3A_459], %swap3A_462 {strides = array<i32>} : memref<128x16xf32, #tpu.memory_space<vmem>>, vector<1x16xf32>,
        %mul3A_463 = arith.constant 4 : i32
        %mul3A_464 = arith.muli %scan3A_128, %mul3A_463 : i32
        %add3A_465 = arith.constant 3 : i32
        %add3A_466 = arith.addi %mul3A_464, %add3A_465 : i32
        %get3A_467 = arith.index_cast %add3A_466 : i32 to index
        %get3A_468 = arith.constant 0 : index
        %get3A_469 = tpu.vector_load %arg17[%get3A_467, %get3A_468] {strides = array<i32>} : memref<128x128xf32, #tpu.memory_space<vmem>>, vector<1x16xf32>,
        %get3A_470 = vector.shape_cast %get3A_469 : vector<1x16xf32> to vector<16xf32>
        %get3A_471 = arith.index_cast %add3A_466 : i32 to index
        %get3A_472 = arith.constant 0 : index
        %get3A_473 = tpu.vector_load %arg18[%get3A_471, %get3A_472] {strides = array<i32>} : memref<128x128xf32, #tpu.memory_space<vmem>>, vector<1x16xf32>,
        %get3A_474 = vector.shape_cast %get3A_473 : vector<1x16xf32> to vector<16xf32>
        %mul3A_475 = arith.mulf %get3A_470, %get3A_474 : vector<16xf32>
        %get3A_476 = arith.index_cast %add3A_466 : i32 to index
        %get3A_477 = arith.constant 16 : index
        %get3A_478 = tpu.vector_load %arg17[%get3A_476, %get3A_477] {strides = array<i32>} : memref<128x128xf32, #tpu.memory_space<vmem>>, vector<1x16xf32>,
        %get3A_479 = vector.shape_cast %get3A_478 : vector<1x16xf32> to vector<16xf32>
        %get3A_480 = arith.index_cast %add3A_466 : i32 to index
        %get3A_481 = arith.constant 16 : index
        %get3A_482 = tpu.vector_load %arg18[%get3A_480, %get3A_481] {strides = array<i32>} : memref<128x128xf32, #tpu.memory_space<vmem>>, vector<1x16xf32>,
        %get3A_483 = vector.shape_cast %get3A_482 : vector<1x16xf32> to vector<16xf32>
        %mul3A_484 = arith.mulf %get3A_479, %get3A_483 : vector<16xf32>
        %add3A_485 = arith.addf %mul3A_475, %mul3A_484 : vector<16xf32>
        %get3A_486 = arith.index_cast %add3A_466 : i32 to index
        %get3A_487 = arith.constant 32 : index
        %get3A_488 = tpu.vector_load %arg17[%get3A_486, %get3A_487] {strides = array<i32>} : memref<128x128xf32, #tpu.memory_space<vmem>>, vector<1x16xf32>,
        %get3A_489 = vector.shape_cast %get3A_488 : vector<1x16xf32> to vector<16xf32>
        %get3A_490 = arith.index_cast %add3A_466 : i32 to index
        %get3A_491 = arith.constant 32 : index
        %get3A_492 = tpu.vector_load %arg18[%get3A_490, %get3A_491] {strides = array<i32>} : memref<128x128xf32, #tpu.memory_space<vmem>>, vector<1x16xf32>,
        %get3A_493 = vector.shape_cast %get3A_492 : vector<1x16xf32> to vector<16xf32>
        %mul3A_494 = arith.mulf %get3A_489, %get3A_493 : vector<16xf32>
        %add3A_495 = arith.addf %add3A_485, %mul3A_494 : vector<16xf32>
        %get3A_496 = arith.index_cast %add3A_466 : i32 to index
        %get3A_497 = arith.constant 48 : index
        %get3A_498 = tpu.vector_load %arg17[%get3A_496, %get3A_497] {strides = array<i32>} : memref<128x128xf32, #tpu.memory_space<vmem>>, vector<1x16xf32>,
        %get3A_499 = vector.shape_cast %get3A_498 : vector<1x16xf32> to vector<16xf32>
        %get3A_500 = arith.index_cast %add3A_466 : i32 to index
        %get3A_501 = arith.constant 48 : index
        %get3A_502 = tpu.vector_load %arg18[%get3A_500, %get3A_501] {strides = array<i32>} : memref<128x128xf32, #tpu.memory_space<vmem>>, vector<1x16xf32>,
        %get3A_503 = vector.shape_cast %get3A_502 : vector<1x16xf32> to vector<16xf32>
        %mul3A_504 = arith.mulf %get3A_499, %get3A_503 : vector<16xf32>
        %add3A_505 = arith.addf %add3A_495, %mul3A_504 : vector<16xf32>
        %get3A_506 = arith.index_cast %add3A_466 : i32 to index
        %get3A_507 = arith.constant 64 : index
        %get3A_508 = tpu.vector_load %arg17[%get3A_506, %get3A_507] {strides = array<i32>} : memref<128x128xf32, #tpu.memory_space<vmem>>, vector<1x16xf32>,
        %get3A_509 = vector.shape_cast %get3A_508 : vector<1x16xf32> to vector<16xf32>
        %get3A_510 = arith.index_cast %add3A_466 : i32 to index
        %get3A_511 = arith.constant 64 : index
        %get3A_512 = tpu.vector_load %arg18[%get3A_510, %get3A_511] {strides = array<i32>} : memref<128x128xf32, #tpu.memory_space<vmem>>, vector<1x16xf32>,
        %get3A_513 = vector.shape_cast %get3A_512 : vector<1x16xf32> to vector<16xf32>
        %mul3A_514 = arith.mulf %get3A_509, %get3A_513 : vector<16xf32>
        %add3A_515 = arith.addf %add3A_505, %mul3A_514 : vector<16xf32>
        %get3A_516 = arith.index_cast %add3A_466 : i32 to index
        %get3A_517 = arith.constant 80 : index
        %get3A_518 = tpu.vector_load %arg17[%get3A_516, %get3A_517] {strides = array<i32>} : memref<128x128xf32, #tpu.memory_space<vmem>>, vector<1x16xf32>,
        %get3A_519 = vector.shape_cast %get3A_518 : vector<1x16xf32> to vector<16xf32>
        %get3A_520 = arith.index_cast %add3A_466 : i32 to index
        %get3A_521 = arith.constant 80 : index
        %get3A_522 = tpu.vector_load %arg18[%get3A_520, %get3A_521] {strides = array<i32>} : memref<128x128xf32, #tpu.memory_space<vmem>>, vector<1x16xf32>,
        %get3A_523 = vector.shape_cast %get3A_522 : vector<1x16xf32> to vector<16xf32>
        %mul3A_524 = arith.mulf %get3A_519, %get3A_523 : vector<16xf32>
        %add3A_525 = arith.addf %add3A_515, %mul3A_524 : vector<16xf32>
        %get3A_526 = arith.index_cast %add3A_466 : i32 to index
        %get3A_527 = arith.constant 96 : index
        %get3A_528 = tpu.vector_load %arg17[%get3A_526, %get3A_527] {strides = array<i32>} : memref<128x128xf32, #tpu.memory_space<vmem>>, vector<1x16xf32>,
        %get3A_529 = vector.shape_cast %get3A_528 : vector<1x16xf32> to vector<16xf32>
        %get3A_530 = arith.index_cast %add3A_466 : i32 to index
        %get3A_531 = arith.constant 96 : index
        %get3A_532 = tpu.vector_load %arg18[%get3A_530, %get3A_531] {strides = array<i32>} : memref<128x128xf32, #tpu.memory_space<vmem>>, vector<1x16xf32>,
        %get3A_533 = vector.shape_cast %get3A_532 : vector<1x16xf32> to vector<16xf32>
        %mul3A_534 = arith.mulf %get3A_529, %get3A_533 : vector<16xf32>
        %add3A_535 = arith.addf %add3A_525, %mul3A_534 : vector<16xf32>
        %get3A_536 = arith.index_cast %add3A_466 : i32 to index
        %get3A_537 = arith.constant 112 : index
        %get3A_538 = tpu.vector_load %arg17[%get3A_536, %get3A_537] {strides = array<i32>} : memref<128x128xf32, #tpu.memory_space<vmem>>, vector<1x16xf32>,
        %get3A_539 = vector.shape_cast %get3A_538 : vector<1x16xf32> to vector<16xf32>
        %get3A_540 = arith.index_cast %add3A_466 : i32 to index
        %get3A_541 = arith.constant 112 : index
        %get3A_542 = tpu.vector_load %arg18[%get3A_540, %get3A_541] {strides = array<i32>} : memref<128x128xf32, #tpu.memory_space<vmem>>, vector<1x16xf32>,
        %get3A_543 = vector.shape_cast %get3A_542 : vector<1x16xf32> to vector<16xf32>
        %mul3A_544 = arith.mulf %get3A_539, %get3A_543 : vector<16xf32>
        %add3A_545 = arith.addf %add3A_535, %mul3A_544 : vector<16xf32>
        %reshape3A_546 = vector.shape_cast %xor3A_9 : vector<16xi32> to vector<16x1xi32>
        %gather3A_547 = vector.shape_cast %reshape3A_546 : vector<16x1xi32> to vector<16xi32>
        %gather3A_548 = tpu.dynamic_gather %add3A_545[%gather3A_547] in [0] : vector<16xf32>, vector<16xi32> -> vector<16xf32>
        %add3A_549 = arith.addf %add3A_545, %gather3A_548 : vector<16xf32>
        %reshape3A_550 = vector.shape_cast %xor3A_12 : vector<16xi32> to vector<16x1xi32>
        %gather3A_551 = vector.shape_cast %reshape3A_550 : vector<16x1xi32> to vector<16xi32>
        %gather3A_552 = tpu.dynamic_gather %add3A_549[%gather3A_551] in [0] : vector<16xf32>, vector<16xi32> -> vector<16xf32>
        %add3A_553 = arith.addf %add3A_549, %gather3A_552 : vector<16xf32>
        %reshape3A_554 = vector.shape_cast %mul3A_17 : vector<16xi32> to vector<16x1xi32>
        %gather3A_555 = vector.shape_cast %reshape3A_554 : vector<16x1xi32> to vector<16xi32>
        %gather3A_556 = tpu.dynamic_gather %add3A_553[%gather3A_555] in [0] : vector<16xf32>, vector<16xi32> -> vector<16xf32>
        %mul3A_557 = arith.constant 0.176776692 : f32
        %mul3A_558 = vector.broadcast %mul3A_557 : f32 to vector<16xf32>
        %mul3A_559 = arith.mulf %gather3A_556, %mul3A_558 : vector<16xf32>
        %get3A_560 = arith.index_cast %add3A_466 : i32 to index
        %get3A_561 = arith.constant 0 : index
        %get3A_562 = tpu.vector_load %arg19[%get3A_560, %get3A_561] {strides = array<i32>} : memref<128x16xf32, #tpu.memory_space<vmem>>, vector<1x16xf32>,
        %get3A_563 = vector.shape_cast %get3A_562 : vector<1x16xf32> to vector<16xf32>
        %add3A_564 = arith.addf %mul3A_559, %get3A_563 : vector<16xf32>
        %lt3A_565 = arith.constant 4 : i32
        %lt3A_566 = vector.broadcast %lt3A_565 : i32 to vector<16xi32>
        %lt3A_567 = arith.cmpi slt, %iota3A, %lt3A_566 : vector<16xi32>
        %exp3A_568 = math.exp %add3A_564 : vector<16xf32>
        %jit3A_569 = arith.constant 0.000000e+00 : f32
        %broadcast_in_dim3A_570 = vector.broadcast %jit3A_569 : f32 to vector<16xf32>
        %select_n3A_571 = arith.select %lt3A_567, %exp3A_568, %broadcast_in_dim3A_570 : vector<16xi1>, vector<16xf32>
        %swap3A_572 = arith.index_cast %add3A_466 : i32 to index
        %swap3A_573 = arith.constant 0 : index
        %swap3A_574 = tpu.vector_load %arg20[%swap3A_572, %swap3A_573] {strides = array<i32>} : memref<128x16xf32, #tpu.memory_space<vmem>>, vector<1x16xf32>,
        %swap3A_575 = vector.shape_cast %swap3A_574 : vector<1x16xf32> to vector<16xf32>
        %swap3A_576 = vector.shape_cast %select_n3A_571 : vector<16xf32> to vector<1x16xf32>
        tpu.vector_store %arg20[%swap3A_572, %swap3A_573], %swap3A_576 {strides = array<i32>} : memref<128x16xf32, #tpu.memory_space<vmem>>, vector<1x16xf32>,
      }
      %scan3A_127 = arith.constant 32 : i32
      "tpu.region"() ({
        %run_scoped3A = tpu.sem_alloc : memref<!tpu.dma_semaphore, #tpu.memory_space<semaphore_mem>>
        %dma_start3A_128 = arith.constant 0 : i32
        %dma_start3A_129 = tpu.memref_slice %arg7[%add3A_121, %dma_start3A_128] : memref<327680x16xf32, #tpu.memory_space<hbm>> -> memref<128x16xf32, #tpu.memory_space<hbm>>
        %dma_start3A_130 = arith.constant 0 : i32
        %dma_start3A_131 = tpu.memref_slice %arg7[%add3A_121, %dma_start3A_130] : memref<327680x16xf32, #tpu.memory_space<hbm>> -> memref<128x16xf32, #tpu.memory_space<hbm>>
        tpu.enqueue_dma source(%arg20 : memref<128x16xf32, #tpu.memory_space<vmem>>) target(%dma_start3A_131 : memref<128x16xf32, #tpu.memory_space<hbm>>) target_semaphore(%run_scoped3A : memref<!tpu.dma_semaphore, #tpu.memory_space<semaphore_mem>>)
        %dma_wait3A_132 = arith.constant 0 : i32
        %dma_wait3A_133 = tpu.memref_slice %arg7[%add3A_121, %dma_wait3A_132] : memref<327680x16xf32, #tpu.memory_space<hbm>> -> memref<128x16xf32, #tpu.memory_space<hbm>>
        %dma_wait3A_134 = arith.constant 0 : i32
        %dma_wait3A_135 = tpu.memref_slice %arg7[%add3A_121, %dma_wait3A_134] : memref<327680x16xf32, #tpu.memory_space<hbm>> -> memref<128x16xf32, #tpu.memory_space<hbm>>
        tpu.wait_dma2 semaphore(%run_scoped3A : memref<!tpu.dma_semaphore, #tpu.memory_space<semaphore_mem>>) src(%arg20 : memref<128x16xf32, #tpu.memory_space<vmem>>) dst(%dma_wait3A_135 : memref<128x16xf32, #tpu.memory_space<hbm>>)
        tpu.yield
      }) : () -> ()
      "tpu.region"() ({
        %run_scoped3A = tpu.sem_alloc : memref<!tpu.dma_semaphore, #tpu.memory_space<semaphore_mem>>
        %dma_start3A_128 = arith.constant 0 : i32
        %dma_start3A_129 = arith.constant 0 : i32
        %dma_start3A_130 = tpu.memref_slice %arg22[%dma_start3A_128, %dma_start3A_129] : memref<10240x16xf32, #tpu.memory_space<vmem_shared>> -> memref<10240x16xf32, #tpu.memory_space<vmem_shared>>
        tpu.enqueue_indirect_dma source(%arg20 : memref<128x16xf32, #tpu.memory_space<vmem>>) target(%dma_start3A_130 : memref<10240x16xf32, #tpu.memory_space<vmem_shared>>) offsets(%arg15 : memref<128xi32, #tpu.memory_space<vmem>>) semaphore(%run_scoped3A : memref<!tpu.dma_semaphore, #tpu.memory_space<semaphore_mem>>) {add = true}
        %dma_wait3A_131 = arith.constant 0 : i32
        %dma_wait3A_132 = arith.constant 0 : i32
        %dma_wait3A_133 = tpu.memref_slice %arg22[%dma_wait3A_131, %dma_wait3A_132] : memref<10240x16xf32, #tpu.memory_space<vmem_shared>> -> memref<10240x16xf32, #tpu.memory_space<vmem_shared>>
        tpu.wait_indirect_dma semaphore(%run_scoped3A : memref<!tpu.dma_semaphore, #tpu.memory_space<semaphore_mem>>) src(%arg20 : memref<128x16xf32, #tpu.memory_space<vmem>>) dst(%dma_wait3A_133 : memref<10240x16xf32, #tpu.memory_space<vmem_shared>>)
        tpu.yield
      }) : () -> ()
    }
    %scan3A_38 = arith.constant 40 : i32
    %barrier3A_39 = arith.constant 0 : index
    tpu.barrier barrier_id(%barrier3A_39)
    %mul3A_40 = arith.constant 640 : i32
    %mul3A_41 = arith.muli %arg1, %mul3A_40 : i32
    "tpu.region"() ({
      %run_scoped3A = tpu.sem_alloc : memref<!tpu.dma_semaphore, #tpu.memory_space<semaphore_mem>>
      %dma_start3A_49 = arith.constant 0 : i32
      %dma_start3A_50 = tpu.memref_slice %arg22[%mul3A_41, %dma_start3A_49] : memref<10240x16xf32, #tpu.memory_space<vmem_shared>> -> memref<640x16xf32, #tpu.memory_space<vmem_shared>>
      %dma_start3A_51 = arith.constant 0 : i32
      %dma_start3A_52 = tpu.memref_slice %arg22[%mul3A_41, %dma_start3A_51] : memref<10240x16xf32, #tpu.memory_space<vmem_shared>> -> memref<640x16xf32, #tpu.memory_space<vmem_shared>>
      tpu.enqueue_dma source(%dma_start3A_52 : memref<640x16xf32, #tpu.memory_space<vmem_shared>>) target(%arg21 : memref<640x16xf32, #tpu.memory_space<vmem>>) target_semaphore(%run_scoped3A : memref<!tpu.dma_semaphore, #tpu.memory_space<semaphore_mem>>)
      %dma_wait3A = arith.constant 0 : i32
      %dma_wait3A_53 = tpu.memref_slice %arg22[%mul3A_41, %dma_wait3A] : memref<10240x16xf32, #tpu.memory_space<vmem_shared>> -> memref<640x16xf32, #tpu.memory_space<vmem_shared>>
      %dma_wait3A_54 = arith.constant 0 : i32
      %dma_wait3A_55 = tpu.memref_slice %arg22[%mul3A_41, %dma_wait3A_54] : memref<10240x16xf32, #tpu.memory_space<vmem_shared>> -> memref<640x16xf32, #tpu.memory_space<vmem_shared>>
      tpu.wait_dma2 semaphore(%run_scoped3A : memref<!tpu.dma_semaphore, #tpu.memory_space<semaphore_mem>>) src(%dma_wait3A_55 : memref<640x16xf32, #tpu.memory_space<vmem_shared>>) dst(%arg21 : memref<640x16xf32, #tpu.memory_space<vmem>>)
      tpu.yield
    }) : () -> ()
    %eq3A = arith.constant 0 : i32
    %eq3A_42 = arith.cmpi eq, %arg0, %eq3A : i32
    %convert_element_type3A = arith.extui %eq3A_42 : i1 to i32
    %cond3A = arith.constant 0 : i32
    %cond3A_43 = arith.cmpi ne, %convert_element_type3A, %cond3A : i32
    scf.if %cond3A_43 {
      %mul3A_49 = arith.constant 640 : i32
      %mul3A_50 = arith.muli %arg1, %mul3A_49 : i32
      "tpu.region"() ({
        %run_scoped3A = tpu.sem_alloc : memref<!tpu.dma_semaphore, #tpu.memory_space<semaphore_mem>>
        %dma_start3A_51 = arith.constant 0 : i32
        %dma_start3A_52 = tpu.memref_slice %arg8[%mul3A_50, %dma_start3A_51] : memref<10240x16xf32, #tpu.memory_space<hbm>> -> memref<640x16xf32, #tpu.memory_space<hbm>>
        %dma_start3A_53 = arith.constant 0 : i32
        %dma_start3A_54 = tpu.memref_slice %arg8[%mul3A_50, %dma_start3A_53] : memref<10240x16xf32, #tpu.memory_space<hbm>> -> memref<640x16xf32, #tpu.memory_space<hbm>>
        tpu.enqueue_dma source(%arg21 : memref<640x16xf32, #tpu.memory_space<vmem>>) target(%dma_start3A_54 : memref<640x16xf32, #tpu.memory_space<hbm>>) target_semaphore(%run_scoped3A : memref<!tpu.dma_semaphore, #tpu.memory_space<semaphore_mem>>)
        %dma_wait3A = arith.constant 0 : i32
        %dma_wait3A_55 = tpu.memref_slice %arg8[%mul3A_50, %dma_wait3A] : memref<10240x16xf32, #tpu.memory_space<hbm>> -> memref<640x16xf32, #tpu.memory_space<hbm>>
        %dma_wait3A_56 = arith.constant 0 : i32
        %dma_wait3A_57 = tpu.memref_slice %arg8[%mul3A_50, %dma_wait3A_56] : memref<10240x16xf32, #tpu.memory_space<hbm>> -> memref<640x16xf32, #tpu.memory_space<hbm>>
        tpu.wait_dma2 semaphore(%run_scoped3A : memref<!tpu.dma_semaphore, #tpu.memory_space<semaphore_mem>>) src(%arg21 : memref<640x16xf32, #tpu.memory_space<vmem>>) dst(%dma_wait3A_57 : memref<640x16xf32, #tpu.memory_space<hbm>>)
        tpu.yield
      }) : () -> ()
    } else {
    }
    %eq3A_44 = arith.constant 1 : i32
    %eq3A_45 = arith.cmpi eq, %arg0, %eq3A_44 : i32
    %convert_element_type3A_46 = arith.extui %eq3A_45 : i1 to i32
    %cond3A_47 = arith.constant 0 : i32
    %cond3A_48 = arith.cmpi ne, %convert_element_type3A_46, %cond3A_47 : i32
    scf.if %cond3A_48 {
      %mul3A_49 = arith.constant 640 : i32
      %mul3A_50 = arith.muli %arg1, %mul3A_49 : i32
      "tpu.region"() ({
        %run_scoped3A = tpu.sem_alloc : memref<!tpu.dma_semaphore, #tpu.memory_space<semaphore_mem>>
        %dma_start3A_51 = arith.constant 0 : i32
        %dma_start3A_52 = tpu.memref_slice %arg9[%mul3A_50, %dma_start3A_51] : memref<10240x16xf32, #tpu.memory_space<hbm>> -> memref<640x16xf32, #tpu.memory_space<hbm>>
        %dma_start3A_53 = arith.constant 0 : i32
        %dma_start3A_54 = tpu.memref_slice %arg9[%mul3A_50, %dma_start3A_53] : memref<10240x16xf32, #tpu.memory_space<hbm>> -> memref<640x16xf32, #tpu.memory_space<hbm>>
        tpu.enqueue_dma source(%arg21 : memref<640x16xf32, #tpu.memory_space<vmem>>) target(%dma_start3A_54 : memref<640x16xf32, #tpu.memory_space<hbm>>) target_semaphore(%run_scoped3A : memref<!tpu.dma_semaphore, #tpu.memory_space<semaphore_mem>>)
        %dma_wait3A = arith.constant 0 : i32
        %dma_wait3A_55 = tpu.memref_slice %arg9[%mul3A_50, %dma_wait3A] : memref<10240x16xf32, #tpu.memory_space<hbm>> -> memref<640x16xf32, #tpu.memory_space<hbm>>
        %dma_wait3A_56 = arith.constant 0 : i32
        %dma_wait3A_57 = tpu.memref_slice %arg9[%mul3A_50, %dma_wait3A_56] : memref<10240x16xf32, #tpu.memory_space<hbm>> -> memref<640x16xf32, #tpu.memory_space<hbm>>
        tpu.wait_dma2 semaphore(%run_scoped3A : memref<!tpu.dma_semaphore, #tpu.memory_space<semaphore_mem>>) src(%arg21 : memref<640x16xf32, #tpu.memory_space<vmem>>) dst(%dma_wait3A_57 : memref<640x16xf32, #tpu.memory_space<hbm>>)
        tpu.yield
      }) : () -> ()
    } else {
    }
    return
  }
}

module attributes {stable_mosaic.version = 14 : i64} {
  func.func @_bias_body(%arg0: i32, %arg1: memref<4096x16xf32, #tpu.memory_space<vmem>>, %arg2: memref<16x4xf32, #tpu.memory_space<vmem>>, %arg3: memref<4xf32, #tpu.memory_space<vmem>>, %arg4: memref<4x4xf32, #tpu.memory_space<vmem>>, %arg5: memref<4xf32, #tpu.memory_space<vmem>>, %arg6: memref<4096x16xf32, #tpu.memory_space<vmem>>) attributes {dimension_semantics = [#tpu.dimension_semantics<arbitrary>], iteration_bounds = array<i64: 80>, scalar_prefetch = 0 : i64, scratch_operands = 0 : i64, tpu.core_type = #tpu.core_type<tc>, window_params = [{transform_indices = @transform_0, window_bounds = array<i64: 4096, 16>}, {pipeline_mode = #tpu.pipeline_mode<synchronous>, transform_indices = @transform_1, window_bounds = array<i64: 16, 4>}, {pipeline_mode = #tpu.pipeline_mode<synchronous>, transform_indices = @transform_2, window_bounds = array<i64: 4>}, {pipeline_mode = #tpu.pipeline_mode<synchronous>, transform_indices = @transform_3, window_bounds = array<i64: 4, 4>}, {pipeline_mode = #tpu.pipeline_mode<synchronous>, transform_indices = @transform_4, window_bounds = array<i64: 4>}, {transform_indices = @transform_5, window_bounds = array<i64: 4096, 16>}]} {
    %get3A = arith.constant 0 : index
    %get3A_0 = arith.constant 0 : index
    %get3A_1 = vector.load %arg1[%get3A, %get3A_0] : memref<4096x16xf32, #tpu.memory_space<vmem>>, vector<4096x16xf32>
    %get3A_2 = arith.constant 0 : index
    %get3A_3 = arith.constant 0 : index
    %get3A_4 = vector.load %arg2[%get3A_2, %get3A_3] : memref<16x4xf32, #tpu.memory_space<vmem>>, vector<16x4xf32>
    %dot_general3A = arith.constant dense<0.000000e+00> : vector<4096x4xf32>
    %dot_general3A_5 = tpu.matmul %get3A_1, %get3A_4, %dot_general3A {dimension_numbers = #tpu.dot_dimension_numbers<[1], [0], [0], [1], [0, 0, 1, 1], [], []>, transpose_lhs_hint = false} : vector<4096x16xf32>, vector<16x4xf32>, vector<4096x4xf32> -> vector<4096x4xf32>
    %get3A_6 = arith.constant 0 : index
    %get3A_7 = vector.load %arg3[%get3A_6] : memref<4xf32, #tpu.memory_space<vmem>>, vector<4xf32>
    %broadcast_in_dim3A = vector.shape_cast %get3A_7 : vector<4xf32> to vector<1x4xf32>
    %add3A = vector.broadcast %broadcast_in_dim3A : vector<1x4xf32> to vector<4096x4xf32>
    %add3A_8 = arith.addf %dot_general3A_5, %add3A : vector<4096x4xf32>
    %logistic3A = arith.negf %add3A_8 : vector<4096x4xf32>
    %logistic3A_9 = math.exp %logistic3A : vector<4096x4xf32>
    %logistic3A_10 = arith.constant 1.000000e+00 : f32
    %logistic3A_11 = vector.broadcast %logistic3A_10 : f32 to vector<4096x4xf32>
    %logistic3A_12 = arith.addf %logistic3A_11, %logistic3A_9 : vector<4096x4xf32>
    %logistic3A_13 = arith.divf %logistic3A_11, %logistic3A_12 : vector<4096x4xf32>
    %mul3A = arith.mulf %add3A_8, %logistic3A_13 : vector<4096x4xf32>
    %get3A_14 = arith.constant 0 : index
    %get3A_15 = arith.constant 0 : index
    %get3A_16 = vector.load %arg4[%get3A_14, %get3A_15] : memref<4x4xf32, #tpu.memory_space<vmem>>, vector<4x4xf32>
    %dot_general3A_17 = arith.constant dense<0.000000e+00> : vector<4096x4xf32>
    %dot_general3A_18 = tpu.matmul %mul3A, %get3A_16, %dot_general3A_17 {dimension_numbers = #tpu.dot_dimension_numbers<[1], [0], [0], [1], [0, 0, 1, 1], [], []>, transpose_lhs_hint = false} : vector<4096x4xf32>, vector<4x4xf32>, vector<4096x4xf32> -> vector<4096x4xf32>
    %get3A_19 = arith.constant 0 : index
    %get3A_20 = vector.load %arg5[%get3A_19] : memref<4xf32, #tpu.memory_space<vmem>>, vector<4xf32>
    %broadcast_in_dim3A_21 = vector.shape_cast %get3A_20 : vector<4xf32> to vector<1x4xf32>
    %add3A_22 = vector.broadcast %broadcast_in_dim3A_21 : vector<1x4xf32> to vector<4096x4xf32>
    %add3A_23 = arith.addf %dot_general3A_18, %add3A_22 : vector<4096x4xf32>
    %broadcast_in_dim3A_24 = arith.constant 0.000000e+00 : f32
    %broadcast_in_dim3A_25 = vector.broadcast %broadcast_in_dim3A_24 : f32 to vector<4096x12xf32>
    %concatenate3A = tpu.concatenate %add3A_23, %broadcast_in_dim3A_25 in 1 : vector<4096x4xf32>, vector<4096x12xf32> -> vector<4096x16xf32>
    %swap3A = arith.constant 0 : index
    %swap3A_26 = arith.constant 0 : index
    %swap3A_27 = vector.load %arg6[%swap3A, %swap3A_26] : memref<4096x16xf32, #tpu.memory_space<vmem>>, vector<4096x16xf32>
    tpu.vector_store %arg6[%swap3A, %swap3A_26], %concatenate3A {strides = array<i32>} : memref<4096x16xf32, #tpu.memory_space<vmem>>, vector<4096x16xf32>,
    return
  }
  func.func @transform_0(%arg0: i32) -> (i32, i32) {
    %c0_i32 = arith.constant 0 : i32
    %c0_i32_0 = arith.constant 0 : i32
    return %arg0, %c0_i32 : i32, i32
  }
  func.func @transform_1(%arg0: i32) -> (i32, i32) {
    %c0_i32 = arith.constant 0 : i32
    %c0_i32_0 = arith.constant 0 : i32
    %c0_i32_1 = arith.constant 0 : i32
    return %c0_i32, %c0_i32_0 : i32, i32
  }
  func.func @transform_2(%arg0: i32) -> i32 {
    %c0_i32 = arith.constant 0 : i32
    %c0_i32_0 = arith.constant 0 : i32
    return %c0_i32 : i32
  }
  func.func @transform_3(%arg0: i32) -> (i32, i32) {
    %c0_i32 = arith.constant 0 : i32
    %c0_i32_0 = arith.constant 0 : i32
    %c0_i32_1 = arith.constant 0 : i32
    return %c0_i32, %c0_i32_0 : i32, i32
  }
  func.func @transform_4(%arg0: i32) -> i32 {
    %c0_i32 = arith.constant 0 : i32
    %c0_i32_0 = arith.constant 0 : i32
    return %c0_i32 : i32
  }
  func.func @transform_5(%arg0: i32) -> (i32, i32) {
    %c0_i32 = arith.constant 0 : i32
    %c0_i32_0 = arith.constant 0 : i32
    return %arg0, %c0_i32 : i32, i32
  }
}

module attributes {stable_mosaic.version = 14 : i64} {
  func.func @_qkv_body(%arg0: i32, %arg1: memref<512x128xf32, #tpu.memory_space<vmem>>, %arg2: memref<128x128xf32, #tpu.memory_space<vmem>>, %arg3: memref<128xf32, #tpu.memory_space<vmem>>, %arg4: memref<128x128xf32, #tpu.memory_space<vmem>>, %arg5: memref<128xf32, #tpu.memory_space<vmem>>, %arg6: memref<128x128xf32, #tpu.memory_space<vmem>>, %arg7: memref<128xf32, #tpu.memory_space<vmem>>, %arg8: memref<512x128xf32, #tpu.memory_space<vmem>>, %arg9: memref<512x128xf32, #tpu.memory_space<vmem>>, %arg10: memref<512x128xf32, #tpu.memory_space<vmem>>) attributes {dimension_semantics = [#tpu.dimension_semantics<arbitrary>], iteration_bounds = array<i64: 20>, scalar_prefetch = 0 : i64, scratch_operands = 0 : i64, tpu.core_type = #tpu.core_type<tc>, window_params = [{transform_indices = @transform_0, window_bounds = array<i64: 512, 128>}, {pipeline_mode = #tpu.pipeline_mode<synchronous>, transform_indices = @transform_1, window_bounds = array<i64: 128, 128>}, {pipeline_mode = #tpu.pipeline_mode<synchronous>, transform_indices = @transform_2, window_bounds = array<i64: 128>}, {pipeline_mode = #tpu.pipeline_mode<synchronous>, transform_indices = @transform_3, window_bounds = array<i64: 128, 128>}, {pipeline_mode = #tpu.pipeline_mode<synchronous>, transform_indices = @transform_4, window_bounds = array<i64: 128>}, {pipeline_mode = #tpu.pipeline_mode<synchronous>, transform_indices = @transform_5, window_bounds = array<i64: 128, 128>}, {pipeline_mode = #tpu.pipeline_mode<synchronous>, transform_indices = @transform_6, window_bounds = array<i64: 128>}, {transform_indices = @transform_7, window_bounds = array<i64: 512, 128>}, {transform_indices = @transform_8, window_bounds = array<i64: 512, 128>}, {transform_indices = @transform_9, window_bounds = array<i64: 512, 128>}]} {
    %get3A = arith.constant 0 : index
    %get3A_0 = arith.constant 0 : index
    %get3A_1 = vector.load %arg1[%get3A, %get3A_0] : memref<512x128xf32, #tpu.memory_space<vmem>>, vector<512x128xf32>
    %get3A_2 = arith.constant 0 : index
    %get3A_3 = arith.constant 0 : index
    %get3A_4 = vector.load %arg2[%get3A_2, %get3A_3] : memref<128x128xf32, #tpu.memory_space<vmem>>, vector<128x128xf32>
    %dot_general3A = arith.constant dense<0.000000e+00> : vector<512x128xf32>
    %dot_general3A_5 = tpu.matmul %get3A_1, %get3A_4, %dot_general3A {dimension_numbers = #tpu.dot_dimension_numbers<[1], [0], [0], [1], [0, 0, 1, 1], [], []>, transpose_lhs_hint = false} : vector<512x128xf32>, vector<128x128xf32>, vector<512x128xf32> -> vector<512x128xf32>
    %get3A_6 = arith.constant 0 : index
    %get3A_7 = vector.load %arg3[%get3A_6] : memref<128xf32, #tpu.memory_space<vmem>>, vector<128xf32>
    %broadcast_in_dim3A = vector.shape_cast %get3A_7 : vector<128xf32> to vector<1x128xf32>
    %add3A = vector.broadcast %broadcast_in_dim3A : vector<1x128xf32> to vector<512x128xf32>
    %add3A_8 = arith.addf %dot_general3A_5, %add3A : vector<512x128xf32>
    %swap3A = arith.constant 0 : index
    %swap3A_9 = arith.constant 0 : index
    %swap3A_10 = vector.load %arg8[%swap3A, %swap3A_9] : memref<512x128xf32, #tpu.memory_space<vmem>>, vector<512x128xf32>
    tpu.vector_store %arg8[%swap3A, %swap3A_9], %add3A_8 {strides = array<i32>} : memref<512x128xf32, #tpu.memory_space<vmem>>, vector<512x128xf32>,
    %get3A_11 = arith.constant 0 : index
    %get3A_12 = arith.constant 0 : index
    %get3A_13 = vector.load %arg4[%get3A_11, %get3A_12] : memref<128x128xf32, #tpu.memory_space<vmem>>, vector<128x128xf32>
    %dot_general3A_14 = arith.constant dense<0.000000e+00> : vector<512x128xf32>
    %dot_general3A_15 = tpu.matmul %get3A_1, %get3A_13, %dot_general3A_14 {dimension_numbers = #tpu.dot_dimension_numbers<[1], [0], [0], [1], [0, 0, 1, 1], [], []>, transpose_lhs_hint = false} : vector<512x128xf32>, vector<128x128xf32>, vector<512x128xf32> -> vector<512x128xf32>
    %get3A_16 = arith.constant 0 : index
    %get3A_17 = vector.load %arg5[%get3A_16] : memref<128xf32, #tpu.memory_space<vmem>>, vector<128xf32>
    %broadcast_in_dim3A_18 = vector.shape_cast %get3A_17 : vector<128xf32> to vector<1x128xf32>
    %add3A_19 = vector.broadcast %broadcast_in_dim3A_18 : vector<1x128xf32> to vector<512x128xf32>
    %add3A_20 = arith.addf %dot_general3A_15, %add3A_19 : vector<512x128xf32>
    %swap3A_21 = arith.constant 0 : index
    %swap3A_22 = arith.constant 0 : index
    %swap3A_23 = vector.load %arg9[%swap3A_21, %swap3A_22] : memref<512x128xf32, #tpu.memory_space<vmem>>, vector<512x128xf32>
    tpu.vector_store %arg9[%swap3A_21, %swap3A_22], %add3A_20 {strides = array<i32>} : memref<512x128xf32, #tpu.memory_space<vmem>>, vector<512x128xf32>,
    %get3A_24 = arith.constant 0 : index
    %get3A_25 = arith.constant 0 : index
    %get3A_26 = vector.load %arg6[%get3A_24, %get3A_25] : memref<128x128xf32, #tpu.memory_space<vmem>>, vector<128x128xf32>
    %dot_general3A_27 = arith.constant dense<0.000000e+00> : vector<512x128xf32>
    %dot_general3A_28 = tpu.matmul %get3A_1, %get3A_26, %dot_general3A_27 {dimension_numbers = #tpu.dot_dimension_numbers<[1], [0], [0], [1], [0, 0, 1, 1], [], []>, transpose_lhs_hint = false} : vector<512x128xf32>, vector<128x128xf32>, vector<512x128xf32> -> vector<512x128xf32>
    %get3A_29 = arith.constant 0 : index
    %get3A_30 = vector.load %arg7[%get3A_29] : memref<128xf32, #tpu.memory_space<vmem>>, vector<128xf32>
    %broadcast_in_dim3A_31 = vector.shape_cast %get3A_30 : vector<128xf32> to vector<1x128xf32>
    %add3A_32 = vector.broadcast %broadcast_in_dim3A_31 : vector<1x128xf32> to vector<512x128xf32>
    %add3A_33 = arith.addf %dot_general3A_28, %add3A_32 : vector<512x128xf32>
    %swap3A_34 = arith.constant 0 : index
    %swap3A_35 = arith.constant 0 : index
    %swap3A_36 = vector.load %arg10[%swap3A_34, %swap3A_35] : memref<512x128xf32, #tpu.memory_space<vmem>>, vector<512x128xf32>
    tpu.vector_store %arg10[%swap3A_34, %swap3A_35], %add3A_33 {strides = array<i32>} : memref<512x128xf32, #tpu.memory_space<vmem>>, vector<512x128xf32>,
    return
  }
  func.func @transform_0(%arg0: i32) -> (i32, i32) {
    %c0_i32 = arith.constant 0 : i32
    %c0_i32_0 = arith.constant 0 : i32
    return %arg0, %c0_i32 : i32, i32
  }
  func.func @transform_1(%arg0: i32) -> (i32, i32) {
    %c0_i32 = arith.constant 0 : i32
    %c0_i32_0 = arith.constant 0 : i32
    %c0_i32_1 = arith.constant 0 : i32
    return %c0_i32, %c0_i32_0 : i32, i32
  }
  func.func @transform_2(%arg0: i32) -> i32 {
    %c0_i32 = arith.constant 0 : i32
    %c0_i32_0 = arith.constant 0 : i32
    return %c0_i32 : i32
  }
  func.func @transform_3(%arg0: i32) -> (i32, i32) {
    %c0_i32 = arith.constant 0 : i32
    %c0_i32_0 = arith.constant 0 : i32
    %c0_i32_1 = arith.constant 0 : i32
    return %c0_i32, %c0_i32_0 : i32, i32
  }
  func.func @transform_4(%arg0: i32) -> i32 {
    %c0_i32 = arith.constant 0 : i32
    %c0_i32_0 = arith.constant 0 : i32
    return %c0_i32 : i32
  }
  func.func @transform_5(%arg0: i32) -> (i32, i32) {
    %c0_i32 = arith.constant 0 : i32
    %c0_i32_0 = arith.constant 0 : i32
    %c0_i32_1 = arith.constant 0 : i32
    return %c0_i32, %c0_i32_0 : i32, i32
  }
  func.func @transform_6(%arg0: i32) -> i32 {
    %c0_i32 = arith.constant 0 : i32
    %c0_i32_0 = arith.constant 0 : i32
    return %c0_i32 : i32
  }
  func.func @transform_7(%arg0: i32) -> (i32, i32) {
    %c0_i32 = arith.constant 0 : i32
    %c0_i32_0 = arith.constant 0 : i32
    return %arg0, %c0_i32 : i32, i32
  }
  func.func @transform_8(%arg0: i32) -> (i32, i32) {
    %c0_i32 = arith.constant 0 : i32
    %c0_i32_0 = arith.constant 0 : i32
    return %arg0, %c0_i32 : i32, i32
  }
  func.func @transform_9(%arg0: i32) -> (i32, i32) {
    %c0_i32 = arith.constant 0 : i32
    %c0_i32_0 = arith.constant 0 : i32
    return %arg0, %c0_i32 : i32, i32
  }
}

module attributes {stable_mosaic.version = 14 : i64} {
  func.func @_final_body(%arg0: i32, %arg1: memref<512x128xf32, #tpu.memory_space<vmem>>, %arg2: memref<512x128xf32, #tpu.memory_space<vmem>>, %arg3: memref<512x128xf32, #tpu.memory_space<vmem>>, %arg4: memref<128x128xf32, #tpu.memory_space<vmem>>, %arg5: memref<128xf32, #tpu.memory_space<vmem>>, %arg6: memref<128x256xf32, #tpu.memory_space<vmem>>, %arg7: memref<256xf32, #tpu.memory_space<vmem>>, %arg8: memref<256x128xf32, #tpu.memory_space<vmem>>, %arg9: memref<128xf32, #tpu.memory_space<vmem>>, %arg10: memref<128xf32, #tpu.memory_space<vmem>>, %arg11: memref<128xf32, #tpu.memory_space<vmem>>, %arg12: memref<128xf32, #tpu.memory_space<vmem>>, %arg13: memref<128xf32, #tpu.memory_space<vmem>>, %arg14: memref<512x128xf32, #tpu.memory_space<vmem>>) attributes {dimension_semantics = [#tpu.dimension_semantics<arbitrary>], iteration_bounds = array<i64: 20>, scalar_prefetch = 0 : i64, scratch_operands = 0 : i64, tpu.core_type = #tpu.core_type<tc>, window_params = [{transform_indices = @transform_0, window_bounds = array<i64: 512, 128>}, {transform_indices = @transform_1, window_bounds = array<i64: 512, 128>}, {transform_indices = @transform_2, window_bounds = array<i64: 512, 128>}, {pipeline_mode = #tpu.pipeline_mode<synchronous>, transform_indices = @transform_3, window_bounds = array<i64: 128, 128>}, {pipeline_mode = #tpu.pipeline_mode<synchronous>, transform_indices = @transform_4, window_bounds = array<i64: 128>}, {pipeline_mode = #tpu.pipeline_mode<synchronous>, transform_indices = @transform_5, window_bounds = array<i64: 128, 256>}, {pipeline_mode = #tpu.pipeline_mode<synchronous>, transform_indices = @transform_6, window_bounds = array<i64: 256>}, {pipeline_mode = #tpu.pipeline_mode<synchronous>, transform_indices = @transform_7, window_bounds = array<i64: 256, 128>}, {pipeline_mode = #tpu.pipeline_mode<synchronous>, transform_indices = @transform_8, window_bounds = array<i64: 128>}, {pipeline_mode = #tpu.pipeline_mode<synchronous>, transform_indices = @transform_9, window_bounds = array<i64: 128>}, {pipeline_mode = #tpu.pipeline_mode<synchronous>, transform_indices = @transform_10, window_bounds = array<i64: 128>}, {pipeline_mode = #tpu.pipeline_mode<synchronous>, transform_indices = @transform_11, window_bounds = array<i64: 128>}, {pipeline_mode = #tpu.pipeline_mode<synchronous>, transform_indices = @transform_12, window_bounds = array<i64: 128>}, {transform_indices = @transform_13, window_bounds = array<i64: 512, 128>}]} {
    %get3A = arith.constant 0 : index
    %get3A_0 = arith.constant 0 : index
    %get3A_1 = vector.load %arg1[%get3A, %get3A_0] : memref<512x128xf32, #tpu.memory_space<vmem>>, vector<512x128xf32>
    %get3A_2 = arith.constant 0 : index
    %get3A_3 = arith.constant 0 : index
    %get3A_4 = vector.load %arg2[%get3A_2, %get3A_3] : memref<512x128xf32, #tpu.memory_space<vmem>>, vector<512x128xf32>
    %add3A = arith.addf %get3A_1, %get3A_4 : vector<512x128xf32>
    %get3A_5 = arith.constant 0 : index
    %get3A_6 = arith.constant 0 : index
    %get3A_7 = vector.load %arg4[%get3A_5, %get3A_6] : memref<128x128xf32, #tpu.memory_space<vmem>>, vector<128x128xf32>
    %dot_general3A = arith.constant dense<0.000000e+00> : vector<512x128xf32>
    %dot_general3A_8 = tpu.matmul %add3A, %get3A_7, %dot_general3A {dimension_numbers = #tpu.dot_dimension_numbers<[1], [0], [0], [1], [0, 0, 1, 1], [], []>, transpose_lhs_hint = false} : vector<512x128xf32>, vector<128x128xf32>, vector<512x128xf32> -> vector<512x128xf32>
    %get3A_9 = arith.constant 0 : index
    %get3A_10 = vector.load %arg5[%get3A_9] : memref<128xf32, #tpu.memory_space<vmem>>, vector<128xf32>
    %broadcast_in_dim3A = vector.shape_cast %get3A_10 : vector<128xf32> to vector<1x128xf32>
    %add3A_11 = vector.broadcast %broadcast_in_dim3A : vector<1x128xf32> to vector<512x128xf32>
    %add3A_12 = arith.addf %dot_general3A_8, %add3A_11 : vector<512x128xf32>
    %get3A_13 = arith.constant 0 : index
    %get3A_14 = arith.constant 0 : index
    %get3A_15 = vector.load %arg3[%get3A_13, %get3A_14] : memref<512x128xf32, #tpu.memory_space<vmem>>, vector<512x128xf32>
    %add3A_16 = arith.addf %get3A_15, %add3A_12 : vector<512x128xf32>
    %get3A_17 = arith.constant 0 : index
    %get3A_18 = vector.load %arg10[%get3A_17] : memref<128xf32, #tpu.memory_space<vmem>>, vector<128xf32>
    %broadcast_in_dim3A_19 = vector.shape_cast %get3A_18 : vector<128xf32> to vector<1x128xf32>
    %get3A_20 = arith.constant 0 : index
    %get3A_21 = vector.load %arg11[%get3A_20] : memref<128xf32, #tpu.memory_space<vmem>>, vector<128xf32>
    %broadcast_in_dim3A_22 = vector.shape_cast %get3A_21 : vector<128xf32> to vector<1x128xf32>
    %reduce_sum3A = arith.constant dense<0.000000e+00> : vector<512xf32>
    %reduce_sum3A_23 = vector.multi_reduction <add>, %add3A_16, %reduce_sum3A [1] : vector<512x128xf32> to vector<512xf32>
    %broadcast_in_dim3A_24 = vector.shape_cast %reduce_sum3A_23 : vector<512xf32> to vector<512x1xf32>
    %div3A = arith.constant 1.280000e+02 : f32
    %div3A_25 = vector.broadcast %div3A : f32 to vector<512x1xf32>
    %div3A_26 = arith.divf %broadcast_in_dim3A_24, %div3A_25 : vector<512x1xf32>
    %sub3A = vector.broadcast %div3A_26 : vector<512x1xf32> to vector<512x128xf32>
    %sub3A_27 = arith.subf %add3A_16, %sub3A : vector<512x128xf32>
    %integer_pow3A = arith.mulf %sub3A_27, %sub3A_27 : vector<512x128xf32>
    %reduce_sum3A_28 = arith.constant dense<0.000000e+00> : vector<512xf32>
    %reduce_sum3A_29 = vector.multi_reduction <add>, %integer_pow3A, %reduce_sum3A_28 [1] : vector<512x128xf32> to vector<512xf32>
    %broadcast_in_dim3A_30 = vector.shape_cast %reduce_sum3A_29 : vector<512xf32> to vector<512x1xf32>
    %div3A_31 = arith.constant 1.280000e+02 : f32
    %div3A_32 = vector.broadcast %div3A_31 : f32 to vector<512x1xf32>
    %div3A_33 = arith.divf %broadcast_in_dim3A_30, %div3A_32 : vector<512x1xf32>
    %sub3A_34 = vector.broadcast %div3A_26 : vector<512x1xf32> to vector<512x128xf32>
    %sub3A_35 = arith.subf %add3A_16, %sub3A_34 : vector<512x128xf32>
    %add3A_36 = arith.constant 9.99999974E-6 : f32
    %add3A_37 = vector.broadcast %add3A_36 : f32 to vector<512x1xf32>
    %add3A_38 = arith.addf %div3A_33, %add3A_37 : vector<512x1xf32>
    %sqrt3A = math.sqrt %add3A_38 : vector<512x1xf32>
    %div3A_39 = vector.broadcast %sqrt3A : vector<512x1xf32> to vector<512x128xf32>
    %div3A_40 = arith.divf %sub3A_35, %div3A_39 : vector<512x128xf32>
    %mul3A = vector.broadcast %broadcast_in_dim3A_19 : vector<1x128xf32> to vector<512x128xf32>
    %mul3A_41 = arith.mulf %div3A_40, %mul3A : vector<512x128xf32>
    %add3A_42 = vector.broadcast %broadcast_in_dim3A_22 : vector<1x128xf32> to vector<512x128xf32>
    %add3A_43 = arith.addf %mul3A_41, %add3A_42 : vector<512x128xf32>
    %get3A_44 = arith.constant 0 : index
    %get3A_45 = arith.constant 0 : index
    %get3A_46 = vector.load %arg6[%get3A_44, %get3A_45] : memref<128x256xf32, #tpu.memory_space<vmem>>, vector<128x256xf32>
    %dot_general3A_47 = arith.constant dense<0.000000e+00> : vector<512x256xf32>
    %dot_general3A_48 = tpu.matmul %add3A_43, %get3A_46, %dot_general3A_47 {dimension_numbers = #tpu.dot_dimension_numbers<[1], [0], [0], [1], [0, 0, 1, 1], [], []>, transpose_lhs_hint = false} : vector<512x128xf32>, vector<128x256xf32>, vector<512x256xf32> -> vector<512x256xf32>
    %get3A_49 = arith.constant 0 : index
    %get3A_50 = vector.load %arg7[%get3A_49] : memref<256xf32, #tpu.memory_space<vmem>>, vector<256xf32>
    %broadcast_in_dim3A_51 = vector.shape_cast %get3A_50 : vector<256xf32> to vector<1x256xf32>
    %add3A_52 = vector.broadcast %broadcast_in_dim3A_51 : vector<1x256xf32> to vector<512x256xf32>
    %add3A_53 = arith.addf %dot_general3A_48, %add3A_52 : vector<512x256xf32>
    %logistic3A = arith.negf %add3A_53 : vector<512x256xf32>
    %logistic3A_54 = math.exp %logistic3A : vector<512x256xf32>
    %logistic3A_55 = arith.constant 1.000000e+00 : f32
    %logistic3A_56 = vector.broadcast %logistic3A_55 : f32 to vector<512x256xf32>
    %logistic3A_57 = arith.addf %logistic3A_56, %logistic3A_54 : vector<512x256xf32>
    %logistic3A_58 = arith.divf %logistic3A_56, %logistic3A_57 : vector<512x256xf32>
    %mul3A_59 = arith.mulf %add3A_53, %logistic3A_58 : vector<512x256xf32>
    %get3A_60 = arith.constant 0 : index
    %get3A_61 = arith.constant 0 : index
    %get3A_62 = vector.load %arg8[%get3A_60, %get3A_61] : memref<256x128xf32, #tpu.memory_space<vmem>>, vector<256x128xf32>
    %dot_general3A_63 = arith.constant dense<0.000000e+00> : vector<512x128xf32>
    %dot_general3A_64 = tpu.matmul %mul3A_59, %get3A_62, %dot_general3A_63 {dimension_numbers = #tpu.dot_dimension_numbers<[1], [0], [0], [1], [0, 0, 1, 1], [], []>, transpose_lhs_hint = false} : vector<512x256xf32>, vector<256x128xf32>, vector<512x128xf32> -> vector<512x128xf32>
    %get3A_65 = arith.constant 0 : index
    %get3A_66 = vector.load %arg9[%get3A_65] : memref<128xf32, #tpu.memory_space<vmem>>, vector<128xf32>
    %broadcast_in_dim3A_67 = vector.shape_cast %get3A_66 : vector<128xf32> to vector<1x128xf32>
    %add3A_68 = vector.broadcast %broadcast_in_dim3A_67 : vector<1x128xf32> to vector<512x128xf32>
    %add3A_69 = arith.addf %dot_general3A_64, %add3A_68 : vector<512x128xf32>
    %add3A_70 = arith.addf %add3A_43, %add3A_69 : vector<512x128xf32>
    %get3A_71 = arith.constant 0 : index
    %get3A_72 = vector.load %arg12[%get3A_71] : memref<128xf32, #tpu.memory_space<vmem>>, vector<128xf32>
    %broadcast_in_dim3A_73 = vector.shape_cast %get3A_72 : vector<128xf32> to vector<1x128xf32>
    %get3A_74 = arith.constant 0 : index
    %get3A_75 = vector.load %arg13[%get3A_74] : memref<128xf32, #tpu.memory_space<vmem>>, vector<128xf32>
    %broadcast_in_dim3A_76 = vector.shape_cast %get3A_75 : vector<128xf32> to vector<1x128xf32>
    %reduce_sum3A_77 = arith.constant dense<0.000000e+00> : vector<512xf32>
    %reduce_sum3A_78 = vector.multi_reduction <add>, %add3A_70, %reduce_sum3A_77 [1] : vector<512x128xf32> to vector<512xf32>
    %broadcast_in_dim3A_79 = vector.shape_cast %reduce_sum3A_78 : vector<512xf32> to vector<512x1xf32>
    %div3A_80 = arith.constant 1.280000e+02 : f32
    %div3A_81 = vector.broadcast %div3A_80 : f32 to vector<512x1xf32>
    %div3A_82 = arith.divf %broadcast_in_dim3A_79, %div3A_81 : vector<512x1xf32>
    %sub3A_83 = vector.broadcast %div3A_82 : vector<512x1xf32> to vector<512x128xf32>
    %sub3A_84 = arith.subf %add3A_70, %sub3A_83 : vector<512x128xf32>
    %integer_pow3A_85 = arith.mulf %sub3A_84, %sub3A_84 : vector<512x128xf32>
    %reduce_sum3A_86 = arith.constant dense<0.000000e+00> : vector<512xf32>
    %reduce_sum3A_87 = vector.multi_reduction <add>, %integer_pow3A_85, %reduce_sum3A_86 [1] : vector<512x128xf32> to vector<512xf32>
    %broadcast_in_dim3A_88 = vector.shape_cast %reduce_sum3A_87 : vector<512xf32> to vector<512x1xf32>
    %div3A_89 = arith.constant 1.280000e+02 : f32
    %div3A_90 = vector.broadcast %div3A_89 : f32 to vector<512x1xf32>
    %div3A_91 = arith.divf %broadcast_in_dim3A_88, %div3A_90 : vector<512x1xf32>
    %sub3A_92 = vector.broadcast %div3A_82 : vector<512x1xf32> to vector<512x128xf32>
    %sub3A_93 = arith.subf %add3A_70, %sub3A_92 : vector<512x128xf32>
    %add3A_94 = arith.constant 9.99999974E-6 : f32
    %add3A_95 = vector.broadcast %add3A_94 : f32 to vector<512x1xf32>
    %add3A_96 = arith.addf %div3A_91, %add3A_95 : vector<512x1xf32>
    %sqrt3A_97 = math.sqrt %add3A_96 : vector<512x1xf32>
    %div3A_98 = vector.broadcast %sqrt3A_97 : vector<512x1xf32> to vector<512x128xf32>
    %div3A_99 = arith.divf %sub3A_93, %div3A_98 : vector<512x128xf32>
    %mul3A_100 = vector.broadcast %broadcast_in_dim3A_73 : vector<1x128xf32> to vector<512x128xf32>
    %mul3A_101 = arith.mulf %div3A_99, %mul3A_100 : vector<512x128xf32>
    %add3A_102 = vector.broadcast %broadcast_in_dim3A_76 : vector<1x128xf32> to vector<512x128xf32>
    %add3A_103 = arith.addf %mul3A_101, %add3A_102 : vector<512x128xf32>
    %swap3A = arith.constant 0 : index
    %swap3A_104 = arith.constant 0 : index
    %swap3A_105 = vector.load %arg14[%swap3A, %swap3A_104] : memref<512x128xf32, #tpu.memory_space<vmem>>, vector<512x128xf32>
    tpu.vector_store %arg14[%swap3A, %swap3A_104], %add3A_103 {strides = array<i32>} : memref<512x128xf32, #tpu.memory_space<vmem>>, vector<512x128xf32>,
    return
  }
  func.func @transform_0(%arg0: i32) -> (i32, i32) {
    %c0_i32 = arith.constant 0 : i32
    %c0_i32_0 = arith.constant 0 : i32
    return %arg0, %c0_i32 : i32, i32
  }
  func.func @transform_1(%arg0: i32) -> (i32, i32) {
    %c0_i32 = arith.constant 0 : i32
    %c0_i32_0 = arith.constant 0 : i32
    return %arg0, %c0_i32 : i32, i32
  }
  func.func @transform_2(%arg0: i32) -> (i32, i32) {
    %c0_i32 = arith.constant 0 : i32
    %c0_i32_0 = arith.constant 0 : i32
    return %arg0, %c0_i32 : i32, i32
  }
  func.func @transform_3(%arg0: i32) -> (i32, i32) {
    %c0_i32 = arith.constant 0 : i32
    %c0_i32_0 = arith.constant 0 : i32
    %c0_i32_1 = arith.constant 0 : i32
    return %c0_i32, %c0_i32_0 : i32, i32
  }
  func.func @transform_4(%arg0: i32) -> i32 {
    %c0_i32 = arith.constant 0 : i32
    %c0_i32_0 = arith.constant 0 : i32
    return %c0_i32 : i32
  }
  func.func @transform_5(%arg0: i32) -> (i32, i32) {
    %c0_i32 = arith.constant 0 : i32
    %c0_i32_0 = arith.constant 0 : i32
    %c0_i32_1 = arith.constant 0 : i32
    return %c0_i32, %c0_i32_0 : i32, i32
  }
  func.func @transform_6(%arg0: i32) -> i32 {
    %c0_i32 = arith.constant 0 : i32
    %c0_i32_0 = arith.constant 0 : i32
    return %c0_i32 : i32
  }
  func.func @transform_7(%arg0: i32) -> (i32, i32) {
    %c0_i32 = arith.constant 0 : i32
    %c0_i32_0 = arith.constant 0 : i32
    %c0_i32_1 = arith.constant 0 : i32
    return %c0_i32, %c0_i32_0 : i32, i32
  }
  func.func @transform_8(%arg0: i32) -> i32 {
    %c0_i32 = arith.constant 0 : i32
    %c0_i32_0 = arith.constant 0 : i32
    return %c0_i32 : i32
  }
  func.func @transform_9(%arg0: i32) -> i32 {
    %c0_i32 = arith.constant 0 : i32
    %c0_i32_0 = arith.constant 0 : i32
    return %c0_i32 : i32
  }
  func.func @transform_10(%arg0: i32) -> i32 {
    %c0_i32 = arith.constant 0 : i32
    %c0_i32_0 = arith.constant 0 : i32
    return %c0_i32 : i32
  }
  func.func @transform_11(%arg0: i32) -> i32 {
    %c0_i32 = arith.constant 0 : i32
    %c0_i32_0 = arith.constant 0 : i32
    return %c0_i32 : i32
  }
  func.func @transform_12(%arg0: i32) -> i32 {
    %c0_i32 = arith.constant 0 : i32
    %c0_i32_0 = arith.constant 0 : i32
    return %c0_i32 : i32
  }
  func.func @transform_13(%arg0: i32) -> (i32, i32) {
    %c0_i32 = arith.constant 0 : i32
    %c0_i32_0 = arith.constant 0 : i32
    return %arg0, %c0_i32 : i32, i32
  }
}

</mosaic_0001>

<sc_bundles>
// kernel: kernel.10.cloned.1.call-start
scs
__scs_entry_jumppad:
0x0: {  	(pc) =	sbr.rel $0x88, $3  }
0x1: {  	(tag) =	ssettag $0x0;
	lr =	simm.s32 $0x1  }
0x2: {  	[smem:$0x3F8A] =	sst lr;
	_ =	strace $0xD0000000  }
0x3: {  	_ = 	snop  }
0x4: {  	_ = 	snop  }
0x5: {  	_ = 	snop  }
0x6: {  	_ = 	snop  }
0x7: {  	_ = 	snop  }
__scs_overlays_trampoline_lowered:
0x8: {  	[smem:$0x3F99] =	sst s0  }
0x9: {  	[smem:$0x3F9A] =	sst s1  }
0xa: {  	[smem:$0x3F9B] =	sst s2  }
0xb: {  	[smem:$0x3F9C] =	sst s3  }
0xc: {  	[smem:$0x3F9D] =	sst s4  }
0xd: {  	[smem:$0x3F9E] =	sst s5  }
0xe: {  	[smem:$0x3F9F] =	sst s6  }
0xf: {  	[smem:$0x3FA0] =	sst s7  }
0x10: {  	[smem:$0x3FA1] =	sst s8  }
0x11: {  	[smem:$0x3FA2] =	sst s9;
	s0 =	simm.s32 @!p0 $0x0  }
0x12: {  	s1 =	sld [smem:$0x3F88];
	s0 =	simm.s32 @p0 $0x1  }
0x13: {  	[smem:$0x3FA3] =	sst s0;
	s0 =	simm.s32 @!p1 $0x0  }
0x14: {  	s2 =	sld [smem:$0x3F87];
	s0 =	simm.s32 @p1 $0x1  }
0x15: {  	[smem:$0x3FA4] =	sst s0;
	s0 =	simm.s32 @!p2 $0x0  }
0x16: {  	s3 =	sld [smem:$0x3FDB];
	s0 =	simm.s32 @p2 $0x1  }
0x17: {  	s4 =	simm.s32 $0x1BF5;
	[smem:$0x3FA6] =	sst s0  }
0x18: {  	s0 =	sld [smem:$0x3F89];
	_ =	swait.ge [sflag:s4], $0x0  }
0x19: {  	s7 =	sld [smem:$0x3F8A]  }
0x1a: {  	s8 =	sadd.s32 $0xFFFFE003, lr  }
0x1b: {  	s9 =	sadd.s32 $0xFFFFFEF7, lr;
	s5 =	simm.s32 $0xFFFFFFFF;
	p2 =	slt.u32 s8, $0xFFFFF086  }
0x1c: {  	p1 =	slt.u32 s9, $0xF7A;
	s5 =	simm.s32 @!p2 $0x0  }
0x1d: {  	s5 =	simm.s32 @p1 $0x1;
	p0 =	seq.s32 s7, s2  }
0x1e: {  	s7 =	smul.u32 @!p0 $0xF7A, s2;
	p2 =	seq.s32 @!p0 s5, $0x0  }
0x1f: {  	s9 =	smul.u32 $0xF7A, s1;
	s8 =	simm.s32 @!p0 $0x1BF5;
	p2 =	por !p2, p0  }
0x20: {  	[sflag:s8] =	ssyncset.s32 @!p0 $0xFFFFF086;
	s6 =	sadd.s32 @!p0 s3, s7;
	s7 =	simm.s32 @!p0 $0x108  }
0x21: {  	s3 =	sadd.s32 s3, s9;
	s6 =	sadd.s32 @!p0 $0x88, s6;
	s7 =	simm.s32 @p2 $0x1082  }
0x22: {  	[simem:s7], [sflag:s8] =	dma.local @!p0 [hbm:s6], $0xF7A  }
0x23: {  	s9 =	sor.u32 $0xD0000000, s2;
	s6 =	simm.s32 $0x108;
	_ =	swait.ge @!p0 [sflag:s8], $0x0  }
0x24: {  	s3 =	sadd.s32 $0x88, s3;
	s6 =	simm.s32 @!p1 $0x1082;
	[sflag:s4] =	ssyncset.s32 $0xFFFFF086  }
0x25: {  	[simem:s6], [sflag:s4] =	dma.local [hbm:s3], $0xF7A  }
0x26: {  	[smem:$0x3F8A] =	sst s1;
	(tag) =	ssettag s2;
	_ =	strace s9  }
0x27: {  	s1 =	sld [smem:$0x3F9A]  }
0x28: {  	s2 =	sld [smem:$0x3F9B]  }
0x29: {  	s4 =	sld [smem:$0x3F9D]  }
0x2a: {  	p0 =	seq.s32 s5, $0x0;
	s5 =	sld [smem:$0x3F9E]  }
0x2b: {  	s6 =	sld [smem:$0x3F9F]  }
0x2c: {  	s7 =	sld [smem:$0x3FA0]  }
0x2d: {  	s3 =	simm.s32 $0x108;
	s8 =	sld [smem:$0x3FA1]  }
0x2e: {  	s3 =	simm.s32 @!p0 $0x1082;
	s9 =	sld [smem:$0x3FA2]  }
0x2f: {  	lr =	sadd.s32 s0, s3;
	s0 =	sld [smem:$0x3F99]  }
0x30: {  	s3 =	sld [smem:$0x3F9C]  }
0x31: {  	[smem:$0x3FA5] =	sst s10  }
0x32: {  	s10 =	sld [smem:$0x3FA3];
	_ =	sdelay $0x3  }
0x33: {  	p0 =	seq.s32 s10, $0x1;
	s10 =	sld [smem:$0x3FA5];
	_ =	sdelay $0x3  }
0x34: {  	[smem:$0x3FA5] =	sst s10  }
0x35: {  	s10 =	sld [smem:$0x3FA4];
	_ =	sdelay $0x3  }
0x36: {  	p1 =	seq.s32 s10, $0x1;
	s10 =	sld [smem:$0x3FA5];
	_ =	sdelay $0x3  }
0x37: {  	[smem:$0x3FA5] =	sst s10  }
0x38: {  	s10 =	sld [smem:$0x3FA6]  }
0x39: {  	_ = 	snop;
	(pc) =	sbr.ind lr, $3  }
0x3a: {  	_ = 	snop  }
0x3b: {  	_ = 	snop  }
0x3c: {  	p2 =	seq.s32 s10, $0x1;
	s10 =	sld [smem:$0x3FA5]  }
0x3d: {  	_ =	shalt  }
0x3e: {  	_ =	shalt  }
0x3f: {  	_ =	shalt  }
0x40: {  	_ =	shalt  }
0x41: {  	_ =	shalt  }
0x42: {  	_ =	shalt  }
0x43: {  	_ =	shalt  }
0x44: {  	_ =	shalt  }
0x45: {  	_ =	shalt  }
0x46: {  	_ =	shalt  }
0x47: {  	_ =	shalt  }
0x48: {  	_ =	shalt  }
0x49: {  	_ =	shalt  }
0x4a: {  	_ =	shalt  }
0x4b: {  	_ =	shalt  }
0x4c: {  	_ =	shalt  }
0x4d: {  	_ =	shalt  }
0x4e: {  	_ =	shalt  }
0x4f: {  	_ =	shalt  }
0x50: {  	_ =	shalt  }
0x51: {  	_ =	shalt  }
0x52: {  	_ =	shalt  }
0x53: {  	_ =	shalt  }
0x54: {  	_ =	shalt  }
0x55: {  	_ =	shalt  }
0x56: {  	_ =	shalt  }
0x57: {  	_ =	shalt  }
0x58: {  	_ =	shalt  }
0x59: {  	_ =	shalt  }
0x5a: {  	_ =	shalt  }
0x5b: {  	_ =	shalt  }
0x5c: {  	_ =	shalt  }
0x5d: {  	_ =	shalt  }
0x5e: {  	_ =	shalt  }
0x5f: {  	_ =	shalt  }
0x60: {  	_ =	shalt  }
0x61: {  	_ =	shalt  }
0x62: {  	_ =	shalt  }
0x63: {  	_ =	shalt  }
0x64: {  	_ =	shalt  }
0x65: {  	_ =	shalt  }
0x66: {  	_ =	shalt  }
0x67: {  	_ =	shalt  }
0x68: {  	_ =	shalt  }
0x69: {  	_ =	shalt  }
0x6a: {  	_ =	shalt  }
0x6b: {  	_ =	shalt  }
0x6c: {  	_ =	shalt  }
0x6d: {  	_ =	shalt  }
0x6e: {  	_ =	shalt  }
0x6f: {  	_ =	shalt  }
0x70: {  	_ =	shalt  }
0x71: {  	_ =	shalt  }
0x72: {  	_ =	shalt  }
0x73: {  	_ =	shalt  }
0x74: {  	_ =	shalt  }
0x75: {  	_ =	shalt  }
0x76: {  	_ =	shalt  }
0x77: {  	_ =	shalt  }
0x78: {  	_ =	shalt  }
0x79: {  	_ =	shalt  }
0x7a: {  	_ =	shalt  }
0x7b: {  	_ =	shalt  }
0x7c: {  	_ =	shalt  }
0x7d: {  	_ =	shalt  }
0x7e: {  	_ =	shalt  }
0x7f: {  	_ =	shalt  }
0x80: {  	_ =	shalt  }
0x81: {  	_ =	shalt  }
0x82: {  	_ =	shalt  }
0x83: {  	_ =	shalt  }
0x84: {  	_ =	shalt  }
0x85: {  	_ =	shalt  }
0x86: {  	_ =	shalt  }
0x87: {  	_ =	shalt  }
.Lfunc_end0:
.L_simem_size_0:
called_computation.1_lowered:
.L_overlay_start_0:
0x88: {  	s2 =	sld [smem:$0x3FD9]  }
0x89: {  	s3 =	sld [smem:$0x3FFE];
	_ =	sdelay $0x1  }
0x8a: {  	s1 =	srdreg.scid  }
0x8b: {  	s0 =	sand.u32 $0x1, s1  }
0x8c: {  	s17 =	sshll.u32 s0, $0xA;
	s2 =	sadd.s32 s3, s2  }
0x8d: {  	s2 =	sadd.s32 s2, s17  }
0x8e: {  	[smem:$0x3FB1] =	sst s2  }
0x8f: {  	_ = 	snop  }
0x90: {  	s2 =	sld [smem:$0x3FD0];
	(tm) =	ssettm $0x1  }
0x91: {  	s18 =	sld [smem:$0x3FFB];
	_ =	sdelay $0x3  }
0x92: {  	_ =	strace s18  }
0x93: {  	s3 =	sld [smem:$0x3FFC];
	_ =	sdelay $0x3  }
0x94: {  	_ =	strace s3  }
0x95: {  	s3 =	sld [smem:$0x3FFD];
	_ =	sdelay $0x3  }
0x96: {  	_ =	strace s3  }
0x97: {  	_ =	strace $0x8FFFFFFF  }
0x98: {  	s19 =	sld [smem:$0x3FDB];
	_ =	sdelay $0x1  }
0x99: {  	s4 =	simm.s32 $_scs_section_size  }
0x9a: {  	s5 =	simm.s32 $_size__tile_overlayer_lowered;
	s6 =	simm.s32 $_tile_overlayer_lowered  }
0x9b: {  	s22 =	simm.s32 $0x1BFF;
	s21 =	sshll.u32 s6, $0x1;
	s3 =	sadd.s32 s4, s19  }
0x9c: {  	s7 =	simm.s32 $0x0;
	s20 =	sshll.u32 s5, $0x1;
	s5 =	sadd.s32 s21, s3  }
0x9d: {  	[timem:s7], [sflag:s22] =	dma.local [hbm:s5], s20  }
0x9e: {  	_ =	swait.ge [sflag:s22], s20  }
0x9f: {  	s4 =	ssub.s32 $0x0, s20;
	[sflag:s22] =	ssyncset.done $0x0  }
0xa0: {  	[sflag:s22] =	ssyncadd.s32 s4;
	_ =	sdelay $0x1  }
0xa1: {  	s23 =	simm.s32 $0x1B8B  }
0xa2: {  	_ =	swait.ge [sflag:s23], $0x1  }
0xa3: {  	[sflag:s23] =	ssyncset.done $0x0  }
0xa4: {  	s25 =	simm.s32 $0x1B8E;
	s24 =	sld [smem:$0x3FFE];
	[sflag:s23] =	ssyncadd.s32 $0xFFFFFFFF  }
0xa5: {  	s26 =	simm.s32 $execute0_lowered;
	[smem:$0x3FD2] =	sst s25  }
0xa6: {  	s5 =	sshll.u32 s26, $0x1;
	_ =	strace $0x80000049;
	[dreg:$0x1] =	wrdreg $0xFFFFFFFF  }
0xa7: {  	s28 =	simm.s32 $_size_execute0_lowered;
	s3 =	sadd.s32 s3, s5;
	[dreg:$0x0] =	wrdreg $0x0  }
0xa8: {  	s5 =	sshll.u32 s28, $0x1;
	[dreg:$0x2] =	wrdreg s3  }
0xa9: {  	[dreg:$0x3] =	wrdreg s5  }
0xaa: {  	[dreg:$0x4] =	wrdreg $0xC0  }
0xab: {  	_ =	task [dreg:s7], $0x5FFFF  }
0xac: {  	[dreg:$0x1] =	wrdreg $0xFFFFFFFF  }
0xad: {  	[dreg:$0x0] =	wrdreg $0x60  }
0xae: {  	[dreg:$0x2] =	wrdreg s24  }
0xaf: {  	[dreg:$0x3] =	wrdreg s2  }
0xb0: {  	[dreg:$0x4] =	wrdreg $0x153000  }
0xb1: {  	[dreg:$0x5] =	wrdreg $0x9  }
0xb2: {  	_ =	task.clear_ibuf [dreg:s7], $0x6FFFF;
	_ =	strace $0x90000049  }
0xb3: {  	s29 =	simm.s32 $0x9;
	_ =	strace $0x8000004B  }
0xb4: {  	_ =	swait.ge [sflag:s29], $0x1  }
0xb5: {  	[sflag:s29] =	ssyncadd.s32 $0xFFFFFFFF  }
0xb6: {  	_ =	strace $0x9000004B  }
0xb7: {  	_ =	sfence  }
0xb8: {  	s30 =	sld [smem:$0x0];
	_ =	sdelay $0x2  }
0xb9: {  	s31 =	sshll.u32 s1, $0xD;
	s1 =	sshrl.u32 s1, $0x2  }
0xba: {  	s3 =	sand.u32 $0x4000, s31;
	s1 =	sadd.s32 s1, s30  }
0xbb: {  	s0 =	sor.u32 s3, s0;
	s1 =	sshll.u32 s1, $0x11  }
0xbc: {  	s0 =	sor.u32 s1, s0  }
0xbd: {  	s0 =	sadd.s32 $0x8F2B, s0  }
0xbe: {  	[sflag:s0] =	ssyncadd.remote.s32 $0x1  }
0xbf: {  	_ =	sfence.sel $0xFFFF  }
0xc0: {  	[dreg:$0x0] =	wrdreg $0xFFFFFFFF;
	(pc) =	sbr.abs _section_cstart, $3  }
0xc1: {  	[dreg:$0x1] =	wrdreg $0xFFFFFFFF  }
0xc2: {  	_ =	task.clear_ibuf [dreg:s7], $0x2FFFF;
	_ =	strace $0x9FFFFFFF  }
0xc3: {  	(tm) =	ssettm $0x7FFFFFFF  }
tec
execute0_lowered:
.L_overlay_start_1:
0x0: {  	(tag) =	ssettag $0x1  }
0x1: {  	s0 =	rddreg [dreg:$0x0]  }
0x2: {  	s2 =	rddreg [dreg:$0x2]  }
0x3: {  	s3 =	simm.s32 $0x0;
	s1 =	srdreg.scid;
	s14 =	stileid.u32  }
0x4: {  	s21 =	simm.s32 $0x5;
	s22 =	simm.s32 $0x80;
	s28 =	simm.s32 $0x3900  }
0x5: {  	s29 =	simm.s32 $0x3980;
	s30 =	simm.s32 $0x3A00;
	s31 =	simm.s32 $0x5A00  }
0x6: {  	s23 =	simm.s32 $0x1;
	[smem:$0x7FF] =	sst s3;
	s5 =	sadd.s32 $0x1BB600, s0  }
0x7: {  	s4 =	sadd.s32 $0xB2600, s0;
	s6 =	sadd.s32 $0xBC600, s0;
	s8 =	sadd.s32 $0x116600, s0  }
0x8: {  	s9 =	sadd.s32 $0x6800, s0;
	s10 =	sadd.s32 $0x1B6600, s0;
	s7 =	sadd.s32 $0xDA600, s0  }
0x9: {  	s1 =	sand.u32 $0x1, s1;
	s11 =	sshll.u32 s14, $0x1;
	s12 =	sadd.s32 $0xC6600, s0  }
0xa: {  	s14 =	smul.u32 $0xA000, s14;
	s15 =	sadd.s32 $0x102600, s0;
	s0 =	sadd.s32 $0xEE600, s0  }
0xb: {  	_ =	strace $0x8000004A;
	s13 =	sor.u32 s1, s11;
	s16 =	ssub.s32 $0x2, s1  }
0xc: {  	p0 =	seq.s32 s1, $0x0;
	s11 =	smul.u32 $0x2800, s13;
	s17 =	sshrl.u32 s16, $0x1  }
0xd: {  	s13 =	smul.u32 $0x5000, s13;
	s19 =	sadd.s32 s14, s2;
	s25 =	sshrl.u32 s14, $0x3  }
0xe: {  	s15 =	smov.u32 @p0 s7;
	s0 =	smov.u32 @p0 s12;
	s14 =	simm.s32 $0xB300  }
0xf: {  	s12 =	simm.s32 $0x0;
	s17 =	ssub.s32 s16, s17;
	s7 =	sadd.s32 s15, s25  }
0x10: {  	s0 =	sadd.s32 s0, s25;
	s25 =	simm.s32 $0x7200;
	[dreg:$0x4] =	wrdreg s19  }
0x11: {  	s24 =	sshrl.u32 s11, $0x3;
	s13 =	sadd.s32 s8, s13;
	[dreg:$0x9] =	wrdreg s7  }
0x12: {  	s26 =	smax.u32 s17, $0x1;
	[dreg:$0xa] =	wrdreg s0;
	s0 =	simm.s32 $0x6200  }
0x13: {  	s7 =	simm.s32 $0x6A00;
	s17 =	simm.s32 $0xB280;
	[dreg:$0x7] =	wrdreg s13  }
0x14: {  	s18 =	sadd.s32 s4, s24;
	s16 =	sadd.s32 s6, s24;
	[dreg:$0x8] =	wrdreg s26  }
0x15: {  	v1 =	vlaneseq.u32;
	s24 =	simm.s32 $0xB200;
	s26 =	simm.s32 $0x2;
	[dreg:$0x5] =	wrdreg s18  }
0x16: {  	v0 =	vimm.f32 $0.0e+00;
	v1 =	vshrl.u32 v1, $0x2;
	[dreg:$0x6] =	wrdreg s16;
	s16 =	sor.u32 $0x100, s11;
	s18 =	simm.s32 $0x9200  }
.LBB2_1:
0x17: {  	[dreg:$0xb] =	wrdreg s12;
	s12 =	simm.s32 $0x100;
	s1 =	simm.s32 $0x0  }
.LBB2_2:
0x18: {  	p0 =	sne.s32 s12, $0x27F00;
	[tilespmem:s1+$0xB330] =	vst v0;
	s13 =	smov.u32 s12;
	s12 =	sadd.s32 $0x100, s12  }
.Ltmp0:
0x19: {  	[tilespmem:s1+$0xB320] =	vst v0;
	(pc) =	sbr.rel @p0 .LBB2_2-.Ltmp0, $3  }
0x1a: {  	[tilespmem:s1+$0xB300] =	vst v0  }
0x1b: {  	[tilespmem:s1+$0xB310] =	vst v0;
	_ =	sdelay $0x1  }
0x1c: {  	s1 =	sshra.s32 s13, $0x2  }
0x1d: {  	[tilespmem:s1+$0xB330] =	vst v0  }
0x1e: {  	[tilespmem:s1+$0xB320] =	vst v0  }
0x1f: {  	[tilespmem:s1+$0xB300] =	vst v0  }
0x20: {  	[tilespmem:s1+$0xB310] =	vst v0  }
0x21: {  	[spmem:s19] =	stream.linear.scatter [tilespmem:s14], [sflag:$0x5], $0xA000, $0x38;
	[tilespmem:$0x1F300] =	vst v63  }
0x22: {  	_ =	swait.ge [sflag:s21], $0xA000  }
0x23: {  	[sflag:s21] =	ssyncset.done $0x0  }
0x24: {  	[sflag:s21] =	ssyncadd.s32 $0xFFFF6000  }
0x25: {  	[bflag:$0x0] =	sbarrier.arrive $0xFFFF  }
0x26: {  	s15 =	simm.s32 $0x0;
	s14 =	rddreg [dreg:$0x5]  }
0x27: {  	[tilespmem:s15], [sflag:$0x5] =	stream.linear.gather [hbm4b:s14+s15], $0x80, $0x38;
	[tilespmem:$0x1F300] =	vst v63  }
0x28: {  	_ =	swait.ge [sflag:s21], $0x80  }
0x29: {  	[sflag:s21] =	ssyncset.done $0x0  }
0x2a: {  	s19 =	rddreg [dreg:$0x6];
	[sflag:s21] =	ssyncadd.s32 $0xFFFFFF80  }
0x2b: {  	[tilespmem:s22], [sflag:$0x5] =	stream.linear.gather [hbm4b:s19+s15], $0x80, $0x38;
	[tilespmem:$0x1F300] =	vst v63  }
0x2c: {  	_ =	swait.ge [sflag:s21], $0x80  }
0x2d: {  	[sflag:s21] =	ssyncset.done $0x0  }
0x2e: {  	[sflag:s21] =	ssyncadd.s32 $0xFFFFFF80  }
0x2f: {  	s12 =	simm.s32 $0x100;
	s20 =	rddreg [dreg:$0x1]  }
0x30: {  	[tilespmem:s12], [sflag:$0x1] =	stream.indirect.gather [hbm4b:s20+s22], $0x40, s22, s22, $0xb8;
	[tilespmem:$0x1F300] =	vst v63  }
0x31: {  	s14 =	simm.s32 $0x2100;
	s13 =	rddreg [dreg:$0x7]  }
0x32: {  	[tilespmem:s14], [sflag:$0x1] =	stream.linear.gather [hbm4b:s13+s15], $0x800, $0x38;
	[tilespmem:$0x1F300] =	vst v63  }
0x33: {  	s19 =	simm.s32 $0x2900  }
0x34: {  	[tilespmem:s19], [sflag:$0x1] =	stream.indirect.gather [hbm4b:s9+s22], $0x10, s15, s22, $0xb8;
	[tilespmem:$0x1F300] =	vst v63  }
0x35: {  	s20 =	simm.s32 $0x3100  }
0x36: {  	[tilespmem:s20], [sflag:$0x1] =	stream.indirect.gather [hbm4b:s10+s22], $0x10, s15, s22, $0xb8;
	[tilespmem:$0x1F300] =	vst v63  }
.LBB2_4:
0x37: {  	s20 =	sshll.u32 s15, $0x8  }
0x38: {  	s1 =	sadd.s32 s20, s11  }
0x39: {  	s1 =	sadd.s32 $0x80, s1  }
0x3a: {  	s12 =	sshrl.u32 s1, $0x3  }
0x3b: {  	s13 =	sadd.s32 s4, s12  }
0x3c: {  	[tilespmem:s28], [sflag:$0x5] =	stream.linear.gather [hbm4b:s13+s3], $0x80, $0x38;
	[tilespmem:$0x1F300] =	vst v63  }
0x3d: {  	_ =	swait.ge [sflag:s21], $0x80  }
0x3e: {  	[sflag:s21] =	ssyncset.done $0x0  }
0x3f: {  	s12 =	sadd.s32 s6, s12;
	[sflag:s21] =	ssyncadd.s32 $0xFFFFFF80  }
0x40: {  	[tilespmem:s29], [sflag:$0x5] =	stream.linear.gather [hbm4b:s12+s3], $0x80, $0x38;
	[tilespmem:$0x1F300] =	vst v63  }
0x41: {  	_ =	swait.ge [sflag:s21], $0x80  }
0x42: {  	[sflag:s21] =	ssyncset.done $0x0  }
0x43: {  	s1 =	sshll.u32 s1, $0x1;
	[sflag:s21] =	ssyncadd.s32 $0xFFFFFF80  }
0x44: {  	s1 =	sand.u32 $0x1FFFFF00, s1;
	s13 =	rddreg [dreg:$0x1]  }
0x45: {  	[tilespmem:s30], [sflag:$0x2] =	stream.indirect.gather [hbm4b:s13+s22], $0x40, s29, s22, $0xb8;
	[tilespmem:$0x1F300] =	vst v63  }
0x46: {  	s1 =	sadd.s32 s8, s1  }
0x47: {  	[tilespmem:s31], [sflag:$0x2] =	stream.linear.gather [hbm4b:s1+s3], $0x800, $0x38;
	[tilespmem:$0x1F300] =	vst v63  }
0x48: {  	_ = 	snop  }
0x49: {  	[tilespmem:s0], [sflag:$0x2] =	stream.indirect.gather [hbm4b:s9+s22], $0x10, s28, s22, $0xb8;
	[tilespmem:$0x1F300] =	vst v63  }
0x4a: {  	_ = 	snop  }
0x4b: {  	[tilespmem:s7], [sflag:$0x2] =	stream.indirect.gather [hbm4b:s10+s22], $0x10, s28, s22, $0xb8;
	[tilespmem:$0x1F300] =	vst v63  }
0x4c: {  	_ =	swait.ge [sflag:s23], $0x2000  }
0x4d: {  	[sflag:s23] =	ssyncset.done $0x0  }
0x4e: {  	[sflag:s23] =	ssyncadd.s32 $0xFFFFE000  }
0x4f: {  	_ =	swait.ge [sflag:s23], $0x800  }
0x50: {  	[sflag:s23] =	ssyncset.done $0x0  }
0x51: {  	[sflag:s23] =	ssyncadd.s32 $0xFFFFF800  }
0x52: {  	_ =	swait.ge [sflag:s23], $0x800  }
0x53: {  	[sflag:s23] =	ssyncset.done $0x0  }
0x54: {  	[sflag:s23] =	ssyncadd.s32 $0xFFFFF800  }
0x55: {  	_ =	swait.ge [sflag:s23], $0x800  }
0x56: {  	p0 =	seq.s32 s15, $0x0;
	[sflag:s23] =	ssyncset.done $0x0  }
0x57: {  	s1 =	simm.s32 @!p0 $0x3;
	[sflag:s23] =	ssyncadd.s32 $0xFFFFF800  }
0x58: {  	_ =	swait.ge @!p0 [sflag:s1], $0x2000  }
0x59: {  	[sflag:s1] =	ssyncset.done @!p0 $0x0  }
0x5a: {  	s14 =	simm.s32 $0x0;
	[sflag:s1] =	ssyncadd.s32 @!p0 $0xFFFFE000  }
0x5b: {  	v2 =	vld [tilespmem:s14+$0x2900]  }
0x5c: {  	v3 =	vld [tilespmem:s14+$0x3100];
	_ =	sdelay $0x4  }
0x5d: {  	v2 =	vadd.f32 v3, v2;
	_ =	sdelay $0x1  }
0x5e: {  	v2 =	vmax.f32 v2, $9.999999960e-13  }
0x5f: {  	(erf) = vrcp.f32 v2;
	_ =	sdelay $0x4  }
0x60: {  	v2 =	vld [tilespmem:s14+$0x2100];
	_ =	sdelay $0x2  }
0x61: {  	s19 =	simm.s32 $0x180  }
0x62: {  	v3 =	vld [tilespmem:s19+$0xFFFFFF80];
	v4 =	vpop (erf)  }
0x63: {  	v2 =	vmul.f32 v4, v2;
	_ =	sdelay $0x1  }
0x64: {  	v2 =	vperm.xlane v2, v1;
	_ =	sdelay $0x1  }
0x65: {  	v3 =	vmul.f32 v3, v2  }
0x66: {  	s13 =	simm.s32 $0x7280  }
0x67: {  	[tilespmem:s13+$0xFFFFFF80] =	vst v3  }
0x68: {  	v3 =	vld [tilespmem:s19+$0xFFFFFF90];
	_ =	sdelay $0x4  }
0x69: {  	v3 =	vmul.f32 v3, v2;
	_ =	sdelay $0x1  }
0x6a: {  	[tilespmem:s13+$0xFFFFFF90] =	vst v3  }
0x6b: {  	v3 =	vld [tilespmem:s19+$0xFFFFFFA0];
	_ =	sdelay $0x4  }
0x6c: {  	v3 =	vmul.f32 v3, v2;
	_ =	sdelay $0x1  }
0x6d: {  	[tilespmem:s13+$0xFFFFFFA0] =	vst v3  }
0x6e: {  	v3 =	vld [tilespmem:s19+$0xFFFFFFB0];
	_ =	sdelay $0x4  }
0x6f: {  	v2 =	vmul.f32 v3, v2;
	_ =	sdelay $0x1  }
0x70: {  	[tilespmem:s13+$0xFFFFFFB0] =	vst v2  }
0x71: {  	v2 =	vld [tilespmem:s14+$0x2910]  }
0x72: {  	v3 =	vld [tilespmem:s14+$0x3110];
	_ =	sdelay $0x4  }
0x73: {  	v2 =	vadd.f32 v3, v2;
	_ =	sdelay $0x1  }
0x74: {  	v2 =	vmax.f32 v2, $9.999999960e-13  }
0x75: {  	(erf) = vrcp.f32 v2;
	_ =	sdelay $0x4  }
0x76: {  	v2 =	vld [tilespmem:s14+$0x2110];
	_ =	sdelay $0x3  }
0x77: {  	v3 =	vld [tilespmem:s19+$0xFFFFFFC0];
	v4 =	vpop (erf)  }
0x78: {  	v2 =	vmul.f32 v4, v2;
	_ =	sdelay $0x1  }
0x79: {  	v2 =	vperm.xlane v2, v1;
	_ =	sdelay $0x1  }
0x7a: {  	v3 =	vmul.f32 v3, v2;
	_ =	sdelay $0x1  }
0x7b: {  	[tilespmem:s13+$0xFFFFFFC0] =	vst v3  }
0x7c: {  	v3 =	vld [tilespmem:s19+$0xFFFFFFD0];
	_ =	sdelay $0x4  }
0x7d: {  	v3 =	vmul.f32 v3, v2;
	_ =	sdelay $0x1  }
0x7e: {  	[tilespmem:s13+$0xFFFFFFD0] =	vst v3  }
0x7f: {  	v3 =	vld [tilespmem:s19+$0xFFFFFFE0];
	_ =	sdelay $0x4  }
0x80: {  	v3 =	vmul.f32 v3, v2;
	_ =	sdelay $0x1  }
0x81: {  	[tilespmem:s13+$0xFFFFFFE0] =	vst v3  }
0x82: {  	v3 =	vld [tilespmem:s19+$0xFFFFFFF0];
	_ =	sdelay $0x4  }
0x83: {  	v2 =	vmul.f32 v3, v2;
	_ =	sdelay $0x1  }
0x84: {  	[tilespmem:s13+$0xFFFFFFF0] =	vst v2  }
0x85: {  	v2 =	vld [tilespmem:s14+$0x2920]  }
0x86: {  	v3 =	vld [tilespmem:s14+$0x3120];
	_ =	sdelay $0x4  }
0x87: {  	v2 =	vadd.f32 v3, v2;
	_ =	sdelay $0x1  }
0x88: {  	v2 =	vmax.f32 v2, $9.999999960e-13  }
0x89: {  	(erf) = vrcp.f32 v2;
	_ =	sdelay $0x4  }
0x8a: {  	v2 =	vld [tilespmem:s14+$0x2120];
	_ =	sdelay $0x3  }
0x8b: {  	v3 =	vld [tilespmem:s19+$0x0];
	v4 =	vpop (erf)  }
0x8c: {  	v2 =	vmul.f32 v4, v2;
	_ =	sdelay $0x1  }
0x8d: {  	v2 =	vperm.xlane v2, v1;
	_ =	sdelay $0x1  }
0x8e: {  	v3 =	vmul.f32 v3, v2;
	_ =	sdelay $0x1  }
0x8f: {  	[tilespmem:s13+$0x0] =	vst v3  }
0x90: {  	v3 =	vld [tilespmem:s19+$0x10];
	_ =	sdelay $0x4  }
0x91: {  	v3 =	vmul.f32 v3, v2;
	_ =	sdelay $0x1  }
0x92: {  	[tilespmem:s13+$0x10] =	vst v3  }
0x93: {  	v3 =	vld [tilespmem:s19+$0x20];
	_ =	sdelay $0x4  }
0x94: {  	v3 =	vmul.f32 v3, v2;
	_ =	sdelay $0x1  }
0x95: {  	[tilespmem:s13+$0x20] =	vst v3  }
0x96: {  	v3 =	vld [tilespmem:s19+$0x30];
	_ =	sdelay $0x4  }
0x97: {  	v2 =	vmul.f32 v3, v2;
	_ =	sdelay $0x1  }
0x98: {  	[tilespmem:s13+$0x30] =	vst v2  }
0x99: {  	v2 =	vld [tilespmem:s14+$0x2930]  }
0x9a: {  	v3 =	vld [tilespmem:s14+$0x3130];
	_ =	sdelay $0x4  }
0x9b: {  	v2 =	vadd.f32 v3, v2;
	_ =	sdelay $0x1  }
0x9c: {  	v2 =	vmax.f32 v2, $9.999999960e-13  }
0x9d: {  	(erf) = vrcp.f32 v2;
	_ =	sdelay $0x4  }
0x9e: {  	v2 =	vld [tilespmem:s14+$0x2130];
	_ =	sdelay $0x3  }
0x9f: {  	v3 =	vld [tilespmem:s19+$0x40];
	v4 =	vpop (erf)  }
0xa0: {  	v2 =	vmul.f32 v4, v2;
	_ =	sdelay $0x1  }
0xa1: {  	v2 =	vperm.xlane v2, v1;
	_ =	sdelay $0x1  }
0xa2: {  	v3 =	vmul.f32 v3, v2;
	_ =	sdelay $0x1  }
0xa3: {  	[tilespmem:s13+$0x40] =	vst v3  }
0xa4: {  	v3 =	vld [tilespmem:s19+$0x50];
	_ =	sdelay $0x4  }
0xa5: {  	v3 =	vmul.f32 v3, v2;
	_ =	sdelay $0x1  }
0xa6: {  	[tilespmem:s13+$0x50] =	vst v3  }
0xa7: {  	v3 =	vld [tilespmem:s19+$0x60];
	_ =	sdelay $0x4  }
0xa8: {  	v3 =	vmul.f32 v3, v2;
	_ =	sdelay $0x1  }
0xa9: {  	[tilespmem:s13+$0x60] =	vst v3  }
0xaa: {  	s12 =	simm.s32 $0x100;
	s14 =	simm.s32 $0x7280;
	v3 =	vld [tilespmem:s19+$0x70]  }
.LBB2_5:
0xab: {  	_ =	sdelay $0x1  }
0xac: {  	p1 =	sne.s32 s12, $0x1F00;
	s19 =	sadd.s32 $0x100, s19;
	s13 =	sadd.s32 $0x100, s13  }
0xad: {  	s1 =	smov.u32 s12;
	s12 =	sadd.s32 $0x100, s12  }
0xae: {  	v2 =	vmul.f32 v3, v2;
	_ =	sdelay $0x1  }
0xaf: {  	s1 =	sshra.s32 s1, $0x2;
	[tilespmem:s14+$0x70] =	vst v2;
	s14 =	smov.u32 s13  }
0xb0: {  	v2 =	vld [tilespmem:s1+$0x2900]  }
0xb1: {  	v3 =	vld [tilespmem:s1+$0x3100];
	_ =	sdelay $0x4  }
0xb2: {  	v2 =	vadd.f32 v3, v2;
	_ =	sdelay $0x1  }
0xb3: {  	v2 =	vmax.f32 v2, $9.999999960e-13  }
0xb4: {  	(erf) = vrcp.f32 v2;
	_ =	sdelay $0x3  }
0xb5: {  	v2 =	vld [tilespmem:s1+$0x2100];
	_ =	sdelay $0x3  }
0xb6: {  	v3 =	vld [tilespmem:s19+$0xFFFFFF80]  }
0xb7: {  	v4 =	vpop (erf)  }
0xb8: {  	v2 =	vmul.f32 v4, v2;
	_ =	sdelay $0x1  }
0xb9: {  	v2 =	vperm.xlane v2, v1;
	_ =	sdelay $0x1  }
0xba: {  	v3 =	vmul.f32 v3, v2;
	_ =	sdelay $0x1  }
0xbb: {  	[tilespmem:s13+$0xFFFFFF80] =	vst v3  }
0xbc: {  	v3 =	vld [tilespmem:s19+$0xFFFFFF90];
	_ =	sdelay $0x4  }
0xbd: {  	v3 =	vmul.f32 v3, v2;
	_ =	sdelay $0x1  }
0xbe: {  	[tilespmem:s13+$0xFFFFFF90] =	vst v3  }
0xbf: {  	v3 =	vld [tilespmem:s19+$0xFFFFFFA0];
	_ =	sdelay $0x4  }
0xc0: {  	v3 =	vmul.f32 v3, v2;
	_ =	sdelay $0x1  }
0xc1: {  	[tilespmem:s13+$0xFFFFFFA0] =	vst v3  }
0xc2: {  	v3 =	vld [tilespmem:s19+$0xFFFFFFB0];
	_ =	sdelay $0x4  }
0xc3: {  	v2 =	vmul.f32 v3, v2;
	_ =	sdelay $0x1  }
0xc4: {  	[tilespmem:s13+$0xFFFFFFB0] =	vst v2  }
0xc5: {  	v2 =	vld [tilespmem:s1+$0x2910]  }
0xc6: {  	v3 =	vld [tilespmem:s1+$0x3110];
	_ =	sdelay $0x4  }
0xc7: {  	v2 =	vadd.f32 v3, v2;
	_ =	sdelay $0x1  }
0xc8: {  	v2 =	vmax.f32 v2, $9.999999960e-13  }
0xc9: {  	(erf) = vrcp.f32 v2;
	_ =	sdelay $0x2  }
0xca: {  	v2 =	vld [tilespmem:s1+$0x2110];
	_ =	sdelay $0x3  }
0xcb: {  	v3 =	vld [tilespmem:s19+$0xFFFFFFC0];
	_ =	sdelay $0x1  }
0xcc: {  	v4 =	vpop (erf)  }
0xcd: {  	v2 =	vmul.f32 v4, v2;
	_ =	sdelay $0x1  }
0xce: {  	v2 =	vperm.xlane v2, v1;
	_ =	sdelay $0x1  }
0xcf: {  	v3 =	vmul.f32 v3, v2;
	_ =	sdelay $0x1  }
0xd0: {  	[tilespmem:s13+$0xFFFFFFC0] =	vst v3  }
0xd1: {  	v3 =	vld [tilespmem:s19+$0xFFFFFFD0];
	_ =	sdelay $0x4  }
0xd2: {  	v3 =	vmul.f32 v3, v2;
	_ =	sdelay $0x1  }
0xd3: {  	[tilespmem:s13+$0xFFFFFFD0] =	vst v3  }
0xd4: {  	v3 =	vld [tilespmem:s19+$0xFFFFFFE0];
	_ =	sdelay $0x4  }
0xd5: {  	v3 =	vmul.f32 v3, v2;
	_ =	sdelay $0x1  }
0xd6: {  	[tilespmem:s13+$0xFFFFFFE0] =	vst v3  }
0xd7: {  	v3 =	vld [tilespmem:s19+$0xFFFFFFF0];
	_ =	sdelay $0x4  }
0xd8: {  	v2 =	vmul.f32 v3, v2;
	_ =	sdelay $0x1  }
0xd9: {  	[tilespmem:s13+$0xFFFFFFF0] =	vst v2  }
0xda: {  	v2 =	vld [tilespmem:s1+$0x2920]  }
0xdb: {  	v3 =	vld [tilespmem:s1+$0x3120];
	_ =	sdelay $0x4  }
0xdc: {  	v2 =	vadd.f32 v3, v2;
	_ =	sdelay $0x1  }
0xdd: {  	v2 =	vmax.f32 v2, $9.999999960e-13  }
0xde: {  	(erf) = vrcp.f32 v2;
	_ =	sdelay $0x1  }
0xdf: {  	v2 =	vld [tilespmem:s1+$0x2120];
	_ =	sdelay $0x3  }
0xe0: {  	v3 =	vld [tilespmem:s19+$0x0];
	_ =	sdelay $0x2  }
0xe1: {  	v4 =	vpop (erf)  }
0xe2: {  	v2 =	vmul.f32 v4, v2;
	_ =	sdelay $0x1  }
0xe3: {  	v2 =	vperm.xlane v2, v1;
	_ =	sdelay $0x1  }
0xe4: {  	v3 =	vmul.f32 v3, v2;
	_ =	sdelay $0x1  }
0xe5: {  	[tilespmem:s13+$0x0] =	vst v3  }
0xe6: {  	v3 =	vld [tilespmem:s19+$0x10];
	_ =	sdelay $0x4  }
0xe7: {  	v3 =	vmul.f32 v3, v2;
	_ =	sdelay $0x1  }
0xe8: {  	[tilespmem:s13+$0x10] =	vst v3  }
0xe9: {  	v3 =	vld [tilespmem:s19+$0x20];
	_ =	sdelay $0x4  }
0xea: {  	v3 =	vmul.f32 v3, v2;
	_ =	sdelay $0x1  }
0xeb: {  	[tilespmem:s13+$0x20] =	vst v3  }
0xec: {  	v3 =	vld [tilespmem:s19+$0x30];
	_ =	sdelay $0x4  }
0xed: {  	v2 =	vmul.f32 v3, v2;
	_ =	sdelay $0x1  }
0xee: {  	[tilespmem:s13+$0x30] =	vst v2  }
0xef: {  	v2 =	vld [tilespmem:s1+$0x2930]  }
0xf0: {  	v3 =	vld [tilespmem:s1+$0x3130]  }
0xf1: {  	v4 =	vld [tilespmem:s1+$0x2130]  }
0xf2: {  	v5 =	vld [tilespmem:s19+$0x40];
	_ =	sdelay $0x2  }
0xf3: {  	v2 =	vadd.f32 v3, v2;
	_ =	sdelay $0x1  }
0xf4: {  	v2 =	vmax.f32 v2, $9.999999960e-13  }
0xf5: {  	(erf) = vrcp.f32 v2;
	_ =	sdelay $0x8  }
0xf6: {  	v2 =	vpop (erf)  }
0xf7: {  	v2 =	vmul.f32 v2, v4;
	_ =	sdelay $0x1  }
0xf8: {  	v2 =	vperm.xlane v2, v1;
	_ =	sdelay $0x1  }
0xf9: {  	v3 =	vmul.f32 v5, v2;
	_ =	sdelay $0x1  }
0xfa: {  	[tilespmem:s13+$0x40] =	vst v3  }
0xfb: {  	v3 =	vld [tilespmem:s19+$0x50];
	_ =	sdelay $0x4  }
0xfc: {  	v3 =	vmul.f32 v3, v2;
	_ =	sdelay $0x1  }
0xfd: {  	[tilespmem:s13+$0x50] =	vst v3  }
0xfe: {  	v3 =	vld [tilespmem:s19+$0x60];
	_ =	sdelay $0x3  }
.Ltmp1:
0xff: {  	(pc) =	sbr.rel @p1 .LBB2_5-.Ltmp1, $3  }
0x100: {  	v3 =	vmul.f32 v3, v2;
	_ =	sdelay $0x1  }
0x101: {  	[tilespmem:s13+$0x60] =	vst v3  }
0x102: {  	v3 =	vld [tilespmem:s19+$0x70]  }
0x103: {  	_ =	sdelay $0x3  }
0x104: {  	v2 =	vmul.f32 v3, v2;
	_ =	sdelay $0x1  }
0x105: {  	[tilespmem:s14+$0x70] =	vst v2  }
0x106: {  	v2 =	vld [tilespmem:$0x0]  }
0x107: {  	v3 =	vld [tilespmem:$0x10]  }
0x108: {  	v4 =	vld [tilespmem:$0x20]  }
0x109: {  	v5 =	vld [tilespmem:$0x30]  }
0x10a: {  	v6 =	vld [tilespmem:$0x40]  }
0x10b: {  	[tilespmem:$0xB200] =	vst v2;
	v2 =	vld [tilespmem:$0x50]  }
0x10c: {  	[tilespmem:$0xB210] =	vst v3;
	v3 =	vld [tilespmem:$0x60]  }
0x10d: {  	[tilespmem:$0xB220] =	vst v4;
	v4 =	vld [tilespmem:$0x70]  }
0x10e: {  	[tilespmem:$0xB230] =	vst v5  }
0x10f: {  	[tilespmem:$0xB240] =	vst v6  }
0x110: {  	p1 =	seq.s32 s15, $0x27;
	[tilespmem:$0xB250] =	vst v2  }
0x111: {  	s1 =	sadd.s32 @!p1 s20, s16;
	[tilespmem:$0xB260] =	vst v3  }
0x112: {  	s12 =	sshrl.u32 @!p1 s1, $0x3;
	[tilespmem:$0xB270] =	vst v4  }
0x113: {  	[spmem:s2] =	stream.indirect.scatter.add.f32 [tilespmem:s25], [sflag:$0x3], $0x40, s24, s22, $0xb8;
	[tilespmem:$0x1F300] =	vst v63  }
0x114: {  	s13 =	sadd.s32 @!p1 s4, s12;
	s14 =	simm.s32 @!p1 $0x0  }
0x115: {  	[tilespmem:s14], [sflag:$0x5] =	stream.linear.gather @!p1 [hbm4b:s13+s14], $0x80, $0x38;
	[tilespmem:$0x1F300] =	vst v63  }
0x116: {  	s13 =	simm.s32 @!p1 $0x5  }
0x117: {  	_ =	swait.ge @!p1 [sflag:s13], $0x80  }
0x118: {  	[sflag:s13] =	ssyncset.done @!p1 $0x0  }
0x119: {  	s19 =	simm.s32 @!p1 $0x80;
	s12 =	sadd.s32 @!p1 s6, s12;
	[sflag:s13] =	ssyncadd.s32 @!p1 $0xFFFFFF80  }
0x11a: {  	[tilespmem:s19], [sflag:$0x5] =	stream.linear.gather @!p1 [hbm4b:s12+s14], $0x80, $0x38;
	[tilespmem:$0x1F300] =	vst v63  }
0x11b: {  	_ =	swait.ge @!p1 [sflag:s13], $0x80  }
0x11c: {  	[sflag:s13] =	ssyncset.done @!p1 $0x0  }
0x11d: {  	s1 =	sshll.u32 @!p1 s1, $0x1;
	[sflag:s13] =	ssyncadd.s32 @!p1 $0xFFFFFF80  }
0x11e: {  	s1 =	sand.u32 @!p1 $0x1FFFFE00, s1;
	s12 =	simm.s32 @!p1 $0x100;
	s13 =	rddreg [dreg:$0x1]  }
0x11f: {  	[tilespmem:s12], [sflag:$0x1] =	stream.indirect.gather @!p1 [hbm4b:s13+s19], $0x40, s19, s19, $0xb8;
	[tilespmem:$0x1F300] =	vst v63  }
0x120: {  	s1 =	sadd.s32 @!p1 s8, s1;
	s12 =	simm.s32 @!p1 $0x2100  }
0x121: {  	[tilespmem:s12], [sflag:$0x1] =	stream.linear.gather @!p1 [hbm4b:s1+s14], $0x800, $0x38;
	[tilespmem:$0x1F300] =	vst v63  }
0x122: {  	s1 =	simm.s32 @!p1 $0x2900  }
0x123: {  	[tilespmem:s1], [sflag:$0x1] =	stream.indirect.gather @!p1 [hbm4b:s9+s19], $0x10, s14, s19, $0xb8;
	[tilespmem:$0x1F300] =	vst v63  }
0x124: {  	s1 =	simm.s32 @!p1 $0x3100  }
0x125: {  	[tilespmem:s1], [sflag:$0x1] =	stream.indirect.gather @!p1 [hbm4b:s10+s19], $0x10, s14, s19, $0xb8;
	[tilespmem:$0x1F300] =	vst v63  }
0x126: {  	_ =	swait.ge [sflag:s26], $0x2000  }
0x127: {  	[sflag:s26] =	ssyncset.done $0x0  }
0x128: {  	[sflag:s26] =	ssyncadd.s32 $0xFFFFE000  }
0x129: {  	_ =	swait.ge [sflag:s26], $0x800  }
0x12a: {  	[sflag:s26] =	ssyncset.done $0x0  }
0x12b: {  	[sflag:s26] =	ssyncadd.s32 $0xFFFFF800  }
0x12c: {  	_ =	swait.ge [sflag:s26], $0x800  }
0x12d: {  	[sflag:s26] =	ssyncset.done $0x0  }
0x12e: {  	[sflag:s26] =	ssyncadd.s32 $0xFFFFF800  }
0x12f: {  	_ =	swait.ge [sflag:s26], $0x800  }
0x130: {  	[sflag:s26] =	ssyncset.done $0x0  }
0x131: {  	s1 =	simm.s32 @!p0 $0x4;
	[sflag:s26] =	ssyncadd.s32 $0xFFFFF800  }
0x132: {  	_ =	swait.ge @!p0 [sflag:s1], $0x2000  }
0x133: {  	[sflag:s1] =	ssyncset.done @!p0 $0x0  }
0x134: {  	s20 =	simm.s32 $0x0;
	[sflag:s1] =	ssyncadd.s32 @!p0 $0xFFFFE000  }
0x135: {  	v2 =	vld [tilespmem:s20+$0x6200]  }
0x136: {  	v3 =	vld [tilespmem:s20+$0x6A00];
	_ =	sdelay $0x4  }
0x137: {  	v2 =	vadd.f32 v3, v2;
	_ =	sdelay $0x1  }
0x138: {  	v2 =	vmax.f32 v2, $9.999999960e-13  }
0x139: {  	(erf) = vrcp.f32 v2;
	_ =	sdelay $0x4  }
0x13a: {  	v2 =	vld [tilespmem:s20+$0x5A00];
	_ =	sdelay $0x2  }
0x13b: {  	s19 =	simm.s32 $0x3A80  }
0x13c: {  	v3 =	vld [tilespmem:s19+$0xFFFFFF80];
	v4 =	vpop (erf)  }
0x13d: {  	v2 =	vmul.f32 v4, v2;
	_ =	sdelay $0x1  }
0x13e: {  	v2 =	vperm.xlane v2, v1;
	_ =	sdelay $0x1  }
0x13f: {  	v3 =	vmul.f32 v3, v2  }
0x140: {  	s13 =	simm.s32 $0x9280  }
0x141: {  	[tilespmem:s13+$0xFFFFFF80] =	vst v3  }
0x142: {  	v3 =	vld [tilespmem:s19+$0xFFFFFF90];
	_ =	sdelay $0x4  }
0x143: {  	v3 =	vmul.f32 v3, v2;
	_ =	sdelay $0x1  }
0x144: {  	[tilespmem:s13+$0xFFFFFF90] =	vst v3  }
0x145: {  	v3 =	vld [tilespmem:s19+$0xFFFFFFA0];
	_ =	sdelay $0x4  }
0x146: {  	v3 =	vmul.f32 v3, v2;
	_ =	sdelay $0x1  }
0x147: {  	[tilespmem:s13+$0xFFFFFFA0] =	vst v3  }
0x148: {  	v3 =	vld [tilespmem:s19+$0xFFFFFFB0];
	_ =	sdelay $0x4  }
0x149: {  	v2 =	vmul.f32 v3, v2;
	_ =	sdelay $0x1  }
0x14a: {  	[tilespmem:s13+$0xFFFFFFB0] =	vst v2  }
0x14b: {  	v2 =	vld [tilespmem:s20+$0x6210]  }
0x14c: {  	v3 =	vld [tilespmem:s20+$0x6A10];
	_ =	sdelay $0x4  }
0x14d: {  	v2 =	vadd.f32 v3, v2;
	_ =	sdelay $0x1  }
0x14e: {  	v2 =	vmax.f32 v2, $9.999999960e-13  }
0x14f: {  	(erf) = vrcp.f32 v2;
	_ =	sdelay $0x4  }
0x150: {  	v2 =	vld [tilespmem:s20+$0x5A10];
	_ =	sdelay $0x3  }
0x151: {  	v3 =	vld [tilespmem:s19+$0xFFFFFFC0];
	v4 =	vpop (erf)  }
0x152: {  	v2 =	vmul.f32 v4, v2;
	_ =	sdelay $0x1  }
0x153: {  	v2 =	vperm.xlane v2, v1;
	_ =	sdelay $0x1  }
0x154: {  	v3 =	vmul.f32 v3, v2;
	_ =	sdelay $0x1  }
0x155: {  	[tilespmem:s13+$0xFFFFFFC0] =	vst v3  }
0x156: {  	v3 =	vld [tilespmem:s19+$0xFFFFFFD0];
	_ =	sdelay $0x4  }
0x157: {  	v3 =	vmul.f32 v3, v2;
	_ =	sdelay $0x1  }
0x158: {  	[tilespmem:s13+$0xFFFFFFD0] =	vst v3  }
0x159: {  	v3 =	vld [tilespmem:s19+$0xFFFFFFE0];
	_ =	sdelay $0x4  }
0x15a: {  	v3 =	vmul.f32 v3, v2;
	_ =	sdelay $0x1  }
0x15b: {  	[tilespmem:s13+$0xFFFFFFE0] =	vst v3  }
0x15c: {  	v3 =	vld [tilespmem:s19+$0xFFFFFFF0];
	_ =	sdelay $0x4  }
0x15d: {  	v2 =	vmul.f32 v3, v2;
	_ =	sdelay $0x1  }
0x15e: {  	[tilespmem:s13+$0xFFFFFFF0] =	vst v2  }
0x15f: {  	v2 =	vld [tilespmem:s20+$0x6220]  }
0x160: {  	v3 =	vld [tilespmem:s20+$0x6A20];
	_ =	sdelay $0x4  }
0x161: {  	v2 =	vadd.f32 v3, v2;
	_ =	sdelay $0x1  }
0x162: {  	v2 =	vmax.f32 v2, $9.999999960e-13  }
0x163: {  	(erf) = vrcp.f32 v2;
	_ =	sdelay $0x4  }
0x164: {  	v2 =	vld [tilespmem:s20+$0x5A20];
	_ =	sdelay $0x3  }
0x165: {  	v3 =	vld [tilespmem:s19+$0x0];
	v4 =	vpop (erf)  }
0x166: {  	v2 =	vmul.f32 v4, v2;
	_ =	sdelay $0x1  }
0x167: {  	v2 =	vperm.xlane v2, v1;
	_ =	sdelay $0x1  }
0x168: {  	v3 =	vmul.f32 v3, v2;
	_ =	sdelay $0x1  }
0x169: {  	[tilespmem:s13+$0x0] =	vst v3  }
0x16a: {  	v3 =	vld [tilespmem:s19+$0x10];
	_ =	sdelay $0x4  }
0x16b: {  	v3 =	vmul.f32 v3, v2;
	_ =	sdelay $0x1  }
0x16c: {  	[tilespmem:s13+$0x10] =	vst v3  }
0x16d: {  	v3 =	vld [tilespmem:s19+$0x20];
	_ =	sdelay $0x4  }
0x16e: {  	v3 =	vmul.f32 v3, v2;
	_ =	sdelay $0x1  }
0x16f: {  	[tilespmem:s13+$0x20] =	vst v3  }
0x170: {  	v3 =	vld [tilespmem:s19+$0x30];
	_ =	sdelay $0x4  }
0x171: {  	v2 =	vmul.f32 v3, v2;
	_ =	sdelay $0x1  }
0x172: {  	[tilespmem:s13+$0x30] =	vst v2  }
0x173: {  	v2 =	vld [tilespmem:s20+$0x6230]  }
0x174: {  	v3 =	vld [tilespmem:s20+$0x6A30];
	_ =	sdelay $0x4  }
0x175: {  	v2 =	vadd.f32 v3, v2;
	_ =	sdelay $0x1  }
0x176: {  	v2 =	vmax.f32 v2, $9.999999960e-13  }
0x177: {  	(erf) = vrcp.f32 v2;
	_ =	sdelay $0x4  }
0x178: {  	v2 =	vld [tilespmem:s20+$0x5A30];
	_ =	sdelay $0x3  }
0x179: {  	v3 =	vld [tilespmem:s19+$0x40];
	v4 =	vpop (erf)  }
0x17a: {  	v2 =	vmul.f32 v4, v2;
	_ =	sdelay $0x1  }
0x17b: {  	v2 =	vperm.xlane v2, v1;
	_ =	sdelay $0x1  }
0x17c: {  	v3 =	vmul.f32 v3, v2;
	_ =	sdelay $0x1  }
0x17d: {  	[tilespmem:s13+$0x40] =	vst v3  }
0x17e: {  	v3 =	vld [tilespmem:s19+$0x50];
	_ =	sdelay $0x4  }
0x17f: {  	v3 =	vmul.f32 v3, v2;
	_ =	sdelay $0x1  }
0x180: {  	[tilespmem:s13+$0x50] =	vst v3  }
0x181: {  	v3 =	vld [tilespmem:s19+$0x60];
	_ =	sdelay $0x4  }
0x182: {  	v3 =	vmul.f32 v3, v2;
	_ =	sdelay $0x1  }
0x183: {  	[tilespmem:s13+$0x60] =	vst v3  }
0x184: {  	s12 =	simm.s32 $0x100;
	s14 =	simm.s32 $0x9280;
	v3 =	vld [tilespmem:s19+$0x70]  }
.LBB2_7:
0x185: {  	_ =	sdelay $0x1  }
0x186: {  	p0 =	sne.s32 s12, $0x1F00;
	s19 =	sadd.s32 $0x100, s19;
	s13 =	sadd.s32 $0x100, s13  }
0x187: {  	s1 =	smov.u32 s12;
	s12 =	sadd.s32 $0x100, s12  }
0x188: {  	v2 =	vmul.f32 v3, v2;
	_ =	sdelay $0x1  }
0x189: {  	s1 =	sshra.s32 s1, $0x2;
	[tilespmem:s14+$0x70] =	vst v2;
	s14 =	smov.u32 s13  }
0x18a: {  	v2 =	vld [tilespmem:s1+$0x6200]  }
0x18b: {  	v3 =	vld [tilespmem:s1+$0x6A00];
	_ =	sdelay $0x4  }
0x18c: {  	v2 =	vadd.f32 v3, v2;
	_ =	sdelay $0x1  }
0x18d: {  	v2 =	vmax.f32 v2, $9.999999960e-13  }
0x18e: {  	(erf) = vrcp.f32 v2;
	_ =	sdelay $0x3  }
0x18f: {  	v2 =	vld [tilespmem:s1+$0x5A00];
	_ =	sdelay $0x3  }
0x190: {  	v3 =	vld [tilespmem:s19+$0xFFFFFF80]  }
0x191: {  	v4 =	vpop (erf)  }
0x192: {  	v2 =	vmul.f32 v4, v2;
	_ =	sdelay $0x1  }
0x193: {  	v2 =	vperm.xlane v2, v1;
	_ =	sdelay $0x1  }
0x194: {  	v3 =	vmul.f32 v3, v2;
	_ =	sdelay $0x1  }
0x195: {  	[tilespmem:s13+$0xFFFFFF80] =	vst v3  }
0x196: {  	v3 =	vld [tilespmem:s19+$0xFFFFFF90];
	_ =	sdelay $0x4  }
0x197: {  	v3 =	vmul.f32 v3, v2;
	_ =	sdelay $0x1  }
0x198: {  	[tilespmem:s13+$0xFFFFFF90] =	vst v3  }
0x199: {  	v3 =	vld [tilespmem:s19+$0xFFFFFFA0];
	_ =	sdelay $0x4  }
0x19a: {  	v3 =	vmul.f32 v3, v2;
	_ =	sdelay $0x1  }
0x19b: {  	[tilespmem:s13+$0xFFFFFFA0] =	vst v3  }
0x19c: {  	v3 =	vld [tilespmem:s19+$0xFFFFFFB0];
	_ =	sdelay $0x4  }
0x19d: {  	v2 =	vmul.f32 v3, v2;
	_ =	sdelay $0x1  }
0x19e: {  	[tilespmem:s13+$0xFFFFFFB0] =	vst v2  }
0x19f: {  	v2 =	vld [tilespmem:s1+$0x6210]  }
0x1a0: {  	v3 =	vld [tilespmem:s1+$0x6A10];
	_ =	sdelay $0x4  }
0x1a1: {  	v2 =	vadd.f32 v3, v2;
	_ =	sdelay $0x1  }
0x1a2: {  	v2 =	vmax.f32 v2, $9.999999960e-13  }
0x1a3: {  	(erf) = vrcp.f32 v2;
	_ =	sdelay $0x2  }
0x1a4: {  	v2 =	vld [tilespmem:s1+$0x5A10];
	_ =	sdelay $0x3  }
0x1a5: {  	v3 =	vld [tilespmem:s19+$0xFFFFFFC0];
	_ =	sdelay $0x1  }
0x1a6: {  	v4 =	vpop (erf)  }
0x1a7: {  	v2 =	vmul.f32 v4, v2;
	_ =	sdelay $0x1  }
0x1a8: {  	v2 =	vperm.xlane v2, v1;
	_ =	sdelay $0x1  }
0x1a9: {  	v3 =	vmul.f32 v3, v2;
	_ =	sdelay $0x1  }
0x1aa: {  	[tilespmem:s13+$0xFFFFFFC0] =	vst v3  }
0x1ab: {  	v3 =	vld [tilespmem:s19+$0xFFFFFFD0];
	_ =	sdelay $0x4  }
0x1ac: {  	v3 =	vmul.f32 v3, v2;
	_ =	sdelay $0x1  }
0x1ad: {  	[tilespmem:s13+$0xFFFFFFD0] =	vst v3  }
0x1ae: {  	v3 =	vld [tilespmem:s19+$0xFFFFFFE0];
	_ =	sdelay $0x4  }
0x1af: {  	v3 =	vmul.f32 v3, v2;
	_ =	sdelay $0x1  }
0x1b0: {  	[tilespmem:s13+$0xFFFFFFE0] =	vst v3  }
0x1b1: {  	v3 =	vld [tilespmem:s19+$0xFFFFFFF0];
	_ =	sdelay $0x4  }
0x1b2: {  	v2 =	vmul.f32 v3, v2;
	_ =	sdelay $0x1  }
0x1b3: {  	[tilespmem:s13+$0xFFFFFFF0] =	vst v2  }
0x1b4: {  	v2 =	vld [tilespmem:s1+$0x6220]  }
0x1b5: {  	v3 =	vld [tilespmem:s1+$0x6A20];
	_ =	sdelay $0x4  }
0x1b6: {  	v2 =	vadd.f32 v3, v2;
	_ =	sdelay $0x1  }
0x1b7: {  	v2 =	vmax.f32 v2, $9.999999960e-13  }
0x1b8: {  	(erf) = vrcp.f32 v2;
	_ =	sdelay $0x1  }
0x1b9: {  	v2 =	vld [tilespmem:s1+$0x5A20];
	_ =	sdelay $0x3  }
0x1ba: {  	v3 =	vld [tilespmem:s19+$0x0];
	_ =	sdelay $0x2  }
0x1bb: {  	v4 =	vpop (erf)  }
0x1bc: {  	v2 =	vmul.f32 v4, v2;
	_ =	sdelay $0x1  }
0x1bd: {  	v2 =	vperm.xlane v2, v1;
	_ =	sdelay $0x1  }
0x1be: {  	v3 =	vmul.f32 v3, v2;
	_ =	sdelay $0x1  }
0x1bf: {  	[tilespmem:s13+$0x0] =	vst v3  }
0x1c0: {  	v3 =	vld [tilespmem:s19+$0x10];
	_ =	sdelay $0x4  }
0x1c1: {  	v3 =	vmul.f32 v3, v2;
	_ =	sdelay $0x1  }
0x1c2: {  	[tilespmem:s13+$0x10] =	vst v3  }
0x1c3: {  	v3 =	vld [tilespmem:s19+$0x20];
	_ =	sdelay $0x4  }
0x1c4: {  	v3 =	vmul.f32 v3, v2;
	_ =	sdelay $0x1  }
0x1c5: {  	[tilespmem:s13+$0x20] =	vst v3  }
0x1c6: {  	v3 =	vld [tilespmem:s19+$0x30];
	_ =	sdelay $0x4  }
0x1c7: {  	v2 =	vmul.f32 v3, v2;
	_ =	sdelay $0x1  }
0x1c8: {  	[tilespmem:s13+$0x30] =	vst v2  }
0x1c9: {  	v2 =	vld [tilespmem:s1+$0x6230]  }
0x1ca: {  	v3 =	vld [tilespmem:s1+$0x6A30]  }
0x1cb: {  	v4 =	vld [tilespmem:s1+$0x5A30]  }
0x1cc: {  	v5 =	vld [tilespmem:s19+$0x40];
	_ =	sdelay $0x2  }
0x1cd: {  	v2 =	vadd.f32 v3, v2;
	_ =	sdelay $0x1  }
0x1ce: {  	v2 =	vmax.f32 v2, $9.999999960e-13  }
0x1cf: {  	(erf) = vrcp.f32 v2;
	_ =	sdelay $0x8  }
0x1d0: {  	v2 =	vpop (erf)  }
0x1d1: {  	v2 =	vmul.f32 v2, v4;
	_ =	sdelay $0x1  }
0x1d2: {  	v2 =	vperm.xlane v2, v1;
	_ =	sdelay $0x1  }
0x1d3: {  	v3 =	vmul.f32 v5, v2;
	_ =	sdelay $0x1  }
0x1d4: {  	[tilespmem:s13+$0x40] =	vst v3  }
0x1d5: {  	v3 =	vld [tilespmem:s19+$0x50];
	_ =	sdelay $0x4  }
0x1d6: {  	v3 =	vmul.f32 v3, v2;
	_ =	sdelay $0x1  }
0x1d7: {  	[tilespmem:s13+$0x50] =	vst v3  }
0x1d8: {  	v3 =	vld [tilespmem:s19+$0x60];
	_ =	sdelay $0x3  }
.Ltmp2:
0x1d9: {  	(pc) =	sbr.rel @p0 .LBB2_7-.Ltmp2, $3  }
0x1da: {  	v3 =	vmul.f32 v3, v2;
	_ =	sdelay $0x1  }
0x1db: {  	[tilespmem:s13+$0x60] =	vst v3  }
0x1dc: {  	v3 =	vld [tilespmem:s19+$0x70]  }
0x1dd: {  	_ =	sdelay $0x3  }
0x1de: {  	v2 =	vmul.f32 v3, v2;
	_ =	sdelay $0x1  }
0x1df: {  	[tilespmem:s14+$0x70] =	vst v2  }
0x1e0: {  	v2 =	vld [tilespmem:$0x3900]  }
0x1e1: {  	v3 =	vld [tilespmem:$0x3910]  }
0x1e2: {  	v4 =	vld [tilespmem:$0x3920]  }
0x1e3: {  	v5 =	vld [tilespmem:$0x3930]  }
0x1e4: {  	v6 =	vld [tilespmem:$0x3940]  }
0x1e5: {  	v63 =	vld [tilespmem:$0x3970];
	[tilespmem:$0xB280] =	vst v2  }
0x1e6: {  	v2 =	vld [tilespmem:$0x3950];
	[tilespmem:$0xB290] =	vst v3  }
0x1e7: {  	s15 =	sadd.s32 $0x1, s15;
	v3 =	vld [tilespmem:$0x3960];
	[tilespmem:$0xB2A0] =	vst v4  }
0x1e8: {  	p0 =	sne.s32 s15, $0x28;
	[tilespmem:$0xB2B0] =	vst v5  }
.Ltmp3:
0x1e9: {  	[tilespmem:$0xB2C0] =	vst v6;
	(pc) =	sbr.rel @p0 .LBB2_4-.Ltmp3, $4  }
0x1ea: {  	[tilespmem:$0xB2F0] =	vst v63  }
0x1eb: {  	[tilespmem:$0xB2D0] =	vst v2  }
0x1ec: {  	[tilespmem:$0xB2E0] =	vst v3  }
0x1ed: {  	[spmem:s2] =	stream.indirect.scatter.add.f32 [tilespmem:s18], [sflag:$0x4], $0x40, s17, s22, $0xb8;
	[tilespmem:$0x1F300] =	vst v63  }
0x1ee: {  	s1 =	simm.s32 $0x3  }
0x1ef: {  	_ =	swait.ge [sflag:s1], $0x2000  }
0x1f0: {  	[sflag:s1] =	ssyncset.done $0x0  }
0x1f1: {  	s19 =	simm.s32 $0x4;
	[sflag:s1] =	ssyncadd.s32 $0xFFFFE000  }
0x1f2: {  	_ =	swait.ge [sflag:s19], $0x2000  }
0x1f3: {  	[sflag:s19] =	ssyncset.done $0x0  }
0x1f4: {  	[sflag:s19] =	ssyncadd.s32 $0xFFFFE000  }
0x1f5: {  	[bflag:$0x0] =	sbarrier.arrive $0xFFFF  }
0x1f6: {  	s15 =	simm.s32 $0xB300;
	s14 =	rddreg [dreg:$0x4]  }
0x1f7: {  	[tilespmem:s15], [sflag:$0x5] =	stream.linear.gather [spmem:s14], $0xA000, $0x38;
	[tilespmem:$0x1F300] =	vst v63  }
0x1f8: {  	_ =	swait.ge [sflag:s21], $0xA000  }
0x1f9: {  	[sflag:s21] =	ssyncset.done $0x0  }
0x1fa: {  	s20 =	simm.s32 $0x0;
	s12 =	rddreg [dreg:$0x9];
	[sflag:s21] =	ssyncadd.s32 $0xFFFF6000  }
0x1fb: {  	[hbm4b:s12+s20] =	stream.linear.scatter [tilespmem:s15], [sflag:$0x5], $0xA000, $0x38;
	[tilespmem:$0x1F300] =	vst v63  }
0x1fc: {  	_ =	swait.ge [sflag:s21], $0xA000  }
0x1fd: {  	[sflag:s21] =	ssyncset.done $0x0  }
0x1fe: {  	s1 =	simm.s32 $0x0;
	s12 =	simm.s32 $0x100;
	[sflag:s21] =	ssyncadd.s32 $0xFFFF6000  }
.LBB2_10:
0x1ff: {  	p0 =	sne.s32 s12, $0x27F00;
	[tilespmem:s1+$0xB330] =	vst v0;
	s13 =	smov.u32 s12;
	s12 =	sadd.s32 $0x100, s12  }
.Ltmp4:
0x200: {  	[tilespmem:s1+$0xB320] =	vst v0;
	(pc) =	sbr.rel @p0 .LBB2_10-.Ltmp4, $3  }
0x201: {  	[tilespmem:s1+$0xB300] =	vst v0  }
0x202: {  	[tilespmem:s1+$0xB310] =	vst v0;
	_ =	sdelay $0x1  }
0x203: {  	s1 =	sshra.s32 s13, $0x2  }
0x204: {  	[tilespmem:s1+$0xB330] =	vst v0  }
0x205: {  	[tilespmem:s1+$0xB320] =	vst v0  }
0x206: {  	[tilespmem:s1+$0xB300] =	vst v0  }
0x207: {  	[tilespmem:s1+$0xB310] =	vst v0  }
0x208: {  	[spmem:s14] =	stream.linear.scatter [tilespmem:s15], [sflag:$0x5], $0xA000, $0x38;
	[tilespmem:$0x1F300] =	vst v63  }
0x209: {  	_ =	swait.ge [sflag:s21], $0xA000  }
0x20a: {  	[sflag:s21] =	ssyncset.done $0x0  }
0x20b: {  	[sflag:s21] =	ssyncadd.s32 $0xFFFF6000  }
0x20c: {  	[bflag:$0x0] =	sbarrier.arrive $0xFFFF  }
0x20d: {  	s15 =	simm.s32 $0x0;
	s20 =	rddreg [dreg:$0x5]  }
0x20e: {  	[tilespmem:s15], [sflag:$0x5] =	stream.linear.gather [hbm4b:s20+s15], $0x80, $0x38;
	[tilespmem:$0x1F300] =	vst v63  }
0x20f: {  	_ =	swait.ge [sflag:s21], $0x80  }
0x210: {  	[sflag:s21] =	ssyncset.done $0x0  }
0x211: {  	s12 =	rddreg [dreg:$0x6];
	[sflag:s21] =	ssyncadd.s32 $0xFFFFFF80  }
0x212: {  	[tilespmem:s22], [sflag:$0x5] =	stream.linear.gather [hbm4b:s12+s15], $0x80, $0x38;
	[tilespmem:$0x1F300] =	vst v63  }
0x213: {  	_ =	swait.ge [sflag:s21], $0x80  }
0x214: {  	[sflag:s21] =	ssyncset.done $0x0  }
0x215: {  	s13 =	simm.s32 $0x100;
	[sflag:s21] =	ssyncadd.s32 $0xFFFFFF80  }
0x216: {  	[tilespmem:s13], [sflag:$0x1] =	stream.indirect.gather [hbm4b:s5+s22], $0x40, s22, s22, $0xb8;
	[tilespmem:$0x1F300] =	vst v63  }
0x217: {  	s12 =	simm.s32 $0x2100;
	s14 =	rddreg [dreg:$0x7]  }
0x218: {  	[tilespmem:s12], [sflag:$0x1] =	stream.linear.gather [hbm4b:s14+s15], $0x800, $0x38;
	[tilespmem:$0x1F300] =	vst v63  }
0x219: {  	s19 =	simm.s32 $0x2900  }
0x21a: {  	[tilespmem:s19], [sflag:$0x1] =	stream.indirect.gather [hbm4b:s9+s22], $0x10, s15, s22, $0xb8;
	[tilespmem:$0x1F300] =	vst v63  }
0x21b: {  	s20 =	simm.s32 $0x3100  }
0x21c: {  	[tilespmem:s20], [sflag:$0x1] =	stream.indirect.gather [hbm4b:s10+s22], $0x10, s15, s22, $0xb8;
	[tilespmem:$0x1F300] =	vst v63  }
.LBB2_12:
0x21d: {  	s20 =	sshll.u32 s15, $0x8  }
0x21e: {  	s1 =	sadd.s32 s20, s11  }
0x21f: {  	s1 =	sadd.s32 $0x80, s1  }
0x220: {  	s12 =	sshrl.u32 s1, $0x3  }
0x221: {  	s13 =	sadd.s32 s4, s12  }
0x222: {  	[tilespmem:s28], [sflag:$0x5] =	stream.linear.gather [hbm4b:s13+s3], $0x80, $0x38;
	[tilespmem:$0x1F300] =	vst v63  }
0x223: {  	_ =	swait.ge [sflag:s21], $0x80  }
0x224: {  	[sflag:s21] =	ssyncset.done $0x0  }
0x225: {  	s12 =	sadd.s32 s6, s12;
	[sflag:s21] =	ssyncadd.s32 $0xFFFFFF80  }
0x226: {  	[tilespmem:s29], [sflag:$0x5] =	stream.linear.gather [hbm4b:s12+s3], $0x80, $0x38;
	[tilespmem:$0x1F300] =	vst v63  }
0x227: {  	_ =	swait.ge [sflag:s21], $0x80  }
0x228: {  	s1 =	sshll.u32 s1, $0x1;
	[sflag:s21] =	ssyncset.done $0x0  }
0x229: {  	s1 =	sand.u32 $0x1FFFFF00, s1;
	[sflag:s21] =	ssyncadd.s32 $0xFFFFFF80  }
0x22a: {  	[tilespmem:s30], [sflag:$0x2] =	stream.indirect.gather [hbm4b:s5+s22], $0x40, s29, s22, $0xb8;
	[tilespmem:$0x1F300] =	vst v63  }
0x22b: {  	s1 =	sadd.s32 s8, s1  }
0x22c: {  	[tilespmem:s31], [sflag:$0x2] =	stream.linear.gather [hbm4b:s1+s3], $0x800, $0x38;
	[tilespmem:$0x1F300] =	vst v63  }
0x22d: {  	_ = 	snop  }
0x22e: {  	[tilespmem:s0], [sflag:$0x2] =	stream.indirect.gather [hbm4b:s9+s22], $0x10, s28, s22, $0xb8;
	[tilespmem:$0x1F300] =	vst v63  }
0x22f: {  	_ = 	snop  }
0x230: {  	[tilespmem:s7], [sflag:$0x2] =	stream.indirect.gather [hbm4b:s10+s22], $0x10, s28, s22, $0xb8;
	[tilespmem:$0x1F300] =	vst v63  }
0x231: {  	_ =	swait.ge [sflag:s23], $0x2000  }
0x232: {  	[sflag:s23] =	ssyncset.done $0x0  }
0x233: {  	[sflag:s23] =	ssyncadd.s32 $0xFFFFE000  }
0x234: {  	_ =	swait.ge [sflag:s23], $0x800  }
0x235: {  	[sflag:s23] =	ssyncset.done $0x0  }
0x236: {  	[sflag:s23] =	ssyncadd.s32 $0xFFFFF800  }
0x237: {  	_ =	swait.ge [sflag:s23], $0x800  }
0x238: {  	[sflag:s23] =	ssyncset.done $0x0  }
0x239: {  	[sflag:s23] =	ssyncadd.s32 $0xFFFFF800  }
0x23a: {  	_ =	swait.ge [sflag:s23], $0x800  }
0x23b: {  	p0 =	seq.s32 s15, $0x0;
	[sflag:s23] =	ssyncset.done $0x0  }
0x23c: {  	s1 =	simm.s32 @!p0 $0x3;
	[sflag:s23] =	ssyncadd.s32 $0xFFFFF800  }
0x23d: {  	_ =	swait.ge @!p0 [sflag:s1], $0x2000  }
0x23e: {  	[sflag:s1] =	ssyncset.done @!p0 $0x0  }
0x23f: {  	s14 =	simm.s32 $0x0;
	[sflag:s1] =	ssyncadd.s32 @!p0 $0xFFFFE000  }
0x240: {  	v2 =	vld [tilespmem:s14+$0x2900]  }
0x241: {  	v3 =	vld [tilespmem:s14+$0x3100];
	_ =	sdelay $0x4  }
0x242: {  	v2 =	vadd.f32 v3, v2;
	_ =	sdelay $0x1  }
0x243: {  	v2 =	vmax.f32 v2, $9.999999960e-13  }
0x244: {  	(erf) = vrcp.f32 v2;
	_ =	sdelay $0x4  }
0x245: {  	v2 =	vld [tilespmem:s14+$0x2100];
	_ =	sdelay $0x2  }
0x246: {  	s19 =	simm.s32 $0x180  }
0x247: {  	v3 =	vld [tilespmem:s19+$0xFFFFFF80];
	v4 =	vpop (erf)  }
0x248: {  	v2 =	vmul.f32 v4, v2;
	_ =	sdelay $0x1  }
0x249: {  	v2 =	vperm.xlane v2, v1;
	_ =	sdelay $0x1  }
0x24a: {  	v3 =	vmul.f32 v3, v2  }
0x24b: {  	s13 =	simm.s32 $0x7280  }
0x24c: {  	[tilespmem:s13+$0xFFFFFF80] =	vst v3  }
0x24d: {  	v3 =	vld [tilespmem:s19+$0xFFFFFF90];
	_ =	sdelay $0x4  }
0x24e: {  	v3 =	vmul.f32 v3, v2;
	_ =	sdelay $0x1  }
0x24f: {  	[tilespmem:s13+$0xFFFFFF90] =	vst v3  }
0x250: {  	v3 =	vld [tilespmem:s19+$0xFFFFFFA0];
	_ =	sdelay $0x4  }
0x251: {  	v3 =	vmul.f32 v3, v2;
	_ =	sdelay $0x1  }
0x252: {  	[tilespmem:s13+$0xFFFFFFA0] =	vst v3  }
0x253: {  	v3 =	vld [tilespmem:s19+$0xFFFFFFB0];
	_ =	sdelay $0x4  }
0x254: {  	v2 =	vmul.f32 v3, v2;
	_ =	sdelay $0x1  }
0x255: {  	[tilespmem:s13+$0xFFFFFFB0] =	vst v2  }
0x256: {  	v2 =	vld [tilespmem:s14+$0x2910]  }
0x257: {  	v3 =	vld [tilespmem:s14+$0x3110];
	_ =	sdelay $0x4  }
0x258: {  	v2 =	vadd.f32 v3, v2;
	_ =	sdelay $0x1  }
0x259: {  	v2 =	vmax.f32 v2, $9.999999960e-13  }
0x25a: {  	(erf) = vrcp.f32 v2;
	_ =	sdelay $0x4  }
0x25b: {  	v2 =	vld [tilespmem:s14+$0x2110];
	_ =	sdelay $0x3  }
0x25c: {  	v3 =	vld [tilespmem:s19+$0xFFFFFFC0];
	v4 =	vpop (erf)  }
0x25d: {  	v2 =	vmul.f32 v4, v2;
	_ =	sdelay $0x1  }
0x25e: {  	v2 =	vperm.xlane v2, v1;
	_ =	sdelay $0x1  }
0x25f: {  	v3 =	vmul.f32 v3, v2;
	_ =	sdelay $0x1  }
0x260: {  	[tilespmem:s13+$0xFFFFFFC0] =	vst v3  }
0x261: {  	v3 =	vld [tilespmem:s19+$0xFFFFFFD0];
	_ =	sdelay $0x4  }
0x262: {  	v3 =	vmul.f32 v3, v2;
	_ =	sdelay $0x1  }
0x263: {  	[tilespmem:s13+$0xFFFFFFD0] =	vst v3  }
0x264: {  	v3 =	vld [tilespmem:s19+$0xFFFFFFE0];
	_ =	sdelay $0x4  }
0x265: {  	v3 =	vmul.f32 v3, v2;
	_ =	sdelay $0x1  }
0x266: {  	[tilespmem:s13+$0xFFFFFFE0] =	vst v3  }
0x267: {  	v3 =	vld [tilespmem:s19+$0xFFFFFFF0];
	_ =	sdelay $0x4  }
0x268: {  	v2 =	vmul.f32 v3, v2;
	_ =	sdelay $0x1  }
0x269: {  	[tilespmem:s13+$0xFFFFFFF0] =	vst v2  }
0x26a: {  	v2 =	vld [tilespmem:s14+$0x2920]  }
0x26b: {  	v3 =	vld [tilespmem:s14+$0x3120];
	_ =	sdelay $0x4  }
0x26c: {  	v2 =	vadd.f32 v3, v2;
	_ =	sdelay $0x1  }
0x26d: {  	v2 =	vmax.f32 v2, $9.999999960e-13  }
0x26e: {  	(erf) = vrcp.f32 v2;
	_ =	sdelay $0x4  }
0x26f: {  	v2 =	vld [tilespmem:s14+$0x2120];
	_ =	sdelay $0x3  }
0x270: {  	v3 =	vld [tilespmem:s19+$0x0];
	v4 =	vpop (erf)  }
0x271: {  	v2 =	vmul.f32 v4, v2;
	_ =	sdelay $0x1  }
0x272: {  	v2 =	vperm.xlane v2, v1;
	_ =	sdelay $0x1  }
0x273: {  	v3 =	vmul.f32 v3, v2;
	_ =	sdelay $0x1  }
0x274: {  	[tilespmem:s13+$0x0] =	vst v3  }
0x275: {  	v3 =	vld [tilespmem:s19+$0x10];
	_ =	sdelay $0x4  }
0x276: {  	v3 =	vmul.f32 v3, v2;
	_ =	sdelay $0x1  }
0x277: {  	[tilespmem:s13+$0x10] =	vst v3  }
0x278: {  	v3 =	vld [tilespmem:s19+$0x20];
	_ =	sdelay $0x4  }
0x279: {  	v3 =	vmul.f32 v3, v2;
	_ =	sdelay $0x1  }
0x27a: {  	[tilespmem:s13+$0x20] =	vst v3  }
0x27b: {  	v3 =	vld [tilespmem:s19+$0x30];
	_ =	sdelay $0x4  }
0x27c: {  	v2 =	vmul.f32 v3, v2;
	_ =	sdelay $0x1  }
0x27d: {  	[tilespmem:s13+$0x30] =	vst v2  }
0x27e: {  	v2 =	vld [tilespmem:s14+$0x2930]  }
0x27f: {  	v3 =	vld [tilespmem:s14+$0x3130];
	_ =	sdelay $0x4  }
0x280: {  	v2 =	vadd.f32 v3, v2;
	_ =	sdelay $0x1  }
0x281: {  	v2 =	vmax.f32 v2, $9.999999960e-13  }
0x282: {  	(erf) = vrcp.f32 v2;
	_ =	sdelay $0x4  }
0x283: {  	v2 =	vld [tilespmem:s14+$0x2130];
	_ =	sdelay $0x3  }
0x284: {  	v3 =	vld [tilespmem:s19+$0x40];
	v4 =	vpop (erf)  }
0x285: {  	v2 =	vmul.f32 v4, v2;
	_ =	sdelay $0x1  }
0x286: {  	v2 =	vperm.xlane v2, v1;
	_ =	sdelay $0x1  }
0x287: {  	v3 =	vmul.f32 v3, v2;
	_ =	sdelay $0x1  }
0x288: {  	[tilespmem:s13+$0x40] =	vst v3  }
0x289: {  	v3 =	vld [tilespmem:s19+$0x50];
	_ =	sdelay $0x4  }
0x28a: {  	v3 =	vmul.f32 v3, v2;
	_ =	sdelay $0x1  }
0x28b: {  	[tilespmem:s13+$0x50] =	vst v3  }
0x28c: {  	v3 =	vld [tilespmem:s19+$0x60];
	_ =	sdelay $0x4  }
0x28d: {  	v3 =	vmul.f32 v3, v2;
	_ =	sdelay $0x1  }
0x28e: {  	[tilespmem:s13+$0x60] =	vst v3  }
0x28f: {  	s12 =	simm.s32 $0x100;
	s14 =	simm.s32 $0x7280;
	v3 =	vld [tilespmem:s19+$0x70]  }
.LBB2_13:
0x290: {  	_ =	sdelay $0x1  }
0x291: {  	p1 =	sne.s32 s12, $0x1F00;
	s19 =	sadd.s32 $0x100, s19;
	s13 =	sadd.s32 $0x100, s13  }
0x292: {  	s1 =	smov.u32 s12;
	s12 =	sadd.s32 $0x100, s12  }
0x293: {  	v2 =	vmul.f32 v3, v2;
	_ =	sdelay $0x1  }
0x294: {  	s1 =	sshra.s32 s1, $0x2;
	[tilespmem:s14+$0x70] =	vst v2;
	s14 =	smov.u32 s13  }
0x295: {  	v2 =	vld [tilespmem:s1+$0x2900]  }
0x296: {  	v3 =	vld [tilespmem:s1+$0x3100];
	_ =	sdelay $0x4  }
0x297: {  	v2 =	vadd.f32 v3, v2;
	_ =	sdelay $0x1  }
0x298: {  	v2 =	vmax.f32 v2, $9.999999960e-13  }
0x299: {  	(erf) = vrcp.f32 v2;
	_ =	sdelay $0x3  }
0x29a: {  	v2 =	vld [tilespmem:s1+$0x2100];
	_ =	sdelay $0x3  }
0x29b: {  	v3 =	vld [tilespmem:s19+$0xFFFFFF80]  }
0x29c: {  	v4 =	vpop (erf)  }
0x29d: {  	v2 =	vmul.f32 v4, v2;
	_ =	sdelay $0x1  }
0x29e: {  	v2 =	vperm.xlane v2, v1;
	_ =	sdelay $0x1  }
0x29f: {  	v3 =	vmul.f32 v3, v2;
	_ =	sdelay $0x1  }
0x2a0: {  	[tilespmem:s13+$0xFFFFFF80] =	vst v3  }
0x2a1: {  	v3 =	vld [tilespmem:s19+$0xFFFFFF90];
	_ =	sdelay $0x4  }
0x2a2: {  	v3 =	vmul.f32 v3, v2;
	_ =	sdelay $0x1  }
0x2a3: {  	[tilespmem:s13+$0xFFFFFF90] =	vst v3  }
0x2a4: {  	v3 =	vld [tilespmem:s19+$0xFFFFFFA0];
	_ =	sdelay $0x4  }
0x2a5: {  	v3 =	vmul.f32 v3, v2;
	_ =	sdelay $0x1  }
0x2a6: {  	[tilespmem:s13+$0xFFFFFFA0] =	vst v3  }
0x2a7: {  	v3 =	vld [tilespmem:s19+$0xFFFFFFB0];
	_ =	sdelay $0x4  }
0x2a8: {  	v2 =	vmul.f32 v3, v2;
	_ =	sdelay $0x1  }
0x2a9: {  	[tilespmem:s13+$0xFFFFFFB0] =	vst v2  }
0x2aa: {  	v2 =	vld [tilespmem:s1+$0x2910]  }
0x2ab: {  	v3 =	vld [tilespmem:s1+$0x3110];
	_ =	sdelay $0x4  }
0x2ac: {  	v2 =	vadd.f32 v3, v2;
	_ =	sdelay $0x1  }
0x2ad: {  	v2 =	vmax.f32 v2, $9.999999960e-13  }
0x2ae: {  	(erf) = vrcp.f32 v2;
	_ =	sdelay $0x2  }
0x2af: {  	v2 =	vld [tilespmem:s1+$0x2110];
	_ =	sdelay $0x3  }
0x2b0: {  	v3 =	vld [tilespmem:s19+$0xFFFFFFC0];
	_ =	sdelay $0x1  }
0x2b1: {  	v4 =	vpop (erf)  }
0x2b2: {  	v2 =	vmul.f32 v4, v2;
	_ =	sdelay $0x1  }
0x2b3: {  	v2 =	vperm.xlane v2, v1;
	_ =	sdelay $0x1  }
0x2b4: {  	v3 =	vmul.f32 v3, v2;
	_ =	sdelay $0x1  }
0x2b5: {  	[tilespmem:s13+$0xFFFFFFC0] =	vst v3  }
0x2b6: {  	v3 =	vld [tilespmem:s19+$0xFFFFFFD0];
	_ =	sdelay $0x4  }
0x2b7: {  	v3 =	vmul.f32 v3, v2;
	_ =	sdelay $0x1  }
0x2b8: {  	[tilespmem:s13+$0xFFFFFFD0] =	vst v3  }
0x2b9: {  	v3 =	vld [tilespmem:s19+$0xFFFFFFE0];
	_ =	sdelay $0x4  }
0x2ba: {  	v3 =	vmul.f32 v3, v2;
	_ =	sdelay $0x1  }
0x2bb: {  	[tilespmem:s13+$0xFFFFFFE0] =	vst v3  }
0x2bc: {  	v3 =	vld [tilespmem:s19+$0xFFFFFFF0];
	_ =	sdelay $0x4  }
0x2bd: {  	v2 =	vmul.f32 v3, v2;
	_ =	sdelay $0x1  }
0x2be: {  	[tilespmem:s13+$0xFFFFFFF0] =	vst v2  }
0x2bf: {  	v2 =	vld [tilespmem:s1+$0x2920]  }
0x2c0: {  	v3 =	vld [tilespmem:s1+$0x3120];
	_ =	sdelay $0x4  }
0x2c1: {  	v2 =	vadd.f32 v3, v2;
	_ =	sdelay $0x1  }
0x2c2: {  	v2 =	vmax.f32 v2, $9.999999960e-13  }
0x2c3: {  	(erf) = vrcp.f32 v2;
	_ =	sdelay $0x1  }
0x2c4: {  	v2 =	vld [tilespmem:s1+$0x2120];
	_ =	sdelay $0x3  }
0x2c5: {  	v3 =	vld [tilespmem:s19+$0x0];
	_ =	sdelay $0x2  }
0x2c6: {  	v4 =	vpop (erf)  }
0x2c7: {  	v2 =	vmul.f32 v4, v2;
	_ =	sdelay $0x1  }
0x2c8: {  	v2 =	vperm.xlane v2, v1;
	_ =	sdelay $0x1  }
0x2c9: {  	v3 =	vmul.f32 v3, v2;
	_ =	sdelay $0x1  }
0x2ca: {  	[tilespmem:s13+$0x0] =	vst v3  }
0x2cb: {  	v3 =	vld [tilespmem:s19+$0x10];
	_ =	sdelay $0x4  }
0x2cc: {  	v3 =	vmul.f32 v3, v2;
	_ =	sdelay $0x1  }
0x2cd: {  	[tilespmem:s13+$0x10] =	vst v3  }
0x2ce: {  	v3 =	vld [tilespmem:s19+$0x20];
	_ =	sdelay $0x4  }
0x2cf: {  	v3 =	vmul.f32 v3, v2;
	_ =	sdelay $0x1  }
0x2d0: {  	[tilespmem:s13+$0x20] =	vst v3  }
0x2d1: {  	v3 =	vld [tilespmem:s19+$0x30];
	_ =	sdelay $0x4  }
0x2d2: {  	v2 =	vmul.f32 v3, v2;
	_ =	sdelay $0x1  }
0x2d3: {  	[tilespmem:s13+$0x30] =	vst v2  }
0x2d4: {  	v2 =	vld [tilespmem:s1+$0x2930]  }
0x2d5: {  	v3 =	vld [tilespmem:s1+$0x3130]  }
0x2d6: {  	v4 =	vld [tilespmem:s1+$0x2130]  }
0x2d7: {  	v5 =	vld [tilespmem:s19+$0x40];
	_ =	sdelay $0x2  }
0x2d8: {  	v2 =	vadd.f32 v3, v2;
	_ =	sdelay $0x1  }
0x2d9: {  	v2 =	vmax.f32 v2, $9.999999960e-13  }
0x2da: {  	(erf) = vrcp.f32 v2;
	_ =	sdelay $0x8  }
0x2db: {  	v2 =	vpop (erf)  }
0x2dc: {  	v2 =	vmul.f32 v2, v4;
	_ =	sdelay $0x1  }
0x2dd: {  	v2 =	vperm.xlane v2, v1;
	_ =	sdelay $0x1  }
0x2de: {  	v3 =	vmul.f32 v5, v2;
	_ =	sdelay $0x1  }
0x2df: {  	[tilespmem:s13+$0x40] =	vst v3  }
0x2e0: {  	v3 =	vld [tilespmem:s19+$0x50];
	_ =	sdelay $0x4  }
0x2e1: {  	v3 =	vmul.f32 v3, v2;
	_ =	sdelay $0x1  }
0x2e2: {  	[tilespmem:s13+$0x50] =	vst v3  }
0x2e3: {  	v3 =	vld [tilespmem:s19+$0x60];
	_ =	sdelay $0x3  }
.Ltmp5:
0x2e4: {  	(pc) =	sbr.rel @p1 .LBB2_13-.Ltmp5, $3  }
0x2e5: {  	v3 =	vmul.f32 v3, v2;
	_ =	sdelay $0x1  }
0x2e6: {  	[tilespmem:s13+$0x60] =	vst v3  }
0x2e7: {  	v3 =	vld [tilespmem:s19+$0x70]  }
0x2e8: {  	_ =	sdelay $0x3  }
0x2e9: {  	v2 =	vmul.f32 v3, v2;
	_ =	sdelay $0x1  }
0x2ea: {  	[tilespmem:s14+$0x70] =	vst v2  }
0x2eb: {  	v2 =	vld [tilespmem:$0x0]  }
0x2ec: {  	v3 =	vld [tilespmem:$0x10]  }
0x2ed: {  	v4 =	vld [tilespmem:$0x20]  }
0x2ee: {  	v5 =	vld [tilespmem:$0x30]  }
0x2ef: {  	v6 =	vld [tilespmem:$0x40]  }
0x2f0: {  	[tilespmem:$0xB200] =	vst v2;
	v2 =	vld [tilespmem:$0x50]  }
0x2f1: {  	[tilespmem:$0xB210] =	vst v3;
	v3 =	vld [tilespmem:$0x60]  }
0x2f2: {  	[tilespmem:$0xB220] =	vst v4;
	v4 =	vld [tilespmem:$0x70]  }
0x2f3: {  	[tilespmem:$0xB230] =	vst v5  }
0x2f4: {  	[tilespmem:$0xB240] =	vst v6  }
0x2f5: {  	p1 =	seq.s32 s15, $0x27;
	[tilespmem:$0xB250] =	vst v2  }
0x2f6: {  	s1 =	sadd.s32 @!p1 s20, s16;
	[tilespmem:$0xB260] =	vst v3  }
0x2f7: {  	s12 =	sshrl.u32 @!p1 s1, $0x3;
	[tilespmem:$0xB270] =	vst v4  }
0x2f8: {  	[spmem:s2] =	stream.indirect.scatter.add.f32 [tilespmem:s25], [sflag:$0x3], $0x40, s24, s22, $0xb8;
	[tilespmem:$0x1F300] =	vst v63  }
0x2f9: {  	s13 =	sadd.s32 @!p1 s4, s12;
	s14 =	simm.s32 @!p1 $0x0  }
0x2fa: {  	[tilespmem:s14], [sflag:$0x5] =	stream.linear.gather @!p1 [hbm4b:s13+s14], $0x80, $0x38;
	[tilespmem:$0x1F300] =	vst v63  }
0x2fb: {  	s13 =	simm.s32 @!p1 $0x5  }
0x2fc: {  	_ =	swait.ge @!p1 [sflag:s13], $0x80  }
0x2fd: {  	[sflag:s13] =	ssyncset.done @!p1 $0x0  }
0x2fe: {  	s19 =	simm.s32 @!p1 $0x80;
	s12 =	sadd.s32 @!p1 s6, s12;
	[sflag:s13] =	ssyncadd.s32 @!p1 $0xFFFFFF80  }
0x2ff: {  	[tilespmem:s19], [sflag:$0x5] =	stream.linear.gather @!p1 [hbm4b:s12+s14], $0x80, $0x38;
	[tilespmem:$0x1F300] =	vst v63  }
0x300: {  	_ =	swait.ge @!p1 [sflag:s13], $0x80  }
0x301: {  	s1 =	sshll.u32 @!p1 s1, $0x1;
	[sflag:s13] =	ssyncset.done @!p1 $0x0  }
0x302: {  	s1 =	sand.u32 @!p1 $0x1FFFFE00, s1;
	s12 =	simm.s32 @!p1 $0x100;
	[sflag:s13] =	ssyncadd.s32 @!p1 $0xFFFFFF80  }
0x303: {  	[tilespmem:s12], [sflag:$0x1] =	stream.indirect.gather @!p1 [hbm4b:s5+s19], $0x40, s19, s19, $0xb8;
	[tilespmem:$0x1F300] =	vst v63  }
0x304: {  	s1 =	sadd.s32 @!p1 s8, s1;
	s12 =	simm.s32 @!p1 $0x2100  }
0x305: {  	[tilespmem:s12], [sflag:$0x1] =	stream.linear.gather @!p1 [hbm4b:s1+s14], $0x800, $0x38;
	[tilespmem:$0x1F300] =	vst v63  }
0x306: {  	s1 =	simm.s32 @!p1 $0x2900  }
0x307: {  	[tilespmem:s1], [sflag:$0x1] =	stream.indirect.gather @!p1 [hbm4b:s9+s19], $0x10, s14, s19, $0xb8;
	[tilespmem:$0x1F300] =	vst v63  }
0x308: {  	s1 =	simm.s32 @!p1 $0x3100  }
0x309: {  	[tilespmem:s1], [sflag:$0x1] =	stream.indirect.gather @!p1 [hbm4b:s10+s19], $0x10, s14, s19, $0xb8;
	[tilespmem:$0x1F300] =	vst v63  }
0x30a: {  	_ =	swait.ge [sflag:s26], $0x2000  }
0x30b: {  	[sflag:s26] =	ssyncset.done $0x0  }
0x30c: {  	[sflag:s26] =	ssyncadd.s32 $0xFFFFE000  }
0x30d: {  	_ =	swait.ge [sflag:s26], $0x800  }
0x30e: {  	[sflag:s26] =	ssyncset.done $0x0  }
0x30f: {  	[sflag:s26] =	ssyncadd.s32 $0xFFFFF800  }
0x310: {  	_ =	swait.ge [sflag:s26], $0x800  }
0x311: {  	[sflag:s26] =	ssyncset.done $0x0  }
0x312: {  	[sflag:s26] =	ssyncadd.s32 $0xFFFFF800  }
0x313: {  	_ =	swait.ge [sflag:s26], $0x800  }
0x314: {  	[sflag:s26] =	ssyncset.done $0x0  }
0x315: {  	s1 =	simm.s32 @!p0 $0x4;
	[sflag:s26] =	ssyncadd.s32 $0xFFFFF800  }
0x316: {  	_ =	swait.ge @!p0 [sflag:s1], $0x2000  }
0x317: {  	[sflag:s1] =	ssyncset.done @!p0 $0x0  }
0x318: {  	s20 =	simm.s32 $0x0;
	[sflag:s1] =	ssyncadd.s32 @!p0 $0xFFFFE000  }
0x319: {  	v2 =	vld [tilespmem:s20+$0x6200]  }
0x31a: {  	v3 =	vld [tilespmem:s20+$0x6A00];
	_ =	sdelay $0x4  }
0x31b: {  	v2 =	vadd.f32 v3, v2;
	_ =	sdelay $0x1  }
0x31c: {  	v2 =	vmax.f32 v2, $9.999999960e-13  }
0x31d: {  	(erf) = vrcp.f32 v2;
	_ =	sdelay $0x4  }
0x31e: {  	v2 =	vld [tilespmem:s20+$0x5A00];
	_ =	sdelay $0x2  }
0x31f: {  	s19 =	simm.s32 $0x3A80  }
0x320: {  	v3 =	vld [tilespmem:s19+$0xFFFFFF80];
	v4 =	vpop (erf)  }
0x321: {  	v2 =	vmul.f32 v4, v2;
	_ =	sdelay $0x1  }
0x322: {  	v2 =	vperm.xlane v2, v1;
	_ =	sdelay $0x1  }
0x323: {  	v3 =	vmul.f32 v3, v2  }
0x324: {  	s13 =	simm.s32 $0x9280  }
0x325: {  	[tilespmem:s13+$0xFFFFFF80] =	vst v3  }
0x326: {  	v3 =	vld [tilespmem:s19+$0xFFFFFF90];
	_ =	sdelay $0x4  }
0x327: {  	v3 =	vmul.f32 v3, v2;
	_ =	sdelay $0x1  }
0x328: {  	[tilespmem:s13+$0xFFFFFF90] =	vst v3  }
0x329: {  	v3 =	vld [tilespmem:s19+$0xFFFFFFA0];
	_ =	sdelay $0x4  }
0x32a: {  	v3 =	vmul.f32 v3, v2;
	_ =	sdelay $0x1  }
0x32b: {  	[tilespmem:s13+$0xFFFFFFA0] =	vst v3  }
0x32c: {  	v3 =	vld [tilespmem:s19+$0xFFFFFFB0];
	_ =	sdelay $0x4  }
0x32d: {  	v2 =	vmul.f32 v3, v2;
	_ =	sdelay $0x1  }
0x32e: {  	[tilespmem:s13+$0xFFFFFFB0] =	vst v2  }
0x32f: {  	v2 =	vld [tilespmem:s20+$0x6210]  }
0x330: {  	v3 =	vld [tilespmem:s20+$0x6A10];
	_ =	sdelay $0x4  }
0x331: {  	v2 =	vadd.f32 v3, v2;
	_ =	sdelay $0x1  }
0x332: {  	v2 =	vmax.f32 v2, $9.999999960e-13  }
0x333: {  	(erf) = vrcp.f32 v2;
	_ =	sdelay $0x4  }
0x334: {  	v2 =	vld [tilespmem:s20+$0x5A10];
	_ =	sdelay $0x3  }
0x335: {  	v3 =	vld [tilespmem:s19+$0xFFFFFFC0];
	v4 =	vpop (erf)  }
0x336: {  	v2 =	vmul.f32 v4, v2;
	_ =	sdelay $0x1  }
0x337: {  	v2 =	vperm.xlane v2, v1;
	_ =	sdelay $0x1  }
0x338: {  	v3 =	vmul.f32 v3, v2;
	_ =	sdelay $0x1  }
0x339: {  	[tilespmem:s13+$0xFFFFFFC0] =	vst v3  }
0x33a: {  	v3 =	vld [tilespmem:s19+$0xFFFFFFD0];
	_ =	sdelay $0x4  }
0x33b: {  	v3 =	vmul.f32 v3, v2;
	_ =	sdelay $0x1  }
0x33c: {  	[tilespmem:s13+$0xFFFFFFD0] =	vst v3  }
0x33d: {  	v3 =	vld [tilespmem:s19+$0xFFFFFFE0];
	_ =	sdelay $0x4  }
0x33e: {  	v3 =	vmul.f32 v3, v2;
	_ =	sdelay $0x1  }
0x33f: {  	[tilespmem:s13+$0xFFFFFFE0] =	vst v3  }
0x340: {  	v3 =	vld [tilespmem:s19+$0xFFFFFFF0];
	_ =	sdelay $0x4  }
0x341: {  	v2 =	vmul.f32 v3, v2;
	_ =	sdelay $0x1  }
0x342: {  	[tilespmem:s13+$0xFFFFFFF0] =	vst v2  }
0x343: {  	v2 =	vld [tilespmem:s20+$0x6220]  }
0x344: {  	v3 =	vld [tilespmem:s20+$0x6A20];
	_ =	sdelay $0x4  }
0x345: {  	v2 =	vadd.f32 v3, v2;
	_ =	sdelay $0x1  }
0x346: {  	v2 =	vmax.f32 v2, $9.999999960e-13  }
0x347: {  	(erf) = vrcp.f32 v2;
	_ =	sdelay $0x4  }
0x348: {  	v2 =	vld [tilespmem:s20+$0x5A20];
	_ =	sdelay $0x3  }
0x349: {  	v3 =	vld [tilespmem:s19+$0x0];
	v4 =	vpop (erf)  }
0x34a: {  	v2 =	vmul.f32 v4, v2;
	_ =	sdelay $0x1  }
0x34b: {  	v2 =	vperm.xlane v2, v1;
	_ =	sdelay $0x1  }
0x34c: {  	v3 =	vmul.f32 v3, v2;
	_ =	sdelay $0x1  }
0x34d: {  	[tilespmem:s13+$0x0] =	vst v3  }
0x34e: {  	v3 =	vld [tilespmem:s19+$0x10];
	_ =	sdelay $0x4  }
0x34f: {  	v3 =	vmul.f32 v3, v2;
	_ =	sdelay $0x1  }
0x350: {  	[tilespmem:s13+$0x10] =	vst v3  }
0x351: {  	v3 =	vld [tilespmem:s19+$0x20];
	_ =	sdelay $0x4  }
0x352: {  	v3 =	vmul.f32 v3, v2;
	_ =	sdelay $0x1  }
0x353: {  	[tilespmem:s13+$0x20] =	vst v3  }
0x354: {  	v3 =	vld [tilespmem:s19+$0x30];
	_ =	sdelay $0x4  }
0x355: {  	v2 =	vmul.f32 v3, v2;
	_ =	sdelay $0x1  }
0x356: {  	[tilespmem:s13+$0x30] =	vst v2  }
0x357: {  	v2 =	vld [tilespmem:s20+$0x6230]  }
0x358: {  	v3 =	vld [tilespmem:s20+$0x6A30];
	_ =	sdelay $0x4  }
0x359: {  	v2 =	vadd.f32 v3, v2;
	_ =	sdelay $0x1  }
0x35a: {  	v2 =	vmax.f32 v2, $9.999999960e-13  }
0x35b: {  	(erf) = vrcp.f32 v2;
	_ =	sdelay $0x4  }
0x35c: {  	v2 =	vld [tilespmem:s20+$0x5A30];
	_ =	sdelay $0x3  }
0x35d: {  	v3 =	vld [tilespmem:s19+$0x40];
	v4 =	vpop (erf)  }
0x35e: {  	v2 =	vmul.f32 v4, v2;
	_ =	sdelay $0x1  }
0x35f: {  	v2 =	vperm.xlane v2, v1;
	_ =	sdelay $0x1  }
0x360: {  	v3 =	vmul.f32 v3, v2;
	_ =	sdelay $0x1  }
0x361: {  	[tilespmem:s13+$0x40] =	vst v3  }
0x362: {  	v3 =	vld [tilespmem:s19+$0x50];
	_ =	sdelay $0x4  }
0x363: {  	v3 =	vmul.f32 v3, v2;
	_ =	sdelay $0x1  }
0x364: {  	[tilespmem:s13+$0x50] =	vst v3  }
0x365: {  	v3 =	vld [tilespmem:s19+$0x60];
	_ =	sdelay $0x4  }
0x366: {  	v3 =	vmul.f32 v3, v2;
	_ =	sdelay $0x1  }
0x367: {  	[tilespmem:s13+$0x60] =	vst v3  }
0x368: {  	s12 =	simm.s32 $0x100;
	s14 =	simm.s32 $0x9280;
	v3 =	vld [tilespmem:s19+$0x70]  }
.LBB2_15:
0x369: {  	_ =	sdelay $0x1  }
0x36a: {  	p0 =	sne.s32 s12, $0x1F00;
	s19 =	sadd.s32 $0x100, s19;
	s13 =	sadd.s32 $0x100, s13  }
0x36b: {  	s1 =	smov.u32 s12;
	s12 =	sadd.s32 $0x100, s12  }
0x36c: {  	v2 =	vmul.f32 v3, v2;
	_ =	sdelay $0x1  }
0x36d: {  	s1 =	sshra.s32 s1, $0x2;
	[tilespmem:s14+$0x70] =	vst v2;
	s14 =	smov.u32 s13  }
0x36e: {  	v2 =	vld [tilespmem:s1+$0x6200]  }
0x36f: {  	v3 =	vld [tilespmem:s1+$0x6A00];
	_ =	sdelay $0x4  }
0x370: {  	v2 =	vadd.f32 v3, v2;
	_ =	sdelay $0x1  }
0x371: {  	v2 =	vmax.f32 v2, $9.999999960e-13  }
0x372: {  	(erf) = vrcp.f32 v2;
	_ =	sdelay $0x3  }
0x373: {  	v2 =	vld [tilespmem:s1+$0x5A00];
	_ =	sdelay $0x3  }
0x374: {  	v3 =	vld [tilespmem:s19+$0xFFFFFF80]  }
0x375: {  	v4 =	vpop (erf)  }
0x376: {  	v2 =	vmul.f32 v4, v2;
	_ =	sdelay $0x1  }
0x377: {  	v2 =	vperm.xlane v2, v1;
	_ =	sdelay $0x1  }
0x378: {  	v3 =	vmul.f32 v3, v2;
	_ =	sdelay $0x1  }
0x379: {  	[tilespmem:s13+$0xFFFFFF80] =	vst v3  }
0x37a: {  	v3 =	vld [tilespmem:s19+$0xFFFFFF90];
	_ =	sdelay $0x4  }
0x37b: {  	v3 =	vmul.f32 v3, v2;
	_ =	sdelay $0x1  }
0x37c: {  	[tilespmem:s13+$0xFFFFFF90] =	vst v3  }
0x37d: {  	v3 =	vld [tilespmem:s19+$0xFFFFFFA0];
	_ =	sdelay $0x4  }
0x37e: {  	v3 =	vmul.f32 v3, v2;
	_ =	sdelay $0x1  }
0x37f: {  	[tilespmem:s13+$0xFFFFFFA0] =	vst v3  }
0x380: {  	v3 =	vld [tilespmem:s19+$0xFFFFFFB0];
	_ =	sdelay $0x4  }
0x381: {  	v2 =	vmul.f32 v3, v2;
	_ =	sdelay $0x1  }
0x382: {  	[tilespmem:s13+$0xFFFFFFB0] =	vst v2  }
0x383: {  	v2 =	vld [tilespmem:s1+$0x6210]  }
0x384: {  	v3 =	vld [tilespmem:s1+$0x6A10];
	_ =	sdelay $0x4  }
0x385: {  	v2 =	vadd.f32 v3, v2;
	_ =	sdelay $0x1  }
0x386: {  	v2 =	vmax.f32 v2, $9.999999960e-13  }
0x387: {  	(erf) = vrcp.f32 v2;
	_ =	sdelay $0x2  }
0x388: {  	v2 =	vld [tilespmem:s1+$0x5A10];
	_ =	sdelay $0x3  }
0x389: {  	v3 =	vld [tilespmem:s19+$0xFFFFFFC0];
	_ =	sdelay $0x1  }
0x38a: {  	v4 =	vpop (erf)  }
0x38b: {  	v2 =	vmul.f32 v4, v2;
	_ =	sdelay $0x1  }
0x38c: {  	v2 =	vperm.xlane v2, v1;
	_ =	sdelay $0x1  }
0x38d: {  	v3 =	vmul.f32 v3, v2;
	_ =	sdelay $0x1  }
0x38e: {  	[tilespmem:s13+$0xFFFFFFC0] =	vst v3  }
0x38f: {  	v3 =	vld [tilespmem:s19+$0xFFFFFFD0];
	_ =	sdelay $0x4  }
0x390: {  	v3 =	vmul.f32 v3, v2;
	_ =	sdelay $0x1  }
0x391: {  	[tilespmem:s13+$0xFFFFFFD0] =	vst v3  }
0x392: {  	v3 =	vld [tilespmem:s19+$0xFFFFFFE0];
	_ =	sdelay $0x4  }
0x393: {  	v3 =	vmul.f32 v3, v2;
	_ =	sdelay $0x1  }
0x394: {  	[tilespmem:s13+$0xFFFFFFE0] =	vst v3  }
0x395: {  	v3 =	vld [tilespmem:s19+$0xFFFFFFF0];
	_ =	sdelay $0x4  }
0x396: {  	v2 =	vmul.f32 v3, v2;
	_ =	sdelay $0x1  }
0x397: {  	[tilespmem:s13+$0xFFFFFFF0] =	vst v2  }
0x398: {  	v2 =	vld [tilespmem:s1+$0x6220]  }
0x399: {  	v3 =	vld [tilespmem:s1+$0x6A20];
	_ =	sdelay $0x4  }
0x39a: {  	v2 =	vadd.f32 v3, v2;
	_ =	sdelay $0x1  }
0x39b: {  	v2 =	vmax.f32 v2, $9.999999960e-13  }
0x39c: {  	(erf) = vrcp.f32 v2;
	_ =	sdelay $0x1  }
0x39d: {  	v2 =	vld [tilespmem:s1+$0x5A20];
	_ =	sdelay $0x3  }
0x39e: {  	v3 =	vld [tilespmem:s19+$0x0];
	_ =	sdelay $0x2  }
0x39f: {  	v4 =	vpop (erf)  }
0x3a0: {  	v2 =	vmul.f32 v4, v2;
	_ =	sdelay $0x1  }
0x3a1: {  	v2 =	vperm.xlane v2, v1;
	_ =	sdelay $0x1  }
0x3a2: {  	v3 =	vmul.f32 v3, v2;
	_ =	sdelay $0x1  }
0x3a3: {  	[tilespmem:s13+$0x0] =	vst v3  }
0x3a4: {  	v3 =	vld [tilespmem:s19+$0x10];
	_ =	sdelay $0x4  }
0x3a5: {  	v3 =	vmul.f32 v3, v2;
	_ =	sdelay $0x1  }
0x3a6: {  	[tilespmem:s13+$0x10] =	vst v3  }
0x3a7: {  	v3 =	vld [tilespmem:s19+$0x20];
	_ =	sdelay $0x4  }
0x3a8: {  	v3 =	vmul.f32 v3, v2;
	_ =	sdelay $0x1  }
0x3a9: {  	[tilespmem:s13+$0x20] =	vst v3  }
0x3aa: {  	v3 =	vld [tilespmem:s19+$0x30];
	_ =	sdelay $0x4  }
0x3ab: {  	v2 =	vmul.f32 v3, v2;
	_ =	sdelay $0x1  }
0x3ac: {  	[tilespmem:s13+$0x30] =	vst v2  }
0x3ad: {  	v2 =	vld [tilespmem:s1+$0x6230]  }
0x3ae: {  	v3 =	vld [tilespmem:s1+$0x6A30]  }
0x3af: {  	v4 =	vld [tilespmem:s1+$0x5A30]  }
0x3b0: {  	v5 =	vld [tilespmem:s19+$0x40];
	_ =	sdelay $0x2  }
0x3b1: {  	v2 =	vadd.f32 v3, v2;
	_ =	sdelay $0x1  }
0x3b2: {  	v2 =	vmax.f32 v2, $9.999999960e-13  }
0x3b3: {  	(erf) = vrcp.f32 v2;
	_ =	sdelay $0x8  }
0x3b4: {  	v2 =	vpop (erf)  }
0x3b5: {  	v2 =	vmul.f32 v2, v4;
	_ =	sdelay $0x1  }
0x3b6: {  	v2 =	vperm.xlane v2, v1;
	_ =	sdelay $0x1  }
0x3b7: {  	v3 =	vmul.f32 v5, v2;
	_ =	sdelay $0x1  }
0x3b8: {  	[tilespmem:s13+$0x40] =	vst v3  }
0x3b9: {  	v3 =	vld [tilespmem:s19+$0x50];
	_ =	sdelay $0x4  }
0x3ba: {  	v3 =	vmul.f32 v3, v2;
	_ =	sdelay $0x1  }
0x3bb: {  	[tilespmem:s13+$0x50] =	vst v3  }
0x3bc: {  	v3 =	vld [tilespmem:s19+$0x60];
	_ =	sdelay $0x3  }
.Ltmp6:
0x3bd: {  	(pc) =	sbr.rel @p0 .LBB2_15-.Ltmp6, $3  }
0x3be: {  	v3 =	vmul.f32 v3, v2;
	_ =	sdelay $0x1  }
0x3bf: {  	[tilespmem:s13+$0x60] =	vst v3  }
0x3c0: {  	v3 =	vld [tilespmem:s19+$0x70]  }
0x3c1: {  	_ =	sdelay $0x3  }
0x3c2: {  	v2 =	vmul.f32 v3, v2;
	_ =	sdelay $0x1  }
0x3c3: {  	[tilespmem:s14+$0x70] =	vst v2  }
0x3c4: {  	v2 =	vld [tilespmem:$0x3900]  }
0x3c5: {  	v3 =	vld [tilespmem:$0x3910]  }
0x3c6: {  	v4 =	vld [tilespmem:$0x3920]  }
0x3c7: {  	v5 =	vld [tilespmem:$0x3930]  }
0x3c8: {  	v6 =	vld [tilespmem:$0x3940]  }
0x3c9: {  	v63 =	vld [tilespmem:$0x3970];
	[tilespmem:$0xB280] =	vst v2  }
0x3ca: {  	v2 =	vld [tilespmem:$0x3950];
	[tilespmem:$0xB290] =	vst v3  }
0x3cb: {  	s15 =	sadd.s32 $0x1, s15;
	v3 =	vld [tilespmem:$0x3960];
	[tilespmem:$0xB2A0] =	vst v4  }
0x3cc: {  	p0 =	sne.s32 s15, $0x28;
	[tilespmem:$0xB2B0] =	vst v5  }
.Ltmp7:
0x3cd: {  	[tilespmem:$0xB2C0] =	vst v6;
	(pc) =	sbr.rel @p0 .LBB2_12-.Ltmp7, $4  }
0x3ce: {  	[tilespmem:$0xB2F0] =	vst v63  }
0x3cf: {  	[tilespmem:$0xB2D0] =	vst v2  }
0x3d0: {  	[tilespmem:$0xB2E0] =	vst v3  }
0x3d1: {  	[spmem:s2] =	stream.indirect.scatter.add.f32 [tilespmem:s18], [sflag:$0x4], $0x40, s17, s22, $0xb8;
	[tilespmem:$0x1F300] =	vst v63  }
0x3d2: {  	s1 =	simm.s32 $0x3  }
0x3d3: {  	_ =	swait.ge [sflag:s1], $0x2000  }
0x3d4: {  	[sflag:s1] =	ssyncset.done $0x0  }
0x3d5: {  	s14 =	simm.s32 $0x4;
	[sflag:s1] =	ssyncadd.s32 $0xFFFFE000  }
0x3d6: {  	_ =	swait.ge [sflag:s14], $0x2000  }
0x3d7: {  	[sflag:s14] =	ssyncset.done $0x0  }
0x3d8: {  	[sflag:s14] =	ssyncadd.s32 $0xFFFFE000  }
0x3d9: {  	[bflag:$0x0] =	sbarrier.arrive $0xFFFF  }
0x3da: {  	s14 =	simm.s32 $0xB300;
	s19 =	rddreg [dreg:$0x4]  }
0x3db: {  	[tilespmem:s14], [sflag:$0x5] =	stream.linear.gather [spmem:s19], $0xA000, $0x38;
	[tilespmem:$0x1F300] =	vst v63  }
0x3dc: {  	_ =	swait.ge [sflag:s21], $0xA000  }
0x3dd: {  	[sflag:s21] =	ssyncset.done $0x0  }
0x3de: {  	s15 =	rddreg [dreg:$0xa];
	[sflag:s21] =	ssyncadd.s32 $0xFFFF6000  }
0x3df: {  	[hbm4b:s15+s3] =	stream.linear.scatter [tilespmem:s14], [sflag:$0x5], $0xA000, $0x38;
	[tilespmem:$0x1F300] =	vst v63  }
0x3e0: {  	_ =	swait.ge [sflag:s21], $0xA000  }
0x3e1: {  	s12 =	rddreg [dreg:$0xb]  }
0x3e2: {  	s20 =	rddreg [dreg:$0x8];
	s12 =	sadd.s32 $0x1, s12  }
0x3e3: {  	p0 =	sne.s32 s12, s20  }
.Ltmp8:
0x3e4: {  	_ = 	snop;
	(pc) =	sbr.rel @p0 .LBB2_1-.Ltmp8, $3  }
0x3e5: {  	_ =	sdelay $0x1  }
0x3e6: {  	[sflag:s21] =	ssyncset.done $0x0  }
0x3e7: {  	[sflag:s21] =	ssyncadd.s32 $0xFFFF6000  }
0x3e8: {  	_ =	sfence.sel $0x180000  }
0x3e9: {  	[bflag:$0x0] =	sbarrier.arrive $0xFFFF  }
0x3ea: {  	_ =	strace $0x9000004A  }
0x3eb: {  	s0 =	stileid.u32;
	[bflag:$0x2] =	sbarrier.arrive $0xFFFF  }
0x3ec: {  	p0 =	sne.s32 s0, $0x0;
	s0 =	rddreg [dreg:$0x3]  }
0x3ed: {  	s0 =	sadd.s32 @!p0 $0x100000, s0  }
0x3ee: {  	[sflag:s0] =	ssyncadd.tile.s32 @!p0 $0x1;
	_ =	shalt  }
.Lfunc_end2:
_tile_overlayer_lowered:
.L_overlay_start_2:
0x3ef: {  	(tag) =	ssettag $0x2  }
0x3f0: {  	s0 =	rddreg [dreg:$0x0];
	s2 =	stileid.u32  }
0x3f1: {  	s1 =	rddreg [dreg:$0x1];
	p0 =	sne.s32 s2, $0x0  }
0x3f2: {  	s3 =	rddreg [dreg:$0x2];
	[bflag:$0x3] =	sbarrier.arrive $0xFFFF;
	s2 =	simm.s32 @!p0 $0x1C05  }
0x3f3: {  	[timem:s3], [sflag:s2] =	dma.local @!p0 [hbm:s0], s1  }
0x3f4: {  	s0 =	simm.s32 @!p0 $0x5  }
0x3f5: {  	_ =	swait.ge @!p0 [sflag:s0], s1  }
0x3f6: {  	s1 =	ssub.s32 @!p0 $0x0, s1;
	[sflag:s0] =	ssyncset.done @!p0 $0x0  }
0x3f7: {  	[sflag:s0] =	ssyncadd.s32 @!p0 s1  }
0x3f8: {  	[bflag:$0x3] =	sbarrier.arrive $0xFFFF  }
0x3f9: {  	_ =	shalt  }

// kernel: kernel.7.cloned.1.call-start
scs
__scs_entry_jumppad:
0x0: {  	(pc) =	sbr.rel $0x88, $3  }
0x1: {  	(tag) =	ssettag $0x0;
	lr =	simm.s32 $0x1  }
0x2: {  	[smem:$0x3F8A] =	sst lr;
	_ =	strace $0xD0000000  }
0x3: {  	_ = 	snop  }
0x4: {  	_ = 	snop  }
0x5: {  	_ = 	snop  }
0x6: {  	_ = 	snop  }
0x7: {  	_ = 	snop  }
__scs_overlays_trampoline_lowered:
0x8: {  	[smem:$0x3F99] =	sst s0  }
0x9: {  	[smem:$0x3F9A] =	sst s1  }
0xa: {  	[smem:$0x3F9B] =	sst s2  }
0xb: {  	[smem:$0x3F9C] =	sst s3  }
0xc: {  	[smem:$0x3F9D] =	sst s4  }
0xd: {  	[smem:$0x3F9E] =	sst s5  }
0xe: {  	[smem:$0x3F9F] =	sst s6  }
0xf: {  	[smem:$0x3FA0] =	sst s7  }
0x10: {  	[smem:$0x3FA1] =	sst s8  }
0x11: {  	[smem:$0x3FA2] =	sst s9;
	s0 =	simm.s32 @!p0 $0x0  }
0x12: {  	s1 =	sld [smem:$0x3F88];
	s0 =	simm.s32 @p0 $0x1  }
0x13: {  	[smem:$0x3FA3] =	sst s0;
	s0 =	simm.s32 @!p1 $0x0  }
0x14: {  	s2 =	sld [smem:$0x3F87];
	s0 =	simm.s32 @p1 $0x1  }
0x15: {  	[smem:$0x3FA4] =	sst s0;
	s0 =	simm.s32 @!p2 $0x0  }
0x16: {  	s3 =	sld [smem:$0x3FDB];
	s0 =	simm.s32 @p2 $0x1  }
0x17: {  	s4 =	simm.s32 $0x1BF5;
	[smem:$0x3FA6] =	sst s0  }
0x18: {  	s0 =	sld [smem:$0x3F89];
	_ =	swait.ge [sflag:s4], $0x0  }
0x19: {  	s7 =	sld [smem:$0x3F8A]  }
0x1a: {  	s8 =	sadd.s32 $0xFFFFE003, lr  }
0x1b: {  	s9 =	sadd.s32 $0xFFFFFEF7, lr;
	s5 =	simm.s32 $0xFFFFFFFF;
	p2 =	slt.u32 s8, $0xFFFFF086  }
0x1c: {  	p1 =	slt.u32 s9, $0xF7A;
	s5 =	simm.s32 @!p2 $0x0  }
0x1d: {  	s5 =	simm.s32 @p1 $0x1;
	p0 =	seq.s32 s7, s2  }
0x1e: {  	s7 =	smul.u32 @!p0 $0xF7A, s2;
	p2 =	seq.s32 @!p0 s5, $0x0  }
0x1f: {  	s9 =	smul.u32 $0xF7A, s1;
	s8 =	simm.s32 @!p0 $0x1BF5;
	p2 =	por !p2, p0  }
0x20: {  	[sflag:s8] =	ssyncset.s32 @!p0 $0xFFFFF086;
	s6 =	sadd.s32 @!p0 s3, s7;
	s7 =	simm.s32 @!p0 $0x108  }
0x21: {  	s3 =	sadd.s32 s3, s9;
	s6 =	sadd.s32 @!p0 $0x88, s6;
	s7 =	simm.s32 @p2 $0x1082  }
0x22: {  	[simem:s7], [sflag:s8] =	dma.local @!p0 [hbm:s6], $0xF7A  }
0x23: {  	s9 =	sor.u32 $0xD0000000, s2;
	s6 =	simm.s32 $0x108;
	_ =	swait.ge @!p0 [sflag:s8], $0x0  }
0x24: {  	s3 =	sadd.s32 $0x88, s3;
	s6 =	simm.s32 @!p1 $0x1082;
	[sflag:s4] =	ssyncset.s32 $0xFFFFF086  }
0x25: {  	[simem:s6], [sflag:s4] =	dma.local [hbm:s3], $0xF7A  }
0x26: {  	[smem:$0x3F8A] =	sst s1;
	(tag) =	ssettag s2;
	_ =	strace s9  }
0x27: {  	s1 =	sld [smem:$0x3F9A]  }
0x28: {  	s2 =	sld [smem:$0x3F9B]  }
0x29: {  	s4 =	sld [smem:$0x3F9D]  }
0x2a: {  	p0 =	seq.s32 s5, $0x0;
	s5 =	sld [smem:$0x3F9E]  }
0x2b: {  	s6 =	sld [smem:$0x3F9F]  }
0x2c: {  	s7 =	sld [smem:$0x3FA0]  }
0x2d: {  	s3 =	simm.s32 $0x108;
	s8 =	sld [smem:$0x3FA1]  }
0x2e: {  	s3 =	simm.s32 @!p0 $0x1082;
	s9 =	sld [smem:$0x3FA2]  }
0x2f: {  	lr =	sadd.s32 s0, s3;
	s0 =	sld [smem:$0x3F99]  }
0x30: {  	s3 =	sld [smem:$0x3F9C]  }
0x31: {  	[smem:$0x3FA5] =	sst s10  }
0x32: {  	s10 =	sld [smem:$0x3FA3];
	_ =	sdelay $0x3  }
0x33: {  	p0 =	seq.s32 s10, $0x1;
	s10 =	sld [smem:$0x3FA5];
	_ =	sdelay $0x3  }
0x34: {  	[smem:$0x3FA5] =	sst s10  }
0x35: {  	s10 =	sld [smem:$0x3FA4];
	_ =	sdelay $0x3  }
0x36: {  	p1 =	seq.s32 s10, $0x1;
	s10 =	sld [smem:$0x3FA5];
	_ =	sdelay $0x3  }
0x37: {  	[smem:$0x3FA5] =	sst s10  }
0x38: {  	s10 =	sld [smem:$0x3FA6]  }
0x39: {  	_ = 	snop;
	(pc) =	sbr.ind lr, $3  }
0x3a: {  	_ = 	snop  }
0x3b: {  	_ = 	snop  }
0x3c: {  	p2 =	seq.s32 s10, $0x1;
	s10 =	sld [smem:$0x3FA5]  }
0x3d: {  	_ =	shalt  }
0x3e: {  	_ =	shalt  }
0x3f: {  	_ =	shalt  }
0x40: {  	_ =	shalt  }
0x41: {  	_ =	shalt  }
0x42: {  	_ =	shalt  }
0x43: {  	_ =	shalt  }
0x44: {  	_ =	shalt  }
0x45: {  	_ =	shalt  }
0x46: {  	_ =	shalt  }
0x47: {  	_ =	shalt  }
0x48: {  	_ =	shalt  }
0x49: {  	_ =	shalt  }
0x4a: {  	_ =	shalt  }
0x4b: {  	_ =	shalt  }
0x4c: {  	_ =	shalt  }
0x4d: {  	_ =	shalt  }
0x4e: {  	_ =	shalt  }
0x4f: {  	_ =	shalt  }
0x50: {  	_ =	shalt  }
0x51: {  	_ =	shalt  }
0x52: {  	_ =	shalt  }
0x53: {  	_ =	shalt  }
0x54: {  	_ =	shalt  }
0x55: {  	_ =	shalt  }
0x56: {  	_ =	shalt  }
0x57: {  	_ =	shalt  }
0x58: {  	_ =	shalt  }
0x59: {  	_ =	shalt  }
0x5a: {  	_ =	shalt  }
0x5b: {  	_ =	shalt  }
0x5c: {  	_ =	shalt  }
0x5d: {  	_ =	shalt  }
0x5e: {  	_ =	shalt  }
0x5f: {  	_ =	shalt  }
0x60: {  	_ =	shalt  }
0x61: {  	_ =	shalt  }
0x62: {  	_ =	shalt  }
0x63: {  	_ =	shalt  }
0x64: {  	_ =	shalt  }
0x65: {  	_ =	shalt  }
0x66: {  	_ =	shalt  }
0x67: {  	_ =	shalt  }
0x68: {  	_ =	shalt  }
0x69: {  	_ =	shalt  }
0x6a: {  	_ =	shalt  }
0x6b: {  	_ =	shalt  }
0x6c: {  	_ =	shalt  }
0x6d: {  	_ =	shalt  }
0x6e: {  	_ =	shalt  }
0x6f: {  	_ =	shalt  }
0x70: {  	_ =	shalt  }
0x71: {  	_ =	shalt  }
0x72: {  	_ =	shalt  }
0x73: {  	_ =	shalt  }
0x74: {  	_ =	shalt  }
0x75: {  	_ =	shalt  }
0x76: {  	_ =	shalt  }
0x77: {  	_ =	shalt  }
0x78: {  	_ =	shalt  }
0x79: {  	_ =	shalt  }
0x7a: {  	_ =	shalt  }
0x7b: {  	_ =	shalt  }
0x7c: {  	_ =	shalt  }
0x7d: {  	_ =	shalt  }
0x7e: {  	_ =	shalt  }
0x7f: {  	_ =	shalt  }
0x80: {  	_ =	shalt  }
0x81: {  	_ =	shalt  }
0x82: {  	_ =	shalt  }
0x83: {  	_ =	shalt  }
0x84: {  	_ =	shalt  }
0x85: {  	_ =	shalt  }
0x86: {  	_ =	shalt  }
0x87: {  	_ =	shalt  }
.Lfunc_end0:
.L_simem_size_0:
called_computation_lowered:
.L_overlay_start_0:
0x88: {  	s2 =	sld [smem:$0x3FD9]  }
0x89: {  	s3 =	sld [smem:$0x3FFE];
	_ =	sdelay $0x1  }
0x8a: {  	s1 =	srdreg.scid  }
0x8b: {  	s0 =	sand.u32 $0x1, s1  }
0x8c: {  	s16 =	sshll.u32 s0, $0xA;
	s2 =	sadd.s32 s3, s2  }
0x8d: {  	s2 =	sadd.s32 s2, s16  }
0x8e: {  	[smem:$0x3FB1] =	sst s2  }
0x8f: {  	_ = 	snop  }
0x90: {  	(tm) =	ssettm $0x1  }
0x91: {  	s17 =	sld [smem:$0x3FFB];
	_ =	sdelay $0x3  }
0x92: {  	_ =	strace s17  }
0x93: {  	s2 =	sld [smem:$0x3FFC];
	_ =	sdelay $0x3  }
0x94: {  	_ =	strace s2  }
0x95: {  	s2 =	sld [smem:$0x3FFD];
	_ =	sdelay $0x3  }
0x96: {  	_ =	strace s2  }
0x97: {  	_ =	strace $0x8FFFFFFF  }
0x98: {  	s18 =	sld [smem:$0x3FDB];
	_ =	sdelay $0x1  }
0x99: {  	s19 =	simm.s32 $_scs_section_size  }
0x9a: {  	s4 =	simm.s32 $_size__tile_overlayer_lowered;
	s5 =	simm.s32 $_tile_overlayer_lowered  }
0x9b: {  	s22 =	simm.s32 $0x1BFF;
	s21 =	sshll.u32 s5, $0x1;
	s2 =	sadd.s32 s19, s18  }
0x9c: {  	s6 =	simm.s32 $0x0;
	s20 =	sshll.u32 s4, $0x1;
	s4 =	sadd.s32 s21, s2  }
0x9d: {  	[timem:s6], [sflag:s22] =	dma.local [hbm:s4], s20  }
0x9e: {  	_ =	swait.ge [sflag:s22], s20  }
0x9f: {  	s3 =	ssub.s32 $0x0, s20;
	[sflag:s22] =	ssyncset.done $0x0  }
0xa0: {  	[sflag:s22] =	ssyncadd.s32 s3;
	_ =	sdelay $0x1  }
0xa1: {  	s23 =	simm.s32 $0x1B8B  }
0xa2: {  	_ =	swait.ge [sflag:s23], $0x1  }
0xa3: {  	[sflag:s23] =	ssyncset.done $0x0  }
0xa4: {  	s25 =	simm.s32 $0x1B8E;
	s24 =	sld [smem:$0x3FFE];
	[sflag:s23] =	ssyncadd.s32 $0xFFFFFFFF  }
0xa5: {  	s26 =	simm.s32 $execute0_lowered;
	[smem:$0x3FD2] =	sst s25  }
0xa6: {  	s4 =	sshll.u32 s26, $0x1;
	_ =	strace $0x80000046;
	[dreg:$0x1] =	wrdreg $0xFFFFFFFF  }
0xa7: {  	s28 =	simm.s32 $_size_execute0_lowered;
	s2 =	sadd.s32 s2, s4;
	[dreg:$0x0] =	wrdreg $0x0  }
0xa8: {  	s4 =	sshll.u32 s28, $0x1;
	[dreg:$0x2] =	wrdreg s2  }
0xa9: {  	[dreg:$0x3] =	wrdreg s4  }
0xaa: {  	[dreg:$0x4] =	wrdreg $0xC0  }
0xab: {  	_ =	task [dreg:s6], $0x5FFFF  }
0xac: {  	[dreg:$0x1] =	wrdreg $0xFFFFFFFF  }
0xad: {  	[dreg:$0x0] =	wrdreg $0x60  }
0xae: {  	[dreg:$0x2] =	wrdreg s24  }
0xaf: {  	[dreg:$0x3] =	wrdreg $0x142000  }
0xb0: {  	[dreg:$0x4] =	wrdreg $0x9  }
0xb1: {  	_ =	task.clear_ibuf [dreg:s6], $0x5FFFF;
	_ =	strace $0x90000046  }
0xb2: {  	s29 =	simm.s32 $0x9;
	_ =	strace $0x80000048  }
0xb3: {  	_ =	swait.ge [sflag:s29], $0x1  }
0xb4: {  	[sflag:s29] =	ssyncadd.s32 $0xFFFFFFFF  }
0xb5: {  	_ =	strace $0x90000048  }
0xb6: {  	_ =	sfence  }
0xb7: {  	s30 =	sld [smem:$0x0];
	_ =	sdelay $0x2  }
0xb8: {  	s31 =	sshll.u32 s1, $0xD;
	s1 =	sshrl.u32 s1, $0x2  }
0xb9: {  	s3 =	sand.u32 $0x4000, s31;
	s1 =	sadd.s32 s1, s30  }
0xba: {  	s0 =	sor.u32 s3, s0;
	s1 =	sshll.u32 s1, $0x11  }
0xbb: {  	s0 =	sor.u32 s1, s0  }
0xbc: {  	s0 =	sadd.s32 $0x8F2B, s0  }
0xbd: {  	[sflag:s0] =	ssyncadd.remote.s32 $0x1  }
0xbe: {  	_ =	sfence.sel $0xFFFF  }
0xbf: {  	[dreg:$0x0] =	wrdreg $0xFFFFFFFF;
	(pc) =	sbr.abs _section_cstart, $3  }
0xc0: {  	[dreg:$0x1] =	wrdreg $0xFFFFFFFF  }
0xc1: {  	_ =	task.clear_ibuf [dreg:s6], $0x2FFFF;
	_ =	strace $0x9FFFFFFF  }
0xc2: {  	(tm) =	ssettm $0x7FFFFFFF  }
0xc3: {  	_ =	shalt  }
tec
execute0_lowered:
.L_overlay_start_1:
0x0: {  	(tag) =	ssettag $0x1  }
0x1: {  	s0 =	rddreg [dreg:$0x0]  }
0x2: {  	s1 =	rddreg [dreg:$0x1];
	s2 =	simm.s32 $0x0  }
0x3: {  	s3 =	srdreg.scid;
	s8 =	stileid.u32;
	s20 =	simm.s32 $0x3  }
0x4: {  	s21 =	simm.s32 $0x80;
	s28 =	simm.s32 $0x8A00;
	s29 =	simm.s32 $0xCA00  }
0x5: {  	s30 =	simm.s32 $0x10A00;
	s31 =	simm.s32 $0x1;
	s22 =	simm.s32 $0x0  }
0x6: {  	s23 =	simm.s32 $0x0;
	[smem:$0x7FF] =	sst s2;
	s4 =	sadd.s32 $0xB2600, s0  }
0x7: {  	s5 =	sadd.s32 $0xBC600, s0;
	s6 =	sadd.s32 $0xC6600, s0;
	s3 =	sand.u32 $0x1, s3  }
0x8: {  	s7 =	sshll.u32 s8, $0x1;
	s13 =	smul.u32 $0x2800, s8;
	s9 =	sadd.s32 $0x12600, s0  }
0x9: {  	s10 =	sadd.s32 $0x116600, s0;
	_ =	strace $0x80000047;
	s11 =	ssub.s32 $0x2, s3  }
0xa: {  	v0 =	vimm.s32 $0xEFCDAB89;
	s12 =	sor.u32 s3, s7;
	s7 =	sadd.s32 $0xEE600, s0;
	p0 =	seq.s32 s3, $0x1  }
0xb: {  	v1 =	vimm.s32 $0x67452301;
	s3 =	simm.s32 $0x1B6600;
	s14 =	sshrl.u32 s11, $0x1;
	s8 =	smul.u32 $0x2800, s12  }
0xc: {  	v2 =	vimm.s32 $0xDCFE98BA;
	v3 =	vimm.s32 $0x54761032;
	v0 =	vunpack.c.l.s4.s8 v0;
	s16 =	smul.u32 $0x5000, s12;
	s3 =	simm.s32 @!p0 $0x6800;
	s25 =	sshrl.u32 s13, $0x3  }
0xd: {  	v1 =	vunpack.c.l.s4.s8 v1;
	v2 =	vunpack.c.l.s4.s8 v2;
	v3 =	vunpack.c.l.s4.s8 v3;
	s14 =	ssub.s32 s11, s14;
	s11 =	sadd.s32 s13, s1;
	s0 =	sadd.s32 s3, s0  }
0xe: {  	v0 =	vunpack.c.0.s8.s32 v0;
	s3 =	simm.s32 $0x2;
	s15 =	sshrl.u32 s8, $0x3;
	s24 =	sadd.s32 s9, s16  }
0xf: {  	v1 =	vunpack.c.0.s8.s32 v1;
	v2 =	vunpack.c.0.s8.s32 v2;
	v3 =	vunpack.c.0.s8.s32 v3;
	s16 =	sor.u32 $0x100, s8;
	s26 =	smax.u32 s14, $0x1;
	[dreg:$0x5] =	wrdreg s24  }
0x10: {  	s0 =	sadd.s32 s0, s25;
	s14 =	simm.s32 $0x11A00;
	[dreg:$0x6] =	wrdreg s26  }
0x11: {  	v1 =	vcombine.low v1, v0;
	s25 =	simm.s32 $0x8900;
	v2 =	vcombine.low v3, v2;
	v3 =	vlaneseq.u32;
	s17 =	sadd.s32 s4, s15;
	[dreg:$0x7] =	wrdreg s0  }
0x12: {  	vm0 =	vmmov $0xf;
	v0 =	vimm.f32 $0.0e+00;
	s15 =	sadd.s32 s5, s15;
	s26 =	simm.s32 $0x8980;
	v3 =	vand.u32 $0x3, v3;
	[dreg:$0x3] =	wrdreg s17  }
0x13: {  	s0 =	simm.s32 $0x11200;
	[dreg:$0x4] =	wrdreg s15;
	s15 =	smul.u32 $0x28000, s12;
	v1 =	vand.u32 $0xF, v1;
	v2 =	vand.u32 $0xF, v2;
	v3 =	vmul.u32 $0x4, v3  }
.LBB2_1:
0x14: {  	s12 =	simm.s32 $0x40;
	s13 =	simm.s32 $0x0  }
.LBB2_2:
0x15: {  	p0 =	sne.s32 s12, $0x9FC0;
	[tilespmem:s13+$0x11A00] =	vst v0;
	s13 =	smov.u32 s12;
	s12 =	sadd.s32 $0x40, s12  }
.Ltmp0:
0x16: {  	(pc) =	sbr.rel @p0 .LBB2_2-.Ltmp0, $2  }
0x17: {  	_ =	sdelay $0x2  }
0x18: {  	s13 =	sshra.s32 s13, $0x2  }
0x19: {  	[tilespmem:s13+$0x11A00] =	vst v0  }
0x1a: {  	[spmem:s11] =	stream.linear.scatter [tilespmem:s14], [sflag:$0x3], $0x2800, $0x38;
	[tilespmem:$0x16A00] =	vst v63  }
0x1b: {  	_ =	swait.ge [sflag:s20], $0x2800  }
0x1c: {  	[sflag:s20] =	ssyncset.done $0x0  }
0x1d: {  	[sflag:s20] =	ssyncadd.s32 $0xFFFFD800  }
0x1e: {  	[bflag:$0x0] =	sbarrier.arrive $0xFFFF  }
0x1f: {  	s12 =	rddreg [dreg:$0x3]  }
0x20: {  	[tilespmem:s23], [sflag:$0x3] =	stream.linear.gather [hbm4b:s12+s23], $0x80, $0x38;
	[tilespmem:$0x16A00] =	vst v63  }
0x21: {  	_ =	swait.ge [sflag:s20], $0x80  }
0x22: {  	[sflag:s20] =	ssyncset.done $0x0  }
0x23: {  	s14 =	rddreg [dreg:$0x4];
	[sflag:s20] =	ssyncadd.s32 $0xFFFFFF80  }
0x24: {  	[tilespmem:s21], [sflag:$0x3] =	stream.linear.gather [hbm4b:s14+s23], $0x80, $0x38;
	[tilespmem:$0x16A00] =	vst v63  }
0x25: {  	_ =	swait.ge [sflag:s20], $0x80  }
0x26: {  	[sflag:s20] =	ssyncset.done $0x0  }
0x27: {  	s17 =	simm.s32 $0x100;
	[sflag:s20] =	ssyncadd.s32 $0xFFFFFF80  }
0x28: {  	[tilespmem:s17], [sflag:$0x1] =	stream.indirect.gather [hbm4b:s6+s21], $0x80, s23, s21, $0xb8;
	[tilespmem:$0x16A00] =	vst v63  }
0x29: {  	s18 =	simm.s32 $0x4100  }
0x2a: {  	[tilespmem:s18], [sflag:$0x1] =	stream.indirect.gather [hbm4b:s7+s21], $0x80, s21, s21, $0xb8;
	[tilespmem:$0x16A00] =	vst v63  }
0x2b: {  	s24 =	simm.s32 $0x8100;
	s19 =	rddreg [dreg:$0x5]  }
0x2c: {  	[tilespmem:s24], [sflag:$0x1] =	stream.linear.gather [hbm4b:s19+s23], $0x800, $0x38;
	[tilespmem:$0x16A00] =	vst v63  }
0x2d: {  	s24 =	simm.s32 $0x0  }
.LBB2_4:
0x2e: {  	s13 =	sshll.u32 s24, $0x8  }
0x2f: {  	s12 =	sadd.s32 s13, s8  }
0x30: {  	s12 =	sadd.s32 $0x80, s12  }
0x31: {  	s14 =	sshrl.u32 s12, $0x3  }
0x32: {  	s17 =	sadd.s32 s4, s14  }
0x33: {  	[tilespmem:s25], [sflag:$0x3] =	stream.linear.gather [hbm4b:s17+s23], $0x80, $0x38;
	[tilespmem:$0x16A00] =	vst v63  }
0x34: {  	_ =	swait.ge [sflag:s20], $0x80  }
0x35: {  	[sflag:s20] =	ssyncset.done $0x0  }
0x36: {  	s14 =	sadd.s32 s5, s14;
	[sflag:s20] =	ssyncadd.s32 $0xFFFFFF80  }
0x37: {  	[tilespmem:s26], [sflag:$0x3] =	stream.linear.gather [hbm4b:s14+s23], $0x80, $0x38;
	[tilespmem:$0x16A00] =	vst v63  }
0x38: {  	_ =	swait.ge [sflag:s20], $0x80  }
0x39: {  	[sflag:s20] =	ssyncset.done $0x0  }
0x3a: {  	s12 =	sshll.u32 s12, $0x1;
	[sflag:s20] =	ssyncadd.s32 $0xFFFFFF80  }
0x3b: {  	[tilespmem:s28], [sflag:$0x2] =	stream.indirect.gather [hbm4b:s6+s21], $0x80, s25, s21, $0xb8;
	[tilespmem:$0x16A00] =	vst v63  }
0x3c: {  	s12 =	sand.u32 $0x1FFFFF00, s12  }
0x3d: {  	[tilespmem:s29], [sflag:$0x2] =	stream.indirect.gather [hbm4b:s7+s21], $0x80, s26, s21, $0xb8;
	[tilespmem:$0x16A00] =	vst v63  }
0x3e: {  	s19 =	sadd.s32 s9, s12  }
0x3f: {  	[tilespmem:s30], [sflag:$0x2] =	stream.linear.gather [hbm4b:s19+s23], $0x800, $0x38;
	[tilespmem:$0x16A00] =	vst v63  }
0x40: {  	_ =	swait.ge [sflag:s31], $0x4000  }
0x41: {  	[sflag:s31] =	ssyncset.done $0x0  }
0x42: {  	[sflag:s31] =	ssyncadd.s32 $0xFFFFC000  }
0x43: {  	_ =	swait.ge [sflag:s31], $0x4000  }
0x44: {  	[sflag:s31] =	ssyncset.done $0x0  }
0x45: {  	[sflag:s31] =	ssyncadd.s32 $0xFFFFC000  }
0x46: {  	_ =	swait.ge [sflag:s31], $0x800  }
0x47: {  	s18 =	simm.s32 $0x0;
	[sflag:s31] =	ssyncset.done $0x0  }
0x48: {  	s17 =	simm.s32 $0x4200;
	s14 =	simm.s32 $0x200;
	[sflag:s31] =	ssyncadd.s32 $0xFFFFF800  }
.LBB2_5:
0x49: {  	v4 =	vld [tilespmem:s14+$0xFFFFFF00]  }
0x4a: {  	v5 =	vld [tilespmem:s17+$0xFFFFFF00]  }
0x4b: {  	v6 =	vld [tilespmem:s14+$0xFFFFFF10]  }
0x4c: {  	v7 =	vld [tilespmem:s17+$0xFFFFFF10]  }
0x4d: {  	v8 =	vld [tilespmem:s14+$0xFFFFFF20]  }
0x4e: {  	v9 =	vld [tilespmem:s17+$0xFFFFFF20]  }
0x4f: {  	v10 =	vld [tilespmem:s14+$0xFFFFFF30]  }
0x50: {  	v11 =	vld [tilespmem:s17+$0xFFFFFF30]  }
0x51: {  	v14 =	vld [tilespmem:s14+$0xFFFFFF40];
	v4 =	vmul.f32 v5, v4;
	v5 =	vmul.f32 v7, v6  }
0x52: {  	v15 =	vld [tilespmem:s17+$0xFFFFFF40]  }
0x53: {  	v16 =	vld [tilespmem:s14+$0xFFFFFF50];
	v4 =	vadd.f32 v5, v4;
	v5 =	vmul.f32 v9, v8  }
0x54: {  	v17 =	vld [tilespmem:s17+$0xFFFFFF50]  }
0x55: {  	v18 =	vld [tilespmem:s14+$0xFFFFFF60];
	v4 =	vadd.f32 v5, v4;
	v5 =	vmul.f32 v11, v10  }
0x56: {  	v19 =	vld [tilespmem:s17+$0xFFFFFF60]  }
0x57: {  	v20 =	vld [tilespmem:s14+$0xFFFFFF70];
	v4 =	vadd.f32 v5, v4;
	v5 =	vmul.f32 v15, v14  }
0x58: {  	v21 =	vld [tilespmem:s17+$0xFFFFFF70]  }
0x59: {  	v4 =	vadd.f32 v5, v4;
	v5 =	vmul.f32 v17, v16;
	_ =	sdelay $0x1  }
0x5a: {  	v4 =	vadd.f32 v5, v4;
	v5 =	vmul.f32 v19, v18;
	_ =	sdelay $0x1  }
0x5b: {  	v4 =	vadd.f32 v5, v4;
	v5 =	vmul.f32 v21, v20;
	_ =	sdelay $0x1  }
0x5c: {  	v4 =	vadd.f32 v5, v4;
	_ =	sdelay $0x1  }
0x5d: {  	v5 =	vperm.xlane v4, v1;
	_ =	sdelay $0x1  }
0x5e: {  	v4 =	vadd.f32 v4, v5;
	_ =	sdelay $0x1  }
0x5f: {  	v5 =	vperm.xlane v4, v2;
	_ =	sdelay $0x1  }
0x60: {  	s19 =	sshra.s32 s18, $0x2;
	v4 =	vadd.f32 v4, v5  }
0x61: {  	v5 =	vld [tilespmem:s19+$0x8100]  }
0x62: {  	v4 =	vperm.xlane v4, v3;
	_ =	sdelay $0x1  }
0x63: {  	v4 =	vmul.f32 $1.767766920e-01, v4;
	_ =	sdelay $0x1  }
0x64: {  	v4 =	vadd.f32 v5, v4;
	_ =	sdelay $0x1  }
0x65: {  	v4 =	vmul.f32 $1.442695020e+00, v4;
	_ =	sdelay $0x1  }
0x66: {  	(erf) = vpow2.f32 v4;
	_ =	sdelay $0x8  }
0x67: {  	v4 =	vpop (erf)  }
0x68: {  	v4 =	vnsel vm0, $0x0, v4  }
0x69: {  	[tilespmem:s19+$0x11200] =	vst v4  }
0x6a: {  	v4 =	vld [tilespmem:s14+$0xFFFFFF80]  }
0x6b: {  	v5 =	vld [tilespmem:s17+$0xFFFFFF80]  }
0x6c: {  	v22 =	vld [tilespmem:s14+$0xFFFFFF90]  }
0x6d: {  	v23 =	vld [tilespmem:s17+$0xFFFFFF90]  }
0x6e: {  	v24 =	vld [tilespmem:s14+$0xFFFFFFA0]  }
0x6f: {  	v25 =	vld [tilespmem:s17+$0xFFFFFFA0]  }
0x70: {  	v26 =	vld [tilespmem:s14+$0xFFFFFFB0]  }
0x71: {  	v27 =	vld [tilespmem:s17+$0xFFFFFFB0]  }
0x72: {  	v28 =	vld [tilespmem:s14+$0xFFFFFFC0];
	v4 =	vmul.f32 v5, v4;
	v5 =	vmul.f32 v23, v22  }
0x73: {  	v29 =	vld [tilespmem:s17+$0xFFFFFFC0]  }
0x74: {  	v30 =	vld [tilespmem:s14+$0xFFFFFFD0];
	v4 =	vadd.f32 v5, v4;
	v5 =	vmul.f32 v25, v24  }
0x75: {  	v31 =	vld [tilespmem:s17+$0xFFFFFFD0]  }
0x76: {  	v32 =	vld [tilespmem:s14+$0xFFFFFFE0];
	v4 =	vadd.f32 v5, v4;
	v5 =	vmul.f32 v27, v26  }
0x77: {  	v33 =	vld [tilespmem:s17+$0xFFFFFFE0]  }
0x78: {  	v34 =	vld [tilespmem:s14+$0xFFFFFFF0];
	v4 =	vadd.f32 v5, v4;
	v5 =	vmul.f32 v29, v28  }
0x79: {  	v35 =	vld [tilespmem:s17+$0xFFFFFFF0]  }
0x7a: {  	v4 =	vadd.f32 v5, v4;
	v5 =	vmul.f32 v31, v30;
	_ =	sdelay $0x1  }
0x7b: {  	v4 =	vadd.f32 v5, v4;
	v5 =	vmul.f32 v33, v32;
	_ =	sdelay $0x1  }
0x7c: {  	v4 =	vadd.f32 v5, v4;
	v5 =	vmul.f32 v35, v34;
	_ =	sdelay $0x1  }
0x7d: {  	v4 =	vadd.f32 v5, v4;
	_ =	sdelay $0x1  }
0x7e: {  	v5 =	vperm.xlane v4, v1;
	_ =	sdelay $0x1  }
0x7f: {  	v4 =	vadd.f32 v4, v5;
	_ =	sdelay $0x1  }
0x80: {  	v5 =	vperm.xlane v4, v2;
	_ =	sdelay $0x1  }
0x81: {  	v4 =	vadd.f32 v4, v5  }
0x82: {  	v5 =	vld [tilespmem:s19+$0x8110]  }
0x83: {  	v4 =	vperm.xlane v4, v3;
	_ =	sdelay $0x1  }
0x84: {  	v4 =	vmul.f32 $1.767766920e-01, v4;
	_ =	sdelay $0x1  }
0x85: {  	v4 =	vadd.f32 v5, v4;
	_ =	sdelay $0x1  }
0x86: {  	v4 =	vmul.f32 $1.442695020e+00, v4;
	_ =	sdelay $0x1  }
0x87: {  	(erf) = vpow2.f32 v4;
	_ =	sdelay $0x8  }
0x88: {  	v4 =	vpop (erf)  }
0x89: {  	v4 =	vnsel vm0, $0x0, v4  }
0x8a: {  	[tilespmem:s19+$0x11210] =	vst v4  }
0x8b: {  	v4 =	vld [tilespmem:s14+$0x0]  }
0x8c: {  	v5 =	vld [tilespmem:s17+$0x0]  }
0x8d: {  	v36 =	vld [tilespmem:s14+$0x10]  }
0x8e: {  	v37 =	vld [tilespmem:s17+$0x10]  }
0x8f: {  	v38 =	vld [tilespmem:s14+$0x20]  }
0x90: {  	v39 =	vld [tilespmem:s17+$0x20]  }
0x91: {  	v40 =	vld [tilespmem:s14+$0x30]  }
0x92: {  	v41 =	vld [tilespmem:s17+$0x30]  }
0x93: {  	v42 =	vld [tilespmem:s14+$0x40];
	v4 =	vmul.f32 v5, v4;
	v5 =	vmul.f32 v37, v36  }
0x94: {  	v43 =	vld [tilespmem:s17+$0x40]  }
0x95: {  	v44 =	vld [tilespmem:s14+$0x50];
	v4 =	vadd.f32 v5, v4;
	v5 =	vmul.f32 v39, v38  }
0x96: {  	v45 =	vld [tilespmem:s17+$0x50]  }
0x97: {  	v46 =	vld [tilespmem:s14+$0x60];
	v4 =	vadd.f32 v5, v4;
	v5 =	vmul.f32 v41, v40  }
0x98: {  	v47 =	vld [tilespmem:s17+$0x60]  }
0x99: {  	v48 =	vld [tilespmem:s14+$0x70];
	v4 =	vadd.f32 v5, v4;
	v5 =	vmul.f32 v43, v42  }
0x9a: {  	v49 =	vld [tilespmem:s17+$0x70]  }
0x9b: {  	v4 =	vadd.f32 v5, v4;
	v5 =	vmul.f32 v45, v44;
	_ =	sdelay $0x1  }
0x9c: {  	v4 =	vadd.f32 v5, v4;
	v5 =	vmul.f32 v47, v46;
	_ =	sdelay $0x1  }
0x9d: {  	v4 =	vadd.f32 v5, v4;
	v5 =	vmul.f32 v49, v48;
	_ =	sdelay $0x1  }
0x9e: {  	v4 =	vadd.f32 v5, v4;
	_ =	sdelay $0x1  }
0x9f: {  	v5 =	vperm.xlane v4, v1;
	_ =	sdelay $0x1  }
0xa0: {  	v4 =	vadd.f32 v4, v5;
	_ =	sdelay $0x1  }
0xa1: {  	v5 =	vperm.xlane v4, v2;
	_ =	sdelay $0x1  }
0xa2: {  	v4 =	vadd.f32 v4, v5  }
0xa3: {  	v5 =	vld [tilespmem:s19+$0x8120]  }
0xa4: {  	v4 =	vperm.xlane v4, v3;
	_ =	sdelay $0x1  }
0xa5: {  	v4 =	vmul.f32 $1.767766920e-01, v4;
	_ =	sdelay $0x1  }
0xa6: {  	v4 =	vadd.f32 v5, v4;
	_ =	sdelay $0x1  }
0xa7: {  	v4 =	vmul.f32 $1.442695020e+00, v4;
	_ =	sdelay $0x1  }
0xa8: {  	(erf) = vpow2.f32 v4;
	_ =	sdelay $0x8  }
0xa9: {  	v4 =	vpop (erf)  }
0xaa: {  	v4 =	vnsel vm0, $0x0, v4  }
0xab: {  	[tilespmem:s19+$0x11220] =	vst v4  }
0xac: {  	v4 =	vld [tilespmem:s14+$0x80]  }
0xad: {  	v5 =	vld [tilespmem:s17+$0x80]  }
0xae: {  	v50 =	vld [tilespmem:s14+$0x90]  }
0xaf: {  	v51 =	vld [tilespmem:s17+$0x90]  }
0xb0: {  	v52 =	vld [tilespmem:s14+$0xA0]  }
0xb1: {  	v53 =	vld [tilespmem:s17+$0xA0]  }
0xb2: {  	v54 =	vld [tilespmem:s14+$0xB0]  }
0xb3: {  	v55 =	vld [tilespmem:s17+$0xB0]  }
0xb4: {  	v56 =	vld [tilespmem:s14+$0xC0];
	v4 =	vmul.f32 v5, v4;
	v5 =	vmul.f32 v51, v50  }
0xb5: {  	v57 =	vld [tilespmem:s17+$0xC0]  }
0xb6: {  	v58 =	vld [tilespmem:s14+$0xD0];
	v4 =	vadd.f32 v5, v4;
	v5 =	vmul.f32 v53, v52  }
0xb7: {  	v59 =	vld [tilespmem:s17+$0xD0]  }
0xb8: {  	v60 =	vld [tilespmem:s14+$0xE0];
	v4 =	vadd.f32 v5, v4;
	v5 =	vmul.f32 v55, v54  }
0xb9: {  	v61 =	vld [tilespmem:s17+$0xE0]  }
0xba: {  	v62 =	vld [tilespmem:s14+$0xF0];
	v4 =	vadd.f32 v5, v4;
	v5 =	vmul.f32 v57, v56  }
0xbb: {  	v63 =	vld [tilespmem:s17+$0xF0]  }
0xbc: {  	v4 =	vadd.f32 v5, v4;
	v5 =	vmul.f32 v59, v58;
	_ =	sdelay $0x1  }
0xbd: {  	v4 =	vadd.f32 v5, v4;
	v5 =	vmul.f32 v61, v60;
	_ =	sdelay $0x1  }
0xbe: {  	v4 =	vadd.f32 v5, v4;
	v5 =	vmul.f32 v63, v62;
	_ =	sdelay $0x1  }
0xbf: {  	v4 =	vadd.f32 v5, v4;
	_ =	sdelay $0x1  }
0xc0: {  	v5 =	vperm.xlane v4, v1;
	_ =	sdelay $0x1  }
0xc1: {  	v4 =	vadd.f32 v4, v5;
	_ =	sdelay $0x1  }
0xc2: {  	v5 =	vperm.xlane v4, v2;
	_ =	sdelay $0x1  }
0xc3: {  	v4 =	vadd.f32 v4, v5  }
0xc4: {  	v5 =	vld [tilespmem:s19+$0x8130]  }
0xc5: {  	v4 =	vperm.xlane v4, v3;
	_ =	sdelay $0x1  }
0xc6: {  	v4 =	vmul.f32 $1.767766920e-01, v4;
	_ =	sdelay $0x1  }
0xc7: {  	v4 =	vadd.f32 v5, v4;
	_ =	sdelay $0x1  }
0xc8: {  	v4 =	vmul.f32 $1.442695020e+00, v4;
	_ =	sdelay $0x1  }
0xc9: {  	(erf) = vpow2.f32 v4;
	_ =	sdelay $0x5  }
0xca: {  	p0 =	sne.s32 s18, $0x1F00  }
.Ltmp1:
0xcb: {  	_ = 	snop;
	(pc) =	sbr.rel @p0 .LBB2_5-.Ltmp1, $4  }
0xcc: {  	_ = 	snop  }
0xcd: {  	v4 =	vpop (erf)  }
0xce: {  	v4 =	vnsel vm0, $0x0, v4  }
0xcf: {  	s18 =	sadd.s32 $0x100, s18;
	s14 =	sadd.s32 $0x200, s14;
	s17 =	sadd.s32 $0x200, s17;
	[tilespmem:s19+$0x11230] =	vst v4  }
0xd0: {  	s14 =	sshll.u32 s24, $0xC  }
0xd1: {  	s14 =	sadd.s32 s15, s14  }
0xd2: {  	s14 =	sshrl.u32 s14, $0x3  }
0xd3: {  	s14 =	sadd.s32 s10, s14  }
0xd4: {  	[hbm4b:s14+s2] =	stream.linear.scatter [tilespmem:s0], [sflag:$0x3], $0x800, $0x38;
	[tilespmem:$0x16A00] =	vst v63  }
0xd5: {  	_ =	swait.ge [sflag:s20], $0x800  }
0xd6: {  	[sflag:s20] =	ssyncset.done $0x0  }
0xd7: {  	p0 =	seq.s32 s24, $0x27;
	[sflag:s20] =	ssyncadd.s32 $0xFFFFF800  }
0xd8: {  	[spmem:s1] =	stream.indirect.scatter.add.f32 [tilespmem:s0], [sflag:$0x3], $0x10, s2, s21, $0xb8;
	[tilespmem:$0x16A00] =	vst v63  }
0xd9: {  	s13 =	sadd.s32 @!p0 s13, s16;
	_ =	swait.ge [sflag:s20], $0x800  }
0xda: {  	s14 =	sshrl.u32 @!p0 s13, $0x3;
	[sflag:s20] =	ssyncset.done $0x0  }
0xdb: {  	s18 =	simm.s32 @!p0 $0x0;
	s17 =	sadd.s32 @!p0 s4, s14;
	[sflag:s20] =	ssyncadd.s32 $0xFFFFF800  }
0xdc: {  	[tilespmem:s18], [sflag:$0x3] =	stream.linear.gather @!p0 [hbm4b:s17+s18], $0x80, $0x38;
	[tilespmem:$0x16A00] =	vst v63  }
0xdd: {  	s17 =	simm.s32 @!p0 $0x3  }
0xde: {  	_ =	swait.ge @!p0 [sflag:s17], $0x80  }
0xdf: {  	[sflag:s17] =	ssyncset.done @!p0 $0x0  }
0xe0: {  	s19 =	simm.s32 @!p0 $0x80;
	s14 =	sadd.s32 @!p0 s5, s14;
	[sflag:s17] =	ssyncadd.s32 @!p0 $0xFFFFFF80  }
0xe1: {  	[tilespmem:s19], [sflag:$0x3] =	stream.linear.gather @!p0 [hbm4b:s14+s18], $0x80, $0x38;
	[tilespmem:$0x16A00] =	vst v63  }
0xe2: {  	_ =	swait.ge @!p0 [sflag:s17], $0x80  }
0xe3: {  	[sflag:s17] =	ssyncset.done @!p0 $0x0  }
0xe4: {  	s13 =	sshll.u32 @!p0 s13, $0x1;
	s14 =	simm.s32 @!p0 $0x100;
	[sflag:s17] =	ssyncadd.s32 @!p0 $0xFFFFFF80  }
0xe5: {  	[tilespmem:s14], [sflag:$0x1] =	stream.indirect.gather @!p0 [hbm4b:s6+s19], $0x80, s18, s19, $0xb8;
	[tilespmem:$0x16A00] =	vst v63  }
0xe6: {  	s13 =	sand.u32 @!p0 $0x1FFFFE00, s13;
	s14 =	simm.s32 @!p0 $0x4100  }
0xe7: {  	[tilespmem:s14], [sflag:$0x1] =	stream.indirect.gather @!p0 [hbm4b:s7+s19], $0x80, s19, s19, $0xb8;
	[tilespmem:$0x16A00] =	vst v63  }
0xe8: {  	s13 =	sadd.s32 @!p0 s9, s13;
	s14 =	simm.s32 @!p0 $0x8100  }
0xe9: {  	[tilespmem:s14], [sflag:$0x1] =	stream.linear.gather @!p0 [hbm4b:s13+s18], $0x800, $0x38;
	[tilespmem:$0x16A00] =	vst v63  }
0xea: {  	_ =	swait.ge [sflag:s3], $0x4000  }
0xeb: {  	[sflag:s3] =	ssyncset.done $0x0  }
0xec: {  	[sflag:s3] =	ssyncadd.s32 $0xFFFFC000  }
0xed: {  	_ =	swait.ge [sflag:s3], $0x4000  }
0xee: {  	[sflag:s3] =	ssyncset.done $0x0  }
0xef: {  	[sflag:s3] =	ssyncadd.s32 $0xFFFFC000  }
0xf0: {  	_ =	swait.ge [sflag:s3], $0x800  }
0xf1: {  	s17 =	simm.s32 $0xCB00;
	[sflag:s3] =	ssyncset.done $0x0  }
0xf2: {  	s13 =	simm.s32 $0x0;
	s14 =	simm.s32 $0x8B00;
	[sflag:s3] =	ssyncadd.s32 $0xFFFFF800  }
.LBB2_7:
0xf3: {  	v4 =	vld [tilespmem:s14+$0xFFFFFF00]  }
0xf4: {  	v5 =	vld [tilespmem:s17+$0xFFFFFF00]  }
0xf5: {  	v6 =	vld [tilespmem:s14+$0xFFFFFF10]  }
0xf6: {  	v7 =	vld [tilespmem:s17+$0xFFFFFF10]  }
0xf7: {  	v8 =	vld [tilespmem:s14+$0xFFFFFF20]  }
0xf8: {  	v9 =	vld [tilespmem:s17+$0xFFFFFF20]  }
0xf9: {  	v10 =	vld [tilespmem:s14+$0xFFFFFF30]  }
0xfa: {  	v11 =	vld [tilespmem:s17+$0xFFFFFF30]  }
0xfb: {  	v14 =	vld [tilespmem:s14+$0xFFFFFF40];
	v4 =	vmul.f32 v5, v4;
	v5 =	vmul.f32 v7, v6  }
0xfc: {  	v15 =	vld [tilespmem:s17+$0xFFFFFF40]  }
0xfd: {  	v16 =	vld [tilespmem:s14+$0xFFFFFF50];
	v4 =	vadd.f32 v5, v4;
	v5 =	vmul.f32 v9, v8  }
0xfe: {  	v17 =	vld [tilespmem:s17+$0xFFFFFF50]  }
0xff: {  	v18 =	vld [tilespmem:s14+$0xFFFFFF60];
	v4 =	vadd.f32 v5, v4;
	v5 =	vmul.f32 v11, v10  }
0x100: {  	v19 =	vld [tilespmem:s17+$0xFFFFFF60]  }
0x101: {  	v20 =	vld [tilespmem:s14+$0xFFFFFF70];
	v4 =	vadd.f32 v5, v4;
	v5 =	vmul.f32 v15, v14  }
0x102: {  	v21 =	vld [tilespmem:s17+$0xFFFFFF70]  }
0x103: {  	v4 =	vadd.f32 v5, v4;
	v5 =	vmul.f32 v17, v16;
	_ =	sdelay $0x1  }
0x104: {  	v4 =	vadd.f32 v5, v4;
	v5 =	vmul.f32 v19, v18;
	_ =	sdelay $0x1  }
0x105: {  	v4 =	vadd.f32 v5, v4;
	v5 =	vmul.f32 v21, v20;
	_ =	sdelay $0x1  }
0x106: {  	v4 =	vadd.f32 v5, v4;
	_ =	sdelay $0x1  }
0x107: {  	v5 =	vperm.xlane v4, v1;
	_ =	sdelay $0x1  }
0x108: {  	v4 =	vadd.f32 v4, v5;
	_ =	sdelay $0x1  }
0x109: {  	v5 =	vperm.xlane v4, v2;
	_ =	sdelay $0x1  }
0x10a: {  	s18 =	sshra.s32 s13, $0x2;
	v4 =	vadd.f32 v4, v5  }
0x10b: {  	v5 =	vld [tilespmem:s18+$0x10A00]  }
0x10c: {  	v4 =	vperm.xlane v4, v3;
	_ =	sdelay $0x1  }
0x10d: {  	v4 =	vmul.f32 $1.767766920e-01, v4;
	_ =	sdelay $0x1  }
0x10e: {  	v4 =	vadd.f32 v5, v4;
	_ =	sdelay $0x1  }
0x10f: {  	v4 =	vmul.f32 $1.442695020e+00, v4;
	_ =	sdelay $0x1  }
0x110: {  	(erf) = vpow2.f32 v4;
	_ =	sdelay $0x8  }
0x111: {  	v4 =	vpop (erf)  }
0x112: {  	v4 =	vnsel vm0, $0x0, v4  }
0x113: {  	[tilespmem:s18+$0x11200] =	vst v4  }
0x114: {  	v4 =	vld [tilespmem:s14+$0xFFFFFF80]  }
0x115: {  	v5 =	vld [tilespmem:s17+$0xFFFFFF80]  }
0x116: {  	v22 =	vld [tilespmem:s14+$0xFFFFFF90]  }
0x117: {  	v23 =	vld [tilespmem:s17+$0xFFFFFF90]  }
0x118: {  	v24 =	vld [tilespmem:s14+$0xFFFFFFA0]  }
0x119: {  	v25 =	vld [tilespmem:s17+$0xFFFFFFA0]  }
0x11a: {  	v26 =	vld [tilespmem:s14+$0xFFFFFFB0]  }
0x11b: {  	v27 =	vld [tilespmem:s17+$0xFFFFFFB0]  }
0x11c: {  	v28 =	vld [tilespmem:s14+$0xFFFFFFC0];
	v4 =	vmul.f32 v5, v4;
	v5 =	vmul.f32 v23, v22  }
0x11d: {  	v29 =	vld [tilespmem:s17+$0xFFFFFFC0]  }
0x11e: {  	v30 =	vld [tilespmem:s14+$0xFFFFFFD0];
	v4 =	vadd.f32 v5, v4;
	v5 =	vmul.f32 v25, v24  }
0x11f: {  	v31 =	vld [tilespmem:s17+$0xFFFFFFD0]  }
0x120: {  	v32 =	vld [tilespmem:s14+$0xFFFFFFE0];
	v4 =	vadd.f32 v5, v4;
	v5 =	vmul.f32 v27, v26  }
0x121: {  	v33 =	vld [tilespmem:s17+$0xFFFFFFE0]  }
0x122: {  	v34 =	vld [tilespmem:s14+$0xFFFFFFF0];
	v4 =	vadd.f32 v5, v4;
	v5 =	vmul.f32 v29, v28  }
0x123: {  	v35 =	vld [tilespmem:s17+$0xFFFFFFF0]  }
0x124: {  	v4 =	vadd.f32 v5, v4;
	v5 =	vmul.f32 v31, v30;
	_ =	sdelay $0x1  }
0x125: {  	v4 =	vadd.f32 v5, v4;
	v5 =	vmul.f32 v33, v32;
	_ =	sdelay $0x1  }
0x126: {  	v4 =	vadd.f32 v5, v4;
	v5 =	vmul.f32 v35, v34;
	_ =	sdelay $0x1  }
0x127: {  	v4 =	vadd.f32 v5, v4;
	_ =	sdelay $0x1  }
0x128: {  	v5 =	vperm.xlane v4, v1;
	_ =	sdelay $0x1  }
0x129: {  	v4 =	vadd.f32 v4, v5;
	_ =	sdelay $0x1  }
0x12a: {  	v5 =	vperm.xlane v4, v2;
	_ =	sdelay $0x1  }
0x12b: {  	v4 =	vadd.f32 v4, v5  }
0x12c: {  	v5 =	vld [tilespmem:s18+$0x10A10]  }
0x12d: {  	v4 =	vperm.xlane v4, v3;
	_ =	sdelay $0x1  }
0x12e: {  	v4 =	vmul.f32 $1.767766920e-01, v4;
	_ =	sdelay $0x1  }
0x12f: {  	v4 =	vadd.f32 v5, v4;
	_ =	sdelay $0x1  }
0x130: {  	v4 =	vmul.f32 $1.442695020e+00, v4;
	_ =	sdelay $0x1  }
0x131: {  	(erf) = vpow2.f32 v4;
	_ =	sdelay $0x8  }
0x132: {  	v4 =	vpop (erf)  }
0x133: {  	v4 =	vnsel vm0, $0x0, v4  }
0x134: {  	[tilespmem:s18+$0x11210] =	vst v4  }
0x135: {  	v4 =	vld [tilespmem:s14+$0x0]  }
0x136: {  	v5 =	vld [tilespmem:s17+$0x0]  }
0x137: {  	v36 =	vld [tilespmem:s14+$0x10]  }
0x138: {  	v37 =	vld [tilespmem:s17+$0x10]  }
0x139: {  	v38 =	vld [tilespmem:s14+$0x20]  }
0x13a: {  	v39 =	vld [tilespmem:s17+$0x20]  }
0x13b: {  	v40 =	vld [tilespmem:s14+$0x30]  }
0x13c: {  	v41 =	vld [tilespmem:s17+$0x30]  }
0x13d: {  	v42 =	vld [tilespmem:s14+$0x40];
	v4 =	vmul.f32 v5, v4;
	v5 =	vmul.f32 v37, v36  }
0x13e: {  	v43 =	vld [tilespmem:s17+$0x40]  }
0x13f: {  	v44 =	vld [tilespmem:s14+$0x50];
	v4 =	vadd.f32 v5, v4;
	v5 =	vmul.f32 v39, v38  }
0x140: {  	v45 =	vld [tilespmem:s17+$0x50]  }
0x141: {  	v46 =	vld [tilespmem:s14+$0x60];
	v4 =	vadd.f32 v5, v4;
	v5 =	vmul.f32 v41, v40  }
0x142: {  	v47 =	vld [tilespmem:s17+$0x60]  }
0x143: {  	v48 =	vld [tilespmem:s14+$0x70];
	v4 =	vadd.f32 v5, v4;
	v5 =	vmul.f32 v43, v42  }
0x144: {  	v49 =	vld [tilespmem:s17+$0x70]  }
0x145: {  	v4 =	vadd.f32 v5, v4;
	v5 =	vmul.f32 v45, v44;
	_ =	sdelay $0x1  }
0x146: {  	v4 =	vadd.f32 v5, v4;
	v5 =	vmul.f32 v47, v46;
	_ =	sdelay $0x1  }
0x147: {  	v4 =	vadd.f32 v5, v4;
	v5 =	vmul.f32 v49, v48;
	_ =	sdelay $0x1  }
0x148: {  	v4 =	vadd.f32 v5, v4;
	_ =	sdelay $0x1  }
0x149: {  	v5 =	vperm.xlane v4, v1;
	_ =	sdelay $0x1  }
0x14a: {  	v4 =	vadd.f32 v4, v5;
	_ =	sdelay $0x1  }
0x14b: {  	v5 =	vperm.xlane v4, v2;
	_ =	sdelay $0x1  }
0x14c: {  	v4 =	vadd.f32 v4, v5  }
0x14d: {  	v5 =	vld [tilespmem:s18+$0x10A20]  }
0x14e: {  	v4 =	vperm.xlane v4, v3;
	_ =	sdelay $0x1  }
0x14f: {  	v4 =	vmul.f32 $1.767766920e-01, v4;
	_ =	sdelay $0x1  }
0x150: {  	v4 =	vadd.f32 v5, v4;
	_ =	sdelay $0x1  }
0x151: {  	v4 =	vmul.f32 $1.442695020e+00, v4;
	_ =	sdelay $0x1  }
0x152: {  	(erf) = vpow2.f32 v4;
	_ =	sdelay $0x8  }
0x153: {  	v4 =	vpop (erf)  }
0x154: {  	v4 =	vnsel vm0, $0x0, v4  }
0x155: {  	[tilespmem:s18+$0x11220] =	vst v4  }
0x156: {  	v4 =	vld [tilespmem:s14+$0x80]  }
0x157: {  	v5 =	vld [tilespmem:s17+$0x80]  }
0x158: {  	v50 =	vld [tilespmem:s14+$0x90]  }
0x159: {  	v51 =	vld [tilespmem:s17+$0x90]  }
0x15a: {  	v52 =	vld [tilespmem:s14+$0xA0]  }
0x15b: {  	v53 =	vld [tilespmem:s17+$0xA0]  }
0x15c: {  	v54 =	vld [tilespmem:s14+$0xB0]  }
0x15d: {  	v55 =	vld [tilespmem:s17+$0xB0]  }
0x15e: {  	v56 =	vld [tilespmem:s14+$0xC0];
	v4 =	vmul.f32 v5, v4;
	v5 =	vmul.f32 v51, v50  }
0x15f: {  	v57 =	vld [tilespmem:s17+$0xC0]  }
0x160: {  	v58 =	vld [tilespmem:s14+$0xD0];
	v4 =	vadd.f32 v5, v4;
	v5 =	vmul.f32 v53, v52  }
0x161: {  	v59 =	vld [tilespmem:s17+$0xD0]  }
0x162: {  	v60 =	vld [tilespmem:s14+$0xE0];
	v4 =	vadd.f32 v5, v4;
	v5 =	vmul.f32 v55, v54  }
0x163: {  	v61 =	vld [tilespmem:s17+$0xE0]  }
0x164: {  	v62 =	vld [tilespmem:s14+$0xF0];
	v4 =	vadd.f32 v5, v4;
	v5 =	vmul.f32 v57, v56  }
0x165: {  	v63 =	vld [tilespmem:s17+$0xF0]  }
0x166: {  	v4 =	vadd.f32 v5, v4;
	v5 =	vmul.f32 v59, v58;
	_ =	sdelay $0x1  }
0x167: {  	v4 =	vadd.f32 v5, v4;
	v5 =	vmul.f32 v61, v60;
	_ =	sdelay $0x1  }
0x168: {  	v4 =	vadd.f32 v5, v4;
	v5 =	vmul.f32 v63, v62;
	_ =	sdelay $0x1  }
0x169: {  	v4 =	vadd.f32 v5, v4;
	_ =	sdelay $0x1  }
0x16a: {  	v5 =	vperm.xlane v4, v1;
	_ =	sdelay $0x1  }
0x16b: {  	v4 =	vadd.f32 v4, v5;
	_ =	sdelay $0x1  }
0x16c: {  	v5 =	vperm.xlane v4, v2;
	_ =	sdelay $0x1  }
0x16d: {  	v4 =	vadd.f32 v4, v5  }
0x16e: {  	v5 =	vld [tilespmem:s18+$0x10A30]  }
0x16f: {  	v4 =	vperm.xlane v4, v3;
	_ =	sdelay $0x1  }
0x170: {  	v4 =	vmul.f32 $1.767766920e-01, v4;
	_ =	sdelay $0x1  }
0x171: {  	v4 =	vadd.f32 v5, v4;
	_ =	sdelay $0x1  }
0x172: {  	v4 =	vmul.f32 $1.442695020e+00, v4;
	_ =	sdelay $0x1  }
0x173: {  	(erf) = vpow2.f32 v4;
	_ =	sdelay $0x5  }
0x174: {  	p0 =	sne.s32 s13, $0x1F00  }
.Ltmp2:
0x175: {  	_ = 	snop;
	(pc) =	sbr.rel @p0 .LBB2_7-.Ltmp2, $4  }
0x176: {  	_ = 	snop  }
0x177: {  	v4 =	vpop (erf)  }
0x178: {  	v4 =	vnsel vm0, $0x0, v4  }
0x179: {  	s13 =	sadd.s32 $0x100, s13;
	s14 =	sadd.s32 $0x200, s14;
	s17 =	sadd.s32 $0x200, s17;
	[tilespmem:s18+$0x11230] =	vst v4  }
0x17a: {  	s12 =	sadd.s32 s10, s12  }
0x17b: {  	[hbm4b:s12+s2] =	stream.linear.scatter [tilespmem:s0], [sflag:$0x3], $0x800, $0x38;
	[tilespmem:$0x16A00] =	vst v63  }
0x17c: {  	s24 =	sadd.s32 $0x1, s24;
	_ =	swait.ge [sflag:s20], $0x800  }
0x17d: {  	p0 =	sne.s32 s24, $0x28;
	[sflag:s20] =	ssyncset.done $0x0  }
.Ltmp3:
0x17e: {  	[sflag:s20] =	ssyncadd.s32 $0xFFFFF800;
	(pc) =	sbr.rel @p0 .LBB2_4-.Ltmp3, $4  }
0x17f: {  	[spmem:s1] =	stream.indirect.scatter.add.f32 [tilespmem:s0], [sflag:$0x3], $0x10, s25, s21, $0xb8;
	[tilespmem:$0x16A00] =	vst v63  }
0x180: {  	_ =	swait.ge [sflag:s20], $0x800  }
0x181: {  	[sflag:s20] =	ssyncset.done $0x0  }
0x182: {  	[sflag:s20] =	ssyncadd.s32 $0xFFFFF800  }
0x183: {  	[bflag:$0x0] =	sbarrier.arrive $0xFFFF;
	s14 =	simm.s32 $0x11A00  }
0x184: {  	[tilespmem:s14], [sflag:$0x3] =	stream.linear.gather [spmem:s11], $0x2800, $0x38;
	[tilespmem:$0x16A00] =	vst v63  }
0x185: {  	_ =	swait.ge [sflag:s20], $0x2800  }
0x186: {  	[sflag:s20] =	ssyncset.done $0x0  }
0x187: {  	s12 =	rddreg [dreg:$0x7];
	[sflag:s20] =	ssyncadd.s32 $0xFFFFD800  }
0x188: {  	[hbm4b:s12+s2] =	stream.linear.scatter [tilespmem:s14], [sflag:$0x3], $0x2800, $0x38;
	[tilespmem:$0x16A00] =	vst v63  }
0x189: {  	_ =	swait.ge [sflag:s20], $0x2800  }
0x18a: {  	s22 =	sadd.s32 $0x1, s22;
	s24 =	rddreg [dreg:$0x6]  }
0x18b: {  	p0 =	sne.s32 s22, s24  }
.Ltmp4:
0x18c: {  	_ = 	snop;
	(pc) =	sbr.rel @p0 .LBB2_1-.Ltmp4, $3  }
0x18d: {  	_ =	sdelay $0x1  }
0x18e: {  	[sflag:s20] =	ssyncset.done $0x0  }
0x18f: {  	[sflag:s20] =	ssyncadd.s32 $0xFFFFD800  }
0x190: {  	_ =	sfence.sel $0x180000  }
0x191: {  	[bflag:$0x0] =	sbarrier.arrive $0xFFFF  }
0x192: {  	_ =	strace $0x90000047  }
0x193: {  	s0 =	stileid.u32;
	[bflag:$0x2] =	sbarrier.arrive $0xFFFF  }
0x194: {  	p0 =	sne.s32 s0, $0x0;
	s0 =	rddreg [dreg:$0x2]  }
0x195: {  	s0 =	sadd.s32 @!p0 $0x100000, s0  }
0x196: {  	[sflag:s0] =	ssyncadd.tile.s32 @!p0 $0x1;
	_ =	shalt  }
.Lfunc_end2:
_tile_overlayer_lowered:
.L_overlay_start_2:
0x197: {  	(tag) =	ssettag $0x2  }
0x198: {  	s0 =	rddreg [dreg:$0x0];
	s2 =	stileid.u32  }
0x199: {  	s1 =	rddreg [dreg:$0x1];
	p0 =	sne.s32 s2, $0x0  }
0x19a: {  	s3 =	rddreg [dreg:$0x2];
	[bflag:$0x3] =	sbarrier.arrive $0xFFFF;
	s2 =	simm.s32 @!p0 $0x1C03  }
0x19b: {  	[timem:s3], [sflag:s2] =	dma.local @!p0 [hbm:s0], s1  }
0x19c: {  	s0 =	simm.s32 @!p0 $0x3  }
0x19d: {  	_ =	swait.ge @!p0 [sflag:s0], s1  }
0x19e: {  	s1 =	ssub.s32 @!p0 $0x0, s1;
	[sflag:s0] =	ssyncset.done @!p0 $0x0  }
0x19f: {  	[sflag:s0] =	ssyncadd.s32 @!p0 s1  }
0x1a0: {  	[bflag:$0x3] =	sbarrier.arrive $0xFFFF  }
0x1a1: {  	_ =	shalt  }

</sc_bundles>
